<compile_context>
chip_gen: v7x
topology: tpu7x:2x2x1
jax: 0.10.2.dev20260603
libtpu: 0.0.44.dev20260713+nightly
codegen_flags: <defaults>
</compile_context>

<pallas_src>
import functools

import jax
import jax.numpy as jnp
from jax import lax
from jax.experimental import pallas as pl
from jax.experimental.pallas import tpu as pltpu
from jax.experimental.pallas import tpu_sc as plsc

N_NODES = 10000
N_EDGES = 320000
D_NODE = 128
D_EDGE = 16
D_U = 128
HID = 512
D_OUT = 128

_C = 5
_EC = N_EDGES // _C

BE = 2560
BN = 2000

_NC = 2
_NS = 16
_NW = _NC * _NS
_EPW = _EC // _NW
_GCH = 80
_NCH = _EPW // _GCH
_GK = 5
_GROWS = _GK * _GCH
_GOUT = _EPW // _GROWS

_SC_MESH = plsc.VectorSubcoreMesh(core_axis_name="c", subcore_axis_name="s")


_NPAD = 10240
_NPT = _NPAD // _NS


@functools.partial(
    pl.kernel,
    out_type=jax.ShapeDtypeStruct((_EC, 2 * D_NODE), jnp.float32),
    mesh=_SC_MESH,
    scratch_types=[
        pltpu.VMEM((_EPW,), jnp.int32),
        pltpu.VMEM((_EPW,), jnp.int32),
        pltpu.VMEM((_GROWS, D_NODE), jnp.float32),
        pltpu.VMEM((_GROWS, D_NODE), jnp.float32),
        pltpu.SemaphoreType.DMA,
        pltpu.SemaphoreType.DMA,
    ],
)
def _sc_gather(node_hbm, src_hbm, dst_hbm, g_hbm,
               src_v, dst_v, rs_v, rd_v, sem_g, sem_w):
    wid = lax.axis_index("s") * _NC + lax.axis_index("c")
    base = wid * _EPW
    pltpu.sync_copy(src_hbm.at[pl.ds(base, _EPW)], src_v)
    pltpu.sync_copy(dst_hbm.at[pl.ds(base, _EPW)], dst_v)

    def body(j, carry):
        off = j * _GROWS
        copies = []
        for b in range(_GK):
            o = b * _GCH
            copies.append(pltpu.async_copy(
                node_hbm.at[src_v.at[pl.ds(off + o, _GCH)]],
                rs_v.at[pl.ds(o, _GCH)], sem_g))
            copies.append(pltpu.async_copy(
                node_hbm.at[dst_v.at[pl.ds(off + o, _GCH)]],
                rd_v.at[pl.ds(o, _GCH)], sem_g))
        for c in copies:
            c.wait()
        ws = pltpu.async_copy(
            rs_v, g_hbm.at[pl.ds(base + off, _GROWS), pl.ds(0, D_NODE)],
            sem_w)
        wd = pltpu.async_copy(
            rd_v, g_hbm.at[pl.ds(base + off, _GROWS), pl.ds(D_NODE, D_NODE)],
            sem_w)
        ws.wait()
        wd.wait()
        return carry

    lax.fori_loop(0, _GOUT, body, 0)


def _scatter_work(e_refs, dst4_ref, zeros_ref, hp_ref, idx_v, rows_v, acc_sh):
    k = len(e_refs)
    cid = lax.axis_index("c")
    sid = lax.axis_index("s")
    wid = sid * _NC + cid
    base = wid * _EPW
    row0 = sid * _NPT
    pltpu.sync_copy(zeros_ref.at[pl.ds(row0, _NPT)],
                    acc_sh.at[pl.ds(row0, _NPT)])
    for ci in range(k):
        pltpu.sync_copy(dst4_ref.at[ci, wid],
                        idx_v.at[pl.ds(ci * _NCH, _NCH)])
    plsc.subcore_barrier()

    for ci in range(k):
        def body(j, carry):
            pltpu.sync_copy(e_refs[ci].at[pl.ds(base + j * _GCH, _GCH)],
                            rows_v)
            pltpu.sync_copy(rows_v, acc_sh.at[idx_v.at[ci * _NCH + j]],
                            add=True)
            return carry

        lax.fori_loop(0, _NCH, body, 0)

    plsc.subcore_barrier()
    pltpu.sync_copy(acc_sh.at[pl.ds(row0, _NPT)],
                    hp_ref.at[cid, pl.ds(row0, _NPT)])


def _scatter_types(k):
    return dict(
        out_type=jax.ShapeDtypeStruct((_NC, _NPAD, D_NODE), jnp.float32),
        mesh=_SC_MESH,
        scratch_types=[
            pltpu.VMEM((k * _NCH, _GCH), jnp.int32),
            pltpu.VMEM((_GCH, D_NODE), jnp.float32),
            pltpu.VMEM_SHARED((_NPAD, D_NODE), jnp.float32),
        ],
    )


@functools.partial(pl.kernel, **_scatter_types(1))
def _sc_scatter1(e0, dst4, zeros_hbm, prev_hbm, hp, idx_v, rows_v, acc_sh):
    _scatter_work([e0], dst4, zeros_hbm, hp, idx_v, rows_v, acc_sh)


@functools.partial(pl.kernel, **_scatter_types(2))
def _sc_scatter2(e0, e1, dst4, zeros_hbm, prev_hbm, hp, idx_v, rows_v,
                 acc_sh):
    _scatter_work([e0, e1], dst4, zeros_hbm, hp, idx_v, rows_v, acc_sh)


def _edge_body(ef_ref, g_ref, wa_ref, wbc_ref, ce_ref,
               w2_ref, b2_ref, e_ref, ecomb_ref):
    i = pl.program_id(0)
    bf = jnp.bfloat16
    h = jnp.dot(ef_ref[...].astype(bf), wa_ref[...],
                preferred_element_type=jnp.float32)
    h += jnp.dot(g_ref[...].astype(bf), wbc_ref[...],
                 preferred_element_type=jnp.float32)
    h += ce_ref[...]
    h = jnp.maximum(h, 0.0).astype(bf)
    e = jnp.dot(h, w2_ref[...], preferred_element_type=jnp.float32)
    e += b2_ref[...]
    e_ref[...] = e

    @pl.when(i == 0)
    def _():
        ecomb_ref[...] = jnp.zeros_like(ecomb_ref)

    ecomb_ref[...] += jnp.sum(e, axis=0, keepdims=True)


def _node_body(nf_ref, hp0_ref, hp1_ref, hp2_ref,
               ecomb_ref, wnn_ref, wnh_ref, cn_ref,
               wn2_ref, bn2_ref, wgn_ref, wge_ref, cu_ref, wu2_ref, bu2_ref,
               n_ref, g_ref, nacc_ref):
    i = pl.program_id(0)
    bf = jnp.bfloat16
    hsum = (hp0_ref[0] + hp0_ref[1] + hp1_ref[0] + hp1_ref[1]
            + hp2_ref[0] + hp2_ref[1])
    x = jnp.dot(nf_ref[...].astype(bf), wnn_ref[...],
                preferred_element_type=jnp.float32)
    x += jnp.dot(hsum.astype(bf), wnh_ref[...],
                 preferred_element_type=jnp.float32)
    x += cn_ref[...]
    x = jnp.maximum(x, 0.0).astype(bf)
    n = jnp.dot(x, wn2_ref[...], preferred_element_type=jnp.float32)
    n += bn2_ref[...]
    n_ref[...] = n

    @pl.when(i == 0)
    def _():
        nacc_ref[...] = jnp.zeros_like(nacc_ref)

    nacc_ref[...] += jnp.sum(n, axis=0, keepdims=True)

    @pl.when(i == pl.num_programs(0) - 1)
    def _():
        g1 = jnp.dot(nacc_ref[...], wgn_ref[...],
                     preferred_element_type=jnp.float32)
        g1 += jnp.dot(ecomb_ref[...], wge_ref[...],
                      preferred_element_type=jnp.float32)
        g1 += cu_ref[...]
        g1 = jnp.maximum(g1, 0.0)
        g_ref[...] = jnp.dot(g1, wu2_ref[...],
                             preferred_element_type=jnp.float32) + bu2_ref[...]


def _const_spec(shape):
    return pl.BlockSpec(shape, lambda i: tuple(0 for _ in shape))


def _edge_mlp(edge_feat, g, wa, wbc, ce, w2, b2):
    ne = edge_feat.shape[0]
    grid = ne // BE
    return pl.pallas_call(
        _edge_body,
        grid=(grid,),
        in_specs=[
            pl.BlockSpec((BE, D_EDGE), lambda i: (i, 0)),
            pl.BlockSpec((BE, 2 * D_NODE), lambda i: (i, 0)),
            _const_spec((D_EDGE, HID)),
            _const_spec((2 * D_NODE, HID)),
            _const_spec((1, HID)),
            _const_spec((HID, D_OUT)),
            _const_spec((1, D_OUT)),
        ],
        out_specs=[
            pl.BlockSpec((BE, D_OUT), lambda i: (i, 0)),
            pl.BlockSpec((1, D_OUT), lambda i: (0, 0)),
        ],
        out_shape=[
            jax.ShapeDtypeStruct((ne, D_OUT), jnp.float32),
            jax.ShapeDtypeStruct((1, D_OUT), jnp.float32),
        ],
    )(edge_feat, g, wa, wbc, ce, w2, b2)


def _node_mlp(node_feat, hps, ecomb, wnn, wnh, cn, wn2, bn2,
              wgn, wge, cu, wu2, bu2):
    nn = node_feat.shape[0]
    grid = nn // BN
    hp_spec = pl.BlockSpec((_NC, BN, D_NODE), lambda i: (0, i, 0))
    return pl.pallas_call(
        _node_body,
        grid=(grid,),
        in_specs=[
            pl.BlockSpec((BN, D_NODE), lambda i: (i, 0)),
            hp_spec, hp_spec, hp_spec,
            _const_spec((1, D_OUT)),
            _const_spec((D_NODE, HID)),
            _const_spec((D_NODE, HID)),
            _const_spec((1, HID)),
            _const_spec((HID, D_OUT)),
            _const_spec((1, D_OUT)),
            _const_spec((D_OUT, HID)),
            _const_spec((D_OUT, HID)),
            _const_spec((1, HID)),
            _const_spec((HID, D_OUT)),
            _const_spec((1, D_OUT)),
        ],
        out_specs=[
            pl.BlockSpec((BN, D_OUT), lambda i: (i, 0)),
            pl.BlockSpec((1, D_OUT), lambda i: (0, 0)),
        ],
        out_shape=[
            jax.ShapeDtypeStruct((nn, D_OUT), jnp.float32),
            jax.ShapeDtypeStruct((1, D_OUT), jnp.float32),
        ],
        scratch_shapes=[pltpu.VMEM((1, D_OUT), jnp.float32)],
    )(node_feat, *hps, ecomb, wnn, wnh, cn, wn2, bn2,
      wgn, wge, cu, wu2, bu2)


def kernel(edge_index, edge_feat, node_feat, g_repr,
           W_edge, b_edge, W_edge2, b_edge2,
           W_node, b_node, W_node2, b_node2,
           W_u, b_u, W_u2, b_u2):
    bf = jnp.bfloat16
    src = edge_index[0]
    dst = edge_index[1]
    u = g_repr

    wa = W_edge[:, :D_EDGE].T.astype(bf)
    wbc = W_edge[:, D_EDGE:D_EDGE + 2 * D_NODE].T.astype(bf)
    ce = (b_edge + u[0] @ W_edge[:, D_EDGE + 2 * D_NODE:].T)[None]
    w2 = W_edge2.T.astype(bf)
    b2 = b_edge2[None]

    wnn = W_node[:, :D_NODE].T.astype(bf)
    wnh = W_node[:, D_NODE:2 * D_NODE].T.astype(bf)
    cn = (b_node + u[0] @ W_node[:, 2 * D_NODE:].T)[None]
    wn2 = W_node2.T.astype(bf)
    bn2 = b_node2[None]

    wgn = W_u[:, :D_OUT].T
    wge = W_u[:, D_OUT:2 * D_OUT].T
    cu = (b_u + u[0] @ W_u[:, 2 * D_OUT:].T)[None]
    wu2 = W_u2.T
    bu2 = b_u2[None]

    zeros_n = jnp.zeros((_NPAD, D_NODE), jnp.float32)

    e_chunks, ecombs = [], []
    for c in range(_C):
        sl = slice(c * _EC, (c + 1) * _EC)
        g = _sc_gather(node_feat, src[sl], dst[sl])
        e_c, ecomb_c = _edge_mlp(edge_feat[sl], g, wa, wbc, ce, w2, b2)
        e_chunks.append(e_c)
        ecombs.append(ecomb_c)

    hps = []
    hp_prev = jnp.zeros((_NC, _NPAD, D_NODE), jnp.float32)
    dst_a = dst[0:2 * _EC].reshape(2, _NW, _NCH, _GCH)
    dst_b = dst[2 * _EC:4 * _EC].reshape(2, _NW, _NCH, _GCH)
    dst_c = dst[4 * _EC:].reshape(1, _NW, _NCH, _GCH)
    hp_prev = _sc_scatter2(e_chunks[0], e_chunks[1], dst_a, zeros_n, hp_prev)
    hps.append(hp_prev)
    hp_prev = _sc_scatter2(e_chunks[2], e_chunks[3], dst_b, zeros_n, hp_prev)
    hps.append(hp_prev)
    hp_prev = _sc_scatter1(e_chunks[4], dst_c, zeros_n, hp_prev)
    hps.append(hp_prev)

    e_new = jnp.concatenate(e_chunks, axis=0)
    e_comb = functools.reduce(lambda a, b: a + b, ecombs)

    n_new, g_new = _node_mlp(node_feat, hps, e_comb, wnn, wnh, cn,
                             wn2, bn2, wgn, wge, cu, wu2, bu2)
    return (e_new, n_new, g_new)

# --- scband reference (transcript-rebuilt; emitter-appended) ---
"""Pipeline reference for scband-rfmblock-20169166422901 (READ-ONLY COPY).

The authoritative reference and input builder live on the scoring server;
editing this copy changes nothing except your own understanding.
"""

import jax, jax.numpy as jnp
import numpy as np

N_NODES = 10000
N_EDGES = 320000
D_NODE = 128
D_EDGE = 16
D_U = 128
HID = 512
D_OUT = 128
D_IN_EDGE = D_EDGE + 2 * D_NODE + D_U  # 400
D_IN_NODE = D_NODE + D_OUT + D_U       # 384
D_IN_U = 2 * D_OUT + D_U               # 384


def _linear_params(key, out_dim, in_dim):
    k1, k2 = jax.random.split(key)
    bound = 1.0 / np.sqrt(in_dim)
    W = jax.random.uniform(k1, (out_dim, in_dim), minval=-bound, maxval=bound, dtype=jnp.float32)
    b = jax.random.uniform(k2, (out_dim,), minval=-bound, maxval=bound, dtype=jnp.float32)
    return W, b


def setup_inputs(seed: int = 0) -> dict:
    key = jax.random.key(seed)
    ks = jax.random.split(key, 12)
    edge_index = jax.random.randint(ks[0], (2, N_EDGES), 0, N_NODES, dtype=jnp.int32)
    edge_feat = jax.random.normal(ks[1], (N_EDGES, D_EDGE), dtype=jnp.float32)
    node_feat = jax.random.normal(ks[2], (N_NODES, D_NODE), dtype=jnp.float32)
    g_repr = jax.random.normal(ks[3], (1, D_U), dtype=jnp.float32)
    W_edge, b_edge = _linear_params(ks[4], HID, D_IN_EDGE)
    W_edge2, b_edge2 = _linear_params(ks[5], D_OUT, HID)
    W_node, b_node = _linear_params(ks[6], HID, D_IN_NODE)
    W_node2, b_node2 = _linear_params(ks[7], D_OUT, HID)
    W_u, b_u = _linear_params(ks[8], HID, D_IN_U)
    W_u2, b_u2 = _linear_params(ks[9], D_OUT, HID)
    return {
        "edge_index": edge_index,
        "edge_feat": edge_feat,
        "node_feat": node_feat,
        "g_repr": g_repr,
        "W_edge": W_edge, "b_edge": b_edge,
        "W_edge2": W_edge2, "b_edge2": b_edge2,
        "W_node": W_node, "b_node": b_node,
        "W_node2": W_node2, "b_node2": b_node2,
        "W_u": W_u, "b_u": b_u,
        "W_u2": W_u2, "b_u2": b_u2,
    }


def reference(edge_index, edge_feat, node_feat, g_repr,
              W_edge, b_edge, W_edge2, b_edge2,
              W_node, b_node, W_node2, b_node2,
              W_u, b_u, W_u2, b_u2):
    src = edge_index[0]
    dst = edge_index[1]
    E = edge_feat.shape[0]
    N = node_feat.shape[0]
    # single graph in batch -> broadcast global repr to all edges / nodes
    u_e = jnp.broadcast_to(g_repr[0], (E, g_repr.shape[1]))
    u_n = jnp.broadcast_to(g_repr[0], (N, g_repr.shape[1]))
    # edge update: fc_edge2(act(fc_edge([e, h_src, h_dst, u])))
    inp_e = jnp.concatenate([edge_feat, node_feat[src], node_feat[dst], u_e], axis=-1)
    e_new = jax.nn.relu(inp_e @ W_edge.T + b_edge) @ W_edge2.T + b_edge2
    # message = updated edge_feat; reduce = sum over incoming edges at dst
    h = jax.ops.segment_sum(e_new, dst, num_segments=N)
    # node update: fc_node2(relu(fc_node([n, h, u])))
    inp_n = jnp.concatenate([node_feat, h, u_n], axis=-1)
    n_new = jax.nn.relu(inp_n @ W_node.T + b_node) @ W_node2.T + b_node2
    # global update: fc_u2(act(fc_u([sum_nodes, sum_edges, u])))
    e_comb = jnp.sum(e_new, axis=0, keepdims=True)
    n_comb = jnp.sum(n_new, axis=0, keepdims=True)
    inp_u = jnp.concatenate([n_comb, e_comb, g_repr], axis=-1)
    g_new = jax.nn.relu(inp_u @ W_u.T + b_u) @ W_u2.T + b_u2
    return (e_new, n_new, g_new)

if __name__ == "__main__":
    import jax
    _d = setup_inputs()
    print(jax.jit(kernel)(*tuple(_d.values())))

</pallas_src>

<mosaic_0001>
#map = affine_map<(d0, d1) -> (0, 0)>
#map1 = affine_map<(d0, d1) -> (0)>
module attributes {stable_mosaic.version = 14 : i64} {
  func.func @_sc_gather(%arg0: i32, %arg1: i32, %arg2: memref<10000x128xf32, #tpu.memory_space<hbm>>, %arg3: memref<64000xi32, #tpu.memory_space<hbm>>, %arg4: memref<64000xi32, #tpu.memory_space<hbm>>, %arg5: memref<64000x256xf32, #tpu.memory_space<hbm>>, %arg6: memref<2000xi32, #tpu.memory_space<vmem>>, %arg7: memref<2000xi32, #tpu.memory_space<vmem>>, %arg8: memref<400x128xf32, #tpu.memory_space<vmem>>, %arg9: memref<400x128xf32, #tpu.memory_space<vmem>>, %arg10: memref<!tpu.dma_semaphore, #tpu.memory_space<semaphore_mem>>, %arg11: memref<!tpu.dma_semaphore, #tpu.memory_space<semaphore_mem>>) attributes {dimension_semantics = [#tpu.dimension_semantics<core_parallel>, #tpu.dimension_semantics<subcore_parallel>], iteration_bounds = array<i64: 2, 16>, scalar_prefetch = 0 : i64, scratch_operands = 6 : i64, tpu.core_type = #tpu.core_type<sc_vector_subcore>, window_params = [{transform_indices = #map}, {transform_indices = #map1}, {transform_indices = #map1}, {transform_indices = #map}]} {
    %mul3A = arith.constant 2 : i32
    %mul3A_0 = arith.muli %arg1, %mul3A : i32
    %add3A = arith.addi %mul3A_0, %arg0 : i32
    %mul3A_1 = arith.constant 2000 : i32
    %mul3A_2 = arith.muli %add3A, %mul3A_1 : i32
    "tpu.region"() ({
      %run_scoped3A = tpu.sem_alloc : memref<!tpu.dma_semaphore, #tpu.memory_space<semaphore_mem>>
      %dma_start3A = tpu.memref_slice %arg3[%mul3A_2] : memref<64000xi32, #tpu.memory_space<hbm>> -> memref<2000xi32, #tpu.memory_space<hbm>>
      %dma_start3A_8 = tpu.memref_slice %arg3[%mul3A_2] : memref<64000xi32, #tpu.memory_space<hbm>> -> memref<2000xi32, #tpu.memory_space<hbm>>
      tpu.enqueue_dma source(%dma_start3A_8 : memref<2000xi32, #tpu.memory_space<hbm>>) target(%arg6 : memref<2000xi32, #tpu.memory_space<vmem>>) target_semaphore(%run_scoped3A : memref<!tpu.dma_semaphore, #tpu.memory_space<semaphore_mem>>)
      %dma_wait3A = tpu.memref_slice %arg3[%mul3A_2] : memref<64000xi32, #tpu.memory_space<hbm>> -> memref<2000xi32, #tpu.memory_space<hbm>>
      %dma_wait3A_9 = tpu.memref_slice %arg3[%mul3A_2] : memref<64000xi32, #tpu.memory_space<hbm>> -> memref<2000xi32, #tpu.memory_space<hbm>>
      tpu.wait_dma2 semaphore(%run_scoped3A : memref<!tpu.dma_semaphore, #tpu.memory_space<semaphore_mem>>) src(%dma_wait3A_9 : memref<2000xi32, #tpu.memory_space<hbm>>) dst(%arg6 : memref<2000xi32, #tpu.memory_space<vmem>>)
      tpu.yield
    }) : () -> ()
    "tpu.region"() ({
      %run_scoped3A = tpu.sem_alloc : memref<!tpu.dma_semaphore, #tpu.memory_space<semaphore_mem>>
      %dma_start3A = tpu.memref_slice %arg4[%mul3A_2] : memref<64000xi32, #tpu.memory_space<hbm>> -> memref<2000xi32, #tpu.memory_space<hbm>>
      %dma_start3A_8 = tpu.memref_slice %arg4[%mul3A_2] : memref<64000xi32, #tpu.memory_space<hbm>> -> memref<2000xi32, #tpu.memory_space<hbm>>
      tpu.enqueue_dma source(%dma_start3A_8 : memref<2000xi32, #tpu.memory_space<hbm>>) target(%arg7 : memref<2000xi32, #tpu.memory_space<vmem>>) target_semaphore(%run_scoped3A : memref<!tpu.dma_semaphore, #tpu.memory_space<semaphore_mem>>)
      %dma_wait3A = tpu.memref_slice %arg4[%mul3A_2] : memref<64000xi32, #tpu.memory_space<hbm>> -> memref<2000xi32, #tpu.memory_space<hbm>>
      %dma_wait3A_9 = tpu.memref_slice %arg4[%mul3A_2] : memref<64000xi32, #tpu.memory_space<hbm>> -> memref<2000xi32, #tpu.memory_space<hbm>>
      tpu.wait_dma2 semaphore(%run_scoped3A : memref<!tpu.dma_semaphore, #tpu.memory_space<semaphore_mem>>) src(%dma_wait3A_9 : memref<2000xi32, #tpu.memory_space<hbm>>) dst(%arg7 : memref<2000xi32, #tpu.memory_space<vmem>>)
      tpu.yield
    }) : () -> ()
    %scan3A = arith.constant 0 : i32
    %scan3A_3 = arith.constant 0 : i32
    %scan3A_4 = arith.constant 5 : i32
    %scan3A_5 = arith.addi %scan3A_3, %scan3A_4 : i32
    %scan3A_6 = arith.constant 1 : i32
    scf.for %scan3A_8 = %scan3A_3 to %scan3A_5 step %scan3A_6  : i32 {
      %mul3A_9 = arith.constant 400 : i32
      %mul3A_10 = arith.muli %scan3A_8, %mul3A_9 : i32
      %add3A_11 = arith.constant 0 : i32
      %add3A_12 = arith.addi %mul3A_10, %add3A_11 : i32
      %dma_start3A = arith.constant 0 : i32
      %dma_start3A_13 = arith.constant 0 : i32
      %dma_start3A_14 = tpu.memref_slice %arg8[%dma_start3A, %dma_start3A_13] : memref<400x128xf32, #tpu.memory_space<vmem>> -> memref<80x128xf32, #tpu.memory_space<vmem>>
      %dma_start3A_15 = tpu.memref_slice %arg6[%add3A_12] : memref<2000xi32, #tpu.memory_space<vmem>> -> memref<80xi32, #tpu.memory_space<vmem>>
      %dma_start3A_16 = arith.constant 0 : i32
      %dma_start3A_17 = arith.constant 0 : i32
      %dma_start3A_18 = tpu.memref_slice %arg2[%dma_start3A_16, %dma_start3A_17] : memref<10000x128xf32, #tpu.memory_space<hbm>> -> memref<10000x128xf32, #tpu.memory_space<hbm>>
      tpu.enqueue_indirect_dma source(%dma_start3A_18 : memref<10000x128xf32, #tpu.memory_space<hbm>>) target(%dma_start3A_14 : memref<80x128xf32, #tpu.memory_space<vmem>>) offsets(%dma_start3A_15 : memref<80xi32, #tpu.memory_space<vmem>>) semaphore(%arg10 : memref<!tpu.dma_semaphore, #tpu.memory_space<semaphore_mem>>)
      %add3A_19 = arith.constant 0 : i32
      %add3A_20 = arith.addi %mul3A_10, %add3A_19 : i32
      %dma_start3A_21 = arith.constant 0 : i32
      %dma_start3A_22 = arith.constant 0 : i32
      %dma_start3A_23 = tpu.memref_slice %arg9[%dma_start3A_21, %dma_start3A_22] : memref<400x128xf32, #tpu.memory_space<vmem>> -> memref<80x128xf32, #tpu.memory_space<vmem>>
      %dma_start3A_24 = tpu.memref_slice %arg7[%add3A_20] : memref<2000xi32, #tpu.memory_space<vmem>> -> memref<80xi32, #tpu.memory_space<vmem>>
      %dma_start3A_25 = arith.constant 0 : i32
      %dma_start3A_26 = arith.constant 0 : i32
      %dma_start3A_27 = tpu.memref_slice %arg2[%dma_start3A_25, %dma_start3A_26] : memref<10000x128xf32, #tpu.memory_space<hbm>> -> memref<10000x128xf32, #tpu.memory_space<hbm>>
      tpu.enqueue_indirect_dma source(%dma_start3A_27 : memref<10000x128xf32, #tpu.memory_space<hbm>>) target(%dma_start3A_23 : memref<80x128xf32, #tpu.memory_space<vmem>>) offsets(%dma_start3A_24 : memref<80xi32, #tpu.memory_space<vmem>>) semaphore(%arg10 : memref<!tpu.dma_semaphore, #tpu.memory_space<semaphore_mem>>)
      %add3A_28 = arith.constant 80 : i32
      %add3A_29 = arith.addi %mul3A_10, %add3A_28 : i32
      %dma_start3A_30 = arith.constant 80 : i32
      %dma_start3A_31 = arith.constant 0 : i32
      %dma_start3A_32 = tpu.memref_slice %arg8[%dma_start3A_30, %dma_start3A_31] : memref<400x128xf32, #tpu.memory_space<vmem>> -> memref<80x128xf32, #tpu.memory_space<vmem>>
      %dma_start3A_33 = tpu.memref_slice %arg6[%add3A_29] : memref<2000xi32, #tpu.memory_space<vmem>> -> memref<80xi32, #tpu.memory_space<vmem>>
      %dma_start3A_34 = arith.constant 0 : i32
      %dma_start3A_35 = arith.constant 0 : i32
      %dma_start3A_36 = tpu.memref_slice %arg2[%dma_start3A_34, %dma_start3A_35] : memref<10000x128xf32, #tpu.memory_space<hbm>> -> memref<10000x128xf32, #tpu.memory_space<hbm>>
      tpu.enqueue_indirect_dma source(%dma_start3A_36 : memref<10000x128xf32, #tpu.memory_space<hbm>>) target(%dma_start3A_32 : memref<80x128xf32, #tpu.memory_space<vmem>>) offsets(%dma_start3A_33 : memref<80xi32, #tpu.memory_space<vmem>>) semaphore(%arg10 : memref<!tpu.dma_semaphore, #tpu.memory_space<semaphore_mem>>)
      %add3A_37 = arith.constant 80 : i32
      %add3A_38 = arith.addi %mul3A_10, %add3A_37 : i32
      %dma_start3A_39 = arith.constant 80 : i32
      %dma_start3A_40 = arith.constant 0 : i32
      %dma_start3A_41 = tpu.memref_slice %arg9[%dma_start3A_39, %dma_start3A_40] : memref<400x128xf32, #tpu.memory_space<vmem>> -> memref<80x128xf32, #tpu.memory_space<vmem>>
      %dma_start3A_42 = tpu.memref_slice %arg7[%add3A_38] : memref<2000xi32, #tpu.memory_space<vmem>> -> memref<80xi32, #tpu.memory_space<vmem>>
      %dma_start3A_43 = arith.constant 0 : i32
      %dma_start3A_44 = arith.constant 0 : i32
      %dma_start3A_45 = tpu.memref_slice %arg2[%dma_start3A_43, %dma_start3A_44] : memref<10000x128xf32, #tpu.memory_space<hbm>> -> memref<10000x128xf32, #tpu.memory_space<hbm>>
      tpu.enqueue_indirect_dma source(%dma_start3A_45 : memref<10000x128xf32, #tpu.memory_space<hbm>>) target(%dma_start3A_41 : memref<80x128xf32, #tpu.memory_space<vmem>>) offsets(%dma_start3A_42 : memref<80xi32, #tpu.memory_space<vmem>>) semaphore(%arg10 : memref<!tpu.dma_semaphore, #tpu.memory_space<semaphore_mem>>)
      %add3A_46 = arith.constant 160 : i32
      %add3A_47 = arith.addi %mul3A_10, %add3A_46 : i32
      %dma_start3A_48 = arith.constant 160 : i32
      %dma_start3A_49 = arith.constant 0 : i32
      %dma_start3A_50 = tpu.memref_slice %arg8[%dma_start3A_48, %dma_start3A_49] : memref<400x128xf32, #tpu.memory_space<vmem>> -> memref<80x128xf32, #tpu.memory_space<vmem>>
      %dma_start3A_51 = tpu.memref_slice %arg6[%add3A_47] : memref<2000xi32, #tpu.memory_space<vmem>> -> memref<80xi32, #tpu.memory_space<vmem>>
      %dma_start3A_52 = arith.constant 0 : i32
      %dma_start3A_53 = arith.constant 0 : i32
      %dma_start3A_54 = tpu.memref_slice %arg2[%dma_start3A_52, %dma_start3A_53] : memref<10000x128xf32, #tpu.memory_space<hbm>> -> memref<10000x128xf32, #tpu.memory_space<hbm>>
      tpu.enqueue_indirect_dma source(%dma_start3A_54 : memref<10000x128xf32, #tpu.memory_space<hbm>>) target(%dma_start3A_50 : memref<80x128xf32, #tpu.memory_space<vmem>>) offsets(%dma_start3A_51 : memref<80xi32, #tpu.memory_space<vmem>>) semaphore(%arg10 : memref<!tpu.dma_semaphore, #tpu.memory_space<semaphore_mem>>)
      %add3A_55 = arith.constant 160 : i32
      %add3A_56 = arith.addi %mul3A_10, %add3A_55 : i32
      %dma_start3A_57 = arith.constant 160 : i32
      %dma_start3A_58 = arith.constant 0 : i32
      %dma_start3A_59 = tpu.memref_slice %arg9[%dma_start3A_57, %dma_start3A_58] : memref<400x128xf32, #tpu.memory_space<vmem>> -> memref<80x128xf32, #tpu.memory_space<vmem>>
      %dma_start3A_60 = tpu.memref_slice %arg7[%add3A_56] : memref<2000xi32, #tpu.memory_space<vmem>> -> memref<80xi32, #tpu.memory_space<vmem>>
      %dma_start3A_61 = arith.constant 0 : i32
      %dma_start3A_62 = arith.constant 0 : i32
      %dma_start3A_63 = tpu.memref_slice %arg2[%dma_start3A_61, %dma_start3A_62] : memref<10000x128xf32, #tpu.memory_space<hbm>> -> memref<10000x128xf32, #tpu.memory_space<hbm>>
      tpu.enqueue_indirect_dma source(%dma_start3A_63 : memref<10000x128xf32, #tpu.memory_space<hbm>>) target(%dma_start3A_59 : memref<80x128xf32, #tpu.memory_space<vmem>>) offsets(%dma_start3A_60 : memref<80xi32, #tpu.memory_space<vmem>>) semaphore(%arg10 : memref<!tpu.dma_semaphore, #tpu.memory_space<semaphore_mem>>)
      %add3A_64 = arith.constant 240 : i32
      %add3A_65 = arith.addi %mul3A_10, %add3A_64 : i32
      %dma_start3A_66 = arith.constant 240 : i32
      %dma_start3A_67 = arith.constant 0 : i32
      %dma_start3A_68 = tpu.memref_slice %arg8[%dma_start3A_66, %dma_start3A_67] : memref<400x128xf32, #tpu.memory_space<vmem>> -> memref<80x128xf32, #tpu.memory_space<vmem>>
      %dma_start3A_69 = tpu.memref_slice %arg6[%add3A_65] : memref<2000xi32, #tpu.memory_space<vmem>> -> memref<80xi32, #tpu.memory_space<vmem>>
      %dma_start3A_70 = arith.constant 0 : i32
      %dma_start3A_71 = arith.constant 0 : i32
      %dma_start3A_72 = tpu.memref_slice %arg2[%dma_start3A_70, %dma_start3A_71] : memref<10000x128xf32, #tpu.memory_space<hbm>> -> memref<10000x128xf32, #tpu.memory_space<hbm>>
      tpu.enqueue_indirect_dma source(%dma_start3A_72 : memref<10000x128xf32, #tpu.memory_space<hbm>>) target(%dma_start3A_68 : memref<80x128xf32, #tpu.memory_space<vmem>>) offsets(%dma_start3A_69 : memref<80xi32, #tpu.memory_space<vmem>>) semaphore(%arg10 : memref<!tpu.dma_semaphore, #tpu.memory_space<semaphore_mem>>)
      %add3A_73 = arith.constant 240 : i32
      %add3A_74 = arith.addi %mul3A_10, %add3A_73 : i32
      %dma_start3A_75 = arith.constant 240 : i32
      %dma_start3A_76 = arith.constant 0 : i32
      %dma_start3A_77 = tpu.memref_slice %arg9[%dma_start3A_75, %dma_start3A_76] : memref<400x128xf32, #tpu.memory_space<vmem>> -> memref<80x128xf32, #tpu.memory_space<vmem>>
      %dma_start3A_78 = tpu.memref_slice %arg7[%add3A_74] : memref<2000xi32, #tpu.memory_space<vmem>> -> memref<80xi32, #tpu.memory_space<vmem>>
      %dma_start3A_79 = arith.constant 0 : i32
      %dma_start3A_80 = arith.constant 0 : i32
      %dma_start3A_81 = tpu.memref_slice %arg2[%dma_start3A_79, %dma_start3A_80] : memref<10000x128xf32, #tpu.memory_space<hbm>> -> memref<10000x128xf32, #tpu.memory_space<hbm>>
      tpu.enqueue_indirect_dma source(%dma_start3A_81 : memref<10000x128xf32, #tpu.memory_space<hbm>>) target(%dma_start3A_77 : memref<80x128xf32, #tpu.memory_space<vmem>>) offsets(%dma_start3A_78 : memref<80xi32, #tpu.memory_space<vmem>>) semaphore(%arg10 : memref<!tpu.dma_semaphore, #tpu.memory_space<semaphore_mem>>)
      %add3A_82 = arith.constant 320 : i32
      %add3A_83 = arith.addi %mul3A_10, %add3A_82 : i32
      %dma_start3A_84 = arith.constant 320 : i32
      %dma_start3A_85 = arith.constant 0 : i32
      %dma_start3A_86 = tpu.memref_slice %arg8[%dma_start3A_84, %dma_start3A_85] : memref<400x128xf32, #tpu.memory_space<vmem>> -> memref<80x128xf32, #tpu.memory_space<vmem>>
      %dma_start3A_87 = tpu.memref_slice %arg6[%add3A_83] : memref<2000xi32, #tpu.memory_space<vmem>> -> memref<80xi32, #tpu.memory_space<vmem>>
      %dma_start3A_88 = arith.constant 0 : i32
      %dma_start3A_89 = arith.constant 0 : i32
      %dma_start3A_90 = tpu.memref_slice %arg2[%dma_start3A_88, %dma_start3A_89] : memref<10000x128xf32, #tpu.memory_space<hbm>> -> memref<10000x128xf32, #tpu.memory_space<hbm>>
      tpu.enqueue_indirect_dma source(%dma_start3A_90 : memref<10000x128xf32, #tpu.memory_space<hbm>>) target(%dma_start3A_86 : memref<80x128xf32, #tpu.memory_space<vmem>>) offsets(%dma_start3A_87 : memref<80xi32, #tpu.memory_space<vmem>>) semaphore(%arg10 : memref<!tpu.dma_semaphore, #tpu.memory_space<semaphore_mem>>)
      %add3A_91 = arith.constant 320 : i32
      %add3A_92 = arith.addi %mul3A_10, %add3A_91 : i32
      %dma_start3A_93 = arith.constant 320 : i32
      %dma_start3A_94 = arith.constant 0 : i32
      %dma_start3A_95 = tpu.memref_slice %arg9[%dma_start3A_93, %dma_start3A_94] : memref<400x128xf32, #tpu.memory_space<vmem>> -> memref<80x128xf32, #tpu.memory_space<vmem>>
      %dma_start3A_96 = tpu.memref_slice %arg7[%add3A_92] : memref<2000xi32, #tpu.memory_space<vmem>> -> memref<80xi32, #tpu.memory_space<vmem>>
      %dma_start3A_97 = arith.constant 0 : i32
      %dma_start3A_98 = arith.constant 0 : i32
      %dma_start3A_99 = tpu.memref_slice %arg2[%dma_start3A_97, %dma_start3A_98] : memref<10000x128xf32, #tpu.memory_space<hbm>> -> memref<10000x128xf32, #tpu.memory_space<hbm>>
      tpu.enqueue_indirect_dma source(%dma_start3A_99 : memref<10000x128xf32, #tpu.memory_space<hbm>>) target(%dma_start3A_95 : memref<80x128xf32, #tpu.memory_space<vmem>>) offsets(%dma_start3A_96 : memref<80xi32, #tpu.memory_space<vmem>>) semaphore(%arg10 : memref<!tpu.dma_semaphore, #tpu.memory_space<semaphore_mem>>)
      %dma_wait3A = arith.constant 0 : i32
      %dma_wait3A_100 = arith.constant 0 : i32
      %dma_wait3A_101 = tpu.memref_slice %arg8[%dma_wait3A, %dma_wait3A_100] : memref<400x128xf32, #tpu.memory_space<vmem>> -> memref<80x128xf32, #tpu.memory_space<vmem>>
      %dma_wait3A_102 = tpu.memref_slice %arg6[%add3A_12] : memref<2000xi32, #tpu.memory_space<vmem>> -> memref<80xi32, #tpu.memory_space<vmem>>
      %dma_wait3A_103 = arith.constant 0 : i32
      %dma_wait3A_104 = arith.constant 0 : i32
      %dma_wait3A_105 = tpu.memref_slice %arg2[%dma_wait3A_103, %dma_wait3A_104] : memref<10000x128xf32, #tpu.memory_space<hbm>> -> memref<10000x128xf32, #tpu.memory_space<hbm>>
      tpu.wait_indirect_dma semaphore(%arg10 : memref<!tpu.dma_semaphore, #tpu.memory_space<semaphore_mem>>) src(%dma_wait3A_105 : memref<10000x128xf32, #tpu.memory_space<hbm>>) dst(%dma_wait3A_101 : memref<80x128xf32, #tpu.memory_space<vmem>>)
      %dma_wait3A_106 = arith.constant 0 : i32
      %dma_wait3A_107 = arith.constant 0 : i32
      %dma_wait3A_108 = tpu.memref_slice %arg9[%dma_wait3A_106, %dma_wait3A_107] : memref<400x128xf32, #tpu.memory_space<vmem>> -> memref<80x128xf32, #tpu.memory_space<vmem>>
      %dma_wait3A_109 = tpu.memref_slice %arg7[%add3A_20] : memref<2000xi32, #tpu.memory_space<vmem>> -> memref<80xi32, #tpu.memory_space<vmem>>
      %dma_wait3A_110 = arith.constant 0 : i32
      %dma_wait3A_111 = arith.constant 0 : i32
      %dma_wait3A_112 = tpu.memref_slice %arg2[%dma_wait3A_110, %dma_wait3A_111] : memref<10000x128xf32, #tpu.memory_space<hbm>> -> memref<10000x128xf32, #tpu.memory_space<hbm>>
      tpu.wait_indirect_dma semaphore(%arg10 : memref<!tpu.dma_semaphore, #tpu.memory_space<semaphore_mem>>) src(%dma_wait3A_112 : memref<10000x128xf32, #tpu.memory_space<hbm>>) dst(%dma_wait3A_108 : memref<80x128xf32, #tpu.memory_space<vmem>>)
      %dma_wait3A_113 = arith.constant 80 : i32
      %dma_wait3A_114 = arith.constant 0 : i32
      %dma_wait3A_115 = tpu.memref_slice %arg8[%dma_wait3A_113, %dma_wait3A_114] : memref<400x128xf32, #tpu.memory_space<vmem>> -> memref<80x128xf32, #tpu.memory_space<vmem>>
      %dma_wait3A_116 = tpu.memref_slice %arg6[%add3A_29] : memref<2000xi32, #tpu.memory_space<vmem>> -> memref<80xi32, #tpu.memory_space<vmem>>
      %dma_wait3A_117 = arith.constant 0 : i32
      %dma_wait3A_118 = arith.constant 0 : i32
      %dma_wait3A_119 = tpu.memref_slice %arg2[%dma_wait3A_117, %dma_wait3A_118] : memref<10000x128xf32, #tpu.memory_space<hbm>> -> memref<10000x128xf32, #tpu.memory_space<hbm>>
      tpu.wait_indirect_dma semaphore(%arg10 : memref<!tpu.dma_semaphore, #tpu.memory_space<semaphore_mem>>) src(%dma_wait3A_119 : memref<10000x128xf32, #tpu.memory_space<hbm>>) dst(%dma_wait3A_115 : memref<80x128xf32, #tpu.memory_space<vmem>>)
      %dma_wait3A_120 = arith.constant 80 : i32
      %dma_wait3A_121 = arith.constant 0 : i32
      %dma_wait3A_122 = tpu.memref_slice %arg9[%dma_wait3A_120, %dma_wait3A_121] : memref<400x128xf32, #tpu.memory_space<vmem>> -> memref<80x128xf32, #tpu.memory_space<vmem>>
      %dma_wait3A_123 = tpu.memref_slice %arg7[%add3A_38] : memref<2000xi32, #tpu.memory_space<vmem>> -> memref<80xi32, #tpu.memory_space<vmem>>
      %dma_wait3A_124 = arith.constant 0 : i32
      %dma_wait3A_125 = arith.constant 0 : i32
      %dma_wait3A_126 = tpu.memref_slice %arg2[%dma_wait3A_124, %dma_wait3A_125] : memref<10000x128xf32, #tpu.memory_space<hbm>> -> memref<10000x128xf32, #tpu.memory_space<hbm>>
      tpu.wait_indirect_dma semaphore(%arg10 : memref<!tpu.dma_semaphore, #tpu.memory_space<semaphore_mem>>) src(%dma_wait3A_126 : memref<10000x128xf32, #tpu.memory_space<hbm>>) dst(%dma_wait3A_122 : memref<80x128xf32, #tpu.memory_space<vmem>>)
      %dma_wait3A_127 = arith.constant 160 : i32
      %dma_wait3A_128 = arith.constant 0 : i32
      %dma_wait3A_129 = tpu.memref_slice %arg8[%dma_wait3A_127, %dma_wait3A_128] : memref<400x128xf32, #tpu.memory_space<vmem>> -> memref<80x128xf32, #tpu.memory_space<vmem>>
      %dma_wait3A_130 = tpu.memref_slice %arg6[%add3A_47] : memref<2000xi32, #tpu.memory_space<vmem>> -> memref<80xi32, #tpu.memory_space<vmem>>
      %dma_wait3A_131 = arith.constant 0 : i32
      %dma_wait3A_132 = arith.constant 0 : i32
      %dma_wait3A_133 = tpu.memref_slice %arg2[%dma_wait3A_131, %dma_wait3A_132] : memref<10000x128xf32, #tpu.memory_space<hbm>> -> memref<10000x128xf32, #tpu.memory_space<hbm>>
      tpu.wait_indirect_dma semaphore(%arg10 : memref<!tpu.dma_semaphore, #tpu.memory_space<semaphore_mem>>) src(%dma_wait3A_133 : memref<10000x128xf32, #tpu.memory_space<hbm>>) dst(%dma_wait3A_129 : memref<80x128xf32, #tpu.memory_space<vmem>>)
      %dma_wait3A_134 = arith.constant 160 : i32
      %dma_wait3A_135 = arith.constant 0 : i32
      %dma_wait3A_136 = tpu.memref_slice %arg9[%dma_wait3A_134, %dma_wait3A_135] : memref<400x128xf32, #tpu.memory_space<vmem>> -> memref<80x128xf32, #tpu.memory_space<vmem>>
      %dma_wait3A_137 = tpu.memref_slice %arg7[%add3A_56] : memref<2000xi32, #tpu.memory_space<vmem>> -> memref<80xi32, #tpu.memory_space<vmem>>
      %dma_wait3A_138 = arith.constant 0 : i32
      %dma_wait3A_139 = arith.constant 0 : i32
      %dma_wait3A_140 = tpu.memref_slice %arg2[%dma_wait3A_138, %dma_wait3A_139] : memref<10000x128xf32, #tpu.memory_space<hbm>> -> memref<10000x128xf32, #tpu.memory_space<hbm>>
      tpu.wait_indirect_dma semaphore(%arg10 : memref<!tpu.dma_semaphore, #tpu.memory_space<semaphore_mem>>) src(%dma_wait3A_140 : memref<10000x128xf32, #tpu.memory_space<hbm>>) dst(%dma_wait3A_136 : memref<80x128xf32, #tpu.memory_space<vmem>>)
      %dma_wait3A_141 = arith.constant 240 : i32
      %dma_wait3A_142 = arith.constant 0 : i32
      %dma_wait3A_143 = tpu.memref_slice %arg8[%dma_wait3A_141, %dma_wait3A_142] : memref<400x128xf32, #tpu.memory_space<vmem>> -> memref<80x128xf32, #tpu.memory_space<vmem>>
      %dma_wait3A_144 = tpu.memref_slice %arg6[%add3A_65] : memref<2000xi32, #tpu.memory_space<vmem>> -> memref<80xi32, #tpu.memory_space<vmem>>
      %dma_wait3A_145 = arith.constant 0 : i32
      %dma_wait3A_146 = arith.constant 0 : i32
      %dma_wait3A_147 = tpu.memref_slice %arg2[%dma_wait3A_145, %dma_wait3A_146] : memref<10000x128xf32, #tpu.memory_space<hbm>> -> memref<10000x128xf32, #tpu.memory_space<hbm>>
      tpu.wait_indirect_dma semaphore(%arg10 : memref<!tpu.dma_semaphore, #tpu.memory_space<semaphore_mem>>) src(%dma_wait3A_147 : memref<10000x128xf32, #tpu.memory_space<hbm>>) dst(%dma_wait3A_143 : memref<80x128xf32, #tpu.memory_space<vmem>>)
      %dma_wait3A_148 = arith.constant 240 : i32
      %dma_wait3A_149 = arith.constant 0 : i32
      %dma_wait3A_150 = tpu.memref_slice %arg9[%dma_wait3A_148, %dma_wait3A_149] : memref<400x128xf32, #tpu.memory_space<vmem>> -> memref<80x128xf32, #tpu.memory_space<vmem>>
      %dma_wait3A_151 = tpu.memref_slice %arg7[%add3A_74] : memref<2000xi32, #tpu.memory_space<vmem>> -> memref<80xi32, #tpu.memory_space<vmem>>
      %dma_wait3A_152 = arith.constant 0 : i32
      %dma_wait3A_153 = arith.constant 0 : i32
      %dma_wait3A_154 = tpu.memref_slice %arg2[%dma_wait3A_152, %dma_wait3A_153] : memref<10000x128xf32, #tpu.memory_space<hbm>> -> memref<10000x128xf32, #tpu.memory_space<hbm>>
      tpu.wait_indirect_dma semaphore(%arg10 : memref<!tpu.dma_semaphore, #tpu.memory_space<semaphore_mem>>) src(%dma_wait3A_154 : memref<10000x128xf32, #tpu.memory_space<hbm>>) dst(%dma_wait3A_150 : memref<80x128xf32, #tpu.memory_space<vmem>>)
      %dma_wait3A_155 = arith.constant 320 : i32
      %dma_wait3A_156 = arith.constant 0 : i32
      %dma_wait3A_157 = tpu.memref_slice %arg8[%dma_wait3A_155, %dma_wait3A_156] : memref<400x128xf32, #tpu.memory_space<vmem>> -> memref<80x128xf32, #tpu.memory_space<vmem>>
      %dma_wait3A_158 = tpu.memref_slice %arg6[%add3A_83] : memref<2000xi32, #tpu.memory_space<vmem>> -> memref<80xi32, #tpu.memory_space<vmem>>
      %dma_wait3A_159 = arith.constant 0 : i32
      %dma_wait3A_160 = arith.constant 0 : i32
      %dma_wait3A_161 = tpu.memref_slice %arg2[%dma_wait3A_159, %dma_wait3A_160] : memref<10000x128xf32, #tpu.memory_space<hbm>> -> memref<10000x128xf32, #tpu.memory_space<hbm>>
      tpu.wait_indirect_dma semaphore(%arg10 : memref<!tpu.dma_semaphore, #tpu.memory_space<semaphore_mem>>) src(%dma_wait3A_161 : memref<10000x128xf32, #tpu.memory_space<hbm>>) dst(%dma_wait3A_157 : memref<80x128xf32, #tpu.memory_space<vmem>>)
      %dma_wait3A_162 = arith.constant 320 : i32
      %dma_wait3A_163 = arith.constant 0 : i32
      %dma_wait3A_164 = tpu.memref_slice %arg9[%dma_wait3A_162, %dma_wait3A_163] : memref<400x128xf32, #tpu.memory_space<vmem>> -> memref<80x128xf32, #tpu.memory_space<vmem>>
      %dma_wait3A_165 = tpu.memref_slice %arg7[%add3A_92] : memref<2000xi32, #tpu.memory_space<vmem>> -> memref<80xi32, #tpu.memory_space<vmem>>
      %dma_wait3A_166 = arith.constant 0 : i32
      %dma_wait3A_167 = arith.constant 0 : i32
      %dma_wait3A_168 = tpu.memref_slice %arg2[%dma_wait3A_166, %dma_wait3A_167] : memref<10000x128xf32, #tpu.memory_space<hbm>> -> memref<10000x128xf32, #tpu.memory_space<hbm>>
      tpu.wait_indirect_dma semaphore(%arg10 : memref<!tpu.dma_semaphore, #tpu.memory_space<semaphore_mem>>) src(%dma_wait3A_168 : memref<10000x128xf32, #tpu.memory_space<hbm>>) dst(%dma_wait3A_164 : memref<80x128xf32, #tpu.memory_space<vmem>>)
      %add3A_169 = arith.addi %mul3A_2, %mul3A_10 : i32
      %dma_start3A_170 = arith.constant 0 : i32
      %dma_start3A_171 = tpu.memref_slice %arg5[%add3A_169, %dma_start3A_170] : memref<64000x256xf32, #tpu.memory_space<hbm>> -> memref<400x128xf32, #tpu.memory_space<hbm>>
      %dma_start3A_172 = arith.constant 0 : i32
      %dma_start3A_173 = tpu.memref_slice %arg5[%add3A_169, %dma_start3A_172] : memref<64000x256xf32, #tpu.memory_space<hbm>> -> memref<400x128xf32, #tpu.memory_space<hbm>>
      tpu.enqueue_dma source(%arg8 : memref<400x128xf32, #tpu.memory_space<vmem>>) target(%dma_start3A_173 : memref<400x128xf32, #tpu.memory_space<hbm>>) target_semaphore(%arg11 : memref<!tpu.dma_semaphore, #tpu.memory_space<semaphore_mem>>)
      %add3A_174 = arith.addi %mul3A_2, %mul3A_10 : i32
      %dma_start3A_175 = arith.constant 128 : i32
      %dma_start3A_176 = tpu.memref_slice %arg5[%add3A_174, %dma_start3A_175] : memref<64000x256xf32, #tpu.memory_space<hbm>> -> memref<400x128xf32, #tpu.memory_space<hbm>>
      %dma_start3A_177 = arith.constant 128 : i32
      %dma_start3A_178 = tpu.memref_slice %arg5[%add3A_174, %dma_start3A_177] : memref<64000x256xf32, #tpu.memory_space<hbm>> -> memref<400x128xf32, #tpu.memory_space<hbm>>
      tpu.enqueue_dma source(%arg9 : memref<400x128xf32, #tpu.memory_space<vmem>>) target(%dma_start3A_178 : memref<400x128xf32, #tpu.memory_space<hbm>>) target_semaphore(%arg11 : memref<!tpu.dma_semaphore, #tpu.memory_space<semaphore_mem>>)
      %dma_wait3A_179 = arith.constant 0 : i32
      %dma_wait3A_180 = tpu.memref_slice %arg5[%add3A_169, %dma_wait3A_179] : memref<64000x256xf32, #tpu.memory_space<hbm>> -> memref<400x128xf32, #tpu.memory_space<hbm>>
      %dma_wait3A_181 = arith.constant 0 : i32
      %dma_wait3A_182 = tpu.memref_slice %arg5[%add3A_169, %dma_wait3A_181] : memref<64000x256xf32, #tpu.memory_space<hbm>> -> memref<400x128xf32, #tpu.memory_space<hbm>>
      tpu.wait_dma2 semaphore(%arg11 : memref<!tpu.dma_semaphore, #tpu.memory_space<semaphore_mem>>) src(%arg8 : memref<400x128xf32, #tpu.memory_space<vmem>>) dst(%dma_wait3A_182 : memref<400x128xf32, #tpu.memory_space<hbm>>)
      %dma_wait3A_183 = arith.constant 128 : i32
      %dma_wait3A_184 = tpu.memref_slice %arg5[%add3A_174, %dma_wait3A_183] : memref<64000x256xf32, #tpu.memory_space<hbm>> -> memref<400x128xf32, #tpu.memory_space<hbm>>
      %dma_wait3A_185 = arith.constant 128 : i32
      %dma_wait3A_186 = tpu.memref_slice %arg5[%add3A_174, %dma_wait3A_185] : memref<64000x256xf32, #tpu.memory_space<hbm>> -> memref<400x128xf32, #tpu.memory_space<hbm>>
      tpu.wait_dma2 semaphore(%arg11 : memref<!tpu.dma_semaphore, #tpu.memory_space<semaphore_mem>>) src(%arg9 : memref<400x128xf32, #tpu.memory_space<vmem>>) dst(%dma_wait3A_186 : memref<400x128xf32, #tpu.memory_space<hbm>>)
    }
    %scan3A_7 = arith.constant 5 : i32
    return
  }
}

#map = affine_map<(d0, d1) -> (0, 0)>
#map1 = affine_map<(d0, d1) -> (0)>
module attributes {stable_mosaic.version = 14 : i64} {
  func.func @_sc_gather(%arg0: i32, %arg1: i32, %arg2: memref<10000x128xf32, #tpu.memory_space<hbm>>, %arg3: memref<64000xi32, #tpu.memory_space<hbm>>, %arg4: memref<64000xi32, #tpu.memory_space<hbm>>, %arg5: memref<64000x256xf32, #tpu.memory_space<hbm>>, %arg6: memref<2000xi32, #tpu.memory_space<vmem>>, %arg7: memref<2000xi32, #tpu.memory_space<vmem>>, %arg8: memref<400x128xf32, #tpu.memory_space<vmem>>, %arg9: memref<400x128xf32, #tpu.memory_space<vmem>>, %arg10: memref<!tpu.dma_semaphore, #tpu.memory_space<semaphore_mem>>, %arg11: memref<!tpu.dma_semaphore, #tpu.memory_space<semaphore_mem>>) attributes {dimension_semantics = [#tpu.dimension_semantics<core_parallel>, #tpu.dimension_semantics<subcore_parallel>], iteration_bounds = array<i64: 2, 16>, scalar_prefetch = 0 : i64, scratch_operands = 6 : i64, tpu.core_type = #tpu.core_type<sc_vector_subcore>, window_params = [{transform_indices = #map}, {transform_indices = #map1}, {transform_indices = #map1}, {transform_indices = #map}]} {
    %mul3A = arith.constant 2 : i32
    %mul3A_0 = arith.muli %arg1, %mul3A : i32
    %add3A = arith.addi %mul3A_0, %arg0 : i32
    %mul3A_1 = arith.constant 2000 : i32
    %mul3A_2 = arith.muli %add3A, %mul3A_1 : i32
    "tpu.region"() ({
      %run_scoped3A = tpu.sem_alloc : memref<!tpu.dma_semaphore, #tpu.memory_space<semaphore_mem>>
      %dma_start3A = tpu.memref_slice %arg3[%mul3A_2] : memref<64000xi32, #tpu.memory_space<hbm>> -> memref<2000xi32, #tpu.memory_space<hbm>>
      %dma_start3A_8 = tpu.memref_slice %arg3[%mul3A_2] : memref<64000xi32, #tpu.memory_space<hbm>> -> memref<2000xi32, #tpu.memory_space<hbm>>
      tpu.enqueue_dma source(%dma_start3A_8 : memref<2000xi32, #tpu.memory_space<hbm>>) target(%arg6 : memref<2000xi32, #tpu.memory_space<vmem>>) target_semaphore(%run_scoped3A : memref<!tpu.dma_semaphore, #tpu.memory_space<semaphore_mem>>)
      %dma_wait3A = tpu.memref_slice %arg3[%mul3A_2] : memref<64000xi32, #tpu.memory_space<hbm>> -> memref<2000xi32, #tpu.memory_space<hbm>>
      %dma_wait3A_9 = tpu.memref_slice %arg3[%mul3A_2] : memref<64000xi32, #tpu.memory_space<hbm>> -> memref<2000xi32, #tpu.memory_space<hbm>>
      tpu.wait_dma2 semaphore(%run_scoped3A : memref<!tpu.dma_semaphore, #tpu.memory_space<semaphore_mem>>) src(%dma_wait3A_9 : memref<2000xi32, #tpu.memory_space<hbm>>) dst(%arg6 : memref<2000xi32, #tpu.memory_space<vmem>>)
      tpu.yield
    }) : () -> ()
    "tpu.region"() ({
      %run_scoped3A = tpu.sem_alloc : memref<!tpu.dma_semaphore, #tpu.memory_space<semaphore_mem>>
      %dma_start3A = tpu.memref_slice %arg4[%mul3A_2] : memref<64000xi32, #tpu.memory_space<hbm>> -> memref<2000xi32, #tpu.memory_space<hbm>>
      %dma_start3A_8 = tpu.memref_slice %arg4[%mul3A_2] : memref<64000xi32, #tpu.memory_space<hbm>> -> memref<2000xi32, #tpu.memory_space<hbm>>
      tpu.enqueue_dma source(%dma_start3A_8 : memref<2000xi32, #tpu.memory_space<hbm>>) target(%arg7 : memref<2000xi32, #tpu.memory_space<vmem>>) target_semaphore(%run_scoped3A : memref<!tpu.dma_semaphore, #tpu.memory_space<semaphore_mem>>)
      %dma_wait3A = tpu.memref_slice %arg4[%mul3A_2] : memref<64000xi32, #tpu.memory_space<hbm>> -> memref<2000xi32, #tpu.memory_space<hbm>>
      %dma_wait3A_9 = tpu.memref_slice %arg4[%mul3A_2] : memref<64000xi32, #tpu.memory_space<hbm>> -> memref<2000xi32, #tpu.memory_space<hbm>>
      tpu.wait_dma2 semaphore(%run_scoped3A : memref<!tpu.dma_semaphore, #tpu.memory_space<semaphore_mem>>) src(%dma_wait3A_9 : memref<2000xi32, #tpu.memory_space<hbm>>) dst(%arg7 : memref<2000xi32, #tpu.memory_space<vmem>>)
      tpu.yield
    }) : () -> ()
    %scan3A = arith.constant 0 : i32
    %scan3A_3 = arith.constant 0 : i32
    %scan3A_4 = arith.constant 5 : i32
    %scan3A_5 = arith.addi %scan3A_3, %scan3A_4 : i32
    %scan3A_6 = arith.constant 1 : i32
    scf.for %scan3A_8 = %scan3A_3 to %scan3A_5 step %scan3A_6  : i32 {
      %mul3A_9 = arith.constant 400 : i32
      %mul3A_10 = arith.muli %scan3A_8, %mul3A_9 : i32
      %add3A_11 = arith.constant 0 : i32
      %add3A_12 = arith.addi %mul3A_10, %add3A_11 : i32
      %dma_start3A = arith.constant 0 : i32
      %dma_start3A_13 = arith.constant 0 : i32
      %dma_start3A_14 = tpu.memref_slice %arg8[%dma_start3A, %dma_start3A_13] : memref<400x128xf32, #tpu.memory_space<vmem>> -> memref<80x128xf32, #tpu.memory_space<vmem>>
      %dma_start3A_15 = tpu.memref_slice %arg6[%add3A_12] : memref<2000xi32, #tpu.memory_space<vmem>> -> memref<80xi32, #tpu.memory_space<vmem>>
      %dma_start3A_16 = arith.constant 0 : i32
      %dma_start3A_17 = arith.constant 0 : i32
      %dma_start3A_18 = tpu.memref_slice %arg2[%dma_start3A_16, %dma_start3A_17] : memref<10000x128xf32, #tpu.memory_space<hbm>> -> memref<10000x128xf32, #tpu.memory_space<hbm>>
      tpu.enqueue_indirect_dma source(%dma_start3A_18 : memref<10000x128xf32, #tpu.memory_space<hbm>>) target(%dma_start3A_14 : memref<80x128xf32, #tpu.memory_space<vmem>>) offsets(%dma_start3A_15 : memref<80xi32, #tpu.memory_space<vmem>>) semaphore(%arg10 : memref<!tpu.dma_semaphore, #tpu.memory_space<semaphore_mem>>)
      %add3A_19 = arith.constant 0 : i32
      %add3A_20 = arith.addi %mul3A_10, %add3A_19 : i32
      %dma_start3A_21 = arith.constant 0 : i32
      %dma_start3A_22 = arith.constant 0 : i32
      %dma_start3A_23 = tpu.memref_slice %arg9[%dma_start3A_21, %dma_start3A_22] : memref<400x128xf32, #tpu.memory_space<vmem>> -> memref<80x128xf32, #tpu.memory_space<vmem>>
      %dma_start3A_24 = tpu.memref_slice %arg7[%add3A_20] : memref<2000xi32, #tpu.memory_space<vmem>> -> memref<80xi32, #tpu.memory_space<vmem>>
      %dma_start3A_25 = arith.constant 0 : i32
      %dma_start3A_26 = arith.constant 0 : i32
      %dma_start3A_27 = tpu.memref_slice %arg2[%dma_start3A_25, %dma_start3A_26] : memref<10000x128xf32, #tpu.memory_space<hbm>> -> memref<10000x128xf32, #tpu.memory_space<hbm>>
      tpu.enqueue_indirect_dma source(%dma_start3A_27 : memref<10000x128xf32, #tpu.memory_space<hbm>>) target(%dma_start3A_23 : memref<80x128xf32, #tpu.memory_space<vmem>>) offsets(%dma_start3A_24 : memref<80xi32, #tpu.memory_space<vmem>>) semaphore(%arg10 : memref<!tpu.dma_semaphore, #tpu.memory_space<semaphore_mem>>)
      %add3A_28 = arith.constant 80 : i32
      %add3A_29 = arith.addi %mul3A_10, %add3A_28 : i32
      %dma_start3A_30 = arith.constant 80 : i32
      %dma_start3A_31 = arith.constant 0 : i32
      %dma_start3A_32 = tpu.memref_slice %arg8[%dma_start3A_30, %dma_start3A_31] : memref<400x128xf32, #tpu.memory_space<vmem>> -> memref<80x128xf32, #tpu.memory_space<vmem>>
      %dma_start3A_33 = tpu.memref_slice %arg6[%add3A_29] : memref<2000xi32, #tpu.memory_space<vmem>> -> memref<80xi32, #tpu.memory_space<vmem>>
      %dma_start3A_34 = arith.constant 0 : i32
      %dma_start3A_35 = arith.constant 0 : i32
      %dma_start3A_36 = tpu.memref_slice %arg2[%dma_start3A_34, %dma_start3A_35] : memref<10000x128xf32, #tpu.memory_space<hbm>> -> memref<10000x128xf32, #tpu.memory_space<hbm>>
      tpu.enqueue_indirect_dma source(%dma_start3A_36 : memref<10000x128xf32, #tpu.memory_space<hbm>>) target(%dma_start3A_32 : memref<80x128xf32, #tpu.memory_space<vmem>>) offsets(%dma_start3A_33 : memref<80xi32, #tpu.memory_space<vmem>>) semaphore(%arg10 : memref<!tpu.dma_semaphore, #tpu.memory_space<semaphore_mem>>)
      %add3A_37 = arith.constant 80 : i32
      %add3A_38 = arith.addi %mul3A_10, %add3A_37 : i32
      %dma_start3A_39 = arith.constant 80 : i32
      %dma_start3A_40 = arith.constant 0 : i32
      %dma_start3A_41 = tpu.memref_slice %arg9[%dma_start3A_39, %dma_start3A_40] : memref<400x128xf32, #tpu.memory_space<vmem>> -> memref<80x128xf32, #tpu.memory_space<vmem>>
      %dma_start3A_42 = tpu.memref_slice %arg7[%add3A_38] : memref<2000xi32, #tpu.memory_space<vmem>> -> memref<80xi32, #tpu.memory_space<vmem>>
      %dma_start3A_43 = arith.constant 0 : i32
      %dma_start3A_44 = arith.constant 0 : i32
      %dma_start3A_45 = tpu.memref_slice %arg2[%dma_start3A_43, %dma_start3A_44] : memref<10000x128xf32, #tpu.memory_space<hbm>> -> memref<10000x128xf32, #tpu.memory_space<hbm>>
      tpu.enqueue_indirect_dma source(%dma_start3A_45 : memref<10000x128xf32, #tpu.memory_space<hbm>>) target(%dma_start3A_41 : memref<80x128xf32, #tpu.memory_space<vmem>>) offsets(%dma_start3A_42 : memref<80xi32, #tpu.memory_space<vmem>>) semaphore(%arg10 : memref<!tpu.dma_semaphore, #tpu.memory_space<semaphore_mem>>)
      %add3A_46 = arith.constant 160 : i32
      %add3A_47 = arith.addi %mul3A_10, %add3A_46 : i32
      %dma_start3A_48 = arith.constant 160 : i32
      %dma_start3A_49 = arith.constant 0 : i32
      %dma_start3A_50 = tpu.memref_slice %arg8[%dma_start3A_48, %dma_start3A_49] : memref<400x128xf32, #tpu.memory_space<vmem>> -> memref<80x128xf32, #tpu.memory_space<vmem>>
      %dma_start3A_51 = tpu.memref_slice %arg6[%add3A_47] : memref<2000xi32, #tpu.memory_space<vmem>> -> memref<80xi32, #tpu.memory_space<vmem>>
      %dma_start3A_52 = arith.constant 0 : i32
      %dma_start3A_53 = arith.constant 0 : i32
      %dma_start3A_54 = tpu.memref_slice %arg2[%dma_start3A_52, %dma_start3A_53] : memref<10000x128xf32, #tpu.memory_space<hbm>> -> memref<10000x128xf32, #tpu.memory_space<hbm>>
      tpu.enqueue_indirect_dma source(%dma_start3A_54 : memref<10000x128xf32, #tpu.memory_space<hbm>>) target(%dma_start3A_50 : memref<80x128xf32, #tpu.memory_space<vmem>>) offsets(%dma_start3A_51 : memref<80xi32, #tpu.memory_space<vmem>>) semaphore(%arg10 : memref<!tpu.dma_semaphore, #tpu.memory_space<semaphore_mem>>)
      %add3A_55 = arith.constant 160 : i32
      %add3A_56 = arith.addi %mul3A_10, %add3A_55 : i32
      %dma_start3A_57 = arith.constant 160 : i32
      %dma_start3A_58 = arith.constant 0 : i32
      %dma_start3A_59 = tpu.memref_slice %arg9[%dma_start3A_57, %dma_start3A_58] : memref<400x128xf32, #tpu.memory_space<vmem>> -> memref<80x128xf32, #tpu.memory_space<vmem>>
      %dma_start3A_60 = tpu.memref_slice %arg7[%add3A_56] : memref<2000xi32, #tpu.memory_space<vmem>> -> memref<80xi32, #tpu.memory_space<vmem>>
      %dma_start3A_61 = arith.constant 0 : i32
      %dma_start3A_62 = arith.constant 0 : i32
      %dma_start3A_63 = tpu.memref_slice %arg2[%dma_start3A_61, %dma_start3A_62] : memref<10000x128xf32, #tpu.memory_space<hbm>> -> memref<10000x128xf32, #tpu.memory_space<hbm>>
      tpu.enqueue_indirect_dma source(%dma_start3A_63 : memref<10000x128xf32, #tpu.memory_space<hbm>>) target(%dma_start3A_59 : memref<80x128xf32, #tpu.memory_space<vmem>>) offsets(%dma_start3A_60 : memref<80xi32, #tpu.memory_space<vmem>>) semaphore(%arg10 : memref<!tpu.dma_semaphore, #tpu.memory_space<semaphore_mem>>)
      %add3A_64 = arith.constant 240 : i32
      %add3A_65 = arith.addi %mul3A_10, %add3A_64 : i32
      %dma_start3A_66 = arith.constant 240 : i32
      %dma_start3A_67 = arith.constant 0 : i32
      %dma_start3A_68 = tpu.memref_slice %arg8[%dma_start3A_66, %dma_start3A_67] : memref<400x128xf32, #tpu.memory_space<vmem>> -> memref<80x128xf32, #tpu.memory_space<vmem>>
      %dma_start3A_69 = tpu.memref_slice %arg6[%add3A_65] : memref<2000xi32, #tpu.memory_space<vmem>> -> memref<80xi32, #tpu.memory_space<vmem>>
      %dma_start3A_70 = arith.constant 0 : i32
      %dma_start3A_71 = arith.constant 0 : i32
      %dma_start3A_72 = tpu.memref_slice %arg2[%dma_start3A_70, %dma_start3A_71] : memref<10000x128xf32, #tpu.memory_space<hbm>> -> memref<10000x128xf32, #tpu.memory_space<hbm>>
      tpu.enqueue_indirect_dma source(%dma_start3A_72 : memref<10000x128xf32, #tpu.memory_space<hbm>>) target(%dma_start3A_68 : memref<80x128xf32, #tpu.memory_space<vmem>>) offsets(%dma_start3A_69 : memref<80xi32, #tpu.memory_space<vmem>>) semaphore(%arg10 : memref<!tpu.dma_semaphore, #tpu.memory_space<semaphore_mem>>)
      %add3A_73 = arith.constant 240 : i32
      %add3A_74 = arith.addi %mul3A_10, %add3A_73 : i32
      %dma_start3A_75 = arith.constant 240 : i32
      %dma_start3A_76 = arith.constant 0 : i32
      %dma_start3A_77 = tpu.memref_slice %arg9[%dma_start3A_75, %dma_start3A_76] : memref<400x128xf32, #tpu.memory_space<vmem>> -> memref<80x128xf32, #tpu.memory_space<vmem>>
      %dma_start3A_78 = tpu.memref_slice %arg7[%add3A_74] : memref<2000xi32, #tpu.memory_space<vmem>> -> memref<80xi32, #tpu.memory_space<vmem>>
      %dma_start3A_79 = arith.constant 0 : i32
      %dma_start3A_80 = arith.constant 0 : i32
      %dma_start3A_81 = tpu.memref_slice %arg2[%dma_start3A_79, %dma_start3A_80] : memref<10000x128xf32, #tpu.memory_space<hbm>> -> memref<10000x128xf32, #tpu.memory_space<hbm>>
      tpu.enqueue_indirect_dma source(%dma_start3A_81 : memref<10000x128xf32, #tpu.memory_space<hbm>>) target(%dma_start3A_77 : memref<80x128xf32, #tpu.memory_space<vmem>>) offsets(%dma_start3A_78 : memref<80xi32, #tpu.memory_space<vmem>>) semaphore(%arg10 : memref<!tpu.dma_semaphore, #tpu.memory_space<semaphore_mem>>)
      %add3A_82 = arith.constant 320 : i32
      %add3A_83 = arith.addi %mul3A_10, %add3A_82 : i32
      %dma_start3A_84 = arith.constant 320 : i32
      %dma_start3A_85 = arith.constant 0 : i32
      %dma_start3A_86 = tpu.memref_slice %arg8[%dma_start3A_84, %dma_start3A_85] : memref<400x128xf32, #tpu.memory_space<vmem>> -> memref<80x128xf32, #tpu.memory_space<vmem>>
      %dma_start3A_87 = tpu.memref_slice %arg6[%add3A_83] : memref<2000xi32, #tpu.memory_space<vmem>> -> memref<80xi32, #tpu.memory_space<vmem>>
      %dma_start3A_88 = arith.constant 0 : i32
      %dma_start3A_89 = arith.constant 0 : i32
      %dma_start3A_90 = tpu.memref_slice %arg2[%dma_start3A_88, %dma_start3A_89] : memref<10000x128xf32, #tpu.memory_space<hbm>> -> memref<10000x128xf32, #tpu.memory_space<hbm>>
      tpu.enqueue_indirect_dma source(%dma_start3A_90 : memref<10000x128xf32, #tpu.memory_space<hbm>>) target(%dma_start3A_86 : memref<80x128xf32, #tpu.memory_space<vmem>>) offsets(%dma_start3A_87 : memref<80xi32, #tpu.memory_space<vmem>>) semaphore(%arg10 : memref<!tpu.dma_semaphore, #tpu.memory_space<semaphore_mem>>)
      %add3A_91 = arith.constant 320 : i32
      %add3A_92 = arith.addi %mul3A_10, %add3A_91 : i32
      %dma_start3A_93 = arith.constant 320 : i32
      %dma_start3A_94 = arith.constant 0 : i32
      %dma_start3A_95 = tpu.memref_slice %arg9[%dma_start3A_93, %dma_start3A_94] : memref<400x128xf32, #tpu.memory_space<vmem>> -> memref<80x128xf32, #tpu.memory_space<vmem>>
      %dma_start3A_96 = tpu.memref_slice %arg7[%add3A_92] : memref<2000xi32, #tpu.memory_space<vmem>> -> memref<80xi32, #tpu.memory_space<vmem>>
      %dma_start3A_97 = arith.constant 0 : i32
      %dma_start3A_98 = arith.constant 0 : i32
      %dma_start3A_99 = tpu.memref_slice %arg2[%dma_start3A_97, %dma_start3A_98] : memref<10000x128xf32, #tpu.memory_space<hbm>> -> memref<10000x128xf32, #tpu.memory_space<hbm>>
      tpu.enqueue_indirect_dma source(%dma_start3A_99 : memref<10000x128xf32, #tpu.memory_space<hbm>>) target(%dma_start3A_95 : memref<80x128xf32, #tpu.memory_space<vmem>>) offsets(%dma_start3A_96 : memref<80xi32, #tpu.memory_space<vmem>>) semaphore(%arg10 : memref<!tpu.dma_semaphore, #tpu.memory_space<semaphore_mem>>)
      %dma_wait3A = arith.constant 0 : i32
      %dma_wait3A_100 = arith.constant 0 : i32
      %dma_wait3A_101 = tpu.memref_slice %arg8[%dma_wait3A, %dma_wait3A_100] : memref<400x128xf32, #tpu.memory_space<vmem>> -> memref<80x128xf32, #tpu.memory_space<vmem>>
      %dma_wait3A_102 = tpu.memref_slice %arg6[%add3A_12] : memref<2000xi32, #tpu.memory_space<vmem>> -> memref<80xi32, #tpu.memory_space<vmem>>
      %dma_wait3A_103 = arith.constant 0 : i32
      %dma_wait3A_104 = arith.constant 0 : i32
      %dma_wait3A_105 = tpu.memref_slice %arg2[%dma_wait3A_103, %dma_wait3A_104] : memref<10000x128xf32, #tpu.memory_space<hbm>> -> memref<10000x128xf32, #tpu.memory_space<hbm>>
      tpu.wait_indirect_dma semaphore(%arg10 : memref<!tpu.dma_semaphore, #tpu.memory_space<semaphore_mem>>) src(%dma_wait3A_105 : memref<10000x128xf32, #tpu.memory_space<hbm>>) dst(%dma_wait3A_101 : memref<80x128xf32, #tpu.memory_space<vmem>>)
      %dma_wait3A_106 = arith.constant 0 : i32
      %dma_wait3A_107 = arith.constant 0 : i32
      %dma_wait3A_108 = tpu.memref_slice %arg9[%dma_wait3A_106, %dma_wait3A_107] : memref<400x128xf32, #tpu.memory_space<vmem>> -> memref<80x128xf32, #tpu.memory_space<vmem>>
      %dma_wait3A_109 = tpu.memref_slice %arg7[%add3A_20] : memref<2000xi32, #tpu.memory_space<vmem>> -> memref<80xi32, #tpu.memory_space<vmem>>
      %dma_wait3A_110 = arith.constant 0 : i32
      %dma_wait3A_111 = arith.constant 0 : i32
      %dma_wait3A_112 = tpu.memref_slice %arg2[%dma_wait3A_110, %dma_wait3A_111] : memref<10000x128xf32, #tpu.memory_space<hbm>> -> memref<10000x128xf32, #tpu.memory_space<hbm>>
      tpu.wait_indirect_dma semaphore(%arg10 : memref<!tpu.dma_semaphore, #tpu.memory_space<semaphore_mem>>) src(%dma_wait3A_112 : memref<10000x128xf32, #tpu.memory_space<hbm>>) dst(%dma_wait3A_108 : memref<80x128xf32, #tpu.memory_space<vmem>>)
      %dma_wait3A_113 = arith.constant 80 : i32
      %dma_wait3A_114 = arith.constant 0 : i32
      %dma_wait3A_115 = tpu.memref_slice %arg8[%dma_wait3A_113, %dma_wait3A_114] : memref<400x128xf32, #tpu.memory_space<vmem>> -> memref<80x128xf32, #tpu.memory_space<vmem>>
      %dma_wait3A_116 = tpu.memref_slice %arg6[%add3A_29] : memref<2000xi32, #tpu.memory_space<vmem>> -> memref<80xi32, #tpu.memory_space<vmem>>
      %dma_wait3A_117 = arith.constant 0 : i32
      %dma_wait3A_118 = arith.constant 0 : i32
      %dma_wait3A_119 = tpu.memref_slice %arg2[%dma_wait3A_117, %dma_wait3A_118] : memref<10000x128xf32, #tpu.memory_space<hbm>> -> memref<10000x128xf32, #tpu.memory_space<hbm>>
      tpu.wait_indirect_dma semaphore(%arg10 : memref<!tpu.dma_semaphore, #tpu.memory_space<semaphore_mem>>) src(%dma_wait3A_119 : memref<10000x128xf32, #tpu.memory_space<hbm>>) dst(%dma_wait3A_115 : memref<80x128xf32, #tpu.memory_space<vmem>>)
      %dma_wait3A_120 = arith.constant 80 : i32
      %dma_wait3A_121 = arith.constant 0 : i32
      %dma_wait3A_122 = tpu.memref_slice %arg9[%dma_wait3A_120, %dma_wait3A_121] : memref<400x128xf32, #tpu.memory_space<vmem>> -> memref<80x128xf32, #tpu.memory_space<vmem>>
      %dma_wait3A_123 = tpu.memref_slice %arg7[%add3A_38] : memref<2000xi32, #tpu.memory_space<vmem>> -> memref<80xi32, #tpu.memory_space<vmem>>
      %dma_wait3A_124 = arith.constant 0 : i32
      %dma_wait3A_125 = arith.constant 0 : i32
      %dma_wait3A_126 = tpu.memref_slice %arg2[%dma_wait3A_124, %dma_wait3A_125] : memref<10000x128xf32, #tpu.memory_space<hbm>> -> memref<10000x128xf32, #tpu.memory_space<hbm>>
      tpu.wait_indirect_dma semaphore(%arg10 : memref<!tpu.dma_semaphore, #tpu.memory_space<semaphore_mem>>) src(%dma_wait3A_126 : memref<10000x128xf32, #tpu.memory_space<hbm>>) dst(%dma_wait3A_122 : memref<80x128xf32, #tpu.memory_space<vmem>>)
      %dma_wait3A_127 = arith.constant 160 : i32
      %dma_wait3A_128 = arith.constant 0 : i32
      %dma_wait3A_129 = tpu.memref_slice %arg8[%dma_wait3A_127, %dma_wait3A_128] : memref<400x128xf32, #tpu.memory_space<vmem>> -> memref<80x128xf32, #tpu.memory_space<vmem>>
      %dma_wait3A_130 = tpu.memref_slice %arg6[%add3A_47] : memref<2000xi32, #tpu.memory_space<vmem>> -> memref<80xi32, #tpu.memory_space<vmem>>
      %dma_wait3A_131 = arith.constant 0 : i32
      %dma_wait3A_132 = arith.constant 0 : i32
      %dma_wait3A_133 = tpu.memref_slice %arg2[%dma_wait3A_131, %dma_wait3A_132] : memref<10000x128xf32, #tpu.memory_space<hbm>> -> memref<10000x128xf32, #tpu.memory_space<hbm>>
      tpu.wait_indirect_dma semaphore(%arg10 : memref<!tpu.dma_semaphore, #tpu.memory_space<semaphore_mem>>) src(%dma_wait3A_133 : memref<10000x128xf32, #tpu.memory_space<hbm>>) dst(%dma_wait3A_129 : memref<80x128xf32, #tpu.memory_space<vmem>>)
      %dma_wait3A_134 = arith.constant 160 : i32
      %dma_wait3A_135 = arith.constant 0 : i32
      %dma_wait3A_136 = tpu.memref_slice %arg9[%dma_wait3A_134, %dma_wait3A_135] : memref<400x128xf32, #tpu.memory_space<vmem>> -> memref<80x128xf32, #tpu.memory_space<vmem>>
      %dma_wait3A_137 = tpu.memref_slice %arg7[%add3A_56] : memref<2000xi32, #tpu.memory_space<vmem>> -> memref<80xi32, #tpu.memory_space<vmem>>
      %dma_wait3A_138 = arith.constant 0 : i32
      %dma_wait3A_139 = arith.constant 0 : i32
      %dma_wait3A_140 = tpu.memref_slice %arg2[%dma_wait3A_138, %dma_wait3A_139] : memref<10000x128xf32, #tpu.memory_space<hbm>> -> memref<10000x128xf32, #tpu.memory_space<hbm>>
      tpu.wait_indirect_dma semaphore(%arg10 : memref<!tpu.dma_semaphore, #tpu.memory_space<semaphore_mem>>) src(%dma_wait3A_140 : memref<10000x128xf32, #tpu.memory_space<hbm>>) dst(%dma_wait3A_136 : memref<80x128xf32, #tpu.memory_space<vmem>>)
      %dma_wait3A_141 = arith.constant 240 : i32
      %dma_wait3A_142 = arith.constant 0 : i32
      %dma_wait3A_143 = tpu.memref_slice %arg8[%dma_wait3A_141, %dma_wait3A_142] : memref<400x128xf32, #tpu.memory_space<vmem>> -> memref<80x128xf32, #tpu.memory_space<vmem>>
      %dma_wait3A_144 = tpu.memref_slice %arg6[%add3A_65] : memref<2000xi32, #tpu.memory_space<vmem>> -> memref<80xi32, #tpu.memory_space<vmem>>
      %dma_wait3A_145 = arith.constant 0 : i32
      %dma_wait3A_146 = arith.constant 0 : i32
      %dma_wait3A_147 = tpu.memref_slice %arg2[%dma_wait3A_145, %dma_wait3A_146] : memref<10000x128xf32, #tpu.memory_space<hbm>> -> memref<10000x128xf32, #tpu.memory_space<hbm>>
      tpu.wait_indirect_dma semaphore(%arg10 : memref<!tpu.dma_semaphore, #tpu.memory_space<semaphore_mem>>) src(%dma_wait3A_147 : memref<10000x128xf32, #tpu.memory_space<hbm>>) dst(%dma_wait3A_143 : memref<80x128xf32, #tpu.memory_space<vmem>>)
      %dma_wait3A_148 = arith.constant 240 : i32
      %dma_wait3A_149 = arith.constant 0 : i32
      %dma_wait3A_150 = tpu.memref_slice %arg9[%dma_wait3A_148, %dma_wait3A_149] : memref<400x128xf32, #tpu.memory_space<vmem>> -> memref<80x128xf32, #tpu.memory_space<vmem>>
      %dma_wait3A_151 = tpu.memref_slice %arg7[%add3A_74] : memref<2000xi32, #tpu.memory_space<vmem>> -> memref<80xi32, #tpu.memory_space<vmem>>
      %dma_wait3A_152 = arith.constant 0 : i32
      %dma_wait3A_153 = arith.constant 0 : i32
      %dma_wait3A_154 = tpu.memref_slice %arg2[%dma_wait3A_152, %dma_wait3A_153] : memref<10000x128xf32, #tpu.memory_space<hbm>> -> memref<10000x128xf32, #tpu.memory_space<hbm>>
      tpu.wait_indirect_dma semaphore(%arg10 : memref<!tpu.dma_semaphore, #tpu.memory_space<semaphore_mem>>) src(%dma_wait3A_154 : memref<10000x128xf32, #tpu.memory_space<hbm>>) dst(%dma_wait3A_150 : memref<80x128xf32, #tpu.memory_space<vmem>>)
      %dma_wait3A_155 = arith.constant 320 : i32
      %dma_wait3A_156 = arith.constant 0 : i32
      %dma_wait3A_157 = tpu.memref_slice %arg8[%dma_wait3A_155, %dma_wait3A_156] : memref<400x128xf32, #tpu.memory_space<vmem>> -> memref<80x128xf32, #tpu.memory_space<vmem>>
      %dma_wait3A_158 = tpu.memref_slice %arg6[%add3A_83] : memref<2000xi32, #tpu.memory_space<vmem>> -> memref<80xi32, #tpu.memory_space<vmem>>
      %dma_wait3A_159 = arith.constant 0 : i32
      %dma_wait3A_160 = arith.constant 0 : i32
      %dma_wait3A_161 = tpu.memref_slice %arg2[%dma_wait3A_159, %dma_wait3A_160] : memref<10000x128xf32, #tpu.memory_space<hbm>> -> memref<10000x128xf32, #tpu.memory_space<hbm>>
      tpu.wait_indirect_dma semaphore(%arg10 : memref<!tpu.dma_semaphore, #tpu.memory_space<semaphore_mem>>) src(%dma_wait3A_161 : memref<10000x128xf32, #tpu.memory_space<hbm>>) dst(%dma_wait3A_157 : memref<80x128xf32, #tpu.memory_space<vmem>>)
      %dma_wait3A_162 = arith.constant 320 : i32
      %dma_wait3A_163 = arith.constant 0 : i32
      %dma_wait3A_164 = tpu.memref_slice %arg9[%dma_wait3A_162, %dma_wait3A_163] : memref<400x128xf32, #tpu.memory_space<vmem>> -> memref<80x128xf32, #tpu.memory_space<vmem>>
      %dma_wait3A_165 = tpu.memref_slice %arg7[%add3A_92] : memref<2000xi32, #tpu.memory_space<vmem>> -> memref<80xi32, #tpu.memory_space<vmem>>
      %dma_wait3A_166 = arith.constant 0 : i32
      %dma_wait3A_167 = arith.constant 0 : i32
      %dma_wait3A_168 = tpu.memref_slice %arg2[%dma_wait3A_166, %dma_wait3A_167] : memref<10000x128xf32, #tpu.memory_space<hbm>> -> memref<10000x128xf32, #tpu.memory_space<hbm>>
      tpu.wait_indirect_dma semaphore(%arg10 : memref<!tpu.dma_semaphore, #tpu.memory_space<semaphore_mem>>) src(%dma_wait3A_168 : memref<10000x128xf32, #tpu.memory_space<hbm>>) dst(%dma_wait3A_164 : memref<80x128xf32, #tpu.memory_space<vmem>>)
      %add3A_169 = arith.addi %mul3A_2, %mul3A_10 : i32
      %dma_start3A_170 = arith.constant 0 : i32
      %dma_start3A_171 = tpu.memref_slice %arg5[%add3A_169, %dma_start3A_170] : memref<64000x256xf32, #tpu.memory_space<hbm>> -> memref<400x128xf32, #tpu.memory_space<hbm>>
      %dma_start3A_172 = arith.constant 0 : i32
      %dma_start3A_173 = tpu.memref_slice %arg5[%add3A_169, %dma_start3A_172] : memref<64000x256xf32, #tpu.memory_space<hbm>> -> memref<400x128xf32, #tpu.memory_space<hbm>>
      tpu.enqueue_dma source(%arg8 : memref<400x128xf32, #tpu.memory_space<vmem>>) target(%dma_start3A_173 : memref<400x128xf32, #tpu.memory_space<hbm>>) target_semaphore(%arg11 : memref<!tpu.dma_semaphore, #tpu.memory_space<semaphore_mem>>)
      %add3A_174 = arith.addi %mul3A_2, %mul3A_10 : i32
      %dma_start3A_175 = arith.constant 128 : i32
      %dma_start3A_176 = tpu.memref_slice %arg5[%add3A_174, %dma_start3A_175] : memref<64000x256xf32, #tpu.memory_space<hbm>> -> memref<400x128xf32, #tpu.memory_space<hbm>>
      %dma_start3A_177 = arith.constant 128 : i32
      %dma_start3A_178 = tpu.memref_slice %arg5[%add3A_174, %dma_start3A_177] : memref<64000x256xf32, #tpu.memory_space<hbm>> -> memref<400x128xf32, #tpu.memory_space<hbm>>
      tpu.enqueue_dma source(%arg9 : memref<400x128xf32, #tpu.memory_space<vmem>>) target(%dma_start3A_178 : memref<400x128xf32, #tpu.memory_space<hbm>>) target_semaphore(%arg11 : memref<!tpu.dma_semaphore, #tpu.memory_space<semaphore_mem>>)
      %dma_wait3A_179 = arith.constant 0 : i32
      %dma_wait3A_180 = tpu.memref_slice %arg5[%add3A_169, %dma_wait3A_179] : memref<64000x256xf32, #tpu.memory_space<hbm>> -> memref<400x128xf32, #tpu.memory_space<hbm>>
      %dma_wait3A_181 = arith.constant 0 : i32
      %dma_wait3A_182 = tpu.memref_slice %arg5[%add3A_169, %dma_wait3A_181] : memref<64000x256xf32, #tpu.memory_space<hbm>> -> memref<400x128xf32, #tpu.memory_space<hbm>>
      tpu.wait_dma2 semaphore(%arg11 : memref<!tpu.dma_semaphore, #tpu.memory_space<semaphore_mem>>) src(%arg8 : memref<400x128xf32, #tpu.memory_space<vmem>>) dst(%dma_wait3A_182 : memref<400x128xf32, #tpu.memory_space<hbm>>)
      %dma_wait3A_183 = arith.constant 128 : i32
      %dma_wait3A_184 = tpu.memref_slice %arg5[%add3A_174, %dma_wait3A_183] : memref<64000x256xf32, #tpu.memory_space<hbm>> -> memref<400x128xf32, #tpu.memory_space<hbm>>
      %dma_wait3A_185 = arith.constant 128 : i32
      %dma_wait3A_186 = tpu.memref_slice %arg5[%add3A_174, %dma_wait3A_185] : memref<64000x256xf32, #tpu.memory_space<hbm>> -> memref<400x128xf32, #tpu.memory_space<hbm>>
      tpu.wait_dma2 semaphore(%arg11 : memref<!tpu.dma_semaphore, #tpu.memory_space<semaphore_mem>>) src(%arg9 : memref<400x128xf32, #tpu.memory_space<vmem>>) dst(%dma_wait3A_186 : memref<400x128xf32, #tpu.memory_space<hbm>>)
    }
    %scan3A_7 = arith.constant 5 : i32
    return
  }
}

#map = affine_map<(d0, d1) -> (0, 0)>
#map1 = affine_map<(d0, d1) -> (0)>
module attributes {stable_mosaic.version = 14 : i64} {
  func.func @_sc_gather(%arg0: i32, %arg1: i32, %arg2: memref<10000x128xf32, #tpu.memory_space<hbm>>, %arg3: memref<64000xi32, #tpu.memory_space<hbm>>, %arg4: memref<64000xi32, #tpu.memory_space<hbm>>, %arg5: memref<64000x256xf32, #tpu.memory_space<hbm>>, %arg6: memref<2000xi32, #tpu.memory_space<vmem>>, %arg7: memref<2000xi32, #tpu.memory_space<vmem>>, %arg8: memref<400x128xf32, #tpu.memory_space<vmem>>, %arg9: memref<400x128xf32, #tpu.memory_space<vmem>>, %arg10: memref<!tpu.dma_semaphore, #tpu.memory_space<semaphore_mem>>, %arg11: memref<!tpu.dma_semaphore, #tpu.memory_space<semaphore_mem>>) attributes {dimension_semantics = [#tpu.dimension_semantics<core_parallel>, #tpu.dimension_semantics<subcore_parallel>], iteration_bounds = array<i64: 2, 16>, scalar_prefetch = 0 : i64, scratch_operands = 6 : i64, tpu.core_type = #tpu.core_type<sc_vector_subcore>, window_params = [{transform_indices = #map}, {transform_indices = #map1}, {transform_indices = #map1}, {transform_indices = #map}]} {
    %mul3A = arith.constant 2 : i32
    %mul3A_0 = arith.muli %arg1, %mul3A : i32
    %add3A = arith.addi %mul3A_0, %arg0 : i32
    %mul3A_1 = arith.constant 2000 : i32
    %mul3A_2 = arith.muli %add3A, %mul3A_1 : i32
    "tpu.region"() ({
      %run_scoped3A = tpu.sem_alloc : memref<!tpu.dma_semaphore, #tpu.memory_space<semaphore_mem>>
      %dma_start3A = tpu.memref_slice %arg3[%mul3A_2] : memref<64000xi32, #tpu.memory_space<hbm>> -> memref<2000xi32, #tpu.memory_space<hbm>>
      %dma_start3A_8 = tpu.memref_slice %arg3[%mul3A_2] : memref<64000xi32, #tpu.memory_space<hbm>> -> memref<2000xi32, #tpu.memory_space<hbm>>
      tpu.enqueue_dma source(%dma_start3A_8 : memref<2000xi32, #tpu.memory_space<hbm>>) target(%arg6 : memref<2000xi32, #tpu.memory_space<vmem>>) target_semaphore(%run_scoped3A : memref<!tpu.dma_semaphore, #tpu.memory_space<semaphore_mem>>)
      %dma_wait3A = tpu.memref_slice %arg3[%mul3A_2] : memref<64000xi32, #tpu.memory_space<hbm>> -> memref<2000xi32, #tpu.memory_space<hbm>>
      %dma_wait3A_9 = tpu.memref_slice %arg3[%mul3A_2] : memref<64000xi32, #tpu.memory_space<hbm>> -> memref<2000xi32, #tpu.memory_space<hbm>>
      tpu.wait_dma2 semaphore(%run_scoped3A : memref<!tpu.dma_semaphore, #tpu.memory_space<semaphore_mem>>) src(%dma_wait3A_9 : memref<2000xi32, #tpu.memory_space<hbm>>) dst(%arg6 : memref<2000xi32, #tpu.memory_space<vmem>>)
      tpu.yield
    }) : () -> ()
    "tpu.region"() ({
      %run_scoped3A = tpu.sem_alloc : memref<!tpu.dma_semaphore, #tpu.memory_space<semaphore_mem>>
      %dma_start3A = tpu.memref_slice %arg4[%mul3A_2] : memref<64000xi32, #tpu.memory_space<hbm>> -> memref<2000xi32, #tpu.memory_space<hbm>>
      %dma_start3A_8 = tpu.memref_slice %arg4[%mul3A_2] : memref<64000xi32, #tpu.memory_space<hbm>> -> memref<2000xi32, #tpu.memory_space<hbm>>
      tpu.enqueue_dma source(%dma_start3A_8 : memref<2000xi32, #tpu.memory_space<hbm>>) target(%arg7 : memref<2000xi32, #tpu.memory_space<vmem>>) target_semaphore(%run_scoped3A : memref<!tpu.dma_semaphore, #tpu.memory_space<semaphore_mem>>)
      %dma_wait3A = tpu.memref_slice %arg4[%mul3A_2] : memref<64000xi32, #tpu.memory_space<hbm>> -> memref<2000xi32, #tpu.memory_space<hbm>>
      %dma_wait3A_9 = tpu.memref_slice %arg4[%mul3A_2] : memref<64000xi32, #tpu.memory_space<hbm>> -> memref<2000xi32, #tpu.memory_space<hbm>>
      tpu.wait_dma2 semaphore(%run_scoped3A : memref<!tpu.dma_semaphore, #tpu.memory_space<semaphore_mem>>) src(%dma_wait3A_9 : memref<2000xi32, #tpu.memory_space<hbm>>) dst(%arg7 : memref<2000xi32, #tpu.memory_space<vmem>>)
      tpu.yield
    }) : () -> ()
    %scan3A = arith.constant 0 : i32
    %scan3A_3 = arith.constant 0 : i32
    %scan3A_4 = arith.constant 5 : i32
    %scan3A_5 = arith.addi %scan3A_3, %scan3A_4 : i32
    %scan3A_6 = arith.constant 1 : i32
    scf.for %scan3A_8 = %scan3A_3 to %scan3A_5 step %scan3A_6  : i32 {
      %mul3A_9 = arith.constant 400 : i32
      %mul3A_10 = arith.muli %scan3A_8, %mul3A_9 : i32
      %add3A_11 = arith.constant 0 : i32
      %add3A_12 = arith.addi %mul3A_10, %add3A_11 : i32
      %dma_start3A = arith.constant 0 : i32
      %dma_start3A_13 = arith.constant 0 : i32
      %dma_start3A_14 = tpu.memref_slice %arg8[%dma_start3A, %dma_start3A_13] : memref<400x128xf32, #tpu.memory_space<vmem>> -> memref<80x128xf32, #tpu.memory_space<vmem>>
      %dma_start3A_15 = tpu.memref_slice %arg6[%add3A_12] : memref<2000xi32, #tpu.memory_space<vmem>> -> memref<80xi32, #tpu.memory_space<vmem>>
      %dma_start3A_16 = arith.constant 0 : i32
      %dma_start3A_17 = arith.constant 0 : i32
      %dma_start3A_18 = tpu.memref_slice %arg2[%dma_start3A_16, %dma_start3A_17] : memref<10000x128xf32, #tpu.memory_space<hbm>> -> memref<10000x128xf32, #tpu.memory_space<hbm>>
      tpu.enqueue_indirect_dma source(%dma_start3A_18 : memref<10000x128xf32, #tpu.memory_space<hbm>>) target(%dma_start3A_14 : memref<80x128xf32, #tpu.memory_space<vmem>>) offsets(%dma_start3A_15 : memref<80xi32, #tpu.memory_space<vmem>>) semaphore(%arg10 : memref<!tpu.dma_semaphore, #tpu.memory_space<semaphore_mem>>)
      %add3A_19 = arith.constant 0 : i32
      %add3A_20 = arith.addi %mul3A_10, %add3A_19 : i32
      %dma_start3A_21 = arith.constant 0 : i32
      %dma_start3A_22 = arith.constant 0 : i32
      %dma_start3A_23 = tpu.memref_slice %arg9[%dma_start3A_21, %dma_start3A_22] : memref<400x128xf32, #tpu.memory_space<vmem>> -> memref<80x128xf32, #tpu.memory_space<vmem>>
      %dma_start3A_24 = tpu.memref_slice %arg7[%add3A_20] : memref<2000xi32, #tpu.memory_space<vmem>> -> memref<80xi32, #tpu.memory_space<vmem>>
      %dma_start3A_25 = arith.constant 0 : i32
      %dma_start3A_26 = arith.constant 0 : i32
      %dma_start3A_27 = tpu.memref_slice %arg2[%dma_start3A_25, %dma_start3A_26] : memref<10000x128xf32, #tpu.memory_space<hbm>> -> memref<10000x128xf32, #tpu.memory_space<hbm>>
      tpu.enqueue_indirect_dma source(%dma_start3A_27 : memref<10000x128xf32, #tpu.memory_space<hbm>>) target(%dma_start3A_23 : memref<80x128xf32, #tpu.memory_space<vmem>>) offsets(%dma_start3A_24 : memref<80xi32, #tpu.memory_space<vmem>>) semaphore(%arg10 : memref<!tpu.dma_semaphore, #tpu.memory_space<semaphore_mem>>)
      %add3A_28 = arith.constant 80 : i32
      %add3A_29 = arith.addi %mul3A_10, %add3A_28 : i32
      %dma_start3A_30 = arith.constant 80 : i32
      %dma_start3A_31 = arith.constant 0 : i32
      %dma_start3A_32 = tpu.memref_slice %arg8[%dma_start3A_30, %dma_start3A_31] : memref<400x128xf32, #tpu.memory_space<vmem>> -> memref<80x128xf32, #tpu.memory_space<vmem>>
      %dma_start3A_33 = tpu.memref_slice %arg6[%add3A_29] : memref<2000xi32, #tpu.memory_space<vmem>> -> memref<80xi32, #tpu.memory_space<vmem>>
      %dma_start3A_34 = arith.constant 0 : i32
      %dma_start3A_35 = arith.constant 0 : i32
      %dma_start3A_36 = tpu.memref_slice %arg2[%dma_start3A_34, %dma_start3A_35] : memref<10000x128xf32, #tpu.memory_space<hbm>> -> memref<10000x128xf32, #tpu.memory_space<hbm>>
      tpu.enqueue_indirect_dma source(%dma_start3A_36 : memref<10000x128xf32, #tpu.memory_space<hbm>>) target(%dma_start3A_32 : memref<80x128xf32, #tpu.memory_space<vmem>>) offsets(%dma_start3A_33 : memref<80xi32, #tpu.memory_space<vmem>>) semaphore(%arg10 : memref<!tpu.dma_semaphore, #tpu.memory_space<semaphore_mem>>)
      %add3A_37 = arith.constant 80 : i32
      %add3A_38 = arith.addi %mul3A_10, %add3A_37 : i32
      %dma_start3A_39 = arith.constant 80 : i32
      %dma_start3A_40 = arith.constant 0 : i32
      %dma_start3A_41 = tpu.memref_slice %arg9[%dma_start3A_39, %dma_start3A_40] : memref<400x128xf32, #tpu.memory_space<vmem>> -> memref<80x128xf32, #tpu.memory_space<vmem>>
      %dma_start3A_42 = tpu.memref_slice %arg7[%add3A_38] : memref<2000xi32, #tpu.memory_space<vmem>> -> memref<80xi32, #tpu.memory_space<vmem>>
      %dma_start3A_43 = arith.constant 0 : i32
      %dma_start3A_44 = arith.constant 0 : i32
      %dma_start3A_45 = tpu.memref_slice %arg2[%dma_start3A_43, %dma_start3A_44] : memref<10000x128xf32, #tpu.memory_space<hbm>> -> memref<10000x128xf32, #tpu.memory_space<hbm>>
      tpu.enqueue_indirect_dma source(%dma_start3A_45 : memref<10000x128xf32, #tpu.memory_space<hbm>>) target(%dma_start3A_41 : memref<80x128xf32, #tpu.memory_space<vmem>>) offsets(%dma_start3A_42 : memref<80xi32, #tpu.memory_space<vmem>>) semaphore(%arg10 : memref<!tpu.dma_semaphore, #tpu.memory_space<semaphore_mem>>)
      %add3A_46 = arith.constant 160 : i32
      %add3A_47 = arith.addi %mul3A_10, %add3A_46 : i32
      %dma_start3A_48 = arith.constant 160 : i32
      %dma_start3A_49 = arith.constant 0 : i32
      %dma_start3A_50 = tpu.memref_slice %arg8[%dma_start3A_48, %dma_start3A_49] : memref<400x128xf32, #tpu.memory_space<vmem>> -> memref<80x128xf32, #tpu.memory_space<vmem>>
      %dma_start3A_51 = tpu.memref_slice %arg6[%add3A_47] : memref<2000xi32, #tpu.memory_space<vmem>> -> memref<80xi32, #tpu.memory_space<vmem>>
      %dma_start3A_52 = arith.constant 0 : i32
      %dma_start3A_53 = arith.constant 0 : i32
      %dma_start3A_54 = tpu.memref_slice %arg2[%dma_start3A_52, %dma_start3A_53] : memref<10000x128xf32, #tpu.memory_space<hbm>> -> memref<10000x128xf32, #tpu.memory_space<hbm>>
      tpu.enqueue_indirect_dma source(%dma_start3A_54 : memref<10000x128xf32, #tpu.memory_space<hbm>>) target(%dma_start3A_50 : memref<80x128xf32, #tpu.memory_space<vmem>>) offsets(%dma_start3A_51 : memref<80xi32, #tpu.memory_space<vmem>>) semaphore(%arg10 : memref<!tpu.dma_semaphore, #tpu.memory_space<semaphore_mem>>)
      %add3A_55 = arith.constant 160 : i32
      %add3A_56 = arith.addi %mul3A_10, %add3A_55 : i32
      %dma_start3A_57 = arith.constant 160 : i32
      %dma_start3A_58 = arith.constant 0 : i32
      %dma_start3A_59 = tpu.memref_slice %arg9[%dma_start3A_57, %dma_start3A_58] : memref<400x128xf32, #tpu.memory_space<vmem>> -> memref<80x128xf32, #tpu.memory_space<vmem>>
      %dma_start3A_60 = tpu.memref_slice %arg7[%add3A_56] : memref<2000xi32, #tpu.memory_space<vmem>> -> memref<80xi32, #tpu.memory_space<vmem>>
      %dma_start3A_61 = arith.constant 0 : i32
      %dma_start3A_62 = arith.constant 0 : i32
      %dma_start3A_63 = tpu.memref_slice %arg2[%dma_start3A_61, %dma_start3A_62] : memref<10000x128xf32, #tpu.memory_space<hbm>> -> memref<10000x128xf32, #tpu.memory_space<hbm>>
      tpu.enqueue_indirect_dma source(%dma_start3A_63 : memref<10000x128xf32, #tpu.memory_space<hbm>>) target(%dma_start3A_59 : memref<80x128xf32, #tpu.memory_space<vmem>>) offsets(%dma_start3A_60 : memref<80xi32, #tpu.memory_space<vmem>>) semaphore(%arg10 : memref<!tpu.dma_semaphore, #tpu.memory_space<semaphore_mem>>)
      %add3A_64 = arith.constant 240 : i32
      %add3A_65 = arith.addi %mul3A_10, %add3A_64 : i32
      %dma_start3A_66 = arith.constant 240 : i32
      %dma_start3A_67 = arith.constant 0 : i32
      %dma_start3A_68 = tpu.memref_slice %arg8[%dma_start3A_66, %dma_start3A_67] : memref<400x128xf32, #tpu.memory_space<vmem>> -> memref<80x128xf32, #tpu.memory_space<vmem>>
      %dma_start3A_69 = tpu.memref_slice %arg6[%add3A_65] : memref<2000xi32, #tpu.memory_space<vmem>> -> memref<80xi32, #tpu.memory_space<vmem>>
      %dma_start3A_70 = arith.constant 0 : i32
      %dma_start3A_71 = arith.constant 0 : i32
      %dma_start3A_72 = tpu.memref_slice %arg2[%dma_start3A_70, %dma_start3A_71] : memref<10000x128xf32, #tpu.memory_space<hbm>> -> memref<10000x128xf32, #tpu.memory_space<hbm>>
      tpu.enqueue_indirect_dma source(%dma_start3A_72 : memref<10000x128xf32, #tpu.memory_space<hbm>>) target(%dma_start3A_68 : memref<80x128xf32, #tpu.memory_space<vmem>>) offsets(%dma_start3A_69 : memref<80xi32, #tpu.memory_space<vmem>>) semaphore(%arg10 : memref<!tpu.dma_semaphore, #tpu.memory_space<semaphore_mem>>)
      %add3A_73 = arith.constant 240 : i32
      %add3A_74 = arith.addi %mul3A_10, %add3A_73 : i32
      %dma_start3A_75 = arith.constant 240 : i32
      %dma_start3A_76 = arith.constant 0 : i32
      %dma_start3A_77 = tpu.memref_slice %arg9[%dma_start3A_75, %dma_start3A_76] : memref<400x128xf32, #tpu.memory_space<vmem>> -> memref<80x128xf32, #tpu.memory_space<vmem>>
      %dma_start3A_78 = tpu.memref_slice %arg7[%add3A_74] : memref<2000xi32, #tpu.memory_space<vmem>> -> memref<80xi32, #tpu.memory_space<vmem>>
      %dma_start3A_79 = arith.constant 0 : i32
      %dma_start3A_80 = arith.constant 0 : i32
      %dma_start3A_81 = tpu.memref_slice %arg2[%dma_start3A_79, %dma_start3A_80] : memref<10000x128xf32, #tpu.memory_space<hbm>> -> memref<10000x128xf32, #tpu.memory_space<hbm>>
      tpu.enqueue_indirect_dma source(%dma_start3A_81 : memref<10000x128xf32, #tpu.memory_space<hbm>>) target(%dma_start3A_77 : memref<80x128xf32, #tpu.memory_space<vmem>>) offsets(%dma_start3A_78 : memref<80xi32, #tpu.memory_space<vmem>>) semaphore(%arg10 : memref<!tpu.dma_semaphore, #tpu.memory_space<semaphore_mem>>)
      %add3A_82 = arith.constant 320 : i32
      %add3A_83 = arith.addi %mul3A_10, %add3A_82 : i32
      %dma_start3A_84 = arith.constant 320 : i32
      %dma_start3A_85 = arith.constant 0 : i32
      %dma_start3A_86 = tpu.memref_slice %arg8[%dma_start3A_84, %dma_start3A_85] : memref<400x128xf32, #tpu.memory_space<vmem>> -> memref<80x128xf32, #tpu.memory_space<vmem>>
      %dma_start3A_87 = tpu.memref_slice %arg6[%add3A_83] : memref<2000xi32, #tpu.memory_space<vmem>> -> memref<80xi32, #tpu.memory_space<vmem>>
      %dma_start3A_88 = arith.constant 0 : i32
      %dma_start3A_89 = arith.constant 0 : i32
      %dma_start3A_90 = tpu.memref_slice %arg2[%dma_start3A_88, %dma_start3A_89] : memref<10000x128xf32, #tpu.memory_space<hbm>> -> memref<10000x128xf32, #tpu.memory_space<hbm>>
      tpu.enqueue_indirect_dma source(%dma_start3A_90 : memref<10000x128xf32, #tpu.memory_space<hbm>>) target(%dma_start3A_86 : memref<80x128xf32, #tpu.memory_space<vmem>>) offsets(%dma_start3A_87 : memref<80xi32, #tpu.memory_space<vmem>>) semaphore(%arg10 : memref<!tpu.dma_semaphore, #tpu.memory_space<semaphore_mem>>)
      %add3A_91 = arith.constant 320 : i32
      %add3A_92 = arith.addi %mul3A_10, %add3A_91 : i32
      %dma_start3A_93 = arith.constant 320 : i32
      %dma_start3A_94 = arith.constant 0 : i32
      %dma_start3A_95 = tpu.memref_slice %arg9[%dma_start3A_93, %dma_start3A_94] : memref<400x128xf32, #tpu.memory_space<vmem>> -> memref<80x128xf32, #tpu.memory_space<vmem>>
      %dma_start3A_96 = tpu.memref_slice %arg7[%add3A_92] : memref<2000xi32, #tpu.memory_space<vmem>> -> memref<80xi32, #tpu.memory_space<vmem>>
      %dma_start3A_97 = arith.constant 0 : i32
      %dma_start3A_98 = arith.constant 0 : i32
      %dma_start3A_99 = tpu.memref_slice %arg2[%dma_start3A_97, %dma_start3A_98] : memref<10000x128xf32, #tpu.memory_space<hbm>> -> memref<10000x128xf32, #tpu.memory_space<hbm>>
      tpu.enqueue_indirect_dma source(%dma_start3A_99 : memref<10000x128xf32, #tpu.memory_space<hbm>>) target(%dma_start3A_95 : memref<80x128xf32, #tpu.memory_space<vmem>>) offsets(%dma_start3A_96 : memref<80xi32, #tpu.memory_space<vmem>>) semaphore(%arg10 : memref<!tpu.dma_semaphore, #tpu.memory_space<semaphore_mem>>)
      %dma_wait3A = arith.constant 0 : i32
      %dma_wait3A_100 = arith.constant 0 : i32
      %dma_wait3A_101 = tpu.memref_slice %arg8[%dma_wait3A, %dma_wait3A_100] : memref<400x128xf32, #tpu.memory_space<vmem>> -> memref<80x128xf32, #tpu.memory_space<vmem>>
      %dma_wait3A_102 = tpu.memref_slice %arg6[%add3A_12] : memref<2000xi32, #tpu.memory_space<vmem>> -> memref<80xi32, #tpu.memory_space<vmem>>
      %dma_wait3A_103 = arith.constant 0 : i32
      %dma_wait3A_104 = arith.constant 0 : i32
      %dma_wait3A_105 = tpu.memref_slice %arg2[%dma_wait3A_103, %dma_wait3A_104] : memref<10000x128xf32, #tpu.memory_space<hbm>> -> memref<10000x128xf32, #tpu.memory_space<hbm>>
      tpu.wait_indirect_dma semaphore(%arg10 : memref<!tpu.dma_semaphore, #tpu.memory_space<semaphore_mem>>) src(%dma_wait3A_105 : memref<10000x128xf32, #tpu.memory_space<hbm>>) dst(%dma_wait3A_101 : memref<80x128xf32, #tpu.memory_space<vmem>>)
      %dma_wait3A_106 = arith.constant 0 : i32
      %dma_wait3A_107 = arith.constant 0 : i32
      %dma_wait3A_108 = tpu.memref_slice %arg9[%dma_wait3A_106, %dma_wait3A_107] : memref<400x128xf32, #tpu.memory_space<vmem>> -> memref<80x128xf32, #tpu.memory_space<vmem>>
      %dma_wait3A_109 = tpu.memref_slice %arg7[%add3A_20] : memref<2000xi32, #tpu.memory_space<vmem>> -> memref<80xi32, #tpu.memory_space<vmem>>
      %dma_wait3A_110 = arith.constant 0 : i32
      %dma_wait3A_111 = arith.constant 0 : i32
      %dma_wait3A_112 = tpu.memref_slice %arg2[%dma_wait3A_110, %dma_wait3A_111] : memref<10000x128xf32, #tpu.memory_space<hbm>> -> memref<10000x128xf32, #tpu.memory_space<hbm>>
      tpu.wait_indirect_dma semaphore(%arg10 : memref<!tpu.dma_semaphore, #tpu.memory_space<semaphore_mem>>) src(%dma_wait3A_112 : memref<10000x128xf32, #tpu.memory_space<hbm>>) dst(%dma_wait3A_108 : memref<80x128xf32, #tpu.memory_space<vmem>>)
      %dma_wait3A_113 = arith.constant 80 : i32
      %dma_wait3A_114 = arith.constant 0 : i32
      %dma_wait3A_115 = tpu.memref_slice %arg8[%dma_wait3A_113, %dma_wait3A_114] : memref<400x128xf32, #tpu.memory_space<vmem>> -> memref<80x128xf32, #tpu.memory_space<vmem>>
      %dma_wait3A_116 = tpu.memref_slice %arg6[%add3A_29] : memref<2000xi32, #tpu.memory_space<vmem>> -> memref<80xi32, #tpu.memory_space<vmem>>
      %dma_wait3A_117 = arith.constant 0 : i32
      %dma_wait3A_118 = arith.constant 0 : i32
      %dma_wait3A_119 = tpu.memref_slice %arg2[%dma_wait3A_117, %dma_wait3A_118] : memref<10000x128xf32, #tpu.memory_space<hbm>> -> memref<10000x128xf32, #tpu.memory_space<hbm>>
      tpu.wait_indirect_dma semaphore(%arg10 : memref<!tpu.dma_semaphore, #tpu.memory_space<semaphore_mem>>) src(%dma_wait3A_119 : memref<10000x128xf32, #tpu.memory_space<hbm>>) dst(%dma_wait3A_115 : memref<80x128xf32, #tpu.memory_space<vmem>>)
      %dma_wait3A_120 = arith.constant 80 : i32
      %dma_wait3A_121 = arith.constant 0 : i32
      %dma_wait3A_122 = tpu.memref_slice %arg9[%dma_wait3A_120, %dma_wait3A_121] : memref<400x128xf32, #tpu.memory_space<vmem>> -> memref<80x128xf32, #tpu.memory_space<vmem>>
      %dma_wait3A_123 = tpu.memref_slice %arg7[%add3A_38] : memref<2000xi32, #tpu.memory_space<vmem>> -> memref<80xi32, #tpu.memory_space<vmem>>
      %dma_wait3A_124 = arith.constant 0 : i32
      %dma_wait3A_125 = arith.constant 0 : i32
      %dma_wait3A_126 = tpu.memref_slice %arg2[%dma_wait3A_124, %dma_wait3A_125] : memref<10000x128xf32, #tpu.memory_space<hbm>> -> memref<10000x128xf32, #tpu.memory_space<hbm>>
      tpu.wait_indirect_dma semaphore(%arg10 : memref<!tpu.dma_semaphore, #tpu.memory_space<semaphore_mem>>) src(%dma_wait3A_126 : memref<10000x128xf32, #tpu.memory_space<hbm>>) dst(%dma_wait3A_122 : memref<80x128xf32, #tpu.memory_space<vmem>>)
      %dma_wait3A_127 = arith.constant 160 : i32
      %dma_wait3A_128 = arith.constant 0 : i32
      %dma_wait3A_129 = tpu.memref_slice %arg8[%dma_wait3A_127, %dma_wait3A_128] : memref<400x128xf32, #tpu.memory_space<vmem>> -> memref<80x128xf32, #tpu.memory_space<vmem>>
      %dma_wait3A_130 = tpu.memref_slice %arg6[%add3A_47] : memref<2000xi32, #tpu.memory_space<vmem>> -> memref<80xi32, #tpu.memory_space<vmem>>
      %dma_wait3A_131 = arith.constant 0 : i32
      %dma_wait3A_132 = arith.constant 0 : i32
      %dma_wait3A_133 = tpu.memref_slice %arg2[%dma_wait3A_131, %dma_wait3A_132] : memref<10000x128xf32, #tpu.memory_space<hbm>> -> memref<10000x128xf32, #tpu.memory_space<hbm>>
      tpu.wait_indirect_dma semaphore(%arg10 : memref<!tpu.dma_semaphore, #tpu.memory_space<semaphore_mem>>) src(%dma_wait3A_133 : memref<10000x128xf32, #tpu.memory_space<hbm>>) dst(%dma_wait3A_129 : memref<80x128xf32, #tpu.memory_space<vmem>>)
      %dma_wait3A_134 = arith.constant 160 : i32
      %dma_wait3A_135 = arith.constant 0 : i32
      %dma_wait3A_136 = tpu.memref_slice %arg9[%dma_wait3A_134, %dma_wait3A_135] : memref<400x128xf32, #tpu.memory_space<vmem>> -> memref<80x128xf32, #tpu.memory_space<vmem>>
      %dma_wait3A_137 = tpu.memref_slice %arg7[%add3A_56] : memref<2000xi32, #tpu.memory_space<vmem>> -> memref<80xi32, #tpu.memory_space<vmem>>
      %dma_wait3A_138 = arith.constant 0 : i32
      %dma_wait3A_139 = arith.constant 0 : i32
      %dma_wait3A_140 = tpu.memref_slice %arg2[%dma_wait3A_138, %dma_wait3A_139] : memref<10000x128xf32, #tpu.memory_space<hbm>> -> memref<10000x128xf32, #tpu.memory_space<hbm>>
      tpu.wait_indirect_dma semaphore(%arg10 : memref<!tpu.dma_semaphore, #tpu.memory_space<semaphore_mem>>) src(%dma_wait3A_140 : memref<10000x128xf32, #tpu.memory_space<hbm>>) dst(%dma_wait3A_136 : memref<80x128xf32, #tpu.memory_space<vmem>>)
      %dma_wait3A_141 = arith.constant 240 : i32
      %dma_wait3A_142 = arith.constant 0 : i32
      %dma_wait3A_143 = tpu.memref_slice %arg8[%dma_wait3A_141, %dma_wait3A_142] : memref<400x128xf32, #tpu.memory_space<vmem>> -> memref<80x128xf32, #tpu.memory_space<vmem>>
      %dma_wait3A_144 = tpu.memref_slice %arg6[%add3A_65] : memref<2000xi32, #tpu.memory_space<vmem>> -> memref<80xi32, #tpu.memory_space<vmem>>
      %dma_wait3A_145 = arith.constant 0 : i32
      %dma_wait3A_146 = arith.constant 0 : i32
      %dma_wait3A_147 = tpu.memref_slice %arg2[%dma_wait3A_145, %dma_wait3A_146] : memref<10000x128xf32, #tpu.memory_space<hbm>> -> memref<10000x128xf32, #tpu.memory_space<hbm>>
      tpu.wait_indirect_dma semaphore(%arg10 : memref<!tpu.dma_semaphore, #tpu.memory_space<semaphore_mem>>) src(%dma_wait3A_147 : memref<10000x128xf32, #tpu.memory_space<hbm>>) dst(%dma_wait3A_143 : memref<80x128xf32, #tpu.memory_space<vmem>>)
      %dma_wait3A_148 = arith.constant 240 : i32
      %dma_wait3A_149 = arith.constant 0 : i32
      %dma_wait3A_150 = tpu.memref_slice %arg9[%dma_wait3A_148, %dma_wait3A_149] : memref<400x128xf32, #tpu.memory_space<vmem>> -> memref<80x128xf32, #tpu.memory_space<vmem>>
      %dma_wait3A_151 = tpu.memref_slice %arg7[%add3A_74] : memref<2000xi32, #tpu.memory_space<vmem>> -> memref<80xi32, #tpu.memory_space<vmem>>
      %dma_wait3A_152 = arith.constant 0 : i32
      %dma_wait3A_153 = arith.constant 0 : i32
      %dma_wait3A_154 = tpu.memref_slice %arg2[%dma_wait3A_152, %dma_wait3A_153] : memref<10000x128xf32, #tpu.memory_space<hbm>> -> memref<10000x128xf32, #tpu.memory_space<hbm>>
      tpu.wait_indirect_dma semaphore(%arg10 : memref<!tpu.dma_semaphore, #tpu.memory_space<semaphore_mem>>) src(%dma_wait3A_154 : memref<10000x128xf32, #tpu.memory_space<hbm>>) dst(%dma_wait3A_150 : memref<80x128xf32, #tpu.memory_space<vmem>>)
      %dma_wait3A_155 = arith.constant 320 : i32
      %dma_wait3A_156 = arith.constant 0 : i32
      %dma_wait3A_157 = tpu.memref_slice %arg8[%dma_wait3A_155, %dma_wait3A_156] : memref<400x128xf32, #tpu.memory_space<vmem>> -> memref<80x128xf32, #tpu.memory_space<vmem>>
      %dma_wait3A_158 = tpu.memref_slice %arg6[%add3A_83] : memref<2000xi32, #tpu.memory_space<vmem>> -> memref<80xi32, #tpu.memory_space<vmem>>
      %dma_wait3A_159 = arith.constant 0 : i32
      %dma_wait3A_160 = arith.constant 0 : i32
      %dma_wait3A_161 = tpu.memref_slice %arg2[%dma_wait3A_159, %dma_wait3A_160] : memref<10000x128xf32, #tpu.memory_space<hbm>> -> memref<10000x128xf32, #tpu.memory_space<hbm>>
      tpu.wait_indirect_dma semaphore(%arg10 : memref<!tpu.dma_semaphore, #tpu.memory_space<semaphore_mem>>) src(%dma_wait3A_161 : memref<10000x128xf32, #tpu.memory_space<hbm>>) dst(%dma_wait3A_157 : memref<80x128xf32, #tpu.memory_space<vmem>>)
      %dma_wait3A_162 = arith.constant 320 : i32
      %dma_wait3A_163 = arith.constant 0 : i32
      %dma_wait3A_164 = tpu.memref_slice %arg9[%dma_wait3A_162, %dma_wait3A_163] : memref<400x128xf32, #tpu.memory_space<vmem>> -> memref<80x128xf32, #tpu.memory_space<vmem>>
      %dma_wait3A_165 = tpu.memref_slice %arg7[%add3A_92] : memref<2000xi32, #tpu.memory_space<vmem>> -> memref<80xi32, #tpu.memory_space<vmem>>
      %dma_wait3A_166 = arith.constant 0 : i32
      %dma_wait3A_167 = arith.constant 0 : i32
      %dma_wait3A_168 = tpu.memref_slice %arg2[%dma_wait3A_166, %dma_wait3A_167] : memref<10000x128xf32, #tpu.memory_space<hbm>> -> memref<10000x128xf32, #tpu.memory_space<hbm>>
      tpu.wait_indirect_dma semaphore(%arg10 : memref<!tpu.dma_semaphore, #tpu.memory_space<semaphore_mem>>) src(%dma_wait3A_168 : memref<10000x128xf32, #tpu.memory_space<hbm>>) dst(%dma_wait3A_164 : memref<80x128xf32, #tpu.memory_space<vmem>>)
      %add3A_169 = arith.addi %mul3A_2, %mul3A_10 : i32
      %dma_start3A_170 = arith.constant 0 : i32
      %dma_start3A_171 = tpu.memref_slice %arg5[%add3A_169, %dma_start3A_170] : memref<64000x256xf32, #tpu.memory_space<hbm>> -> memref<400x128xf32, #tpu.memory_space<hbm>>
      %dma_start3A_172 = arith.constant 0 : i32
      %dma_start3A_173 = tpu.memref_slice %arg5[%add3A_169, %dma_start3A_172] : memref<64000x256xf32, #tpu.memory_space<hbm>> -> memref<400x128xf32, #tpu.memory_space<hbm>>
      tpu.enqueue_dma source(%arg8 : memref<400x128xf32, #tpu.memory_space<vmem>>) target(%dma_start3A_173 : memref<400x128xf32, #tpu.memory_space<hbm>>) target_semaphore(%arg11 : memref<!tpu.dma_semaphore, #tpu.memory_space<semaphore_mem>>)
      %add3A_174 = arith.addi %mul3A_2, %mul3A_10 : i32
      %dma_start3A_175 = arith.constant 128 : i32
      %dma_start3A_176 = tpu.memref_slice %arg5[%add3A_174, %dma_start3A_175] : memref<64000x256xf32, #tpu.memory_space<hbm>> -> memref<400x128xf32, #tpu.memory_space<hbm>>
      %dma_start3A_177 = arith.constant 128 : i32
      %dma_start3A_178 = tpu.memref_slice %arg5[%add3A_174, %dma_start3A_177] : memref<64000x256xf32, #tpu.memory_space<hbm>> -> memref<400x128xf32, #tpu.memory_space<hbm>>
      tpu.enqueue_dma source(%arg9 : memref<400x128xf32, #tpu.memory_space<vmem>>) target(%dma_start3A_178 : memref<400x128xf32, #tpu.memory_space<hbm>>) target_semaphore(%arg11 : memref<!tpu.dma_semaphore, #tpu.memory_space<semaphore_mem>>)
      %dma_wait3A_179 = arith.constant 0 : i32
      %dma_wait3A_180 = tpu.memref_slice %arg5[%add3A_169, %dma_wait3A_179] : memref<64000x256xf32, #tpu.memory_space<hbm>> -> memref<400x128xf32, #tpu.memory_space<hbm>>
      %dma_wait3A_181 = arith.constant 0 : i32
      %dma_wait3A_182 = tpu.memref_slice %arg5[%add3A_169, %dma_wait3A_181] : memref<64000x256xf32, #tpu.memory_space<hbm>> -> memref<400x128xf32, #tpu.memory_space<hbm>>
      tpu.wait_dma2 semaphore(%arg11 : memref<!tpu.dma_semaphore, #tpu.memory_space<semaphore_mem>>) src(%arg8 : memref<400x128xf32, #tpu.memory_space<vmem>>) dst(%dma_wait3A_182 : memref<400x128xf32, #tpu.memory_space<hbm>>)
      %dma_wait3A_183 = arith.constant 128 : i32
      %dma_wait3A_184 = tpu.memref_slice %arg5[%add3A_174, %dma_wait3A_183] : memref<64000x256xf32, #tpu.memory_space<hbm>> -> memref<400x128xf32, #tpu.memory_space<hbm>>
      %dma_wait3A_185 = arith.constant 128 : i32
      %dma_wait3A_186 = tpu.memref_slice %arg5[%add3A_174, %dma_wait3A_185] : memref<64000x256xf32, #tpu.memory_space<hbm>> -> memref<400x128xf32, #tpu.memory_space<hbm>>
      tpu.wait_dma2 semaphore(%arg11 : memref<!tpu.dma_semaphore, #tpu.memory_space<semaphore_mem>>) src(%arg9 : memref<400x128xf32, #tpu.memory_space<vmem>>) dst(%dma_wait3A_186 : memref<400x128xf32, #tpu.memory_space<hbm>>)
    }
    %scan3A_7 = arith.constant 5 : i32
    return
  }
}

#map = affine_map<(d0, d1) -> (0, 0)>
#map1 = affine_map<(d0, d1) -> (0)>
module attributes {stable_mosaic.version = 14 : i64} {
  func.func @_sc_gather(%arg0: i32, %arg1: i32, %arg2: memref<10000x128xf32, #tpu.memory_space<hbm>>, %arg3: memref<64000xi32, #tpu.memory_space<hbm>>, %arg4: memref<64000xi32, #tpu.memory_space<hbm>>, %arg5: memref<64000x256xf32, #tpu.memory_space<hbm>>, %arg6: memref<2000xi32, #tpu.memory_space<vmem>>, %arg7: memref<2000xi32, #tpu.memory_space<vmem>>, %arg8: memref<400x128xf32, #tpu.memory_space<vmem>>, %arg9: memref<400x128xf32, #tpu.memory_space<vmem>>, %arg10: memref<!tpu.dma_semaphore, #tpu.memory_space<semaphore_mem>>, %arg11: memref<!tpu.dma_semaphore, #tpu.memory_space<semaphore_mem>>) attributes {dimension_semantics = [#tpu.dimension_semantics<core_parallel>, #tpu.dimension_semantics<subcore_parallel>], iteration_bounds = array<i64: 2, 16>, scalar_prefetch = 0 : i64, scratch_operands = 6 : i64, tpu.core_type = #tpu.core_type<sc_vector_subcore>, window_params = [{transform_indices = #map}, {transform_indices = #map1}, {transform_indices = #map1}, {transform_indices = #map}]} {
    %mul3A = arith.constant 2 : i32
    %mul3A_0 = arith.muli %arg1, %mul3A : i32
    %add3A = arith.addi %mul3A_0, %arg0 : i32
    %mul3A_1 = arith.constant 2000 : i32
    %mul3A_2 = arith.muli %add3A, %mul3A_1 : i32
    "tpu.region"() ({
      %run_scoped3A = tpu.sem_alloc : memref<!tpu.dma_semaphore, #tpu.memory_space<semaphore_mem>>
      %dma_start3A = tpu.memref_slice %arg3[%mul3A_2] : memref<64000xi32, #tpu.memory_space<hbm>> -> memref<2000xi32, #tpu.memory_space<hbm>>
      %dma_start3A_8 = tpu.memref_slice %arg3[%mul3A_2] : memref<64000xi32, #tpu.memory_space<hbm>> -> memref<2000xi32, #tpu.memory_space<hbm>>
      tpu.enqueue_dma source(%dma_start3A_8 : memref<2000xi32, #tpu.memory_space<hbm>>) target(%arg6 : memref<2000xi32, #tpu.memory_space<vmem>>) target_semaphore(%run_scoped3A : memref<!tpu.dma_semaphore, #tpu.memory_space<semaphore_mem>>)
      %dma_wait3A = tpu.memref_slice %arg3[%mul3A_2] : memref<64000xi32, #tpu.memory_space<hbm>> -> memref<2000xi32, #tpu.memory_space<hbm>>
      %dma_wait3A_9 = tpu.memref_slice %arg3[%mul3A_2] : memref<64000xi32, #tpu.memory_space<hbm>> -> memref<2000xi32, #tpu.memory_space<hbm>>
      tpu.wait_dma2 semaphore(%run_scoped3A : memref<!tpu.dma_semaphore, #tpu.memory_space<semaphore_mem>>) src(%dma_wait3A_9 : memref<2000xi32, #tpu.memory_space<hbm>>) dst(%arg6 : memref<2000xi32, #tpu.memory_space<vmem>>)
      tpu.yield
    }) : () -> ()
    "tpu.region"() ({
      %run_scoped3A = tpu.sem_alloc : memref<!tpu.dma_semaphore, #tpu.memory_space<semaphore_mem>>
      %dma_start3A = tpu.memref_slice %arg4[%mul3A_2] : memref<64000xi32, #tpu.memory_space<hbm>> -> memref<2000xi32, #tpu.memory_space<hbm>>
      %dma_start3A_8 = tpu.memref_slice %arg4[%mul3A_2] : memref<64000xi32, #tpu.memory_space<hbm>> -> memref<2000xi32, #tpu.memory_space<hbm>>
      tpu.enqueue_dma source(%dma_start3A_8 : memref<2000xi32, #tpu.memory_space<hbm>>) target(%arg7 : memref<2000xi32, #tpu.memory_space<vmem>>) target_semaphore(%run_scoped3A : memref<!tpu.dma_semaphore, #tpu.memory_space<semaphore_mem>>)
      %dma_wait3A = tpu.memref_slice %arg4[%mul3A_2] : memref<64000xi32, #tpu.memory_space<hbm>> -> memref<2000xi32, #tpu.memory_space<hbm>>
      %dma_wait3A_9 = tpu.memref_slice %arg4[%mul3A_2] : memref<64000xi32, #tpu.memory_space<hbm>> -> memref<2000xi32, #tpu.memory_space<hbm>>
      tpu.wait_dma2 semaphore(%run_scoped3A : memref<!tpu.dma_semaphore, #tpu.memory_space<semaphore_mem>>) src(%dma_wait3A_9 : memref<2000xi32, #tpu.memory_space<hbm>>) dst(%arg7 : memref<2000xi32, #tpu.memory_space<vmem>>)
      tpu.yield
    }) : () -> ()
    %scan3A = arith.constant 0 : i32
    %scan3A_3 = arith.constant 0 : i32
    %scan3A_4 = arith.constant 5 : i32
    %scan3A_5 = arith.addi %scan3A_3, %scan3A_4 : i32
    %scan3A_6 = arith.constant 1 : i32
    scf.for %scan3A_8 = %scan3A_3 to %scan3A_5 step %scan3A_6  : i32 {
      %mul3A_9 = arith.constant 400 : i32
      %mul3A_10 = arith.muli %scan3A_8, %mul3A_9 : i32
      %add3A_11 = arith.constant 0 : i32
      %add3A_12 = arith.addi %mul3A_10, %add3A_11 : i32
      %dma_start3A = arith.constant 0 : i32
      %dma_start3A_13 = arith.constant 0 : i32
      %dma_start3A_14 = tpu.memref_slice %arg8[%dma_start3A, %dma_start3A_13] : memref<400x128xf32, #tpu.memory_space<vmem>> -> memref<80x128xf32, #tpu.memory_space<vmem>>
      %dma_start3A_15 = tpu.memref_slice %arg6[%add3A_12] : memref<2000xi32, #tpu.memory_space<vmem>> -> memref<80xi32, #tpu.memory_space<vmem>>
      %dma_start3A_16 = arith.constant 0 : i32
      %dma_start3A_17 = arith.constant 0 : i32
      %dma_start3A_18 = tpu.memref_slice %arg2[%dma_start3A_16, %dma_start3A_17] : memref<10000x128xf32, #tpu.memory_space<hbm>> -> memref<10000x128xf32, #tpu.memory_space<hbm>>
      tpu.enqueue_indirect_dma source(%dma_start3A_18 : memref<10000x128xf32, #tpu.memory_space<hbm>>) target(%dma_start3A_14 : memref<80x128xf32, #tpu.memory_space<vmem>>) offsets(%dma_start3A_15 : memref<80xi32, #tpu.memory_space<vmem>>) semaphore(%arg10 : memref<!tpu.dma_semaphore, #tpu.memory_space<semaphore_mem>>)
      %add3A_19 = arith.constant 0 : i32
      %add3A_20 = arith.addi %mul3A_10, %add3A_19 : i32
      %dma_start3A_21 = arith.constant 0 : i32
      %dma_start3A_22 = arith.constant 0 : i32
      %dma_start3A_23 = tpu.memref_slice %arg9[%dma_start3A_21, %dma_start3A_22] : memref<400x128xf32, #tpu.memory_space<vmem>> -> memref<80x128xf32, #tpu.memory_space<vmem>>
      %dma_start3A_24 = tpu.memref_slice %arg7[%add3A_20] : memref<2000xi32, #tpu.memory_space<vmem>> -> memref<80xi32, #tpu.memory_space<vmem>>
      %dma_start3A_25 = arith.constant 0 : i32
      %dma_start3A_26 = arith.constant 0 : i32
      %dma_start3A_27 = tpu.memref_slice %arg2[%dma_start3A_25, %dma_start3A_26] : memref<10000x128xf32, #tpu.memory_space<hbm>> -> memref<10000x128xf32, #tpu.memory_space<hbm>>
      tpu.enqueue_indirect_dma source(%dma_start3A_27 : memref<10000x128xf32, #tpu.memory_space<hbm>>) target(%dma_start3A_23 : memref<80x128xf32, #tpu.memory_space<vmem>>) offsets(%dma_start3A_24 : memref<80xi32, #tpu.memory_space<vmem>>) semaphore(%arg10 : memref<!tpu.dma_semaphore, #tpu.memory_space<semaphore_mem>>)
      %add3A_28 = arith.constant 80 : i32
      %add3A_29 = arith.addi %mul3A_10, %add3A_28 : i32
      %dma_start3A_30 = arith.constant 80 : i32
      %dma_start3A_31 = arith.constant 0 : i32
      %dma_start3A_32 = tpu.memref_slice %arg8[%dma_start3A_30, %dma_start3A_31] : memref<400x128xf32, #tpu.memory_space<vmem>> -> memref<80x128xf32, #tpu.memory_space<vmem>>
      %dma_start3A_33 = tpu.memref_slice %arg6[%add3A_29] : memref<2000xi32, #tpu.memory_space<vmem>> -> memref<80xi32, #tpu.memory_space<vmem>>
      %dma_start3A_34 = arith.constant 0 : i32
      %dma_start3A_35 = arith.constant 0 : i32
      %dma_start3A_36 = tpu.memref_slice %arg2[%dma_start3A_34, %dma_start3A_35] : memref<10000x128xf32, #tpu.memory_space<hbm>> -> memref<10000x128xf32, #tpu.memory_space<hbm>>
      tpu.enqueue_indirect_dma source(%dma_start3A_36 : memref<10000x128xf32, #tpu.memory_space<hbm>>) target(%dma_start3A_32 : memref<80x128xf32, #tpu.memory_space<vmem>>) offsets(%dma_start3A_33 : memref<80xi32, #tpu.memory_space<vmem>>) semaphore(%arg10 : memref<!tpu.dma_semaphore, #tpu.memory_space<semaphore_mem>>)
      %add3A_37 = arith.constant 80 : i32
      %add3A_38 = arith.addi %mul3A_10, %add3A_37 : i32
      %dma_start3A_39 = arith.constant 80 : i32
      %dma_start3A_40 = arith.constant 0 : i32
      %dma_start3A_41 = tpu.memref_slice %arg9[%dma_start3A_39, %dma_start3A_40] : memref<400x128xf32, #tpu.memory_space<vmem>> -> memref<80x128xf32, #tpu.memory_space<vmem>>
      %dma_start3A_42 = tpu.memref_slice %arg7[%add3A_38] : memref<2000xi32, #tpu.memory_space<vmem>> -> memref<80xi32, #tpu.memory_space<vmem>>
      %dma_start3A_43 = arith.constant 0 : i32
      %dma_start3A_44 = arith.constant 0 : i32
      %dma_start3A_45 = tpu.memref_slice %arg2[%dma_start3A_43, %dma_start3A_44] : memref<10000x128xf32, #tpu.memory_space<hbm>> -> memref<10000x128xf32, #tpu.memory_space<hbm>>
      tpu.enqueue_indirect_dma source(%dma_start3A_45 : memref<10000x128xf32, #tpu.memory_space<hbm>>) target(%dma_start3A_41 : memref<80x128xf32, #tpu.memory_space<vmem>>) offsets(%dma_start3A_42 : memref<80xi32, #tpu.memory_space<vmem>>) semaphore(%arg10 : memref<!tpu.dma_semaphore, #tpu.memory_space<semaphore_mem>>)
      %add3A_46 = arith.constant 160 : i32
      %add3A_47 = arith.addi %mul3A_10, %add3A_46 : i32
      %dma_start3A_48 = arith.constant 160 : i32
      %dma_start3A_49 = arith.constant 0 : i32
      %dma_start3A_50 = tpu.memref_slice %arg8[%dma_start3A_48, %dma_start3A_49] : memref<400x128xf32, #tpu.memory_space<vmem>> -> memref<80x128xf32, #tpu.memory_space<vmem>>
      %dma_start3A_51 = tpu.memref_slice %arg6[%add3A_47] : memref<2000xi32, #tpu.memory_space<vmem>> -> memref<80xi32, #tpu.memory_space<vmem>>
      %dma_start3A_52 = arith.constant 0 : i32
      %dma_start3A_53 = arith.constant 0 : i32
      %dma_start3A_54 = tpu.memref_slice %arg2[%dma_start3A_52, %dma_start3A_53] : memref<10000x128xf32, #tpu.memory_space<hbm>> -> memref<10000x128xf32, #tpu.memory_space<hbm>>
      tpu.enqueue_indirect_dma source(%dma_start3A_54 : memref<10000x128xf32, #tpu.memory_space<hbm>>) target(%dma_start3A_50 : memref<80x128xf32, #tpu.memory_space<vmem>>) offsets(%dma_start3A_51 : memref<80xi32, #tpu.memory_space<vmem>>) semaphore(%arg10 : memref<!tpu.dma_semaphore, #tpu.memory_space<semaphore_mem>>)
      %add3A_55 = arith.constant 160 : i32
      %add3A_56 = arith.addi %mul3A_10, %add3A_55 : i32
      %dma_start3A_57 = arith.constant 160 : i32
      %dma_start3A_58 = arith.constant 0 : i32
      %dma_start3A_59 = tpu.memref_slice %arg9[%dma_start3A_57, %dma_start3A_58] : memref<400x128xf32, #tpu.memory_space<vmem>> -> memref<80x128xf32, #tpu.memory_space<vmem>>
      %dma_start3A_60 = tpu.memref_slice %arg7[%add3A_56] : memref<2000xi32, #tpu.memory_space<vmem>> -> memref<80xi32, #tpu.memory_space<vmem>>
      %dma_start3A_61 = arith.constant 0 : i32
      %dma_start3A_62 = arith.constant 0 : i32
      %dma_start3A_63 = tpu.memref_slice %arg2[%dma_start3A_61, %dma_start3A_62] : memref<10000x128xf32, #tpu.memory_space<hbm>> -> memref<10000x128xf32, #tpu.memory_space<hbm>>
      tpu.enqueue_indirect_dma source(%dma_start3A_63 : memref<10000x128xf32, #tpu.memory_space<hbm>>) target(%dma_start3A_59 : memref<80x128xf32, #tpu.memory_space<vmem>>) offsets(%dma_start3A_60 : memref<80xi32, #tpu.memory_space<vmem>>) semaphore(%arg10 : memref<!tpu.dma_semaphore, #tpu.memory_space<semaphore_mem>>)
      %add3A_64 = arith.constant 240 : i32
      %add3A_65 = arith.addi %mul3A_10, %add3A_64 : i32
      %dma_start3A_66 = arith.constant 240 : i32
      %dma_start3A_67 = arith.constant 0 : i32
      %dma_start3A_68 = tpu.memref_slice %arg8[%dma_start3A_66, %dma_start3A_67] : memref<400x128xf32, #tpu.memory_space<vmem>> -> memref<80x128xf32, #tpu.memory_space<vmem>>
      %dma_start3A_69 = tpu.memref_slice %arg6[%add3A_65] : memref<2000xi32, #tpu.memory_space<vmem>> -> memref<80xi32, #tpu.memory_space<vmem>>
      %dma_start3A_70 = arith.constant 0 : i32
      %dma_start3A_71 = arith.constant 0 : i32
      %dma_start3A_72 = tpu.memref_slice %arg2[%dma_start3A_70, %dma_start3A_71] : memref<10000x128xf32, #tpu.memory_space<hbm>> -> memref<10000x128xf32, #tpu.memory_space<hbm>>
      tpu.enqueue_indirect_dma source(%dma_start3A_72 : memref<10000x128xf32, #tpu.memory_space<hbm>>) target(%dma_start3A_68 : memref<80x128xf32, #tpu.memory_space<vmem>>) offsets(%dma_start3A_69 : memref<80xi32, #tpu.memory_space<vmem>>) semaphore(%arg10 : memref<!tpu.dma_semaphore, #tpu.memory_space<semaphore_mem>>)
      %add3A_73 = arith.constant 240 : i32
      %add3A_74 = arith.addi %mul3A_10, %add3A_73 : i32
      %dma_start3A_75 = arith.constant 240 : i32
      %dma_start3A_76 = arith.constant 0 : i32
      %dma_start3A_77 = tpu.memref_slice %arg9[%dma_start3A_75, %dma_start3A_76] : memref<400x128xf32, #tpu.memory_space<vmem>> -> memref<80x128xf32, #tpu.memory_space<vmem>>
      %dma_start3A_78 = tpu.memref_slice %arg7[%add3A_74] : memref<2000xi32, #tpu.memory_space<vmem>> -> memref<80xi32, #tpu.memory_space<vmem>>
      %dma_start3A_79 = arith.constant 0 : i32
      %dma_start3A_80 = arith.constant 0 : i32
      %dma_start3A_81 = tpu.memref_slice %arg2[%dma_start3A_79, %dma_start3A_80] : memref<10000x128xf32, #tpu.memory_space<hbm>> -> memref<10000x128xf32, #tpu.memory_space<hbm>>
      tpu.enqueue_indirect_dma source(%dma_start3A_81 : memref<10000x128xf32, #tpu.memory_space<hbm>>) target(%dma_start3A_77 : memref<80x128xf32, #tpu.memory_space<vmem>>) offsets(%dma_start3A_78 : memref<80xi32, #tpu.memory_space<vmem>>) semaphore(%arg10 : memref<!tpu.dma_semaphore, #tpu.memory_space<semaphore_mem>>)
      %add3A_82 = arith.constant 320 : i32
      %add3A_83 = arith.addi %mul3A_10, %add3A_82 : i32
      %dma_start3A_84 = arith.constant 320 : i32
      %dma_start3A_85 = arith.constant 0 : i32
      %dma_start3A_86 = tpu.memref_slice %arg8[%dma_start3A_84, %dma_start3A_85] : memref<400x128xf32, #tpu.memory_space<vmem>> -> memref<80x128xf32, #tpu.memory_space<vmem>>
      %dma_start3A_87 = tpu.memref_slice %arg6[%add3A_83] : memref<2000xi32, #tpu.memory_space<vmem>> -> memref<80xi32, #tpu.memory_space<vmem>>
      %dma_start3A_88 = arith.constant 0 : i32
      %dma_start3A_89 = arith.constant 0 : i32
      %dma_start3A_90 = tpu.memref_slice %arg2[%dma_start3A_88, %dma_start3A_89] : memref<10000x128xf32, #tpu.memory_space<hbm>> -> memref<10000x128xf32, #tpu.memory_space<hbm>>
      tpu.enqueue_indirect_dma source(%dma_start3A_90 : memref<10000x128xf32, #tpu.memory_space<hbm>>) target(%dma_start3A_86 : memref<80x128xf32, #tpu.memory_space<vmem>>) offsets(%dma_start3A_87 : memref<80xi32, #tpu.memory_space<vmem>>) semaphore(%arg10 : memref<!tpu.dma_semaphore, #tpu.memory_space<semaphore_mem>>)
      %add3A_91 = arith.constant 320 : i32
      %add3A_92 = arith.addi %mul3A_10, %add3A_91 : i32
      %dma_start3A_93 = arith.constant 320 : i32
      %dma_start3A_94 = arith.constant 0 : i32
      %dma_start3A_95 = tpu.memref_slice %arg9[%dma_start3A_93, %dma_start3A_94] : memref<400x128xf32, #tpu.memory_space<vmem>> -> memref<80x128xf32, #tpu.memory_space<vmem>>
      %dma_start3A_96 = tpu.memref_slice %arg7[%add3A_92] : memref<2000xi32, #tpu.memory_space<vmem>> -> memref<80xi32, #tpu.memory_space<vmem>>
      %dma_start3A_97 = arith.constant 0 : i32
      %dma_start3A_98 = arith.constant 0 : i32
      %dma_start3A_99 = tpu.memref_slice %arg2[%dma_start3A_97, %dma_start3A_98] : memref<10000x128xf32, #tpu.memory_space<hbm>> -> memref<10000x128xf32, #tpu.memory_space<hbm>>
      tpu.enqueue_indirect_dma source(%dma_start3A_99 : memref<10000x128xf32, #tpu.memory_space<hbm>>) target(%dma_start3A_95 : memref<80x128xf32, #tpu.memory_space<vmem>>) offsets(%dma_start3A_96 : memref<80xi32, #tpu.memory_space<vmem>>) semaphore(%arg10 : memref<!tpu.dma_semaphore, #tpu.memory_space<semaphore_mem>>)
      %dma_wait3A = arith.constant 0 : i32
      %dma_wait3A_100 = arith.constant 0 : i32
      %dma_wait3A_101 = tpu.memref_slice %arg8[%dma_wait3A, %dma_wait3A_100] : memref<400x128xf32, #tpu.memory_space<vmem>> -> memref<80x128xf32, #tpu.memory_space<vmem>>
      %dma_wait3A_102 = tpu.memref_slice %arg6[%add3A_12] : memref<2000xi32, #tpu.memory_space<vmem>> -> memref<80xi32, #tpu.memory_space<vmem>>
      %dma_wait3A_103 = arith.constant 0 : i32
      %dma_wait3A_104 = arith.constant 0 : i32
      %dma_wait3A_105 = tpu.memref_slice %arg2[%dma_wait3A_103, %dma_wait3A_104] : memref<10000x128xf32, #tpu.memory_space<hbm>> -> memref<10000x128xf32, #tpu.memory_space<hbm>>
      tpu.wait_indirect_dma semaphore(%arg10 : memref<!tpu.dma_semaphore, #tpu.memory_space<semaphore_mem>>) src(%dma_wait3A_105 : memref<10000x128xf32, #tpu.memory_space<hbm>>) dst(%dma_wait3A_101 : memref<80x128xf32, #tpu.memory_space<vmem>>)
      %dma_wait3A_106 = arith.constant 0 : i32
      %dma_wait3A_107 = arith.constant 0 : i32
      %dma_wait3A_108 = tpu.memref_slice %arg9[%dma_wait3A_106, %dma_wait3A_107] : memref<400x128xf32, #tpu.memory_space<vmem>> -> memref<80x128xf32, #tpu.memory_space<vmem>>
      %dma_wait3A_109 = tpu.memref_slice %arg7[%add3A_20] : memref<2000xi32, #tpu.memory_space<vmem>> -> memref<80xi32, #tpu.memory_space<vmem>>
      %dma_wait3A_110 = arith.constant 0 : i32
      %dma_wait3A_111 = arith.constant 0 : i32
      %dma_wait3A_112 = tpu.memref_slice %arg2[%dma_wait3A_110, %dma_wait3A_111] : memref<10000x128xf32, #tpu.memory_space<hbm>> -> memref<10000x128xf32, #tpu.memory_space<hbm>>
      tpu.wait_indirect_dma semaphore(%arg10 : memref<!tpu.dma_semaphore, #tpu.memory_space<semaphore_mem>>) src(%dma_wait3A_112 : memref<10000x128xf32, #tpu.memory_space<hbm>>) dst(%dma_wait3A_108 : memref<80x128xf32, #tpu.memory_space<vmem>>)
      %dma_wait3A_113 = arith.constant 80 : i32
      %dma_wait3A_114 = arith.constant 0 : i32
      %dma_wait3A_115 = tpu.memref_slice %arg8[%dma_wait3A_113, %dma_wait3A_114] : memref<400x128xf32, #tpu.memory_space<vmem>> -> memref<80x128xf32, #tpu.memory_space<vmem>>
      %dma_wait3A_116 = tpu.memref_slice %arg6[%add3A_29] : memref<2000xi32, #tpu.memory_space<vmem>> -> memref<80xi32, #tpu.memory_space<vmem>>
      %dma_wait3A_117 = arith.constant 0 : i32
      %dma_wait3A_118 = arith.constant 0 : i32
      %dma_wait3A_119 = tpu.memref_slice %arg2[%dma_wait3A_117, %dma_wait3A_118] : memref<10000x128xf32, #tpu.memory_space<hbm>> -> memref<10000x128xf32, #tpu.memory_space<hbm>>
      tpu.wait_indirect_dma semaphore(%arg10 : memref<!tpu.dma_semaphore, #tpu.memory_space<semaphore_mem>>) src(%dma_wait3A_119 : memref<10000x128xf32, #tpu.memory_space<hbm>>) dst(%dma_wait3A_115 : memref<80x128xf32, #tpu.memory_space<vmem>>)
      %dma_wait3A_120 = arith.constant 80 : i32
      %dma_wait3A_121 = arith.constant 0 : i32
      %dma_wait3A_122 = tpu.memref_slice %arg9[%dma_wait3A_120, %dma_wait3A_121] : memref<400x128xf32, #tpu.memory_space<vmem>> -> memref<80x128xf32, #tpu.memory_space<vmem>>
      %dma_wait3A_123 = tpu.memref_slice %arg7[%add3A_38] : memref<2000xi32, #tpu.memory_space<vmem>> -> memref<80xi32, #tpu.memory_space<vmem>>
      %dma_wait3A_124 = arith.constant 0 : i32
      %dma_wait3A_125 = arith.constant 0 : i32
      %dma_wait3A_126 = tpu.memref_slice %arg2[%dma_wait3A_124, %dma_wait3A_125] : memref<10000x128xf32, #tpu.memory_space<hbm>> -> memref<10000x128xf32, #tpu.memory_space<hbm>>
      tpu.wait_indirect_dma semaphore(%arg10 : memref<!tpu.dma_semaphore, #tpu.memory_space<semaphore_mem>>) src(%dma_wait3A_126 : memref<10000x128xf32, #tpu.memory_space<hbm>>) dst(%dma_wait3A_122 : memref<80x128xf32, #tpu.memory_space<vmem>>)
      %dma_wait3A_127 = arith.constant 160 : i32
      %dma_wait3A_128 = arith.constant 0 : i32
      %dma_wait3A_129 = tpu.memref_slice %arg8[%dma_wait3A_127, %dma_wait3A_128] : memref<400x128xf32, #tpu.memory_space<vmem>> -> memref<80x128xf32, #tpu.memory_space<vmem>>
      %dma_wait3A_130 = tpu.memref_slice %arg6[%add3A_47] : memref<2000xi32, #tpu.memory_space<vmem>> -> memref<80xi32, #tpu.memory_space<vmem>>
      %dma_wait3A_131 = arith.constant 0 : i32
      %dma_wait3A_132 = arith.constant 0 : i32
      %dma_wait3A_133 = tpu.memref_slice %arg2[%dma_wait3A_131, %dma_wait3A_132] : memref<10000x128xf32, #tpu.memory_space<hbm>> -> memref<10000x128xf32, #tpu.memory_space<hbm>>
      tpu.wait_indirect_dma semaphore(%arg10 : memref<!tpu.dma_semaphore, #tpu.memory_space<semaphore_mem>>) src(%dma_wait3A_133 : memref<10000x128xf32, #tpu.memory_space<hbm>>) dst(%dma_wait3A_129 : memref<80x128xf32, #tpu.memory_space<vmem>>)
      %dma_wait3A_134 = arith.constant 160 : i32
      %dma_wait3A_135 = arith.constant 0 : i32
      %dma_wait3A_136 = tpu.memref_slice %arg9[%dma_wait3A_134, %dma_wait3A_135] : memref<400x128xf32, #tpu.memory_space<vmem>> -> memref<80x128xf32, #tpu.memory_space<vmem>>
      %dma_wait3A_137 = tpu.memref_slice %arg7[%add3A_56] : memref<2000xi32, #tpu.memory_space<vmem>> -> memref<80xi32, #tpu.memory_space<vmem>>
      %dma_wait3A_138 = arith.constant 0 : i32
      %dma_wait3A_139 = arith.constant 0 : i32
      %dma_wait3A_140 = tpu.memref_slice %arg2[%dma_wait3A_138, %dma_wait3A_139] : memref<10000x128xf32, #tpu.memory_space<hbm>> -> memref<10000x128xf32, #tpu.memory_space<hbm>>
      tpu.wait_indirect_dma semaphore(%arg10 : memref<!tpu.dma_semaphore, #tpu.memory_space<semaphore_mem>>) src(%dma_wait3A_140 : memref<10000x128xf32, #tpu.memory_space<hbm>>) dst(%dma_wait3A_136 : memref<80x128xf32, #tpu.memory_space<vmem>>)
      %dma_wait3A_141 = arith.constant 240 : i32
      %dma_wait3A_142 = arith.constant 0 : i32
      %dma_wait3A_143 = tpu.memref_slice %arg8[%dma_wait3A_141, %dma_wait3A_142] : memref<400x128xf32, #tpu.memory_space<vmem>> -> memref<80x128xf32, #tpu.memory_space<vmem>>
      %dma_wait3A_144 = tpu.memref_slice %arg6[%add3A_65] : memref<2000xi32, #tpu.memory_space<vmem>> -> memref<80xi32, #tpu.memory_space<vmem>>
      %dma_wait3A_145 = arith.constant 0 : i32
      %dma_wait3A_146 = arith.constant 0 : i32
      %dma_wait3A_147 = tpu.memref_slice %arg2[%dma_wait3A_145, %dma_wait3A_146] : memref<10000x128xf32, #tpu.memory_space<hbm>> -> memref<10000x128xf32, #tpu.memory_space<hbm>>
      tpu.wait_indirect_dma semaphore(%arg10 : memref<!tpu.dma_semaphore, #tpu.memory_space<semaphore_mem>>) src(%dma_wait3A_147 : memref<10000x128xf32, #tpu.memory_space<hbm>>) dst(%dma_wait3A_143 : memref<80x128xf32, #tpu.memory_space<vmem>>)
      %dma_wait3A_148 = arith.constant 240 : i32
      %dma_wait3A_149 = arith.constant 0 : i32
      %dma_wait3A_150 = tpu.memref_slice %arg9[%dma_wait3A_148, %dma_wait3A_149] : memref<400x128xf32, #tpu.memory_space<vmem>> -> memref<80x128xf32, #tpu.memory_space<vmem>>
      %dma_wait3A_151 = tpu.memref_slice %arg7[%add3A_74] : memref<2000xi32, #tpu.memory_space<vmem>> -> memref<80xi32, #tpu.memory_space<vmem>>
      %dma_wait3A_152 = arith.constant 0 : i32
      %dma_wait3A_153 = arith.constant 0 : i32
      %dma_wait3A_154 = tpu.memref_slice %arg2[%dma_wait3A_152, %dma_wait3A_153] : memref<10000x128xf32, #tpu.memory_space<hbm>> -> memref<10000x128xf32, #tpu.memory_space<hbm>>
      tpu.wait_indirect_dma semaphore(%arg10 : memref<!tpu.dma_semaphore, #tpu.memory_space<semaphore_mem>>) src(%dma_wait3A_154 : memref<10000x128xf32, #tpu.memory_space<hbm>>) dst(%dma_wait3A_150 : memref<80x128xf32, #tpu.memory_space<vmem>>)
      %dma_wait3A_155 = arith.constant 320 : i32
      %dma_wait3A_156 = arith.constant 0 : i32
      %dma_wait3A_157 = tpu.memref_slice %arg8[%dma_wait3A_155, %dma_wait3A_156] : memref<400x128xf32, #tpu.memory_space<vmem>> -> memref<80x128xf32, #tpu.memory_space<vmem>>
      %dma_wait3A_158 = tpu.memref_slice %arg6[%add3A_83] : memref<2000xi32, #tpu.memory_space<vmem>> -> memref<80xi32, #tpu.memory_space<vmem>>
      %dma_wait3A_159 = arith.constant 0 : i32
      %dma_wait3A_160 = arith.constant 0 : i32
      %dma_wait3A_161 = tpu.memref_slice %arg2[%dma_wait3A_159, %dma_wait3A_160] : memref<10000x128xf32, #tpu.memory_space<hbm>> -> memref<10000x128xf32, #tpu.memory_space<hbm>>
      tpu.wait_indirect_dma semaphore(%arg10 : memref<!tpu.dma_semaphore, #tpu.memory_space<semaphore_mem>>) src(%dma_wait3A_161 : memref<10000x128xf32, #tpu.memory_space<hbm>>) dst(%dma_wait3A_157 : memref<80x128xf32, #tpu.memory_space<vmem>>)
      %dma_wait3A_162 = arith.constant 320 : i32
      %dma_wait3A_163 = arith.constant 0 : i32
      %dma_wait3A_164 = tpu.memref_slice %arg9[%dma_wait3A_162, %dma_wait3A_163] : memref<400x128xf32, #tpu.memory_space<vmem>> -> memref<80x128xf32, #tpu.memory_space<vmem>>
      %dma_wait3A_165 = tpu.memref_slice %arg7[%add3A_92] : memref<2000xi32, #tpu.memory_space<vmem>> -> memref<80xi32, #tpu.memory_space<vmem>>
      %dma_wait3A_166 = arith.constant 0 : i32
      %dma_wait3A_167 = arith.constant 0 : i32
      %dma_wait3A_168 = tpu.memref_slice %arg2[%dma_wait3A_166, %dma_wait3A_167] : memref<10000x128xf32, #tpu.memory_space<hbm>> -> memref<10000x128xf32, #tpu.memory_space<hbm>>
      tpu.wait_indirect_dma semaphore(%arg10 : memref<!tpu.dma_semaphore, #tpu.memory_space<semaphore_mem>>) src(%dma_wait3A_168 : memref<10000x128xf32, #tpu.memory_space<hbm>>) dst(%dma_wait3A_164 : memref<80x128xf32, #tpu.memory_space<vmem>>)
      %add3A_169 = arith.addi %mul3A_2, %mul3A_10 : i32
      %dma_start3A_170 = arith.constant 0 : i32
      %dma_start3A_171 = tpu.memref_slice %arg5[%add3A_169, %dma_start3A_170] : memref<64000x256xf32, #tpu.memory_space<hbm>> -> memref<400x128xf32, #tpu.memory_space<hbm>>
      %dma_start3A_172 = arith.constant 0 : i32
      %dma_start3A_173 = tpu.memref_slice %arg5[%add3A_169, %dma_start3A_172] : memref<64000x256xf32, #tpu.memory_space<hbm>> -> memref<400x128xf32, #tpu.memory_space<hbm>>
      tpu.enqueue_dma source(%arg8 : memref<400x128xf32, #tpu.memory_space<vmem>>) target(%dma_start3A_173 : memref<400x128xf32, #tpu.memory_space<hbm>>) target_semaphore(%arg11 : memref<!tpu.dma_semaphore, #tpu.memory_space<semaphore_mem>>)
      %add3A_174 = arith.addi %mul3A_2, %mul3A_10 : i32
      %dma_start3A_175 = arith.constant 128 : i32
      %dma_start3A_176 = tpu.memref_slice %arg5[%add3A_174, %dma_start3A_175] : memref<64000x256xf32, #tpu.memory_space<hbm>> -> memref<400x128xf32, #tpu.memory_space<hbm>>
      %dma_start3A_177 = arith.constant 128 : i32
      %dma_start3A_178 = tpu.memref_slice %arg5[%add3A_174, %dma_start3A_177] : memref<64000x256xf32, #tpu.memory_space<hbm>> -> memref<400x128xf32, #tpu.memory_space<hbm>>
      tpu.enqueue_dma source(%arg9 : memref<400x128xf32, #tpu.memory_space<vmem>>) target(%dma_start3A_178 : memref<400x128xf32, #tpu.memory_space<hbm>>) target_semaphore(%arg11 : memref<!tpu.dma_semaphore, #tpu.memory_space<semaphore_mem>>)
      %dma_wait3A_179 = arith.constant 0 : i32
      %dma_wait3A_180 = tpu.memref_slice %arg5[%add3A_169, %dma_wait3A_179] : memref<64000x256xf32, #tpu.memory_space<hbm>> -> memref<400x128xf32, #tpu.memory_space<hbm>>
      %dma_wait3A_181 = arith.constant 0 : i32
      %dma_wait3A_182 = tpu.memref_slice %arg5[%add3A_169, %dma_wait3A_181] : memref<64000x256xf32, #tpu.memory_space<hbm>> -> memref<400x128xf32, #tpu.memory_space<hbm>>
      tpu.wait_dma2 semaphore(%arg11 : memref<!tpu.dma_semaphore, #tpu.memory_space<semaphore_mem>>) src(%arg8 : memref<400x128xf32, #tpu.memory_space<vmem>>) dst(%dma_wait3A_182 : memref<400x128xf32, #tpu.memory_space<hbm>>)
      %dma_wait3A_183 = arith.constant 128 : i32
      %dma_wait3A_184 = tpu.memref_slice %arg5[%add3A_174, %dma_wait3A_183] : memref<64000x256xf32, #tpu.memory_space<hbm>> -> memref<400x128xf32, #tpu.memory_space<hbm>>
      %dma_wait3A_185 = arith.constant 128 : i32
      %dma_wait3A_186 = tpu.memref_slice %arg5[%add3A_174, %dma_wait3A_185] : memref<64000x256xf32, #tpu.memory_space<hbm>> -> memref<400x128xf32, #tpu.memory_space<hbm>>
      tpu.wait_dma2 semaphore(%arg11 : memref<!tpu.dma_semaphore, #tpu.memory_space<semaphore_mem>>) src(%arg9 : memref<400x128xf32, #tpu.memory_space<vmem>>) dst(%dma_wait3A_186 : memref<400x128xf32, #tpu.memory_space<hbm>>)
    }
    %scan3A_7 = arith.constant 5 : i32
    return
  }
}

#map = affine_map<(d0, d1) -> (0, 0)>
#map1 = affine_map<(d0, d1) -> (0, 0, 0, 0)>
#map2 = affine_map<(d0, d1) -> (0, 0, 0)>
module attributes {stable_mosaic.version = 14 : i64} {
  func.func @_sc_scatter2(%arg0: i32, %arg1: i32, %arg2: memref<64000x128xf32, #tpu.memory_space<hbm>>, %arg3: memref<64000x128xf32, #tpu.memory_space<hbm>>, %arg4: memref<2x32x25x80xi32, #tpu.memory_space<hbm>>, %arg5: memref<10240x128xf32, #tpu.memory_space<hbm>>, %arg6: memref<2x10240x128xf32, #tpu.memory_space<hbm>>, %arg7: memref<2x10240x128xf32, #tpu.memory_space<hbm>>, %arg8: memref<50x80xi32, #tpu.memory_space<vmem>>, %arg9: memref<80x128xf32, #tpu.memory_space<vmem>>, %arg10: memref<10240x128xf32, #tpu.memory_space<vmem_shared>>) attributes {dimension_semantics = [#tpu.dimension_semantics<core_parallel>, #tpu.dimension_semantics<subcore_parallel>], iteration_bounds = array<i64: 2, 16>, scalar_prefetch = 0 : i64, scratch_operands = 3 : i64, tpu.core_type = #tpu.core_type<sc_vector_subcore>, window_params = [{transform_indices = #map}, {transform_indices = #map}, {transform_indices = #map1}, {transform_indices = #map}, {transform_indices = #map2}, {transform_indices = #map2}]} {
    %mul3A = arith.constant 2 : i32
    %mul3A_0 = arith.muli %arg1, %mul3A : i32
    %add3A = arith.addi %mul3A_0, %arg0 : i32
    %mul3A_1 = arith.constant 2000 : i32
    %mul3A_2 = arith.muli %add3A, %mul3A_1 : i32
    %mul3A_3 = arith.constant 640 : i32
    %mul3A_4 = arith.muli %arg1, %mul3A_3 : i32
    "tpu.region"() ({
      %run_scoped3A_18 = tpu.sem_alloc : memref<!tpu.dma_semaphore, #tpu.memory_space<semaphore_mem>>
      %dma_start3A = arith.constant 0 : i32
      %dma_start3A_19 = tpu.memref_slice %arg10[%mul3A_4, %dma_start3A] : memref<10240x128xf32, #tpu.memory_space<vmem_shared>> -> memref<640x128xf32, #tpu.memory_space<vmem_shared>>
      %dma_start3A_20 = arith.constant 0 : i32
      %dma_start3A_21 = tpu.memref_slice %arg5[%mul3A_4, %dma_start3A_20] : memref<10240x128xf32, #tpu.memory_space<hbm>> -> memref<640x128xf32, #tpu.memory_space<hbm>>
      tpu.enqueue_dma source(%dma_start3A_21 : memref<640x128xf32, #tpu.memory_space<hbm>>) target(%dma_start3A_19 : memref<640x128xf32, #tpu.memory_space<vmem_shared>>) target_semaphore(%run_scoped3A_18 : memref<!tpu.dma_semaphore, #tpu.memory_space<semaphore_mem>>)
      %dma_wait3A = arith.constant 0 : i32
      %dma_wait3A_22 = tpu.memref_slice %arg10[%mul3A_4, %dma_wait3A] : memref<10240x128xf32, #tpu.memory_space<vmem_shared>> -> memref<640x128xf32, #tpu.memory_space<vmem_shared>>
      %dma_wait3A_23 = arith.constant 0 : i32
      %dma_wait3A_24 = tpu.memref_slice %arg5[%mul3A_4, %dma_wait3A_23] : memref<10240x128xf32, #tpu.memory_space<hbm>> -> memref<640x128xf32, #tpu.memory_space<hbm>>
      tpu.wait_dma2 semaphore(%run_scoped3A_18 : memref<!tpu.dma_semaphore, #tpu.memory_space<semaphore_mem>>) src(%dma_wait3A_24 : memref<640x128xf32, #tpu.memory_space<hbm>>) dst(%dma_wait3A_22 : memref<640x128xf32, #tpu.memory_space<vmem_shared>>)
      tpu.yield
    }) : () -> ()
    %run_scoped3A = arith.constant 0 : i32
    "tpu.region"() ({
      %run_scoped3A_18 = tpu.sem_alloc : memref<!tpu.dma_semaphore, #tpu.memory_space<semaphore_mem>>
      %dma_start3A = arith.constant 0 : i32
      %dma_start3A_19 = arith.constant 0 : i32
      %dma_start3A_20 = tpu.memref_slice %arg8[%dma_start3A, %dma_start3A_19] : memref<50x80xi32, #tpu.memory_space<vmem>> -> memref<25x80xi32, #tpu.memory_space<vmem>>
      %dma_start3A_21 = arith.constant 0 : i32
      %dma_start3A_22 = arith.constant 0 : i32
      %dma_start3A_23 = tpu.memref_slice %arg4[%run_scoped3A, %add3A, %dma_start3A_21, %dma_start3A_22] : memref<2x32x25x80xi32, #tpu.memory_space<hbm>> -> memref<1x1x25x80xi32, #tpu.memory_space<hbm>>
      %dma_start3A_24 = tpu.memref_squeeze %dma_start3A_23 : memref<1x1x25x80xi32, #tpu.memory_space<hbm>> -> memref<25x80xi32, #tpu.memory_space<hbm>>
      %dma_start3A_25 = arith.constant 0 : i32
      %dma_start3A_26 = arith.constant 0 : i32
      %dma_start3A_27 = tpu.memref_slice %arg8[%dma_start3A_25, %dma_start3A_26] : memref<50x80xi32, #tpu.memory_space<vmem>> -> memref<25x80xi32, #tpu.memory_space<vmem>>
      %dma_start3A_28 = arith.constant 0 : i32
      %dma_start3A_29 = arith.constant 0 : i32
      %dma_start3A_30 = tpu.memref_slice %arg4[%run_scoped3A, %add3A, %dma_start3A_28, %dma_start3A_29] : memref<2x32x25x80xi32, #tpu.memory_space<hbm>> -> memref<1x1x25x80xi32, #tpu.memory_space<hbm>>
      %dma_start3A_31 = tpu.memref_squeeze %dma_start3A_30 : memref<1x1x25x80xi32, #tpu.memory_space<hbm>> -> memref<25x80xi32, #tpu.memory_space<hbm>>
      tpu.enqueue_dma source(%dma_start3A_31 : memref<25x80xi32, #tpu.memory_space<hbm>>) target(%dma_start3A_27 : memref<25x80xi32, #tpu.memory_space<vmem>>) target_semaphore(%run_scoped3A_18 : memref<!tpu.dma_semaphore, #tpu.memory_space<semaphore_mem>>)
      %dma_wait3A = arith.constant 0 : i32
      %dma_wait3A_32 = arith.constant 0 : i32
      %dma_wait3A_33 = tpu.memref_slice %arg8[%dma_wait3A, %dma_wait3A_32] : memref<50x80xi32, #tpu.memory_space<vmem>> -> memref<25x80xi32, #tpu.memory_space<vmem>>
      %dma_wait3A_34 = arith.constant 0 : i32
      %dma_wait3A_35 = arith.constant 0 : i32
      %dma_wait3A_36 = tpu.memref_slice %arg4[%run_scoped3A, %add3A, %dma_wait3A_34, %dma_wait3A_35] : memref<2x32x25x80xi32, #tpu.memory_space<hbm>> -> memref<1x1x25x80xi32, #tpu.memory_space<hbm>>
      %dma_wait3A_37 = tpu.memref_squeeze %dma_wait3A_36 : memref<1x1x25x80xi32, #tpu.memory_space<hbm>> -> memref<25x80xi32, #tpu.memory_space<hbm>>
      %dma_wait3A_38 = arith.constant 0 : i32
      %dma_wait3A_39 = arith.constant 0 : i32
      %dma_wait3A_40 = tpu.memref_slice %arg8[%dma_wait3A_38, %dma_wait3A_39] : memref<50x80xi32, #tpu.memory_space<vmem>> -> memref<25x80xi32, #tpu.memory_space<vmem>>
      %dma_wait3A_41 = arith.constant 0 : i32
      %dma_wait3A_42 = arith.constant 0 : i32
      %dma_wait3A_43 = tpu.memref_slice %arg4[%run_scoped3A, %add3A, %dma_wait3A_41, %dma_wait3A_42] : memref<2x32x25x80xi32, #tpu.memory_space<hbm>> -> memref<1x1x25x80xi32, #tpu.memory_space<hbm>>
      %dma_wait3A_44 = tpu.memref_squeeze %dma_wait3A_43 : memref<1x1x25x80xi32, #tpu.memory_space<hbm>> -> memref<25x80xi32, #tpu.memory_space<hbm>>
      tpu.wait_dma2 semaphore(%run_scoped3A_18 : memref<!tpu.dma_semaphore, #tpu.memory_space<semaphore_mem>>) src(%dma_wait3A_44 : memref<25x80xi32, #tpu.memory_space<hbm>>) dst(%dma_wait3A_40 : memref<25x80xi32, #tpu.memory_space<vmem>>)
      tpu.yield
    }) : () -> ()
    %run_scoped3A_5 = arith.constant 1 : i32
    "tpu.region"() ({
      %run_scoped3A_18 = tpu.sem_alloc : memref<!tpu.dma_semaphore, #tpu.memory_space<semaphore_mem>>
      %dma_start3A = arith.constant 25 : i32
      %dma_start3A_19 = arith.constant 0 : i32
      %dma_start3A_20 = tpu.memref_slice %arg8[%dma_start3A, %dma_start3A_19] : memref<50x80xi32, #tpu.memory_space<vmem>> -> memref<25x80xi32, #tpu.memory_space<vmem>>
      %dma_start3A_21 = arith.constant 0 : i32
      %dma_start3A_22 = arith.constant 0 : i32
      %dma_start3A_23 = tpu.memref_slice %arg4[%run_scoped3A_5, %add3A, %dma_start3A_21, %dma_start3A_22] : memref<2x32x25x80xi32, #tpu.memory_space<hbm>> -> memref<1x1x25x80xi32, #tpu.memory_space<hbm>>
      %dma_start3A_24 = tpu.memref_squeeze %dma_start3A_23 : memref<1x1x25x80xi32, #tpu.memory_space<hbm>> -> memref<25x80xi32, #tpu.memory_space<hbm>>
      %dma_start3A_25 = arith.constant 25 : i32
      %dma_start3A_26 = arith.constant 0 : i32
      %dma_start3A_27 = tpu.memref_slice %arg8[%dma_start3A_25, %dma_start3A_26] : memref<50x80xi32, #tpu.memory_space<vmem>> -> memref<25x80xi32, #tpu.memory_space<vmem>>
      %dma_start3A_28 = arith.constant 0 : i32
      %dma_start3A_29 = arith.constant 0 : i32
      %dma_start3A_30 = tpu.memref_slice %arg4[%run_scoped3A_5, %add3A, %dma_start3A_28, %dma_start3A_29] : memref<2x32x25x80xi32, #tpu.memory_space<hbm>> -> memref<1x1x25x80xi32, #tpu.memory_space<hbm>>
      %dma_start3A_31 = tpu.memref_squeeze %dma_start3A_30 : memref<1x1x25x80xi32, #tpu.memory_space<hbm>> -> memref<25x80xi32, #tpu.memory_space<hbm>>
      tpu.enqueue_dma source(%dma_start3A_31 : memref<25x80xi32, #tpu.memory_space<hbm>>) target(%dma_start3A_27 : memref<25x80xi32, #tpu.memory_space<vmem>>) target_semaphore(%run_scoped3A_18 : memref<!tpu.dma_semaphore, #tpu.memory_space<semaphore_mem>>)
      %dma_wait3A = arith.constant 25 : i32
      %dma_wait3A_32 = arith.constant 0 : i32
      %dma_wait3A_33 = tpu.memref_slice %arg8[%dma_wait3A, %dma_wait3A_32] : memref<50x80xi32, #tpu.memory_space<vmem>> -> memref<25x80xi32, #tpu.memory_space<vmem>>
      %dma_wait3A_34 = arith.constant 0 : i32
      %dma_wait3A_35 = arith.constant 0 : i32
      %dma_wait3A_36 = tpu.memref_slice %arg4[%run_scoped3A_5, %add3A, %dma_wait3A_34, %dma_wait3A_35] : memref<2x32x25x80xi32, #tpu.memory_space<hbm>> -> memref<1x1x25x80xi32, #tpu.memory_space<hbm>>
      %dma_wait3A_37 = tpu.memref_squeeze %dma_wait3A_36 : memref<1x1x25x80xi32, #tpu.memory_space<hbm>> -> memref<25x80xi32, #tpu.memory_space<hbm>>
      %dma_wait3A_38 = arith.constant 25 : i32
      %dma_wait3A_39 = arith.constant 0 : i32
      %dma_wait3A_40 = tpu.memref_slice %arg8[%dma_wait3A_38, %dma_wait3A_39] : memref<50x80xi32, #tpu.memory_space<vmem>> -> memref<25x80xi32, #tpu.memory_space<vmem>>
      %dma_wait3A_41 = arith.constant 0 : i32
      %dma_wait3A_42 = arith.constant 0 : i32
      %dma_wait3A_43 = tpu.memref_slice %arg4[%run_scoped3A_5, %add3A, %dma_wait3A_41, %dma_wait3A_42] : memref<2x32x25x80xi32, #tpu.memory_space<hbm>> -> memref<1x1x25x80xi32, #tpu.memory_space<hbm>>
      %dma_wait3A_44 = tpu.memref_squeeze %dma_wait3A_43 : memref<1x1x25x80xi32, #tpu.memory_space<hbm>> -> memref<25x80xi32, #tpu.memory_space<hbm>>
      tpu.wait_dma2 semaphore(%run_scoped3A_18 : memref<!tpu.dma_semaphore, #tpu.memory_space<semaphore_mem>>) src(%dma_wait3A_44 : memref<25x80xi32, #tpu.memory_space<hbm>>) dst(%dma_wait3A_40 : memref<25x80xi32, #tpu.memory_space<vmem>>)
      tpu.yield
    }) : () -> ()
    %barrier3A = arith.constant 0 : index
    tpu.barrier barrier_id(%barrier3A)
    %scan3A = arith.constant 0 : i32
    %scan3A_6 = arith.constant 0 : i32
    %scan3A_7 = arith.constant 25 : i32
    %scan3A_8 = arith.addi %scan3A_6, %scan3A_7 : i32
    %scan3A_9 = arith.constant 1 : i32
    scf.for %scan3A_18 = %scan3A_6 to %scan3A_8 step %scan3A_9  : i32 {
      %mul3A_19 = arith.constant 80 : i32
      %mul3A_20 = arith.muli %scan3A_18, %mul3A_19 : i32
      %add3A_21 = arith.addi %mul3A_2, %mul3A_20 : i32
      "tpu.region"() ({
        %run_scoped3A_24 = tpu.sem_alloc : memref<!tpu.dma_semaphore, #tpu.memory_space<semaphore_mem>>
        %dma_start3A = arith.constant 0 : i32
        %dma_start3A_25 = tpu.memref_slice %arg2[%add3A_21, %dma_start3A] : memref<64000x128xf32, #tpu.memory_space<hbm>> -> memref<80x128xf32, #tpu.memory_space<hbm>>
        %dma_start3A_26 = arith.constant 0 : i32
        %dma_start3A_27 = tpu.memref_slice %arg2[%add3A_21, %dma_start3A_26] : memref<64000x128xf32, #tpu.memory_space<hbm>> -> memref<80x128xf32, #tpu.memory_space<hbm>>
        tpu.enqueue_dma source(%dma_start3A_27 : memref<80x128xf32, #tpu.memory_space<hbm>>) target(%arg9 : memref<80x128xf32, #tpu.memory_space<vmem>>) target_semaphore(%run_scoped3A_24 : memref<!tpu.dma_semaphore, #tpu.memory_space<semaphore_mem>>)
        %dma_wait3A = arith.constant 0 : i32
        %dma_wait3A_28 = tpu.memref_slice %arg2[%add3A_21, %dma_wait3A] : memref<64000x128xf32, #tpu.memory_space<hbm>> -> memref<80x128xf32, #tpu.memory_space<hbm>>
        %dma_wait3A_29 = arith.constant 0 : i32
        %dma_wait3A_30 = tpu.memref_slice %arg2[%add3A_21, %dma_wait3A_29] : memref<64000x128xf32, #tpu.memory_space<hbm>> -> memref<80x128xf32, #tpu.memory_space<hbm>>
        tpu.wait_dma2 semaphore(%run_scoped3A_24 : memref<!tpu.dma_semaphore, #tpu.memory_space<semaphore_mem>>) src(%dma_wait3A_30 : memref<80x128xf32, #tpu.memory_space<hbm>>) dst(%arg9 : memref<80x128xf32, #tpu.memory_space<vmem>>)
        tpu.yield
      }) : () -> ()
      %add3A_22 = arith.constant 0 : i32
      %add3A_23 = arith.addi %add3A_22, %scan3A_18 : i32
      "tpu.region"() ({
        %run_scoped3A_24 = tpu.sem_alloc : memref<!tpu.dma_semaphore, #tpu.memory_space<semaphore_mem>>
        %dma_start3A = arith.constant 0 : i32
        %dma_start3A_25 = tpu.memref_slice %arg8[%add3A_23, %dma_start3A] : memref<50x80xi32, #tpu.memory_space<vmem>> -> memref<1x80xi32, #tpu.memory_space<vmem>>
        %dma_start3A_26 = tpu.memref_squeeze %dma_start3A_25 : memref<1x80xi32, #tpu.memory_space<vmem>> -> memref<80xi32, #tpu.memory_space<vmem>>
        %dma_start3A_27 = arith.constant 0 : i32
        %dma_start3A_28 = arith.constant 0 : i32
        %dma_start3A_29 = tpu.memref_slice %arg10[%dma_start3A_27, %dma_start3A_28] : memref<10240x128xf32, #tpu.memory_space<vmem_shared>> -> memref<10240x128xf32, #tpu.memory_space<vmem_shared>>
        tpu.enqueue_indirect_dma source(%arg9 : memref<80x128xf32, #tpu.memory_space<vmem>>) target(%dma_start3A_29 : memref<10240x128xf32, #tpu.memory_space<vmem_shared>>) offsets(%dma_start3A_26 : memref<80xi32, #tpu.memory_space<vmem>>) semaphore(%run_scoped3A_24 : memref<!tpu.dma_semaphore, #tpu.memory_space<semaphore_mem>>) {add = true}
        %dma_wait3A = arith.constant 0 : i32
        %dma_wait3A_30 = tpu.memref_slice %arg8[%add3A_23, %dma_wait3A] : memref<50x80xi32, #tpu.memory_space<vmem>> -> memref<1x80xi32, #tpu.memory_space<vmem>>
        %dma_wait3A_31 = tpu.memref_squeeze %dma_wait3A_30 : memref<1x80xi32, #tpu.memory_space<vmem>> -> memref<80xi32, #tpu.memory_space<vmem>>
        %dma_wait3A_32 = arith.constant 0 : i32
        %dma_wait3A_33 = arith.constant 0 : i32
        %dma_wait3A_34 = tpu.memref_slice %arg10[%dma_wait3A_32, %dma_wait3A_33] : memref<10240x128xf32, #tpu.memory_space<vmem_shared>> -> memref<10240x128xf32, #tpu.memory_space<vmem_shared>>
        tpu.wait_indirect_dma semaphore(%run_scoped3A_24 : memref<!tpu.dma_semaphore, #tpu.memory_space<semaphore_mem>>) src(%arg9 : memref<80x128xf32, #tpu.memory_space<vmem>>) dst(%dma_wait3A_34 : memref<10240x128xf32, #tpu.memory_space<vmem_shared>>)
        tpu.yield
      }) : () -> ()
    }
    %scan3A_10 = arith.constant 25 : i32
    %scan3A_11 = arith.constant 0 : i32
    %scan3A_12 = arith.constant 0 : i32
    %scan3A_13 = arith.constant 25 : i32
    %scan3A_14 = arith.addi %scan3A_12, %scan3A_13 : i32
    %scan3A_15 = arith.constant 1 : i32
    scf.for %scan3A_18 = %scan3A_12 to %scan3A_14 step %scan3A_15  : i32 {
      %mul3A_19 = arith.constant 80 : i32
      %mul3A_20 = arith.muli %scan3A_18, %mul3A_19 : i32
      %add3A_21 = arith.addi %mul3A_2, %mul3A_20 : i32
      "tpu.region"() ({
        %run_scoped3A_24 = tpu.sem_alloc : memref<!tpu.dma_semaphore, #tpu.memory_space<semaphore_mem>>
        %dma_start3A = arith.constant 0 : i32
        %dma_start3A_25 = tpu.memref_slice %arg3[%add3A_21, %dma_start3A] : memref<64000x128xf32, #tpu.memory_space<hbm>> -> memref<80x128xf32, #tpu.memory_space<hbm>>
        %dma_start3A_26 = arith.constant 0 : i32
        %dma_start3A_27 = tpu.memref_slice %arg3[%add3A_21, %dma_start3A_26] : memref<64000x128xf32, #tpu.memory_space<hbm>> -> memref<80x128xf32, #tpu.memory_space<hbm>>
        tpu.enqueue_dma source(%dma_start3A_27 : memref<80x128xf32, #tpu.memory_space<hbm>>) target(%arg9 : memref<80x128xf32, #tpu.memory_space<vmem>>) target_semaphore(%run_scoped3A_24 : memref<!tpu.dma_semaphore, #tpu.memory_space<semaphore_mem>>)
        %dma_wait3A = arith.constant 0 : i32
        %dma_wait3A_28 = tpu.memref_slice %arg3[%add3A_21, %dma_wait3A] : memref<64000x128xf32, #tpu.memory_space<hbm>> -> memref<80x128xf32, #tpu.memory_space<hbm>>
        %dma_wait3A_29 = arith.constant 0 : i32
        %dma_wait3A_30 = tpu.memref_slice %arg3[%add3A_21, %dma_wait3A_29] : memref<64000x128xf32, #tpu.memory_space<hbm>> -> memref<80x128xf32, #tpu.memory_space<hbm>>
        tpu.wait_dma2 semaphore(%run_scoped3A_24 : memref<!tpu.dma_semaphore, #tpu.memory_space<semaphore_mem>>) src(%dma_wait3A_30 : memref<80x128xf32, #tpu.memory_space<hbm>>) dst(%arg9 : memref<80x128xf32, #tpu.memory_space<vmem>>)
        tpu.yield
      }) : () -> ()
      %add3A_22 = arith.constant 25 : i32
      %add3A_23 = arith.addi %add3A_22, %scan3A_18 : i32
      "tpu.region"() ({
        %run_scoped3A_24 = tpu.sem_alloc : memref<!tpu.dma_semaphore, #tpu.memory_space<semaphore_mem>>
        %dma_start3A = arith.constant 0 : i32
        %dma_start3A_25 = tpu.memref_slice %arg8[%add3A_23, %dma_start3A] : memref<50x80xi32, #tpu.memory_space<vmem>> -> memref<1x80xi32, #tpu.memory_space<vmem>>
        %dma_start3A_26 = tpu.memref_squeeze %dma_start3A_25 : memref<1x80xi32, #tpu.memory_space<vmem>> -> memref<80xi32, #tpu.memory_space<vmem>>
        %dma_start3A_27 = arith.constant 0 : i32
        %dma_start3A_28 = arith.constant 0 : i32
        %dma_start3A_29 = tpu.memref_slice %arg10[%dma_start3A_27, %dma_start3A_28] : memref<10240x128xf32, #tpu.memory_space<vmem_shared>> -> memref<10240x128xf32, #tpu.memory_space<vmem_shared>>
        tpu.enqueue_indirect_dma source(%arg9 : memref<80x128xf32, #tpu.memory_space<vmem>>) target(%dma_start3A_29 : memref<10240x128xf32, #tpu.memory_space<vmem_shared>>) offsets(%dma_start3A_26 : memref<80xi32, #tpu.memory_space<vmem>>) semaphore(%run_scoped3A_24 : memref<!tpu.dma_semaphore, #tpu.memory_space<semaphore_mem>>) {add = true}
        %dma_wait3A = arith.constant 0 : i32
        %dma_wait3A_30 = tpu.memref_slice %arg8[%add3A_23, %dma_wait3A] : memref<50x80xi32, #tpu.memory_space<vmem>> -> memref<1x80xi32, #tpu.memory_space<vmem>>
        %dma_wait3A_31 = tpu.memref_squeeze %dma_wait3A_30 : memref<1x80xi32, #tpu.memory_space<vmem>> -> memref<80xi32, #tpu.memory_space<vmem>>
        %dma_wait3A_32 = arith.constant 0 : i32
        %dma_wait3A_33 = arith.constant 0 : i32
        %dma_wait3A_34 = tpu.memref_slice %arg10[%dma_wait3A_32, %dma_wait3A_33] : memref<10240x128xf32, #tpu.memory_space<vmem_shared>> -> memref<10240x128xf32, #tpu.memory_space<vmem_shared>>
        tpu.wait_indirect_dma semaphore(%run_scoped3A_24 : memref<!tpu.dma_semaphore, #tpu.memory_space<semaphore_mem>>) src(%arg9 : memref<80x128xf32, #tpu.memory_space<vmem>>) dst(%dma_wait3A_34 : memref<10240x128xf32, #tpu.memory_space<vmem_shared>>)
        tpu.yield
      }) : () -> ()
    }
    %scan3A_16 = arith.constant 25 : i32
    %barrier3A_17 = arith.constant 0 : index
    tpu.barrier barrier_id(%barrier3A_17)
    "tpu.region"() ({
      %run_scoped3A_18 = tpu.sem_alloc : memref<!tpu.dma_semaphore, #tpu.memory_space<semaphore_mem>>
      %dma_start3A = arith.constant 0 : i32
      %dma_start3A_19 = tpu.memref_slice %arg7[%arg0, %mul3A_4, %dma_start3A] : memref<2x10240x128xf32, #tpu.memory_space<hbm>> -> memref<1x640x128xf32, #tpu.memory_space<hbm>>
      %dma_start3A_20 = tpu.memref_squeeze %dma_start3A_19 : memref<1x640x128xf32, #tpu.memory_space<hbm>> -> memref<640x128xf32, #tpu.memory_space<hbm>>
      %dma_start3A_21 = arith.constant 0 : i32
      %dma_start3A_22 = tpu.memref_slice %arg10[%mul3A_4, %dma_start3A_21] : memref<10240x128xf32, #tpu.memory_space<vmem_shared>> -> memref<640x128xf32, #tpu.memory_space<vmem_shared>>
      tpu.enqueue_dma source(%dma_start3A_22 : memref<640x128xf32, #tpu.memory_space<vmem_shared>>) target(%dma_start3A_20 : memref<640x128xf32, #tpu.memory_space<hbm>>) target_semaphore(%run_scoped3A_18 : memref<!tpu.dma_semaphore, #tpu.memory_space<semaphore_mem>>)
      %dma_wait3A = arith.constant 0 : i32
      %dma_wait3A_23 = tpu.memref_slice %arg7[%arg0, %mul3A_4, %dma_wait3A] : memref<2x10240x128xf32, #tpu.memory_space<hbm>> -> memref<1x640x128xf32, #tpu.memory_space<hbm>>
      %dma_wait3A_24 = tpu.memref_squeeze %dma_wait3A_23 : memref<1x640x128xf32, #tpu.memory_space<hbm>> -> memref<640x128xf32, #tpu.memory_space<hbm>>
      %dma_wait3A_25 = arith.constant 0 : i32
      %dma_wait3A_26 = tpu.memref_slice %arg10[%mul3A_4, %dma_wait3A_25] : memref<10240x128xf32, #tpu.memory_space<vmem_shared>> -> memref<640x128xf32, #tpu.memory_space<vmem_shared>>
      tpu.wait_dma2 semaphore(%run_scoped3A_18 : memref<!tpu.dma_semaphore, #tpu.memory_space<semaphore_mem>>) src(%dma_wait3A_26 : memref<640x128xf32, #tpu.memory_space<vmem_shared>>) dst(%dma_wait3A_24 : memref<640x128xf32, #tpu.memory_space<hbm>>)
      tpu.yield
    }) : () -> ()
    return
  }
}

#map = affine_map<(d0, d1) -> (0, 0)>
#map1 = affine_map<(d0, d1) -> (0)>
module attributes {stable_mosaic.version = 14 : i64} {
  func.func @_sc_gather(%arg0: i32, %arg1: i32, %arg2: memref<10000x128xf32, #tpu.memory_space<hbm>>, %arg3: memref<64000xi32, #tpu.memory_space<hbm>>, %arg4: memref<64000xi32, #tpu.memory_space<hbm>>, %arg5: memref<64000x256xf32, #tpu.memory_space<hbm>>, %arg6: memref<2000xi32, #tpu.memory_space<vmem>>, %arg7: memref<2000xi32, #tpu.memory_space<vmem>>, %arg8: memref<400x128xf32, #tpu.memory_space<vmem>>, %arg9: memref<400x128xf32, #tpu.memory_space<vmem>>, %arg10: memref<!tpu.dma_semaphore, #tpu.memory_space<semaphore_mem>>, %arg11: memref<!tpu.dma_semaphore, #tpu.memory_space<semaphore_mem>>) attributes {dimension_semantics = [#tpu.dimension_semantics<core_parallel>, #tpu.dimension_semantics<subcore_parallel>], iteration_bounds = array<i64: 2, 16>, scalar_prefetch = 0 : i64, scratch_operands = 6 : i64, tpu.core_type = #tpu.core_type<sc_vector_subcore>, window_params = [{transform_indices = #map}, {transform_indices = #map1}, {transform_indices = #map1}, {transform_indices = #map}]} {
    %mul3A = arith.constant 2 : i32
    %mul3A_0 = arith.muli %arg1, %mul3A : i32
    %add3A = arith.addi %mul3A_0, %arg0 : i32
    %mul3A_1 = arith.constant 2000 : i32
    %mul3A_2 = arith.muli %add3A, %mul3A_1 : i32
    "tpu.region"() ({
      %run_scoped3A = tpu.sem_alloc : memref<!tpu.dma_semaphore, #tpu.memory_space<semaphore_mem>>
      %dma_start3A = tpu.memref_slice %arg3[%mul3A_2] : memref<64000xi32, #tpu.memory_space<hbm>> -> memref<2000xi32, #tpu.memory_space<hbm>>
      %dma_start3A_8 = tpu.memref_slice %arg3[%mul3A_2] : memref<64000xi32, #tpu.memory_space<hbm>> -> memref<2000xi32, #tpu.memory_space<hbm>>
      tpu.enqueue_dma source(%dma_start3A_8 : memref<2000xi32, #tpu.memory_space<hbm>>) target(%arg6 : memref<2000xi32, #tpu.memory_space<vmem>>) target_semaphore(%run_scoped3A : memref<!tpu.dma_semaphore, #tpu.memory_space<semaphore_mem>>)
      %dma_wait3A = tpu.memref_slice %arg3[%mul3A_2] : memref<64000xi32, #tpu.memory_space<hbm>> -> memref<2000xi32, #tpu.memory_space<hbm>>
      %dma_wait3A_9 = tpu.memref_slice %arg3[%mul3A_2] : memref<64000xi32, #tpu.memory_space<hbm>> -> memref<2000xi32, #tpu.memory_space<hbm>>
      tpu.wait_dma2 semaphore(%run_scoped3A : memref<!tpu.dma_semaphore, #tpu.memory_space<semaphore_mem>>) src(%dma_wait3A_9 : memref<2000xi32, #tpu.memory_space<hbm>>) dst(%arg6 : memref<2000xi32, #tpu.memory_space<vmem>>)
      tpu.yield
    }) : () -> ()
    "tpu.region"() ({
      %run_scoped3A = tpu.sem_alloc : memref<!tpu.dma_semaphore, #tpu.memory_space<semaphore_mem>>
      %dma_start3A = tpu.memref_slice %arg4[%mul3A_2] : memref<64000xi32, #tpu.memory_space<hbm>> -> memref<2000xi32, #tpu.memory_space<hbm>>
      %dma_start3A_8 = tpu.memref_slice %arg4[%mul3A_2] : memref<64000xi32, #tpu.memory_space<hbm>> -> memref<2000xi32, #tpu.memory_space<hbm>>
      tpu.enqueue_dma source(%dma_start3A_8 : memref<2000xi32, #tpu.memory_space<hbm>>) target(%arg7 : memref<2000xi32, #tpu.memory_space<vmem>>) target_semaphore(%run_scoped3A : memref<!tpu.dma_semaphore, #tpu.memory_space<semaphore_mem>>)
      %dma_wait3A = tpu.memref_slice %arg4[%mul3A_2] : memref<64000xi32, #tpu.memory_space<hbm>> -> memref<2000xi32, #tpu.memory_space<hbm>>
      %dma_wait3A_9 = tpu.memref_slice %arg4[%mul3A_2] : memref<64000xi32, #tpu.memory_space<hbm>> -> memref<2000xi32, #tpu.memory_space<hbm>>
      tpu.wait_dma2 semaphore(%run_scoped3A : memref<!tpu.dma_semaphore, #tpu.memory_space<semaphore_mem>>) src(%dma_wait3A_9 : memref<2000xi32, #tpu.memory_space<hbm>>) dst(%arg7 : memref<2000xi32, #tpu.memory_space<vmem>>)
      tpu.yield
    }) : () -> ()
    %scan3A = arith.constant 0 : i32
    %scan3A_3 = arith.constant 0 : i32
    %scan3A_4 = arith.constant 5 : i32
    %scan3A_5 = arith.addi %scan3A_3, %scan3A_4 : i32
    %scan3A_6 = arith.constant 1 : i32
    scf.for %scan3A_8 = %scan3A_3 to %scan3A_5 step %scan3A_6  : i32 {
      %mul3A_9 = arith.constant 400 : i32
      %mul3A_10 = arith.muli %scan3A_8, %mul3A_9 : i32
      %add3A_11 = arith.constant 0 : i32
      %add3A_12 = arith.addi %mul3A_10, %add3A_11 : i32
      %dma_start3A = arith.constant 0 : i32
      %dma_start3A_13 = arith.constant 0 : i32
      %dma_start3A_14 = tpu.memref_slice %arg8[%dma_start3A, %dma_start3A_13] : memref<400x128xf32, #tpu.memory_space<vmem>> -> memref<80x128xf32, #tpu.memory_space<vmem>>
      %dma_start3A_15 = tpu.memref_slice %arg6[%add3A_12] : memref<2000xi32, #tpu.memory_space<vmem>> -> memref<80xi32, #tpu.memory_space<vmem>>
      %dma_start3A_16 = arith.constant 0 : i32
      %dma_start3A_17 = arith.constant 0 : i32
      %dma_start3A_18 = tpu.memref_slice %arg2[%dma_start3A_16, %dma_start3A_17] : memref<10000x128xf32, #tpu.memory_space<hbm>> -> memref<10000x128xf32, #tpu.memory_space<hbm>>
      tpu.enqueue_indirect_dma source(%dma_start3A_18 : memref<10000x128xf32, #tpu.memory_space<hbm>>) target(%dma_start3A_14 : memref<80x128xf32, #tpu.memory_space<vmem>>) offsets(%dma_start3A_15 : memref<80xi32, #tpu.memory_space<vmem>>) semaphore(%arg10 : memref<!tpu.dma_semaphore, #tpu.memory_space<semaphore_mem>>)
      %add3A_19 = arith.constant 0 : i32
      %add3A_20 = arith.addi %mul3A_10, %add3A_19 : i32
      %dma_start3A_21 = arith.constant 0 : i32
      %dma_start3A_22 = arith.constant 0 : i32
      %dma_start3A_23 = tpu.memref_slice %arg9[%dma_start3A_21, %dma_start3A_22] : memref<400x128xf32, #tpu.memory_space<vmem>> -> memref<80x128xf32, #tpu.memory_space<vmem>>
      %dma_start3A_24 = tpu.memref_slice %arg7[%add3A_20] : memref<2000xi32, #tpu.memory_space<vmem>> -> memref<80xi32, #tpu.memory_space<vmem>>
      %dma_start3A_25 = arith.constant 0 : i32
      %dma_start3A_26 = arith.constant 0 : i32
      %dma_start3A_27 = tpu.memref_slice %arg2[%dma_start3A_25, %dma_start3A_26] : memref<10000x128xf32, #tpu.memory_space<hbm>> -> memref<10000x128xf32, #tpu.memory_space<hbm>>
      tpu.enqueue_indirect_dma source(%dma_start3A_27 : memref<10000x128xf32, #tpu.memory_space<hbm>>) target(%dma_start3A_23 : memref<80x128xf32, #tpu.memory_space<vmem>>) offsets(%dma_start3A_24 : memref<80xi32, #tpu.memory_space<vmem>>) semaphore(%arg10 : memref<!tpu.dma_semaphore, #tpu.memory_space<semaphore_mem>>)
      %add3A_28 = arith.constant 80 : i32
      %add3A_29 = arith.addi %mul3A_10, %add3A_28 : i32
      %dma_start3A_30 = arith.constant 80 : i32
      %dma_start3A_31 = arith.constant 0 : i32
      %dma_start3A_32 = tpu.memref_slice %arg8[%dma_start3A_30, %dma_start3A_31] : memref<400x128xf32, #tpu.memory_space<vmem>> -> memref<80x128xf32, #tpu.memory_space<vmem>>
      %dma_start3A_33 = tpu.memref_slice %arg6[%add3A_29] : memref<2000xi32, #tpu.memory_space<vmem>> -> memref<80xi32, #tpu.memory_space<vmem>>
      %dma_start3A_34 = arith.constant 0 : i32
      %dma_start3A_35 = arith.constant 0 : i32
      %dma_start3A_36 = tpu.memref_slice %arg2[%dma_start3A_34, %dma_start3A_35] : memref<10000x128xf32, #tpu.memory_space<hbm>> -> memref<10000x128xf32, #tpu.memory_space<hbm>>
      tpu.enqueue_indirect_dma source(%dma_start3A_36 : memref<10000x128xf32, #tpu.memory_space<hbm>>) target(%dma_start3A_32 : memref<80x128xf32, #tpu.memory_space<vmem>>) offsets(%dma_start3A_33 : memref<80xi32, #tpu.memory_space<vmem>>) semaphore(%arg10 : memref<!tpu.dma_semaphore, #tpu.memory_space<semaphore_mem>>)
      %add3A_37 = arith.constant 80 : i32
      %add3A_38 = arith.addi %mul3A_10, %add3A_37 : i32
      %dma_start3A_39 = arith.constant 80 : i32
      %dma_start3A_40 = arith.constant 0 : i32
      %dma_start3A_41 = tpu.memref_slice %arg9[%dma_start3A_39, %dma_start3A_40] : memref<400x128xf32, #tpu.memory_space<vmem>> -> memref<80x128xf32, #tpu.memory_space<vmem>>
      %dma_start3A_42 = tpu.memref_slice %arg7[%add3A_38] : memref<2000xi32, #tpu.memory_space<vmem>> -> memref<80xi32, #tpu.memory_space<vmem>>
      %dma_start3A_43 = arith.constant 0 : i32
      %dma_start3A_44 = arith.constant 0 : i32
      %dma_start3A_45 = tpu.memref_slice %arg2[%dma_start3A_43, %dma_start3A_44] : memref<10000x128xf32, #tpu.memory_space<hbm>> -> memref<10000x128xf32, #tpu.memory_space<hbm>>
      tpu.enqueue_indirect_dma source(%dma_start3A_45 : memref<10000x128xf32, #tpu.memory_space<hbm>>) target(%dma_start3A_41 : memref<80x128xf32, #tpu.memory_space<vmem>>) offsets(%dma_start3A_42 : memref<80xi32, #tpu.memory_space<vmem>>) semaphore(%arg10 : memref<!tpu.dma_semaphore, #tpu.memory_space<semaphore_mem>>)
      %add3A_46 = arith.constant 160 : i32
      %add3A_47 = arith.addi %mul3A_10, %add3A_46 : i32
      %dma_start3A_48 = arith.constant 160 : i32
      %dma_start3A_49 = arith.constant 0 : i32
      %dma_start3A_50 = tpu.memref_slice %arg8[%dma_start3A_48, %dma_start3A_49] : memref<400x128xf32, #tpu.memory_space<vmem>> -> memref<80x128xf32, #tpu.memory_space<vmem>>
      %dma_start3A_51 = tpu.memref_slice %arg6[%add3A_47] : memref<2000xi32, #tpu.memory_space<vmem>> -> memref<80xi32, #tpu.memory_space<vmem>>
      %dma_start3A_52 = arith.constant 0 : i32
      %dma_start3A_53 = arith.constant 0 : i32
      %dma_start3A_54 = tpu.memref_slice %arg2[%dma_start3A_52, %dma_start3A_53] : memref<10000x128xf32, #tpu.memory_space<hbm>> -> memref<10000x128xf32, #tpu.memory_space<hbm>>
      tpu.enqueue_indirect_dma source(%dma_start3A_54 : memref<10000x128xf32, #tpu.memory_space<hbm>>) target(%dma_start3A_50 : memref<80x128xf32, #tpu.memory_space<vmem>>) offsets(%dma_start3A_51 : memref<80xi32, #tpu.memory_space<vmem>>) semaphore(%arg10 : memref<!tpu.dma_semaphore, #tpu.memory_space<semaphore_mem>>)
      %add3A_55 = arith.constant 160 : i32
      %add3A_56 = arith.addi %mul3A_10, %add3A_55 : i32
      %dma_start3A_57 = arith.constant 160 : i32
      %dma_start3A_58 = arith.constant 0 : i32
      %dma_start3A_59 = tpu.memref_slice %arg9[%dma_start3A_57, %dma_start3A_58] : memref<400x128xf32, #tpu.memory_space<vmem>> -> memref<80x128xf32, #tpu.memory_space<vmem>>
      %dma_start3A_60 = tpu.memref_slice %arg7[%add3A_56] : memref<2000xi32, #tpu.memory_space<vmem>> -> memref<80xi32, #tpu.memory_space<vmem>>
      %dma_start3A_61 = arith.constant 0 : i32
      %dma_start3A_62 = arith.constant 0 : i32
      %dma_start3A_63 = tpu.memref_slice %arg2[%dma_start3A_61, %dma_start3A_62] : memref<10000x128xf32, #tpu.memory_space<hbm>> -> memref<10000x128xf32, #tpu.memory_space<hbm>>
      tpu.enqueue_indirect_dma source(%dma_start3A_63 : memref<10000x128xf32, #tpu.memory_space<hbm>>) target(%dma_start3A_59 : memref<80x128xf32, #tpu.memory_space<vmem>>) offsets(%dma_start3A_60 : memref<80xi32, #tpu.memory_space<vmem>>) semaphore(%arg10 : memref<!tpu.dma_semaphore, #tpu.memory_space<semaphore_mem>>)
      %add3A_64 = arith.constant 240 : i32
      %add3A_65 = arith.addi %mul3A_10, %add3A_64 : i32
      %dma_start3A_66 = arith.constant 240 : i32
      %dma_start3A_67 = arith.constant 0 : i32
      %dma_start3A_68 = tpu.memref_slice %arg8[%dma_start3A_66, %dma_start3A_67] : memref<400x128xf32, #tpu.memory_space<vmem>> -> memref<80x128xf32, #tpu.memory_space<vmem>>
      %dma_start3A_69 = tpu.memref_slice %arg6[%add3A_65] : memref<2000xi32, #tpu.memory_space<vmem>> -> memref<80xi32, #tpu.memory_space<vmem>>
      %dma_start3A_70 = arith.constant 0 : i32
      %dma_start3A_71 = arith.constant 0 : i32
      %dma_start3A_72 = tpu.memref_slice %arg2[%dma_start3A_70, %dma_start3A_71] : memref<10000x128xf32, #tpu.memory_space<hbm>> -> memref<10000x128xf32, #tpu.memory_space<hbm>>
      tpu.enqueue_indirect_dma source(%dma_start3A_72 : memref<10000x128xf32, #tpu.memory_space<hbm>>) target(%dma_start3A_68 : memref<80x128xf32, #tpu.memory_space<vmem>>) offsets(%dma_start3A_69 : memref<80xi32, #tpu.memory_space<vmem>>) semaphore(%arg10 : memref<!tpu.dma_semaphore, #tpu.memory_space<semaphore_mem>>)
      %add3A_73 = arith.constant 240 : i32
      %add3A_74 = arith.addi %mul3A_10, %add3A_73 : i32
      %dma_start3A_75 = arith.constant 240 : i32
      %dma_start3A_76 = arith.constant 0 : i32
      %dma_start3A_77 = tpu.memref_slice %arg9[%dma_start3A_75, %dma_start3A_76] : memref<400x128xf32, #tpu.memory_space<vmem>> -> memref<80x128xf32, #tpu.memory_space<vmem>>
      %dma_start3A_78 = tpu.memref_slice %arg7[%add3A_74] : memref<2000xi32, #tpu.memory_space<vmem>> -> memref<80xi32, #tpu.memory_space<vmem>>
      %dma_start3A_79 = arith.constant 0 : i32
      %dma_start3A_80 = arith.constant 0 : i32
      %dma_start3A_81 = tpu.memref_slice %arg2[%dma_start3A_79, %dma_start3A_80] : memref<10000x128xf32, #tpu.memory_space<hbm>> -> memref<10000x128xf32, #tpu.memory_space<hbm>>
      tpu.enqueue_indirect_dma source(%dma_start3A_81 : memref<10000x128xf32, #tpu.memory_space<hbm>>) target(%dma_start3A_77 : memref<80x128xf32, #tpu.memory_space<vmem>>) offsets(%dma_start3A_78 : memref<80xi32, #tpu.memory_space<vmem>>) semaphore(%arg10 : memref<!tpu.dma_semaphore, #tpu.memory_space<semaphore_mem>>)
      %add3A_82 = arith.constant 320 : i32
      %add3A_83 = arith.addi %mul3A_10, %add3A_82 : i32
      %dma_start3A_84 = arith.constant 320 : i32
      %dma_start3A_85 = arith.constant 0 : i32
      %dma_start3A_86 = tpu.memref_slice %arg8[%dma_start3A_84, %dma_start3A_85] : memref<400x128xf32, #tpu.memory_space<vmem>> -> memref<80x128xf32, #tpu.memory_space<vmem>>
      %dma_start3A_87 = tpu.memref_slice %arg6[%add3A_83] : memref<2000xi32, #tpu.memory_space<vmem>> -> memref<80xi32, #tpu.memory_space<vmem>>
      %dma_start3A_88 = arith.constant 0 : i32
      %dma_start3A_89 = arith.constant 0 : i32
      %dma_start3A_90 = tpu.memref_slice %arg2[%dma_start3A_88, %dma_start3A_89] : memref<10000x128xf32, #tpu.memory_space<hbm>> -> memref<10000x128xf32, #tpu.memory_space<hbm>>
      tpu.enqueue_indirect_dma source(%dma_start3A_90 : memref<10000x128xf32, #tpu.memory_space<hbm>>) target(%dma_start3A_86 : memref<80x128xf32, #tpu.memory_space<vmem>>) offsets(%dma_start3A_87 : memref<80xi32, #tpu.memory_space<vmem>>) semaphore(%arg10 : memref<!tpu.dma_semaphore, #tpu.memory_space<semaphore_mem>>)
      %add3A_91 = arith.constant 320 : i32
      %add3A_92 = arith.addi %mul3A_10, %add3A_91 : i32
      %dma_start3A_93 = arith.constant 320 : i32
      %dma_start3A_94 = arith.constant 0 : i32
      %dma_start3A_95 = tpu.memref_slice %arg9[%dma_start3A_93, %dma_start3A_94] : memref<400x128xf32, #tpu.memory_space<vmem>> -> memref<80x128xf32, #tpu.memory_space<vmem>>
      %dma_start3A_96 = tpu.memref_slice %arg7[%add3A_92] : memref<2000xi32, #tpu.memory_space<vmem>> -> memref<80xi32, #tpu.memory_space<vmem>>
      %dma_start3A_97 = arith.constant 0 : i32
      %dma_start3A_98 = arith.constant 0 : i32
      %dma_start3A_99 = tpu.memref_slice %arg2[%dma_start3A_97, %dma_start3A_98] : memref<10000x128xf32, #tpu.memory_space<hbm>> -> memref<10000x128xf32, #tpu.memory_space<hbm>>
      tpu.enqueue_indirect_dma source(%dma_start3A_99 : memref<10000x128xf32, #tpu.memory_space<hbm>>) target(%dma_start3A_95 : memref<80x128xf32, #tpu.memory_space<vmem>>) offsets(%dma_start3A_96 : memref<80xi32, #tpu.memory_space<vmem>>) semaphore(%arg10 : memref<!tpu.dma_semaphore, #tpu.memory_space<semaphore_mem>>)
      %dma_wait3A = arith.constant 0 : i32
      %dma_wait3A_100 = arith.constant 0 : i32
      %dma_wait3A_101 = tpu.memref_slice %arg8[%dma_wait3A, %dma_wait3A_100] : memref<400x128xf32, #tpu.memory_space<vmem>> -> memref<80x128xf32, #tpu.memory_space<vmem>>
      %dma_wait3A_102 = tpu.memref_slice %arg6[%add3A_12] : memref<2000xi32, #tpu.memory_space<vmem>> -> memref<80xi32, #tpu.memory_space<vmem>>
      %dma_wait3A_103 = arith.constant 0 : i32
      %dma_wait3A_104 = arith.constant 0 : i32
      %dma_wait3A_105 = tpu.memref_slice %arg2[%dma_wait3A_103, %dma_wait3A_104] : memref<10000x128xf32, #tpu.memory_space<hbm>> -> memref<10000x128xf32, #tpu.memory_space<hbm>>
      tpu.wait_indirect_dma semaphore(%arg10 : memref<!tpu.dma_semaphore, #tpu.memory_space<semaphore_mem>>) src(%dma_wait3A_105 : memref<10000x128xf32, #tpu.memory_space<hbm>>) dst(%dma_wait3A_101 : memref<80x128xf32, #tpu.memory_space<vmem>>)
      %dma_wait3A_106 = arith.constant 0 : i32
      %dma_wait3A_107 = arith.constant 0 : i32
      %dma_wait3A_108 = tpu.memref_slice %arg9[%dma_wait3A_106, %dma_wait3A_107] : memref<400x128xf32, #tpu.memory_space<vmem>> -> memref<80x128xf32, #tpu.memory_space<vmem>>
      %dma_wait3A_109 = tpu.memref_slice %arg7[%add3A_20] : memref<2000xi32, #tpu.memory_space<vmem>> -> memref<80xi32, #tpu.memory_space<vmem>>
      %dma_wait3A_110 = arith.constant 0 : i32
      %dma_wait3A_111 = arith.constant 0 : i32
      %dma_wait3A_112 = tpu.memref_slice %arg2[%dma_wait3A_110, %dma_wait3A_111] : memref<10000x128xf32, #tpu.memory_space<hbm>> -> memref<10000x128xf32, #tpu.memory_space<hbm>>
      tpu.wait_indirect_dma semaphore(%arg10 : memref<!tpu.dma_semaphore, #tpu.memory_space<semaphore_mem>>) src(%dma_wait3A_112 : memref<10000x128xf32, #tpu.memory_space<hbm>>) dst(%dma_wait3A_108 : memref<80x128xf32, #tpu.memory_space<vmem>>)
      %dma_wait3A_113 = arith.constant 80 : i32
      %dma_wait3A_114 = arith.constant 0 : i32
      %dma_wait3A_115 = tpu.memref_slice %arg8[%dma_wait3A_113, %dma_wait3A_114] : memref<400x128xf32, #tpu.memory_space<vmem>> -> memref<80x128xf32, #tpu.memory_space<vmem>>
      %dma_wait3A_116 = tpu.memref_slice %arg6[%add3A_29] : memref<2000xi32, #tpu.memory_space<vmem>> -> memref<80xi32, #tpu.memory_space<vmem>>
      %dma_wait3A_117 = arith.constant 0 : i32
      %dma_wait3A_118 = arith.constant 0 : i32
      %dma_wait3A_119 = tpu.memref_slice %arg2[%dma_wait3A_117, %dma_wait3A_118] : memref<10000x128xf32, #tpu.memory_space<hbm>> -> memref<10000x128xf32, #tpu.memory_space<hbm>>
      tpu.wait_indirect_dma semaphore(%arg10 : memref<!tpu.dma_semaphore, #tpu.memory_space<semaphore_mem>>) src(%dma_wait3A_119 : memref<10000x128xf32, #tpu.memory_space<hbm>>) dst(%dma_wait3A_115 : memref<80x128xf32, #tpu.memory_space<vmem>>)
      %dma_wait3A_120 = arith.constant 80 : i32
      %dma_wait3A_121 = arith.constant 0 : i32
      %dma_wait3A_122 = tpu.memref_slice %arg9[%dma_wait3A_120, %dma_wait3A_121] : memref<400x128xf32, #tpu.memory_space<vmem>> -> memref<80x128xf32, #tpu.memory_space<vmem>>
      %dma_wait3A_123 = tpu.memref_slice %arg7[%add3A_38] : memref<2000xi32, #tpu.memory_space<vmem>> -> memref<80xi32, #tpu.memory_space<vmem>>
      %dma_wait3A_124 = arith.constant 0 : i32
      %dma_wait3A_125 = arith.constant 0 : i32
      %dma_wait3A_126 = tpu.memref_slice %arg2[%dma_wait3A_124, %dma_wait3A_125] : memref<10000x128xf32, #tpu.memory_space<hbm>> -> memref<10000x128xf32, #tpu.memory_space<hbm>>
      tpu.wait_indirect_dma semaphore(%arg10 : memref<!tpu.dma_semaphore, #tpu.memory_space<semaphore_mem>>) src(%dma_wait3A_126 : memref<10000x128xf32, #tpu.memory_space<hbm>>) dst(%dma_wait3A_122 : memref<80x128xf32, #tpu.memory_space<vmem>>)
      %dma_wait3A_127 = arith.constant 160 : i32
      %dma_wait3A_128 = arith.constant 0 : i32
      %dma_wait3A_129 = tpu.memref_slice %arg8[%dma_wait3A_127, %dma_wait3A_128] : memref<400x128xf32, #tpu.memory_space<vmem>> -> memref<80x128xf32, #tpu.memory_space<vmem>>
      %dma_wait3A_130 = tpu.memref_slice %arg6[%add3A_47] : memref<2000xi32, #tpu.memory_space<vmem>> -> memref<80xi32, #tpu.memory_space<vmem>>
      %dma_wait3A_131 = arith.constant 0 : i32
      %dma_wait3A_132 = arith.constant 0 : i32
      %dma_wait3A_133 = tpu.memref_slice %arg2[%dma_wait3A_131, %dma_wait3A_132] : memref<10000x128xf32, #tpu.memory_space<hbm>> -> memref<10000x128xf32, #tpu.memory_space<hbm>>
      tpu.wait_indirect_dma semaphore(%arg10 : memref<!tpu.dma_semaphore, #tpu.memory_space<semaphore_mem>>) src(%dma_wait3A_133 : memref<10000x128xf32, #tpu.memory_space<hbm>>) dst(%dma_wait3A_129 : memref<80x128xf32, #tpu.memory_space<vmem>>)
      %dma_wait3A_134 = arith.constant 160 : i32
      %dma_wait3A_135 = arith.constant 0 : i32
      %dma_wait3A_136 = tpu.memref_slice %arg9[%dma_wait3A_134, %dma_wait3A_135] : memref<400x128xf32, #tpu.memory_space<vmem>> -> memref<80x128xf32, #tpu.memory_space<vmem>>
      %dma_wait3A_137 = tpu.memref_slice %arg7[%add3A_56] : memref<2000xi32, #tpu.memory_space<vmem>> -> memref<80xi32, #tpu.memory_space<vmem>>
      %dma_wait3A_138 = arith.constant 0 : i32
      %dma_wait3A_139 = arith.constant 0 : i32
      %dma_wait3A_140 = tpu.memref_slice %arg2[%dma_wait3A_138, %dma_wait3A_139] : memref<10000x128xf32, #tpu.memory_space<hbm>> -> memref<10000x128xf32, #tpu.memory_space<hbm>>
      tpu.wait_indirect_dma semaphore(%arg10 : memref<!tpu.dma_semaphore, #tpu.memory_space<semaphore_mem>>) src(%dma_wait3A_140 : memref<10000x128xf32, #tpu.memory_space<hbm>>) dst(%dma_wait3A_136 : memref<80x128xf32, #tpu.memory_space<vmem>>)
      %dma_wait3A_141 = arith.constant 240 : i32
      %dma_wait3A_142 = arith.constant 0 : i32
      %dma_wait3A_143 = tpu.memref_slice %arg8[%dma_wait3A_141, %dma_wait3A_142] : memref<400x128xf32, #tpu.memory_space<vmem>> -> memref<80x128xf32, #tpu.memory_space<vmem>>
      %dma_wait3A_144 = tpu.memref_slice %arg6[%add3A_65] : memref<2000xi32, #tpu.memory_space<vmem>> -> memref<80xi32, #tpu.memory_space<vmem>>
      %dma_wait3A_145 = arith.constant 0 : i32
      %dma_wait3A_146 = arith.constant 0 : i32
      %dma_wait3A_147 = tpu.memref_slice %arg2[%dma_wait3A_145, %dma_wait3A_146] : memref<10000x128xf32, #tpu.memory_space<hbm>> -> memref<10000x128xf32, #tpu.memory_space<hbm>>
      tpu.wait_indirect_dma semaphore(%arg10 : memref<!tpu.dma_semaphore, #tpu.memory_space<semaphore_mem>>) src(%dma_wait3A_147 : memref<10000x128xf32, #tpu.memory_space<hbm>>) dst(%dma_wait3A_143 : memref<80x128xf32, #tpu.memory_space<vmem>>)
      %dma_wait3A_148 = arith.constant 240 : i32
      %dma_wait3A_149 = arith.constant 0 : i32
      %dma_wait3A_150 = tpu.memref_slice %arg9[%dma_wait3A_148, %dma_wait3A_149] : memref<400x128xf32, #tpu.memory_space<vmem>> -> memref<80x128xf32, #tpu.memory_space<vmem>>
      %dma_wait3A_151 = tpu.memref_slice %arg7[%add3A_74] : memref<2000xi32, #tpu.memory_space<vmem>> -> memref<80xi32, #tpu.memory_space<vmem>>
      %dma_wait3A_152 = arith.constant 0 : i32
      %dma_wait3A_153 = arith.constant 0 : i32
      %dma_wait3A_154 = tpu.memref_slice %arg2[%dma_wait3A_152, %dma_wait3A_153] : memref<10000x128xf32, #tpu.memory_space<hbm>> -> memref<10000x128xf32, #tpu.memory_space<hbm>>
      tpu.wait_indirect_dma semaphore(%arg10 : memref<!tpu.dma_semaphore, #tpu.memory_space<semaphore_mem>>) src(%dma_wait3A_154 : memref<10000x128xf32, #tpu.memory_space<hbm>>) dst(%dma_wait3A_150 : memref<80x128xf32, #tpu.memory_space<vmem>>)
      %dma_wait3A_155 = arith.constant 320 : i32
      %dma_wait3A_156 = arith.constant 0 : i32
      %dma_wait3A_157 = tpu.memref_slice %arg8[%dma_wait3A_155, %dma_wait3A_156] : memref<400x128xf32, #tpu.memory_space<vmem>> -> memref<80x128xf32, #tpu.memory_space<vmem>>
      %dma_wait3A_158 = tpu.memref_slice %arg6[%add3A_83] : memref<2000xi32, #tpu.memory_space<vmem>> -> memref<80xi32, #tpu.memory_space<vmem>>
      %dma_wait3A_159 = arith.constant 0 : i32
      %dma_wait3A_160 = arith.constant 0 : i32
      %dma_wait3A_161 = tpu.memref_slice %arg2[%dma_wait3A_159, %dma_wait3A_160] : memref<10000x128xf32, #tpu.memory_space<hbm>> -> memref<10000x128xf32, #tpu.memory_space<hbm>>
      tpu.wait_indirect_dma semaphore(%arg10 : memref<!tpu.dma_semaphore, #tpu.memory_space<semaphore_mem>>) src(%dma_wait3A_161 : memref<10000x128xf32, #tpu.memory_space<hbm>>) dst(%dma_wait3A_157 : memref<80x128xf32, #tpu.memory_space<vmem>>)
      %dma_wait3A_162 = arith.constant 320 : i32
      %dma_wait3A_163 = arith.constant 0 : i32
      %dma_wait3A_164 = tpu.memref_slice %arg9[%dma_wait3A_162, %dma_wait3A_163] : memref<400x128xf32, #tpu.memory_space<vmem>> -> memref<80x128xf32, #tpu.memory_space<vmem>>
      %dma_wait3A_165 = tpu.memref_slice %arg7[%add3A_92] : memref<2000xi32, #tpu.memory_space<vmem>> -> memref<80xi32, #tpu.memory_space<vmem>>
      %dma_wait3A_166 = arith.constant 0 : i32
      %dma_wait3A_167 = arith.constant 0 : i32
      %dma_wait3A_168 = tpu.memref_slice %arg2[%dma_wait3A_166, %dma_wait3A_167] : memref<10000x128xf32, #tpu.memory_space<hbm>> -> memref<10000x128xf32, #tpu.memory_space<hbm>>
      tpu.wait_indirect_dma semaphore(%arg10 : memref<!tpu.dma_semaphore, #tpu.memory_space<semaphore_mem>>) src(%dma_wait3A_168 : memref<10000x128xf32, #tpu.memory_space<hbm>>) dst(%dma_wait3A_164 : memref<80x128xf32, #tpu.memory_space<vmem>>)
      %add3A_169 = arith.addi %mul3A_2, %mul3A_10 : i32
      %dma_start3A_170 = arith.constant 0 : i32
      %dma_start3A_171 = tpu.memref_slice %arg5[%add3A_169, %dma_start3A_170] : memref<64000x256xf32, #tpu.memory_space<hbm>> -> memref<400x128xf32, #tpu.memory_space<hbm>>
      %dma_start3A_172 = arith.constant 0 : i32
      %dma_start3A_173 = tpu.memref_slice %arg5[%add3A_169, %dma_start3A_172] : memref<64000x256xf32, #tpu.memory_space<hbm>> -> memref<400x128xf32, #tpu.memory_space<hbm>>
      tpu.enqueue_dma source(%arg8 : memref<400x128xf32, #tpu.memory_space<vmem>>) target(%dma_start3A_173 : memref<400x128xf32, #tpu.memory_space<hbm>>) target_semaphore(%arg11 : memref<!tpu.dma_semaphore, #tpu.memory_space<semaphore_mem>>)
      %add3A_174 = arith.addi %mul3A_2, %mul3A_10 : i32
      %dma_start3A_175 = arith.constant 128 : i32
      %dma_start3A_176 = tpu.memref_slice %arg5[%add3A_174, %dma_start3A_175] : memref<64000x256xf32, #tpu.memory_space<hbm>> -> memref<400x128xf32, #tpu.memory_space<hbm>>
      %dma_start3A_177 = arith.constant 128 : i32
      %dma_start3A_178 = tpu.memref_slice %arg5[%add3A_174, %dma_start3A_177] : memref<64000x256xf32, #tpu.memory_space<hbm>> -> memref<400x128xf32, #tpu.memory_space<hbm>>
      tpu.enqueue_dma source(%arg9 : memref<400x128xf32, #tpu.memory_space<vmem>>) target(%dma_start3A_178 : memref<400x128xf32, #tpu.memory_space<hbm>>) target_semaphore(%arg11 : memref<!tpu.dma_semaphore, #tpu.memory_space<semaphore_mem>>)
      %dma_wait3A_179 = arith.constant 0 : i32
      %dma_wait3A_180 = tpu.memref_slice %arg5[%add3A_169, %dma_wait3A_179] : memref<64000x256xf32, #tpu.memory_space<hbm>> -> memref<400x128xf32, #tpu.memory_space<hbm>>
      %dma_wait3A_181 = arith.constant 0 : i32
      %dma_wait3A_182 = tpu.memref_slice %arg5[%add3A_169, %dma_wait3A_181] : memref<64000x256xf32, #tpu.memory_space<hbm>> -> memref<400x128xf32, #tpu.memory_space<hbm>>
      tpu.wait_dma2 semaphore(%arg11 : memref<!tpu.dma_semaphore, #tpu.memory_space<semaphore_mem>>) src(%arg8 : memref<400x128xf32, #tpu.memory_space<vmem>>) dst(%dma_wait3A_182 : memref<400x128xf32, #tpu.memory_space<hbm>>)
      %dma_wait3A_183 = arith.constant 128 : i32
      %dma_wait3A_184 = tpu.memref_slice %arg5[%add3A_174, %dma_wait3A_183] : memref<64000x256xf32, #tpu.memory_space<hbm>> -> memref<400x128xf32, #tpu.memory_space<hbm>>
      %dma_wait3A_185 = arith.constant 128 : i32
      %dma_wait3A_186 = tpu.memref_slice %arg5[%add3A_174, %dma_wait3A_185] : memref<64000x256xf32, #tpu.memory_space<hbm>> -> memref<400x128xf32, #tpu.memory_space<hbm>>
      tpu.wait_dma2 semaphore(%arg11 : memref<!tpu.dma_semaphore, #tpu.memory_space<semaphore_mem>>) src(%arg9 : memref<400x128xf32, #tpu.memory_space<vmem>>) dst(%dma_wait3A_186 : memref<400x128xf32, #tpu.memory_space<hbm>>)
    }
    %scan3A_7 = arith.constant 5 : i32
    return
  }
}

#map = affine_map<(d0, d1) -> (0, 0)>
#map1 = affine_map<(d0, d1) -> (0, 0, 0, 0)>
#map2 = affine_map<(d0, d1) -> (0, 0, 0)>
module attributes {stable_mosaic.version = 14 : i64} {
  func.func @_sc_scatter2(%arg0: i32, %arg1: i32, %arg2: memref<64000x128xf32, #tpu.memory_space<hbm>>, %arg3: memref<64000x128xf32, #tpu.memory_space<hbm>>, %arg4: memref<2x32x25x80xi32, #tpu.memory_space<hbm>>, %arg5: memref<10240x128xf32, #tpu.memory_space<hbm>>, %arg6: memref<2x10240x128xf32, #tpu.memory_space<hbm>>, %arg7: memref<2x10240x128xf32, #tpu.memory_space<hbm>>, %arg8: memref<50x80xi32, #tpu.memory_space<vmem>>, %arg9: memref<80x128xf32, #tpu.memory_space<vmem>>, %arg10: memref<10240x128xf32, #tpu.memory_space<vmem_shared>>) attributes {dimension_semantics = [#tpu.dimension_semantics<core_parallel>, #tpu.dimension_semantics<subcore_parallel>], iteration_bounds = array<i64: 2, 16>, scalar_prefetch = 0 : i64, scratch_operands = 3 : i64, tpu.core_type = #tpu.core_type<sc_vector_subcore>, window_params = [{transform_indices = #map}, {transform_indices = #map}, {transform_indices = #map1}, {transform_indices = #map}, {transform_indices = #map2}, {transform_indices = #map2}]} {
    %mul3A = arith.constant 2 : i32
    %mul3A_0 = arith.muli %arg1, %mul3A : i32
    %add3A = arith.addi %mul3A_0, %arg0 : i32
    %mul3A_1 = arith.constant 2000 : i32
    %mul3A_2 = arith.muli %add3A, %mul3A_1 : i32
    %mul3A_3 = arith.constant 640 : i32
    %mul3A_4 = arith.muli %arg1, %mul3A_3 : i32
    "tpu.region"() ({
      %run_scoped3A_18 = tpu.sem_alloc : memref<!tpu.dma_semaphore, #tpu.memory_space<semaphore_mem>>
      %dma_start3A = arith.constant 0 : i32
      %dma_start3A_19 = tpu.memref_slice %arg10[%mul3A_4, %dma_start3A] : memref<10240x128xf32, #tpu.memory_space<vmem_shared>> -> memref<640x128xf32, #tpu.memory_space<vmem_shared>>
      %dma_start3A_20 = arith.constant 0 : i32
      %dma_start3A_21 = tpu.memref_slice %arg5[%mul3A_4, %dma_start3A_20] : memref<10240x128xf32, #tpu.memory_space<hbm>> -> memref<640x128xf32, #tpu.memory_space<hbm>>
      tpu.enqueue_dma source(%dma_start3A_21 : memref<640x128xf32, #tpu.memory_space<hbm>>) target(%dma_start3A_19 : memref<640x128xf32, #tpu.memory_space<vmem_shared>>) target_semaphore(%run_scoped3A_18 : memref<!tpu.dma_semaphore, #tpu.memory_space<semaphore_mem>>)
      %dma_wait3A = arith.constant 0 : i32
      %dma_wait3A_22 = tpu.memref_slice %arg10[%mul3A_4, %dma_wait3A] : memref<10240x128xf32, #tpu.memory_space<vmem_shared>> -> memref<640x128xf32, #tpu.memory_space<vmem_shared>>
      %dma_wait3A_23 = arith.constant 0 : i32
      %dma_wait3A_24 = tpu.memref_slice %arg5[%mul3A_4, %dma_wait3A_23] : memref<10240x128xf32, #tpu.memory_space<hbm>> -> memref<640x128xf32, #tpu.memory_space<hbm>>
      tpu.wait_dma2 semaphore(%run_scoped3A_18 : memref<!tpu.dma_semaphore, #tpu.memory_space<semaphore_mem>>) src(%dma_wait3A_24 : memref<640x128xf32, #tpu.memory_space<hbm>>) dst(%dma_wait3A_22 : memref<640x128xf32, #tpu.memory_space<vmem_shared>>)
      tpu.yield
    }) : () -> ()
    %run_scoped3A = arith.constant 0 : i32
    "tpu.region"() ({
      %run_scoped3A_18 = tpu.sem_alloc : memref<!tpu.dma_semaphore, #tpu.memory_space<semaphore_mem>>
      %dma_start3A = arith.constant 0 : i32
      %dma_start3A_19 = arith.constant 0 : i32
      %dma_start3A_20 = tpu.memref_slice %arg8[%dma_start3A, %dma_start3A_19] : memref<50x80xi32, #tpu.memory_space<vmem>> -> memref<25x80xi32, #tpu.memory_space<vmem>>
      %dma_start3A_21 = arith.constant 0 : i32
      %dma_start3A_22 = arith.constant 0 : i32
      %dma_start3A_23 = tpu.memref_slice %arg4[%run_scoped3A, %add3A, %dma_start3A_21, %dma_start3A_22] : memref<2x32x25x80xi32, #tpu.memory_space<hbm>> -> memref<1x1x25x80xi32, #tpu.memory_space<hbm>>
      %dma_start3A_24 = tpu.memref_squeeze %dma_start3A_23 : memref<1x1x25x80xi32, #tpu.memory_space<hbm>> -> memref<25x80xi32, #tpu.memory_space<hbm>>
      %dma_start3A_25 = arith.constant 0 : i32
      %dma_start3A_26 = arith.constant 0 : i32
      %dma_start3A_27 = tpu.memref_slice %arg8[%dma_start3A_25, %dma_start3A_26] : memref<50x80xi32, #tpu.memory_space<vmem>> -> memref<25x80xi32, #tpu.memory_space<vmem>>
      %dma_start3A_28 = arith.constant 0 : i32
      %dma_start3A_29 = arith.constant 0 : i32
      %dma_start3A_30 = tpu.memref_slice %arg4[%run_scoped3A, %add3A, %dma_start3A_28, %dma_start3A_29] : memref<2x32x25x80xi32, #tpu.memory_space<hbm>> -> memref<1x1x25x80xi32, #tpu.memory_space<hbm>>
      %dma_start3A_31 = tpu.memref_squeeze %dma_start3A_30 : memref<1x1x25x80xi32, #tpu.memory_space<hbm>> -> memref<25x80xi32, #tpu.memory_space<hbm>>
      tpu.enqueue_dma source(%dma_start3A_31 : memref<25x80xi32, #tpu.memory_space<hbm>>) target(%dma_start3A_27 : memref<25x80xi32, #tpu.memory_space<vmem>>) target_semaphore(%run_scoped3A_18 : memref<!tpu.dma_semaphore, #tpu.memory_space<semaphore_mem>>)
      %dma_wait3A = arith.constant 0 : i32
      %dma_wait3A_32 = arith.constant 0 : i32
      %dma_wait3A_33 = tpu.memref_slice %arg8[%dma_wait3A, %dma_wait3A_32] : memref<50x80xi32, #tpu.memory_space<vmem>> -> memref<25x80xi32, #tpu.memory_space<vmem>>
      %dma_wait3A_34 = arith.constant 0 : i32
      %dma_wait3A_35 = arith.constant 0 : i32
      %dma_wait3A_36 = tpu.memref_slice %arg4[%run_scoped3A, %add3A, %dma_wait3A_34, %dma_wait3A_35] : memref<2x32x25x80xi32, #tpu.memory_space<hbm>> -> memref<1x1x25x80xi32, #tpu.memory_space<hbm>>
      %dma_wait3A_37 = tpu.memref_squeeze %dma_wait3A_36 : memref<1x1x25x80xi32, #tpu.memory_space<hbm>> -> memref<25x80xi32, #tpu.memory_space<hbm>>
      %dma_wait3A_38 = arith.constant 0 : i32
      %dma_wait3A_39 = arith.constant 0 : i32
      %dma_wait3A_40 = tpu.memref_slice %arg8[%dma_wait3A_38, %dma_wait3A_39] : memref<50x80xi32, #tpu.memory_space<vmem>> -> memref<25x80xi32, #tpu.memory_space<vmem>>
      %dma_wait3A_41 = arith.constant 0 : i32
      %dma_wait3A_42 = arith.constant 0 : i32
      %dma_wait3A_43 = tpu.memref_slice %arg4[%run_scoped3A, %add3A, %dma_wait3A_41, %dma_wait3A_42] : memref<2x32x25x80xi32, #tpu.memory_space<hbm>> -> memref<1x1x25x80xi32, #tpu.memory_space<hbm>>
      %dma_wait3A_44 = tpu.memref_squeeze %dma_wait3A_43 : memref<1x1x25x80xi32, #tpu.memory_space<hbm>> -> memref<25x80xi32, #tpu.memory_space<hbm>>
      tpu.wait_dma2 semaphore(%run_scoped3A_18 : memref<!tpu.dma_semaphore, #tpu.memory_space<semaphore_mem>>) src(%dma_wait3A_44 : memref<25x80xi32, #tpu.memory_space<hbm>>) dst(%dma_wait3A_40 : memref<25x80xi32, #tpu.memory_space<vmem>>)
      tpu.yield
    }) : () -> ()
    %run_scoped3A_5 = arith.constant 1 : i32
    "tpu.region"() ({
      %run_scoped3A_18 = tpu.sem_alloc : memref<!tpu.dma_semaphore, #tpu.memory_space<semaphore_mem>>
      %dma_start3A = arith.constant 25 : i32
      %dma_start3A_19 = arith.constant 0 : i32
      %dma_start3A_20 = tpu.memref_slice %arg8[%dma_start3A, %dma_start3A_19] : memref<50x80xi32, #tpu.memory_space<vmem>> -> memref<25x80xi32, #tpu.memory_space<vmem>>
      %dma_start3A_21 = arith.constant 0 : i32
      %dma_start3A_22 = arith.constant 0 : i32
      %dma_start3A_23 = tpu.memref_slice %arg4[%run_scoped3A_5, %add3A, %dma_start3A_21, %dma_start3A_22] : memref<2x32x25x80xi32, #tpu.memory_space<hbm>> -> memref<1x1x25x80xi32, #tpu.memory_space<hbm>>
      %dma_start3A_24 = tpu.memref_squeeze %dma_start3A_23 : memref<1x1x25x80xi32, #tpu.memory_space<hbm>> -> memref<25x80xi32, #tpu.memory_space<hbm>>
      %dma_start3A_25 = arith.constant 25 : i32
      %dma_start3A_26 = arith.constant 0 : i32
      %dma_start3A_27 = tpu.memref_slice %arg8[%dma_start3A_25, %dma_start3A_26] : memref<50x80xi32, #tpu.memory_space<vmem>> -> memref<25x80xi32, #tpu.memory_space<vmem>>
      %dma_start3A_28 = arith.constant 0 : i32
      %dma_start3A_29 = arith.constant 0 : i32
      %dma_start3A_30 = tpu.memref_slice %arg4[%run_scoped3A_5, %add3A, %dma_start3A_28, %dma_start3A_29] : memref<2x32x25x80xi32, #tpu.memory_space<hbm>> -> memref<1x1x25x80xi32, #tpu.memory_space<hbm>>
      %dma_start3A_31 = tpu.memref_squeeze %dma_start3A_30 : memref<1x1x25x80xi32, #tpu.memory_space<hbm>> -> memref<25x80xi32, #tpu.memory_space<hbm>>
      tpu.enqueue_dma source(%dma_start3A_31 : memref<25x80xi32, #tpu.memory_space<hbm>>) target(%dma_start3A_27 : memref<25x80xi32, #tpu.memory_space<vmem>>) target_semaphore(%run_scoped3A_18 : memref<!tpu.dma_semaphore, #tpu.memory_space<semaphore_mem>>)
      %dma_wait3A = arith.constant 25 : i32
      %dma_wait3A_32 = arith.constant 0 : i32
      %dma_wait3A_33 = tpu.memref_slice %arg8[%dma_wait3A, %dma_wait3A_32] : memref<50x80xi32, #tpu.memory_space<vmem>> -> memref<25x80xi32, #tpu.memory_space<vmem>>
      %dma_wait3A_34 = arith.constant 0 : i32
      %dma_wait3A_35 = arith.constant 0 : i32
      %dma_wait3A_36 = tpu.memref_slice %arg4[%run_scoped3A_5, %add3A, %dma_wait3A_34, %dma_wait3A_35] : memref<2x32x25x80xi32, #tpu.memory_space<hbm>> -> memref<1x1x25x80xi32, #tpu.memory_space<hbm>>
      %dma_wait3A_37 = tpu.memref_squeeze %dma_wait3A_36 : memref<1x1x25x80xi32, #tpu.memory_space<hbm>> -> memref<25x80xi32, #tpu.memory_space<hbm>>
      %dma_wait3A_38 = arith.constant 25 : i32
      %dma_wait3A_39 = arith.constant 0 : i32
      %dma_wait3A_40 = tpu.memref_slice %arg8[%dma_wait3A_38, %dma_wait3A_39] : memref<50x80xi32, #tpu.memory_space<vmem>> -> memref<25x80xi32, #tpu.memory_space<vmem>>
      %dma_wait3A_41 = arith.constant 0 : i32
      %dma_wait3A_42 = arith.constant 0 : i32
      %dma_wait3A_43 = tpu.memref_slice %arg4[%run_scoped3A_5, %add3A, %dma_wait3A_41, %dma_wait3A_42] : memref<2x32x25x80xi32, #tpu.memory_space<hbm>> -> memref<1x1x25x80xi32, #tpu.memory_space<hbm>>
      %dma_wait3A_44 = tpu.memref_squeeze %dma_wait3A_43 : memref<1x1x25x80xi32, #tpu.memory_space<hbm>> -> memref<25x80xi32, #tpu.memory_space<hbm>>
      tpu.wait_dma2 semaphore(%run_scoped3A_18 : memref<!tpu.dma_semaphore, #tpu.memory_space<semaphore_mem>>) src(%dma_wait3A_44 : memref<25x80xi32, #tpu.memory_space<hbm>>) dst(%dma_wait3A_40 : memref<25x80xi32, #tpu.memory_space<vmem>>)
      tpu.yield
    }) : () -> ()
    %barrier3A = arith.constant 0 : index
    tpu.barrier barrier_id(%barrier3A)
    %scan3A = arith.constant 0 : i32
    %scan3A_6 = arith.constant 0 : i32
    %scan3A_7 = arith.constant 25 : i32
    %scan3A_8 = arith.addi %scan3A_6, %scan3A_7 : i32
    %scan3A_9 = arith.constant 1 : i32
    scf.for %scan3A_18 = %scan3A_6 to %scan3A_8 step %scan3A_9  : i32 {
      %mul3A_19 = arith.constant 80 : i32
      %mul3A_20 = arith.muli %scan3A_18, %mul3A_19 : i32
      %add3A_21 = arith.addi %mul3A_2, %mul3A_20 : i32
      "tpu.region"() ({
        %run_scoped3A_24 = tpu.sem_alloc : memref<!tpu.dma_semaphore, #tpu.memory_space<semaphore_mem>>
        %dma_start3A = arith.constant 0 : i32
        %dma_start3A_25 = tpu.memref_slice %arg2[%add3A_21, %dma_start3A] : memref<64000x128xf32, #tpu.memory_space<hbm>> -> memref<80x128xf32, #tpu.memory_space<hbm>>
        %dma_start3A_26 = arith.constant 0 : i32
        %dma_start3A_27 = tpu.memref_slice %arg2[%add3A_21, %dma_start3A_26] : memref<64000x128xf32, #tpu.memory_space<hbm>> -> memref<80x128xf32, #tpu.memory_space<hbm>>
        tpu.enqueue_dma source(%dma_start3A_27 : memref<80x128xf32, #tpu.memory_space<hbm>>) target(%arg9 : memref<80x128xf32, #tpu.memory_space<vmem>>) target_semaphore(%run_scoped3A_24 : memref<!tpu.dma_semaphore, #tpu.memory_space<semaphore_mem>>)
        %dma_wait3A = arith.constant 0 : i32
        %dma_wait3A_28 = tpu.memref_slice %arg2[%add3A_21, %dma_wait3A] : memref<64000x128xf32, #tpu.memory_space<hbm>> -> memref<80x128xf32, #tpu.memory_space<hbm>>
        %dma_wait3A_29 = arith.constant 0 : i32
        %dma_wait3A_30 = tpu.memref_slice %arg2[%add3A_21, %dma_wait3A_29] : memref<64000x128xf32, #tpu.memory_space<hbm>> -> memref<80x128xf32, #tpu.memory_space<hbm>>
        tpu.wait_dma2 semaphore(%run_scoped3A_24 : memref<!tpu.dma_semaphore, #tpu.memory_space<semaphore_mem>>) src(%dma_wait3A_30 : memref<80x128xf32, #tpu.memory_space<hbm>>) dst(%arg9 : memref<80x128xf32, #tpu.memory_space<vmem>>)
        tpu.yield
      }) : () -> ()
      %add3A_22 = arith.constant 0 : i32
      %add3A_23 = arith.addi %add3A_22, %scan3A_18 : i32
      "tpu.region"() ({
        %run_scoped3A_24 = tpu.sem_alloc : memref<!tpu.dma_semaphore, #tpu.memory_space<semaphore_mem>>
        %dma_start3A = arith.constant 0 : i32
        %dma_start3A_25 = tpu.memref_slice %arg8[%add3A_23, %dma_start3A] : memref<50x80xi32, #tpu.memory_space<vmem>> -> memref<1x80xi32, #tpu.memory_space<vmem>>
        %dma_start3A_26 = tpu.memref_squeeze %dma_start3A_25 : memref<1x80xi32, #tpu.memory_space<vmem>> -> memref<80xi32, #tpu.memory_space<vmem>>
        %dma_start3A_27 = arith.constant 0 : i32
        %dma_start3A_28 = arith.constant 0 : i32
        %dma_start3A_29 = tpu.memref_slice %arg10[%dma_start3A_27, %dma_start3A_28] : memref<10240x128xf32, #tpu.memory_space<vmem_shared>> -> memref<10240x128xf32, #tpu.memory_space<vmem_shared>>
        tpu.enqueue_indirect_dma source(%arg9 : memref<80x128xf32, #tpu.memory_space<vmem>>) target(%dma_start3A_29 : memref<10240x128xf32, #tpu.memory_space<vmem_shared>>) offsets(%dma_start3A_26 : memref<80xi32, #tpu.memory_space<vmem>>) semaphore(%run_scoped3A_24 : memref<!tpu.dma_semaphore, #tpu.memory_space<semaphore_mem>>) {add = true}
        %dma_wait3A = arith.constant 0 : i32
        %dma_wait3A_30 = tpu.memref_slice %arg8[%add3A_23, %dma_wait3A] : memref<50x80xi32, #tpu.memory_space<vmem>> -> memref<1x80xi32, #tpu.memory_space<vmem>>
        %dma_wait3A_31 = tpu.memref_squeeze %dma_wait3A_30 : memref<1x80xi32, #tpu.memory_space<vmem>> -> memref<80xi32, #tpu.memory_space<vmem>>
        %dma_wait3A_32 = arith.constant 0 : i32
        %dma_wait3A_33 = arith.constant 0 : i32
        %dma_wait3A_34 = tpu.memref_slice %arg10[%dma_wait3A_32, %dma_wait3A_33] : memref<10240x128xf32, #tpu.memory_space<vmem_shared>> -> memref<10240x128xf32, #tpu.memory_space<vmem_shared>>
        tpu.wait_indirect_dma semaphore(%run_scoped3A_24 : memref<!tpu.dma_semaphore, #tpu.memory_space<semaphore_mem>>) src(%arg9 : memref<80x128xf32, #tpu.memory_space<vmem>>) dst(%dma_wait3A_34 : memref<10240x128xf32, #tpu.memory_space<vmem_shared>>)
        tpu.yield
      }) : () -> ()
    }
    %scan3A_10 = arith.constant 25 : i32
    %scan3A_11 = arith.constant 0 : i32
    %scan3A_12 = arith.constant 0 : i32
    %scan3A_13 = arith.constant 25 : i32
    %scan3A_14 = arith.addi %scan3A_12, %scan3A_13 : i32
    %scan3A_15 = arith.constant 1 : i32
    scf.for %scan3A_18 = %scan3A_12 to %scan3A_14 step %scan3A_15  : i32 {
      %mul3A_19 = arith.constant 80 : i32
      %mul3A_20 = arith.muli %scan3A_18, %mul3A_19 : i32
      %add3A_21 = arith.addi %mul3A_2, %mul3A_20 : i32
      "tpu.region"() ({
        %run_scoped3A_24 = tpu.sem_alloc : memref<!tpu.dma_semaphore, #tpu.memory_space<semaphore_mem>>
        %dma_start3A = arith.constant 0 : i32
        %dma_start3A_25 = tpu.memref_slice %arg3[%add3A_21, %dma_start3A] : memref<64000x128xf32, #tpu.memory_space<hbm>> -> memref<80x128xf32, #tpu.memory_space<hbm>>
        %dma_start3A_26 = arith.constant 0 : i32
        %dma_start3A_27 = tpu.memref_slice %arg3[%add3A_21, %dma_start3A_26] : memref<64000x128xf32, #tpu.memory_space<hbm>> -> memref<80x128xf32, #tpu.memory_space<hbm>>
        tpu.enqueue_dma source(%dma_start3A_27 : memref<80x128xf32, #tpu.memory_space<hbm>>) target(%arg9 : memref<80x128xf32, #tpu.memory_space<vmem>>) target_semaphore(%run_scoped3A_24 : memref<!tpu.dma_semaphore, #tpu.memory_space<semaphore_mem>>)
        %dma_wait3A = arith.constant 0 : i32
        %dma_wait3A_28 = tpu.memref_slice %arg3[%add3A_21, %dma_wait3A] : memref<64000x128xf32, #tpu.memory_space<hbm>> -> memref<80x128xf32, #tpu.memory_space<hbm>>
        %dma_wait3A_29 = arith.constant 0 : i32
        %dma_wait3A_30 = tpu.memref_slice %arg3[%add3A_21, %dma_wait3A_29] : memref<64000x128xf32, #tpu.memory_space<hbm>> -> memref<80x128xf32, #tpu.memory_space<hbm>>
        tpu.wait_dma2 semaphore(%run_scoped3A_24 : memref<!tpu.dma_semaphore, #tpu.memory_space<semaphore_mem>>) src(%dma_wait3A_30 : memref<80x128xf32, #tpu.memory_space<hbm>>) dst(%arg9 : memref<80x128xf32, #tpu.memory_space<vmem>>)
        tpu.yield
      }) : () -> ()
      %add3A_22 = arith.constant 25 : i32
      %add3A_23 = arith.addi %add3A_22, %scan3A_18 : i32
      "tpu.region"() ({
        %run_scoped3A_24 = tpu.sem_alloc : memref<!tpu.dma_semaphore, #tpu.memory_space<semaphore_mem>>
        %dma_start3A = arith.constant 0 : i32
        %dma_start3A_25 = tpu.memref_slice %arg8[%add3A_23, %dma_start3A] : memref<50x80xi32, #tpu.memory_space<vmem>> -> memref<1x80xi32, #tpu.memory_space<vmem>>
        %dma_start3A_26 = tpu.memref_squeeze %dma_start3A_25 : memref<1x80xi32, #tpu.memory_space<vmem>> -> memref<80xi32, #tpu.memory_space<vmem>>
        %dma_start3A_27 = arith.constant 0 : i32
        %dma_start3A_28 = arith.constant 0 : i32
        %dma_start3A_29 = tpu.memref_slice %arg10[%dma_start3A_27, %dma_start3A_28] : memref<10240x128xf32, #tpu.memory_space<vmem_shared>> -> memref<10240x128xf32, #tpu.memory_space<vmem_shared>>
        tpu.enqueue_indirect_dma source(%arg9 : memref<80x128xf32, #tpu.memory_space<vmem>>) target(%dma_start3A_29 : memref<10240x128xf32, #tpu.memory_space<vmem_shared>>) offsets(%dma_start3A_26 : memref<80xi32, #tpu.memory_space<vmem>>) semaphore(%run_scoped3A_24 : memref<!tpu.dma_semaphore, #tpu.memory_space<semaphore_mem>>) {add = true}
        %dma_wait3A = arith.constant 0 : i32
        %dma_wait3A_30 = tpu.memref_slice %arg8[%add3A_23, %dma_wait3A] : memref<50x80xi32, #tpu.memory_space<vmem>> -> memref<1x80xi32, #tpu.memory_space<vmem>>
        %dma_wait3A_31 = tpu.memref_squeeze %dma_wait3A_30 : memref<1x80xi32, #tpu.memory_space<vmem>> -> memref<80xi32, #tpu.memory_space<vmem>>
        %dma_wait3A_32 = arith.constant 0 : i32
        %dma_wait3A_33 = arith.constant 0 : i32
        %dma_wait3A_34 = tpu.memref_slice %arg10[%dma_wait3A_32, %dma_wait3A_33] : memref<10240x128xf32, #tpu.memory_space<vmem_shared>> -> memref<10240x128xf32, #tpu.memory_space<vmem_shared>>
        tpu.wait_indirect_dma semaphore(%run_scoped3A_24 : memref<!tpu.dma_semaphore, #tpu.memory_space<semaphore_mem>>) src(%arg9 : memref<80x128xf32, #tpu.memory_space<vmem>>) dst(%dma_wait3A_34 : memref<10240x128xf32, #tpu.memory_space<vmem_shared>>)
        tpu.yield
      }) : () -> ()
    }
    %scan3A_16 = arith.constant 25 : i32
    %barrier3A_17 = arith.constant 0 : index
    tpu.barrier barrier_id(%barrier3A_17)
    "tpu.region"() ({
      %run_scoped3A_18 = tpu.sem_alloc : memref<!tpu.dma_semaphore, #tpu.memory_space<semaphore_mem>>
      %dma_start3A = arith.constant 0 : i32
      %dma_start3A_19 = tpu.memref_slice %arg7[%arg0, %mul3A_4, %dma_start3A] : memref<2x10240x128xf32, #tpu.memory_space<hbm>> -> memref<1x640x128xf32, #tpu.memory_space<hbm>>
      %dma_start3A_20 = tpu.memref_squeeze %dma_start3A_19 : memref<1x640x128xf32, #tpu.memory_space<hbm>> -> memref<640x128xf32, #tpu.memory_space<hbm>>
      %dma_start3A_21 = arith.constant 0 : i32
      %dma_start3A_22 = tpu.memref_slice %arg10[%mul3A_4, %dma_start3A_21] : memref<10240x128xf32, #tpu.memory_space<vmem_shared>> -> memref<640x128xf32, #tpu.memory_space<vmem_shared>>
      tpu.enqueue_dma source(%dma_start3A_22 : memref<640x128xf32, #tpu.memory_space<vmem_shared>>) target(%dma_start3A_20 : memref<640x128xf32, #tpu.memory_space<hbm>>) target_semaphore(%run_scoped3A_18 : memref<!tpu.dma_semaphore, #tpu.memory_space<semaphore_mem>>)
      %dma_wait3A = arith.constant 0 : i32
      %dma_wait3A_23 = tpu.memref_slice %arg7[%arg0, %mul3A_4, %dma_wait3A] : memref<2x10240x128xf32, #tpu.memory_space<hbm>> -> memref<1x640x128xf32, #tpu.memory_space<hbm>>
      %dma_wait3A_24 = tpu.memref_squeeze %dma_wait3A_23 : memref<1x640x128xf32, #tpu.memory_space<hbm>> -> memref<640x128xf32, #tpu.memory_space<hbm>>
      %dma_wait3A_25 = arith.constant 0 : i32
      %dma_wait3A_26 = tpu.memref_slice %arg10[%mul3A_4, %dma_wait3A_25] : memref<10240x128xf32, #tpu.memory_space<vmem_shared>> -> memref<640x128xf32, #tpu.memory_space<vmem_shared>>
      tpu.wait_dma2 semaphore(%run_scoped3A_18 : memref<!tpu.dma_semaphore, #tpu.memory_space<semaphore_mem>>) src(%dma_wait3A_26 : memref<640x128xf32, #tpu.memory_space<vmem_shared>>) dst(%dma_wait3A_24 : memref<640x128xf32, #tpu.memory_space<hbm>>)
      tpu.yield
    }) : () -> ()
    return
  }
}

#map = affine_map<(d0, d1) -> (0, 0)>
#map1 = affine_map<(d0, d1) -> (0, 0, 0, 0)>
#map2 = affine_map<(d0, d1) -> (0, 0, 0)>
module attributes {stable_mosaic.version = 14 : i64} {
  func.func @_sc_scatter1(%arg0: i32, %arg1: i32, %arg2: memref<64000x128xf32, #tpu.memory_space<hbm>>, %arg3: memref<1x32x25x80xi32, #tpu.memory_space<hbm>>, %arg4: memref<10240x128xf32, #tpu.memory_space<hbm>>, %arg5: memref<2x10240x128xf32, #tpu.memory_space<hbm>>, %arg6: memref<2x10240x128xf32, #tpu.memory_space<hbm>>, %arg7: memref<25x80xi32, #tpu.memory_space<vmem>>, %arg8: memref<80x128xf32, #tpu.memory_space<vmem>>, %arg9: memref<10240x128xf32, #tpu.memory_space<vmem_shared>>) attributes {dimension_semantics = [#tpu.dimension_semantics<core_parallel>, #tpu.dimension_semantics<subcore_parallel>], iteration_bounds = array<i64: 2, 16>, scalar_prefetch = 0 : i64, scratch_operands = 3 : i64, tpu.core_type = #tpu.core_type<sc_vector_subcore>, window_params = [{transform_indices = #map}, {transform_indices = #map1}, {transform_indices = #map}, {transform_indices = #map2}, {transform_indices = #map2}]} {
    %mul3A = arith.constant 2 : i32
    %mul3A_0 = arith.muli %arg1, %mul3A : i32
    %add3A = arith.addi %mul3A_0, %arg0 : i32
    %mul3A_1 = arith.constant 2000 : i32
    %mul3A_2 = arith.muli %add3A, %mul3A_1 : i32
    %mul3A_3 = arith.constant 640 : i32
    %mul3A_4 = arith.muli %arg1, %mul3A_3 : i32
    "tpu.region"() ({
      %run_scoped3A_11 = tpu.sem_alloc : memref<!tpu.dma_semaphore, #tpu.memory_space<semaphore_mem>>
      %dma_start3A = arith.constant 0 : i32
      %dma_start3A_12 = tpu.memref_slice %arg9[%mul3A_4, %dma_start3A] : memref<10240x128xf32, #tpu.memory_space<vmem_shared>> -> memref<640x128xf32, #tpu.memory_space<vmem_shared>>
      %dma_start3A_13 = arith.constant 0 : i32
      %dma_start3A_14 = tpu.memref_slice %arg4[%mul3A_4, %dma_start3A_13] : memref<10240x128xf32, #tpu.memory_space<hbm>> -> memref<640x128xf32, #tpu.memory_space<hbm>>
      tpu.enqueue_dma source(%dma_start3A_14 : memref<640x128xf32, #tpu.memory_space<hbm>>) target(%dma_start3A_12 : memref<640x128xf32, #tpu.memory_space<vmem_shared>>) target_semaphore(%run_scoped3A_11 : memref<!tpu.dma_semaphore, #tpu.memory_space<semaphore_mem>>)
      %dma_wait3A = arith.constant 0 : i32
      %dma_wait3A_15 = tpu.memref_slice %arg9[%mul3A_4, %dma_wait3A] : memref<10240x128xf32, #tpu.memory_space<vmem_shared>> -> memref<640x128xf32, #tpu.memory_space<vmem_shared>>
      %dma_wait3A_16 = arith.constant 0 : i32
      %dma_wait3A_17 = tpu.memref_slice %arg4[%mul3A_4, %dma_wait3A_16] : memref<10240x128xf32, #tpu.memory_space<hbm>> -> memref<640x128xf32, #tpu.memory_space<hbm>>
      tpu.wait_dma2 semaphore(%run_scoped3A_11 : memref<!tpu.dma_semaphore, #tpu.memory_space<semaphore_mem>>) src(%dma_wait3A_17 : memref<640x128xf32, #tpu.memory_space<hbm>>) dst(%dma_wait3A_15 : memref<640x128xf32, #tpu.memory_space<vmem_shared>>)
      tpu.yield
    }) : () -> ()
    %run_scoped3A = arith.constant 0 : i32
    "tpu.region"() ({
      %run_scoped3A_11 = tpu.sem_alloc : memref<!tpu.dma_semaphore, #tpu.memory_space<semaphore_mem>>
      %dma_start3A = arith.constant 0 : i32
      %dma_start3A_12 = arith.constant 0 : i32
      %dma_start3A_13 = tpu.memref_slice %arg7[%dma_start3A, %dma_start3A_12] : memref<25x80xi32, #tpu.memory_space<vmem>> -> memref<25x80xi32, #tpu.memory_space<vmem>>
      %dma_start3A_14 = arith.constant 0 : i32
      %dma_start3A_15 = arith.constant 0 : i32
      %dma_start3A_16 = tpu.memref_slice %arg3[%run_scoped3A, %add3A, %dma_start3A_14, %dma_start3A_15] : memref<1x32x25x80xi32, #tpu.memory_space<hbm>> -> memref<1x1x25x80xi32, #tpu.memory_space<hbm>>
      %dma_start3A_17 = tpu.memref_squeeze %dma_start3A_16 : memref<1x1x25x80xi32, #tpu.memory_space<hbm>> -> memref<25x80xi32, #tpu.memory_space<hbm>>
      %dma_start3A_18 = arith.constant 0 : i32
      %dma_start3A_19 = arith.constant 0 : i32
      %dma_start3A_20 = tpu.memref_slice %arg7[%dma_start3A_18, %dma_start3A_19] : memref<25x80xi32, #tpu.memory_space<vmem>> -> memref<25x80xi32, #tpu.memory_space<vmem>>
      %dma_start3A_21 = arith.constant 0 : i32
      %dma_start3A_22 = arith.constant 0 : i32
      %dma_start3A_23 = tpu.memref_slice %arg3[%run_scoped3A, %add3A, %dma_start3A_21, %dma_start3A_22] : memref<1x32x25x80xi32, #tpu.memory_space<hbm>> -> memref<1x1x25x80xi32, #tpu.memory_space<hbm>>
      %dma_start3A_24 = tpu.memref_squeeze %dma_start3A_23 : memref<1x1x25x80xi32, #tpu.memory_space<hbm>> -> memref<25x80xi32, #tpu.memory_space<hbm>>
      tpu.enqueue_dma source(%dma_start3A_24 : memref<25x80xi32, #tpu.memory_space<hbm>>) target(%dma_start3A_20 : memref<25x80xi32, #tpu.memory_space<vmem>>) target_semaphore(%run_scoped3A_11 : memref<!tpu.dma_semaphore, #tpu.memory_space<semaphore_mem>>)
      %dma_wait3A = arith.constant 0 : i32
      %dma_wait3A_25 = arith.constant 0 : i32
      %dma_wait3A_26 = tpu.memref_slice %arg7[%dma_wait3A, %dma_wait3A_25] : memref<25x80xi32, #tpu.memory_space<vmem>> -> memref<25x80xi32, #tpu.memory_space<vmem>>
      %dma_wait3A_27 = arith.constant 0 : i32
      %dma_wait3A_28 = arith.constant 0 : i32
      %dma_wait3A_29 = tpu.memref_slice %arg3[%run_scoped3A, %add3A, %dma_wait3A_27, %dma_wait3A_28] : memref<1x32x25x80xi32, #tpu.memory_space<hbm>> -> memref<1x1x25x80xi32, #tpu.memory_space<hbm>>
      %dma_wait3A_30 = tpu.memref_squeeze %dma_wait3A_29 : memref<1x1x25x80xi32, #tpu.memory_space<hbm>> -> memref<25x80xi32, #tpu.memory_space<hbm>>
      %dma_wait3A_31 = arith.constant 0 : i32
      %dma_wait3A_32 = arith.constant 0 : i32
      %dma_wait3A_33 = tpu.memref_slice %arg7[%dma_wait3A_31, %dma_wait3A_32] : memref<25x80xi32, #tpu.memory_space<vmem>> -> memref<25x80xi32, #tpu.memory_space<vmem>>
      %dma_wait3A_34 = arith.constant 0 : i32
      %dma_wait3A_35 = arith.constant 0 : i32
      %dma_wait3A_36 = tpu.memref_slice %arg3[%run_scoped3A, %add3A, %dma_wait3A_34, %dma_wait3A_35] : memref<1x32x25x80xi32, #tpu.memory_space<hbm>> -> memref<1x1x25x80xi32, #tpu.memory_space<hbm>>
      %dma_wait3A_37 = tpu.memref_squeeze %dma_wait3A_36 : memref<1x1x25x80xi32, #tpu.memory_space<hbm>> -> memref<25x80xi32, #tpu.memory_space<hbm>>
      tpu.wait_dma2 semaphore(%run_scoped3A_11 : memref<!tpu.dma_semaphore, #tpu.memory_space<semaphore_mem>>) src(%dma_wait3A_37 : memref<25x80xi32, #tpu.memory_space<hbm>>) dst(%dma_wait3A_33 : memref<25x80xi32, #tpu.memory_space<vmem>>)
      tpu.yield
    }) : () -> ()
    %barrier3A = arith.constant 0 : index
    tpu.barrier barrier_id(%barrier3A)
    %scan3A = arith.constant 0 : i32
    %scan3A_5 = arith.constant 0 : i32
    %scan3A_6 = arith.constant 25 : i32
    %scan3A_7 = arith.addi %scan3A_5, %scan3A_6 : i32
    %scan3A_8 = arith.constant 1 : i32
    scf.for %scan3A_11 = %scan3A_5 to %scan3A_7 step %scan3A_8  : i32 {
      %mul3A_12 = arith.constant 80 : i32
      %mul3A_13 = arith.muli %scan3A_11, %mul3A_12 : i32
      %add3A_14 = arith.addi %mul3A_2, %mul3A_13 : i32
      "tpu.region"() ({
        %run_scoped3A_17 = tpu.sem_alloc : memref<!tpu.dma_semaphore, #tpu.memory_space<semaphore_mem>>
        %dma_start3A = arith.constant 0 : i32
        %dma_start3A_18 = tpu.memref_slice %arg2[%add3A_14, %dma_start3A] : memref<64000x128xf32, #tpu.memory_space<hbm>> -> memref<80x128xf32, #tpu.memory_space<hbm>>
        %dma_start3A_19 = arith.constant 0 : i32
        %dma_start3A_20 = tpu.memref_slice %arg2[%add3A_14, %dma_start3A_19] : memref<64000x128xf32, #tpu.memory_space<hbm>> -> memref<80x128xf32, #tpu.memory_space<hbm>>
        tpu.enqueue_dma source(%dma_start3A_20 : memref<80x128xf32, #tpu.memory_space<hbm>>) target(%arg8 : memref<80x128xf32, #tpu.memory_space<vmem>>) target_semaphore(%run_scoped3A_17 : memref<!tpu.dma_semaphore, #tpu.memory_space<semaphore_mem>>)
        %dma_wait3A = arith.constant 0 : i32
        %dma_wait3A_21 = tpu.memref_slice %arg2[%add3A_14, %dma_wait3A] : memref<64000x128xf32, #tpu.memory_space<hbm>> -> memref<80x128xf32, #tpu.memory_space<hbm>>
        %dma_wait3A_22 = arith.constant 0 : i32
        %dma_wait3A_23 = tpu.memref_slice %arg2[%add3A_14, %dma_wait3A_22] : memref<64000x128xf32, #tpu.memory_space<hbm>> -> memref<80x128xf32, #tpu.memory_space<hbm>>
        tpu.wait_dma2 semaphore(%run_scoped3A_17 : memref<!tpu.dma_semaphore, #tpu.memory_space<semaphore_mem>>) src(%dma_wait3A_23 : memref<80x128xf32, #tpu.memory_space<hbm>>) dst(%arg8 : memref<80x128xf32, #tpu.memory_space<vmem>>)
        tpu.yield
      }) : () -> ()
      %add3A_15 = arith.constant 0 : i32
      %add3A_16 = arith.addi %add3A_15, %scan3A_11 : i32
      "tpu.region"() ({
        %run_scoped3A_17 = tpu.sem_alloc : memref<!tpu.dma_semaphore, #tpu.memory_space<semaphore_mem>>
        %dma_start3A = arith.constant 0 : i32
        %dma_start3A_18 = tpu.memref_slice %arg7[%add3A_16, %dma_start3A] : memref<25x80xi32, #tpu.memory_space<vmem>> -> memref<1x80xi32, #tpu.memory_space<vmem>>
        %dma_start3A_19 = tpu.memref_squeeze %dma_start3A_18 : memref<1x80xi32, #tpu.memory_space<vmem>> -> memref<80xi32, #tpu.memory_space<vmem>>
        %dma_start3A_20 = arith.constant 0 : i32
        %dma_start3A_21 = arith.constant 0 : i32
        %dma_start3A_22 = tpu.memref_slice %arg9[%dma_start3A_20, %dma_start3A_21] : memref<10240x128xf32, #tpu.memory_space<vmem_shared>> -> memref<10240x128xf32, #tpu.memory_space<vmem_shared>>
        tpu.enqueue_indirect_dma source(%arg8 : memref<80x128xf32, #tpu.memory_space<vmem>>) target(%dma_start3A_22 : memref<10240x128xf32, #tpu.memory_space<vmem_shared>>) offsets(%dma_start3A_19 : memref<80xi32, #tpu.memory_space<vmem>>) semaphore(%run_scoped3A_17 : memref<!tpu.dma_semaphore, #tpu.memory_space<semaphore_mem>>) {add = true}
        %dma_wait3A = arith.constant 0 : i32
        %dma_wait3A_23 = tpu.memref_slice %arg7[%add3A_16, %dma_wait3A] : memref<25x80xi32, #tpu.memory_space<vmem>> -> memref<1x80xi32, #tpu.memory_space<vmem>>
        %dma_wait3A_24 = tpu.memref_squeeze %dma_wait3A_23 : memref<1x80xi32, #tpu.memory_space<vmem>> -> memref<80xi32, #tpu.memory_space<vmem>>
        %dma_wait3A_25 = arith.constant 0 : i32
        %dma_wait3A_26 = arith.constant 0 : i32
        %dma_wait3A_27 = tpu.memref_slice %arg9[%dma_wait3A_25, %dma_wait3A_26] : memref<10240x128xf32, #tpu.memory_space<vmem_shared>> -> memref<10240x128xf32, #tpu.memory_space<vmem_shared>>
        tpu.wait_indirect_dma semaphore(%run_scoped3A_17 : memref<!tpu.dma_semaphore, #tpu.memory_space<semaphore_mem>>) src(%arg8 : memref<80x128xf32, #tpu.memory_space<vmem>>) dst(%dma_wait3A_27 : memref<10240x128xf32, #tpu.memory_space<vmem_shared>>)
        tpu.yield
      }) : () -> ()
    }
    %scan3A_9 = arith.constant 25 : i32
    %barrier3A_10 = arith.constant 0 : index
    tpu.barrier barrier_id(%barrier3A_10)
    "tpu.region"() ({
      %run_scoped3A_11 = tpu.sem_alloc : memref<!tpu.dma_semaphore, #tpu.memory_space<semaphore_mem>>
      %dma_start3A = arith.constant 0 : i32
      %dma_start3A_12 = tpu.memref_slice %arg6[%arg0, %mul3A_4, %dma_start3A] : memref<2x10240x128xf32, #tpu.memory_space<hbm>> -> memref<1x640x128xf32, #tpu.memory_space<hbm>>
      %dma_start3A_13 = tpu.memref_squeeze %dma_start3A_12 : memref<1x640x128xf32, #tpu.memory_space<hbm>> -> memref<640x128xf32, #tpu.memory_space<hbm>>
      %dma_start3A_14 = arith.constant 0 : i32
      %dma_start3A_15 = tpu.memref_slice %arg9[%mul3A_4, %dma_start3A_14] : memref<10240x128xf32, #tpu.memory_space<vmem_shared>> -> memref<640x128xf32, #tpu.memory_space<vmem_shared>>
      tpu.enqueue_dma source(%dma_start3A_15 : memref<640x128xf32, #tpu.memory_space<vmem_shared>>) target(%dma_start3A_13 : memref<640x128xf32, #tpu.memory_space<hbm>>) target_semaphore(%run_scoped3A_11 : memref<!tpu.dma_semaphore, #tpu.memory_space<semaphore_mem>>)
      %dma_wait3A = arith.constant 0 : i32
      %dma_wait3A_16 = tpu.memref_slice %arg6[%arg0, %mul3A_4, %dma_wait3A] : memref<2x10240x128xf32, #tpu.memory_space<hbm>> -> memref<1x640x128xf32, #tpu.memory_space<hbm>>
      %dma_wait3A_17 = tpu.memref_squeeze %dma_wait3A_16 : memref<1x640x128xf32, #tpu.memory_space<hbm>> -> memref<640x128xf32, #tpu.memory_space<hbm>>
      %dma_wait3A_18 = arith.constant 0 : i32
      %dma_wait3A_19 = tpu.memref_slice %arg9[%mul3A_4, %dma_wait3A_18] : memref<10240x128xf32, #tpu.memory_space<vmem_shared>> -> memref<640x128xf32, #tpu.memory_space<vmem_shared>>
      tpu.wait_dma2 semaphore(%run_scoped3A_11 : memref<!tpu.dma_semaphore, #tpu.memory_space<semaphore_mem>>) src(%dma_wait3A_19 : memref<640x128xf32, #tpu.memory_space<vmem_shared>>) dst(%dma_wait3A_17 : memref<640x128xf32, #tpu.memory_space<hbm>>)
      tpu.yield
    }) : () -> ()
    return
  }
}

module attributes {stable_mosaic.version = 14 : i64} {
  func.func @_edge_body(%arg0: i32, %arg1: memref<2560x16xf32, #tpu.memory_space<vmem>>, %arg2: memref<2560x256xf32, #tpu.memory_space<vmem>>, %arg3: memref<16x512xbf16, #tpu.memory_space<vmem>>, %arg4: memref<256x512xbf16, #tpu.memory_space<vmem>>, %arg5: memref<1x512xf32, #tpu.memory_space<vmem>>, %arg6: memref<512x128xbf16, #tpu.memory_space<vmem>>, %arg7: memref<1x128xf32, #tpu.memory_space<vmem>>, %arg8: memref<2560x128xf32, #tpu.memory_space<vmem>>, %arg9: memref<1x128xf32, #tpu.memory_space<vmem>>) attributes {dimension_semantics = [#tpu.dimension_semantics<arbitrary>], iteration_bounds = array<i64: 25>, scalar_prefetch = 0 : i64, scratch_operands = 0 : i64, tpu.core_type = #tpu.core_type<tc>, window_params = [{transform_indices = @transform_0, window_bounds = array<i64: 2560, 16>}, {transform_indices = @transform_1, window_bounds = array<i64: 2560, 256>}, {pipeline_mode = #tpu.pipeline_mode<synchronous>, transform_indices = @transform_2, window_bounds = array<i64: 16, 512>}, {pipeline_mode = #tpu.pipeline_mode<synchronous>, transform_indices = @transform_3, window_bounds = array<i64: 256, 512>}, {pipeline_mode = #tpu.pipeline_mode<synchronous>, transform_indices = @transform_4, window_bounds = array<i64: 1, 512>}, {pipeline_mode = #tpu.pipeline_mode<synchronous>, transform_indices = @transform_5, window_bounds = array<i64: 512, 128>}, {pipeline_mode = #tpu.pipeline_mode<synchronous>, transform_indices = @transform_6, window_bounds = array<i64: 1, 128>}, {transform_indices = @transform_7, window_bounds = array<i64: 2560, 128>}, {pipeline_mode = #tpu.pipeline_mode<synchronous>, transform_indices = @transform_8, window_bounds = array<i64: 1, 128>}]} {
    %get3A = arith.constant 0 : index
    %get3A_0 = arith.constant 0 : index
    %get3A_1 = vector.load %arg1[%get3A, %get3A_0] : memref<2560x16xf32, #tpu.memory_space<vmem>>, vector<2560x16xf32>
    %convert_element_type3A = arith.truncf %get3A_1 : vector<2560x16xf32> to vector<2560x16xbf16>
    %get3A_2 = arith.constant 0 : index
    %get3A_3 = arith.constant 0 : index
    %get3A_4 = vector.load %arg3[%get3A_2, %get3A_3] : memref<16x512xbf16, #tpu.memory_space<vmem>>, vector<16x512xbf16>
    %dot_general3A = arith.constant dense<0.000000e+00> : vector<2560x512xf32>
    %dot_general3A_5 = tpu.matmul %convert_element_type3A, %get3A_4, %dot_general3A {dimension_numbers = #tpu.dot_dimension_numbers<[1], [0], [0], [1], [0, 0, 1, 1], [], []>, transpose_lhs_hint = false} : vector<2560x16xbf16>, vector<16x512xbf16>, vector<2560x512xf32> -> vector<2560x512xf32>
    %get3A_6 = arith.constant 0 : index
    %get3A_7 = arith.constant 0 : index
    %get3A_8 = vector.load %arg2[%get3A_6, %get3A_7] : memref<2560x256xf32, #tpu.memory_space<vmem>>, vector<2560x256xf32>
    %convert_element_type3A_9 = arith.truncf %get3A_8 : vector<2560x256xf32> to vector<2560x256xbf16>
    %get3A_10 = arith.constant 0 : index
    %get3A_11 = arith.constant 0 : index
    %get3A_12 = vector.load %arg4[%get3A_10, %get3A_11] : memref<256x512xbf16, #tpu.memory_space<vmem>>, vector<256x512xbf16>
    %dot_general3A_13 = arith.constant dense<0.000000e+00> : vector<2560x512xf32>
    %dot_general3A_14 = tpu.matmul %convert_element_type3A_9, %get3A_12, %dot_general3A_13 {dimension_numbers = #tpu.dot_dimension_numbers<[1], [0], [0], [1], [0, 0, 1, 1], [], []>, transpose_lhs_hint = false} : vector<2560x256xbf16>, vector<256x512xbf16>, vector<2560x512xf32> -> vector<2560x512xf32>
    %add3A = arith.addf %dot_general3A_5, %dot_general3A_14 : vector<2560x512xf32>
    %get3A_15 = arith.constant 0 : index
    %get3A_16 = arith.constant 0 : index
    %get3A_17 = vector.load %arg5[%get3A_15, %get3A_16] : memref<1x512xf32, #tpu.memory_space<vmem>>, vector<1x512xf32>
    %add3A_18 = vector.broadcast %get3A_17 : vector<1x512xf32> to vector<2560x512xf32>
    %add3A_19 = arith.addf %add3A, %add3A_18 : vector<2560x512xf32>
    %max3A = arith.constant 0.000000e+00 : f32
    %max3A_20 = vector.broadcast %max3A : f32 to vector<2560x512xf32>
    %max3A_21 = arith.maximumf %add3A_19, %max3A_20 : vector<2560x512xf32>
    %convert_element_type3A_22 = arith.truncf %max3A_21 : vector<2560x512xf32> to vector<2560x512xbf16>
    %get3A_23 = arith.constant 0 : index
    %get3A_24 = arith.constant 0 : index
    %get3A_25 = vector.load %arg6[%get3A_23, %get3A_24] : memref<512x128xbf16, #tpu.memory_space<vmem>>, vector<512x128xbf16>
    %dot_general3A_26 = arith.constant dense<0.000000e+00> : vector<2560x128xf32>
    %dot_general3A_27 = tpu.matmul %convert_element_type3A_22, %get3A_25, %dot_general3A_26 {dimension_numbers = #tpu.dot_dimension_numbers<[1], [0], [0], [1], [0, 0, 1, 1], [], []>, transpose_lhs_hint = false} : vector<2560x512xbf16>, vector<512x128xbf16>, vector<2560x128xf32> -> vector<2560x128xf32>
    %get3A_28 = arith.constant 0 : index
    %get3A_29 = arith.constant 0 : index
    %get3A_30 = vector.load %arg7[%get3A_28, %get3A_29] : memref<1x128xf32, #tpu.memory_space<vmem>>, vector<1x128xf32>
    %add3A_31 = vector.broadcast %get3A_30 : vector<1x128xf32> to vector<2560x128xf32>
    %add3A_32 = arith.addf %dot_general3A_27, %add3A_31 : vector<2560x128xf32>
    %swap3A = arith.constant 0 : index
    %swap3A_33 = arith.constant 0 : index
    %swap3A_34 = vector.load %arg8[%swap3A, %swap3A_33] : memref<2560x128xf32, #tpu.memory_space<vmem>>, vector<2560x128xf32>
    tpu.vector_store %arg8[%swap3A, %swap3A_33], %add3A_32 {strides = array<i32>} : memref<2560x128xf32, #tpu.memory_space<vmem>>, vector<2560x128xf32>,
    %eq3A = arith.constant 0 : i32
    %eq3A_35 = arith.cmpi eq, %arg0, %eq3A : i32
    %convert_element_type3A_36 = arith.extui %eq3A_35 : i1 to i32
    %cond3A = arith.constant 0 : i32
    %cond3A_37 = arith.cmpi ne, %convert_element_type3A_36, %cond3A : i32
    scf.if %cond3A_37 {
      %broadcast_in_dim3A_46 = arith.constant 0.000000e+00 : f32
      %broadcast_in_dim3A_47 = vector.broadcast %broadcast_in_dim3A_46 : f32 to vector<1x128xf32>
      %swap3A_48 = arith.constant 0 : index
      %swap3A_49 = arith.constant 0 : index
      %swap3A_50 = vector.load %arg9[%swap3A_48, %swap3A_49] : memref<1x128xf32, #tpu.memory_space<vmem>>, vector<1x128xf32>
      tpu.vector_store %arg9[%swap3A_48, %swap3A_49], %broadcast_in_dim3A_47 {strides = array<i32>} : memref<1x128xf32, #tpu.memory_space<vmem>>, vector<1x128xf32>,
    } else {
    }
    %get3A_38 = arith.constant 0 : index
    %get3A_39 = arith.constant 0 : index
    %get3A_40 = vector.load %arg9[%get3A_38, %get3A_39] : memref<1x128xf32, #tpu.memory_space<vmem>>, vector<1x128xf32>
    %reduce_sum3A = arith.constant dense<0.000000e+00> : vector<128xf32>
    %reduce_sum3A_41 = vector.multi_reduction <add>, %add3A_32, %reduce_sum3A [0] : vector<2560x128xf32> to vector<128xf32>
    %broadcast_in_dim3A = vector.shape_cast %reduce_sum3A_41 : vector<128xf32> to vector<1x128xf32>
    %add3A_42 = arith.addf %get3A_40, %broadcast_in_dim3A : vector<1x128xf32>
    %swap3A_43 = arith.constant 0 : index
    %swap3A_44 = arith.constant 0 : index
    %swap3A_45 = vector.load %arg9[%swap3A_43, %swap3A_44] : memref<1x128xf32, #tpu.memory_space<vmem>>, vector<1x128xf32>
    tpu.vector_store %arg9[%swap3A_43, %swap3A_44], %add3A_42 {strides = array<i32>} : memref<1x128xf32, #tpu.memory_space<vmem>>, vector<1x128xf32>,
    return
  }
  func.func @transform_0(%arg0: i32) -> (i32, i32) {
    %c0_i32 = arith.constant 0 : i32
    %c0_i32_0 = arith.constant 0 : i32
    return %arg0, %c0_i32 : i32, i32
  }
  func.func @transform_1(%arg0: i32) -> (i32, i32) {
    %c0_i32 = arith.constant 0 : i32
    %c0_i32_0 = arith.constant 0 : i32
    return %arg0, %c0_i32 : i32, i32
  }
  func.func @transform_2(%arg0: i32) -> (i32, i32) {
    %c0_i32 = arith.constant 0 : i32
    %c0_i32_0 = arith.constant 0 : i32
    %c0_i32_1 = arith.constant 0 : i32
    return %c0_i32, %c0_i32_0 : i32, i32
  }
  func.func @transform_3(%arg0: i32) -> (i32, i32) {
    %c0_i32 = arith.constant 0 : i32
    %c0_i32_0 = arith.constant 0 : i32
    %c0_i32_1 = arith.constant 0 : i32
    return %c0_i32, %c0_i32_0 : i32, i32
  }
  func.func @transform_4(%arg0: i32) -> (i32, i32) {
    %c0_i32 = arith.constant 0 : i32
    %c0_i32_0 = arith.constant 0 : i32
    %c0_i32_1 = arith.constant 0 : i32
    return %c0_i32, %c0_i32_0 : i32, i32
  }
  func.func @transform_5(%arg0: i32) -> (i32, i32) {
    %c0_i32 = arith.constant 0 : i32
    %c0_i32_0 = arith.constant 0 : i32
    %c0_i32_1 = arith.constant 0 : i32
    return %c0_i32, %c0_i32_0 : i32, i32
  }
  func.func @transform_6(%arg0: i32) -> (i32, i32) {
    %c0_i32 = arith.constant 0 : i32
    %c0_i32_0 = arith.constant 0 : i32
    %c0_i32_1 = arith.constant 0 : i32
    return %c0_i32, %c0_i32_0 : i32, i32
  }
  func.func @transform_7(%arg0: i32) -> (i32, i32) {
    %c0_i32 = arith.constant 0 : i32
    %c0_i32_0 = arith.constant 0 : i32
    return %arg0, %c0_i32 : i32, i32
  }
  func.func @transform_8(%arg0: i32) -> (i32, i32) {
    %c0_i32 = arith.constant 0 : i32
    %c0_i32_0 = arith.constant 0 : i32
    %c0_i32_1 = arith.constant 0 : i32
    return %c0_i32, %c0_i32_0 : i32, i32
  }
}

module attributes {stable_mosaic.version = 14 : i64} {
  func.func @_node_body(%arg0: i32, %arg1: memref<2000x128xf32, #tpu.memory_space<vmem>>, %arg2: memref<2x2000x128xf32, #tpu.memory_space<vmem>>, %arg3: memref<2x2000x128xf32, #tpu.memory_space<vmem>>, %arg4: memref<2x2000x128xf32, #tpu.memory_space<vmem>>, %arg5: memref<1x128xf32, #tpu.memory_space<vmem>>, %arg6: memref<128x512xbf16, #tpu.memory_space<vmem>>, %arg7: memref<128x512xbf16, #tpu.memory_space<vmem>>, %arg8: memref<1x512xf32, #tpu.memory_space<vmem>>, %arg9: memref<512x128xbf16, #tpu.memory_space<vmem>>, %arg10: memref<1x128xf32, #tpu.memory_space<vmem>>, %arg11: memref<128x512xf32, #tpu.memory_space<vmem>>, %arg12: memref<128x512xf32, #tpu.memory_space<vmem>>, %arg13: memref<1x512xf32, #tpu.memory_space<vmem>>, %arg14: memref<512x128xf32, #tpu.memory_space<vmem>>, %arg15: memref<1x128xf32, #tpu.memory_space<vmem>>, %arg16: memref<2000x128xf32, #tpu.memory_space<vmem>>, %arg17: memref<1x128xf32, #tpu.memory_space<vmem>>, %arg18: memref<1x128xf32, #tpu.memory_space<vmem>>) attributes {dimension_semantics = [#tpu.dimension_semantics<arbitrary>], iteration_bounds = array<i64: 5>, scalar_prefetch = 0 : i64, scratch_operands = 1 : i64, tpu.core_type = #tpu.core_type<tc>, window_params = [{transform_indices = @transform_0, window_bounds = array<i64: 2000, 128>}, {transform_indices = @transform_1, window_bounds = array<i64: 2, 2000, 128>}, {transform_indices = @transform_2, window_bounds = array<i64: 2, 2000, 128>}, {transform_indices = @transform_3, window_bounds = array<i64: 2, 2000, 128>}, {pipeline_mode = #tpu.pipeline_mode<synchronous>, transform_indices = @transform_4, window_bounds = array<i64: 1, 128>}, {pipeline_mode = #tpu.pipeline_mode<synchronous>, transform_indices = @transform_5, window_bounds = array<i64: 128, 512>}, {pipeline_mode = #tpu.pipeline_mode<synchronous>, transform_indices = @transform_6, window_bounds = array<i64: 128, 512>}, {pipeline_mode = #tpu.pipeline_mode<synchronous>, transform_indices = @transform_7, window_bounds = array<i64: 1, 512>}, {pipeline_mode = #tpu.pipeline_mode<synchronous>, transform_indices = @transform_8, window_bounds = array<i64: 512, 128>}, {pipeline_mode = #tpu.pipeline_mode<synchronous>, transform_indices = @transform_9, window_bounds = array<i64: 1, 128>}, {pipeline_mode = #tpu.pipeline_mode<synchronous>, transform_indices = @transform_10, window_bounds = array<i64: 128, 512>}, {pipeline_mode = #tpu.pipeline_mode<synchronous>, transform_indices = @transform_11, window_bounds = array<i64: 128, 512>}, {pipeline_mode = #tpu.pipeline_mode<synchronous>, transform_indices = @transform_12, window_bounds = array<i64: 1, 512>}, {pipeline_mode = #tpu.pipeline_mode<synchronous>, transform_indices = @transform_13, window_bounds = array<i64: 512, 128>}, {pipeline_mode = #tpu.pipeline_mode<synchronous>, transform_indices = @transform_14, window_bounds = array<i64: 1, 128>}, {transform_indices = @transform_15, window_bounds = array<i64: 2000, 128>}, {pipeline_mode = #tpu.pipeline_mode<synchronous>, transform_indices = @transform_16, window_bounds = array<i64: 1, 128>}]} {
    %get3A = arith.constant 0 : index
    %get3A_0 = arith.constant 0 : index
    %get3A_1 = arith.constant 0 : index
    %get3A_2 = vector.load %arg2[%get3A, %get3A_0, %get3A_1] : memref<2x2000x128xf32, #tpu.memory_space<vmem>>, vector<1x2000x128xf32>
    %get3A_3 = vector.shape_cast %get3A_2 : vector<1x2000x128xf32> to vector<2000x128xf32>
    %get3A_4 = arith.constant 1 : index
    %get3A_5 = arith.constant 0 : index
    %get3A_6 = arith.constant 0 : index
    %get3A_7 = vector.load %arg2[%get3A_4, %get3A_5, %get3A_6] : memref<2x2000x128xf32, #tpu.memory_space<vmem>>, vector<1x2000x128xf32>
    %get3A_8 = vector.shape_cast %get3A_7 : vector<1x2000x128xf32> to vector<2000x128xf32>
    %add3A = arith.addf %get3A_3, %get3A_8 : vector<2000x128xf32>
    %get3A_9 = arith.constant 0 : index
    %get3A_10 = arith.constant 0 : index
    %get3A_11 = arith.constant 0 : index
    %get3A_12 = vector.load %arg3[%get3A_9, %get3A_10, %get3A_11] : memref<2x2000x128xf32, #tpu.memory_space<vmem>>, vector<1x2000x128xf32>
    %get3A_13 = vector.shape_cast %get3A_12 : vector<1x2000x128xf32> to vector<2000x128xf32>
    %add3A_14 = arith.addf %add3A, %get3A_13 : vector<2000x128xf32>
    %get3A_15 = arith.constant 1 : index
    %get3A_16 = arith.constant 0 : index
    %get3A_17 = arith.constant 0 : index
    %get3A_18 = vector.load %arg3[%get3A_15, %get3A_16, %get3A_17] : memref<2x2000x128xf32, #tpu.memory_space<vmem>>, vector<1x2000x128xf32>
    %get3A_19 = vector.shape_cast %get3A_18 : vector<1x2000x128xf32> to vector<2000x128xf32>
    %add3A_20 = arith.addf %add3A_14, %get3A_19 : vector<2000x128xf32>
    %get3A_21 = arith.constant 0 : index
    %get3A_22 = arith.constant 0 : index
    %get3A_23 = arith.constant 0 : index
    %get3A_24 = vector.load %arg4[%get3A_21, %get3A_22, %get3A_23] : memref<2x2000x128xf32, #tpu.memory_space<vmem>>, vector<1x2000x128xf32>
    %get3A_25 = vector.shape_cast %get3A_24 : vector<1x2000x128xf32> to vector<2000x128xf32>
    %add3A_26 = arith.addf %add3A_20, %get3A_25 : vector<2000x128xf32>
    %get3A_27 = arith.constant 1 : index
    %get3A_28 = arith.constant 0 : index
    %get3A_29 = arith.constant 0 : index
    %get3A_30 = vector.load %arg4[%get3A_27, %get3A_28, %get3A_29] : memref<2x2000x128xf32, #tpu.memory_space<vmem>>, vector<1x2000x128xf32>
    %get3A_31 = vector.shape_cast %get3A_30 : vector<1x2000x128xf32> to vector<2000x128xf32>
    %add3A_32 = arith.addf %add3A_26, %get3A_31 : vector<2000x128xf32>
    %get3A_33 = arith.constant 0 : index
    %get3A_34 = arith.constant 0 : index
    %get3A_35 = vector.load %arg1[%get3A_33, %get3A_34] : memref<2000x128xf32, #tpu.memory_space<vmem>>, vector<2000x128xf32>
    %convert_element_type3A = arith.truncf %get3A_35 : vector<2000x128xf32> to vector<2000x128xbf16>
    %get3A_36 = arith.constant 0 : index
    %get3A_37 = arith.constant 0 : index
    %get3A_38 = vector.load %arg6[%get3A_36, %get3A_37] : memref<128x512xbf16, #tpu.memory_space<vmem>>, vector<128x512xbf16>
    %dot_general3A = arith.constant dense<0.000000e+00> : vector<2000x512xf32>
    %dot_general3A_39 = tpu.matmul %convert_element_type3A, %get3A_38, %dot_general3A {dimension_numbers = #tpu.dot_dimension_numbers<[1], [0], [0], [1], [0, 0, 1, 1], [], []>, transpose_lhs_hint = false} : vector<2000x128xbf16>, vector<128x512xbf16>, vector<2000x512xf32> -> vector<2000x512xf32>
    %convert_element_type3A_40 = arith.truncf %add3A_32 : vector<2000x128xf32> to vector<2000x128xbf16>
    %get3A_41 = arith.constant 0 : index
    %get3A_42 = arith.constant 0 : index
    %get3A_43 = vector.load %arg7[%get3A_41, %get3A_42] : memref<128x512xbf16, #tpu.memory_space<vmem>>, vector<128x512xbf16>
    %dot_general3A_44 = arith.constant dense<0.000000e+00> : vector<2000x512xf32>
    %dot_general3A_45 = tpu.matmul %convert_element_type3A_40, %get3A_43, %dot_general3A_44 {dimension_numbers = #tpu.dot_dimension_numbers<[1], [0], [0], [1], [0, 0, 1, 1], [], []>, transpose_lhs_hint = false} : vector<2000x128xbf16>, vector<128x512xbf16>, vector<2000x512xf32> -> vector<2000x512xf32>
    %add3A_46 = arith.addf %dot_general3A_39, %dot_general3A_45 : vector<2000x512xf32>
    %get3A_47 = arith.constant 0 : index
    %get3A_48 = arith.constant 0 : index
    %get3A_49 = vector.load %arg8[%get3A_47, %get3A_48] : memref<1x512xf32, #tpu.memory_space<vmem>>, vector<1x512xf32>
    %add3A_50 = vector.broadcast %get3A_49 : vector<1x512xf32> to vector<2000x512xf32>
    %add3A_51 = arith.addf %add3A_46, %add3A_50 : vector<2000x512xf32>
    %max3A = arith.constant 0.000000e+00 : f32
    %max3A_52 = vector.broadcast %max3A : f32 to vector<2000x512xf32>
    %max3A_53 = arith.maximumf %add3A_51, %max3A_52 : vector<2000x512xf32>
    %convert_element_type3A_54 = arith.truncf %max3A_53 : vector<2000x512xf32> to vector<2000x512xbf16>
    %get3A_55 = arith.constant 0 : index
    %get3A_56 = arith.constant 0 : index
    %get3A_57 = vector.load %arg9[%get3A_55, %get3A_56] : memref<512x128xbf16, #tpu.memory_space<vmem>>, vector<512x128xbf16>
    %dot_general3A_58 = arith.constant dense<0.000000e+00> : vector<2000x128xf32>
    %dot_general3A_59 = tpu.matmul %convert_element_type3A_54, %get3A_57, %dot_general3A_58 {dimension_numbers = #tpu.dot_dimension_numbers<[1], [0], [0], [1], [0, 0, 1, 1], [], []>, transpose_lhs_hint = false} : vector<2000x512xbf16>, vector<512x128xbf16>, vector<2000x128xf32> -> vector<2000x128xf32>
    %get3A_60 = arith.constant 0 : index
    %get3A_61 = arith.constant 0 : index
    %get3A_62 = vector.load %arg10[%get3A_60, %get3A_61] : memref<1x128xf32, #tpu.memory_space<vmem>>, vector<1x128xf32>
    %add3A_63 = vector.broadcast %get3A_62 : vector<1x128xf32> to vector<2000x128xf32>
    %add3A_64 = arith.addf %dot_general3A_59, %add3A_63 : vector<2000x128xf32>
    %swap3A = arith.constant 0 : index
    %swap3A_65 = arith.constant 0 : index
    %swap3A_66 = vector.load %arg16[%swap3A, %swap3A_65] : memref<2000x128xf32, #tpu.memory_space<vmem>>, vector<2000x128xf32>
    tpu.vector_store %arg16[%swap3A, %swap3A_65], %add3A_64 {strides = array<i32>} : memref<2000x128xf32, #tpu.memory_space<vmem>>, vector<2000x128xf32>,
    %eq3A = arith.constant 0 : i32
    %eq3A_67 = arith.cmpi eq, %arg0, %eq3A : i32
    %convert_element_type3A_68 = arith.extui %eq3A_67 : i1 to i32
    %cond3A = arith.constant 0 : i32
    %cond3A_69 = arith.cmpi ne, %convert_element_type3A_68, %cond3A : i32
    scf.if %cond3A_69 {
      %broadcast_in_dim3A_83 = arith.constant 0.000000e+00 : f32
      %broadcast_in_dim3A_84 = vector.broadcast %broadcast_in_dim3A_83 : f32 to vector<1x128xf32>
      %swap3A_85 = arith.constant 0 : index
      %swap3A_86 = arith.constant 0 : index
      %swap3A_87 = vector.load %arg18[%swap3A_85, %swap3A_86] : memref<1x128xf32, #tpu.memory_space<vmem>>, vector<1x128xf32>
      tpu.vector_store %arg18[%swap3A_85, %swap3A_86], %broadcast_in_dim3A_84 {strides = array<i32>} : memref<1x128xf32, #tpu.memory_space<vmem>>, vector<1x128xf32>,
    } else {
    }
    %get3A_70 = arith.constant 0 : index
    %get3A_71 = arith.constant 0 : index
    %get3A_72 = vector.load %arg18[%get3A_70, %get3A_71] : memref<1x128xf32, #tpu.memory_space<vmem>>, vector<1x128xf32>
    %reduce_sum3A = arith.constant dense<0.000000e+00> : vector<128xf32>
    %reduce_sum3A_73 = vector.multi_reduction <add>, %add3A_64, %reduce_sum3A [0] : vector<2000x128xf32> to vector<128xf32>
    %broadcast_in_dim3A = vector.shape_cast %reduce_sum3A_73 : vector<128xf32> to vector<1x128xf32>
    %add3A_74 = arith.addf %get3A_72, %broadcast_in_dim3A : vector<1x128xf32>
    %swap3A_75 = arith.constant 0 : index
    %swap3A_76 = arith.constant 0 : index
    %swap3A_77 = vector.load %arg18[%swap3A_75, %swap3A_76] : memref<1x128xf32, #tpu.memory_space<vmem>>, vector<1x128xf32>
    tpu.vector_store %arg18[%swap3A_75, %swap3A_76], %add3A_74 {strides = array<i32>} : memref<1x128xf32, #tpu.memory_space<vmem>>, vector<1x128xf32>,
    %eq3A_78 = arith.constant 4 : i32
    %eq3A_79 = arith.cmpi eq, %arg0, %eq3A_78 : i32
    %convert_element_type3A_80 = arith.extui %eq3A_79 : i1 to i32
    %cond3A_81 = arith.constant 0 : i32
    %cond3A_82 = arith.cmpi ne, %convert_element_type3A_80, %cond3A_81 : i32
    scf.if %cond3A_82 {
      %get3A_83 = arith.constant 0 : index
      %get3A_84 = arith.constant 0 : index
      %get3A_85 = vector.load %arg18[%get3A_83, %get3A_84] : memref<1x128xf32, #tpu.memory_space<vmem>>, vector<1x128xf32>
      %get3A_86 = arith.constant 0 : index
      %get3A_87 = arith.constant 0 : index
      %get3A_88 = vector.load %arg11[%get3A_86, %get3A_87] : memref<128x512xf32, #tpu.memory_space<vmem>>, vector<128x512xf32>
      %dot_general3A_89 = arith.constant dense<0.000000e+00> : vector<1x512xf32>
      %dot_general3A_90 = tpu.matmul %get3A_85, %get3A_88, %dot_general3A_89 {dimension_numbers = #tpu.dot_dimension_numbers<[1], [0], [0], [1], [0, 0, 1, 1], [], []>, transpose_lhs_hint = false} : vector<1x128xf32>, vector<128x512xf32>, vector<1x512xf32> -> vector<1x512xf32>
      %get3A_91 = arith.constant 0 : index
      %get3A_92 = arith.constant 0 : index
      %get3A_93 = vector.load %arg5[%get3A_91, %get3A_92] : memref<1x128xf32, #tpu.memory_space<vmem>>, vector<1x128xf32>
      %get3A_94 = arith.constant 0 : index
      %get3A_95 = arith.constant 0 : index
      %get3A_96 = vector.load %arg12[%get3A_94, %get3A_95] : memref<128x512xf32, #tpu.memory_space<vmem>>, vector<128x512xf32>
      %dot_general3A_97 = arith.constant dense<0.000000e+00> : vector<1x512xf32>
      %dot_general3A_98 = tpu.matmul %get3A_93, %get3A_96, %dot_general3A_97 {dimension_numbers = #tpu.dot_dimension_numbers<[1], [0], [0], [1], [0, 0, 1, 1], [], []>, transpose_lhs_hint = false} : vector<1x128xf32>, vector<128x512xf32>, vector<1x512xf32> -> vector<1x512xf32>
      %add3A_99 = arith.addf %dot_general3A_90, %dot_general3A_98 : vector<1x512xf32>
      %get3A_100 = arith.constant 0 : index
      %get3A_101 = arith.constant 0 : index
      %get3A_102 = vector.load %arg13[%get3A_100, %get3A_101] : memref<1x512xf32, #tpu.memory_space<vmem>>, vector<1x512xf32>
      %add3A_103 = arith.addf %add3A_99, %get3A_102 : vector<1x512xf32>
      %max3A_104 = arith.constant 0.000000e+00 : f32
      %max3A_105 = vector.broadcast %max3A_104 : f32 to vector<1x512xf32>
      %max3A_106 = arith.maximumf %add3A_103, %max3A_105 : vector<1x512xf32>
      %get3A_107 = arith.constant 0 : index
      %get3A_108 = arith.constant 0 : index
      %get3A_109 = vector.load %arg14[%get3A_107, %get3A_108] : memref<512x128xf32, #tpu.memory_space<vmem>>, vector<512x128xf32>
      %dot_general3A_110 = arith.constant dense<0.000000e+00> : vector<1x128xf32>
      %dot_general3A_111 = tpu.matmul %max3A_106, %get3A_109, %dot_general3A_110 {dimension_numbers = #tpu.dot_dimension_numbers<[1], [0], [0], [1], [0, 0, 1, 1], [], []>, transpose_lhs_hint = false} : vector<1x512xf32>, vector<512x128xf32>, vector<1x128xf32> -> vector<1x128xf32>
      %get3A_112 = arith.constant 0 : index
      %get3A_113 = arith.constant 0 : index
      %get3A_114 = vector.load %arg15[%get3A_112, %get3A_113] : memref<1x128xf32, #tpu.memory_space<vmem>>, vector<1x128xf32>
      %add3A_115 = arith.addf %dot_general3A_111, %get3A_114 : vector<1x128xf32>
      %swap3A_116 = arith.constant 0 : index
      %swap3A_117 = arith.constant 0 : index
      %swap3A_118 = vector.load %arg17[%swap3A_116, %swap3A_117] : memref<1x128xf32, #tpu.memory_space<vmem>>, vector<1x128xf32>
      tpu.vector_store %arg17[%swap3A_116, %swap3A_117], %add3A_115 {strides = array<i32>} : memref<1x128xf32, #tpu.memory_space<vmem>>, vector<1x128xf32>,
    } else {
    }
    return
  }
  func.func @transform_0(%arg0: i32) -> (i32, i32) {
    %c0_i32 = arith.constant 0 : i32
    %c0_i32_0 = arith.constant 0 : i32
    return %arg0, %c0_i32 : i32, i32
  }
  func.func @transform_1(%arg0: i32) -> (i32, i32, i32) {
    %c0_i32 = arith.constant 0 : i32
    %c0_i32_0 = arith.constant 0 : i32
    %c0_i32_1 = arith.constant 0 : i32
    return %c0_i32, %arg0, %c0_i32_0 : i32, i32, i32
  }
  func.func @transform_2(%arg0: i32) -> (i32, i32, i32) {
    %c0_i32 = arith.constant 0 : i32
    %c0_i32_0 = arith.constant 0 : i32
    %c0_i32_1 = arith.constant 0 : i32
    return %c0_i32, %arg0, %c0_i32_0 : i32, i32, i32
  }
  func.func @transform_3(%arg0: i32) -> (i32, i32, i32) {
    %c0_i32 = arith.constant 0 : i32
    %c0_i32_0 = arith.constant 0 : i32
    %c0_i32_1 = arith.constant 0 : i32
    return %c0_i32, %arg0, %c0_i32_0 : i32, i32, i32
  }
  func.func @transform_4(%arg0: i32) -> (i32, i32) {
    %c0_i32 = arith.constant 0 : i32
    %c0_i32_0 = arith.constant 0 : i32
    %c0_i32_1 = arith.constant 0 : i32
    return %c0_i32, %c0_i32_0 : i32, i32
  }
  func.func @transform_5(%arg0: i32) -> (i32, i32) {
    %c0_i32 = arith.constant 0 : i32
    %c0_i32_0 = arith.constant 0 : i32
    %c0_i32_1 = arith.constant 0 : i32
    return %c0_i32, %c0_i32_0 : i32, i32
  }
  func.func @transform_6(%arg0: i32) -> (i32, i32) {
    %c0_i32 = arith.constant 0 : i32
    %c0_i32_0 = arith.constant 0 : i32
    %c0_i32_1 = arith.constant 0 : i32
    return %c0_i32, %c0_i32_0 : i32, i32
  }
  func.func @transform_7(%arg0: i32) -> (i32, i32) {
    %c0_i32 = arith.constant 0 : i32
    %c0_i32_0 = arith.constant 0 : i32
    %c0_i32_1 = arith.constant 0 : i32
    return %c0_i32, %c0_i32_0 : i32, i32
  }
  func.func @transform_8(%arg0: i32) -> (i32, i32) {
    %c0_i32 = arith.constant 0 : i32
    %c0_i32_0 = arith.constant 0 : i32
    %c0_i32_1 = arith.constant 0 : i32
    return %c0_i32, %c0_i32_0 : i32, i32
  }
  func.func @transform_9(%arg0: i32) -> (i32, i32) {
    %c0_i32 = arith.constant 0 : i32
    %c0_i32_0 = arith.constant 0 : i32
    %c0_i32_1 = arith.constant 0 : i32
    return %c0_i32, %c0_i32_0 : i32, i32
  }
  func.func @transform_10(%arg0: i32) -> (i32, i32) {
    %c0_i32 = arith.constant 0 : i32
    %c0_i32_0 = arith.constant 0 : i32
    %c0_i32_1 = arith.constant 0 : i32
    return %c0_i32, %c0_i32_0 : i32, i32
  }
  func.func @transform_11(%arg0: i32) -> (i32, i32) {
    %c0_i32 = arith.constant 0 : i32
    %c0_i32_0 = arith.constant 0 : i32
    %c0_i32_1 = arith.constant 0 : i32
    return %c0_i32, %c0_i32_0 : i32, i32
  }
  func.func @transform_12(%arg0: i32) -> (i32, i32) {
    %c0_i32 = arith.constant 0 : i32
    %c0_i32_0 = arith.constant 0 : i32
    %c0_i32_1 = arith.constant 0 : i32
    return %c0_i32, %c0_i32_0 : i32, i32
  }
  func.func @transform_13(%arg0: i32) -> (i32, i32) {
    %c0_i32 = arith.constant 0 : i32
    %c0_i32_0 = arith.constant 0 : i32
    %c0_i32_1 = arith.constant 0 : i32
    return %c0_i32, %c0_i32_0 : i32, i32
  }
  func.func @transform_14(%arg0: i32) -> (i32, i32) {
    %c0_i32 = arith.constant 0 : i32
    %c0_i32_0 = arith.constant 0 : i32
    %c0_i32_1 = arith.constant 0 : i32
    return %c0_i32, %c0_i32_0 : i32, i32
  }
  func.func @transform_15(%arg0: i32) -> (i32, i32) {
    %c0_i32 = arith.constant 0 : i32
    %c0_i32_0 = arith.constant 0 : i32
    return %arg0, %c0_i32 : i32, i32
  }
  func.func @transform_16(%arg0: i32) -> (i32, i32) {
    %c0_i32 = arith.constant 0 : i32
    %c0_i32_0 = arith.constant 0 : i32
    %c0_i32_1 = arith.constant 0 : i32
    return %c0_i32, %c0_i32_0 : i32, i32
  }
}

</mosaic_0001>

<sc_bundles>
// kernel: kernel.16.cloned.1.call-start
scs
__scs_entry_jumppad:
0x0: {  	(pc) =	sbr.rel $0x88, $3  }
0x1: {  	(tag) =	ssettag $0x0;
	lr =	simm.s32 $0x1  }
0x2: {  	[smem:$0x3F91] =	sst lr;
	_ =	strace $0xD0000000  }
0x3: {  	_ = 	snop  }
0x4: {  	_ = 	snop  }
0x5: {  	_ = 	snop  }
0x6: {  	_ = 	snop  }
0x7: {  	_ = 	snop  }
__scs_overlays_trampoline_lowered:
0x8: {  	[smem:$0x3FA0] =	sst s0  }
0x9: {  	[smem:$0x3FA1] =	sst s1  }
0xa: {  	[smem:$0x3FA2] =	sst s2  }
0xb: {  	[smem:$0x3FA3] =	sst s3  }
0xc: {  	[smem:$0x3FA4] =	sst s4  }
0xd: {  	[smem:$0x3FA5] =	sst s5  }
0xe: {  	[smem:$0x3FA6] =	sst s6  }
0xf: {  	[smem:$0x3FA7] =	sst s7  }
0x10: {  	[smem:$0x3FA8] =	sst s8  }
0x11: {  	[smem:$0x3FA9] =	sst s9;
	s0 =	simm.s32 @!p0 $0x0  }
0x12: {  	s1 =	sld [smem:$0x3F8F];
	s0 =	simm.s32 @p0 $0x1  }
0x13: {  	[smem:$0x3FAA] =	sst s0;
	s0 =	simm.s32 @!p1 $0x0  }
0x14: {  	s2 =	sld [smem:$0x3F8E];
	s0 =	simm.s32 @p1 $0x1  }
0x15: {  	[smem:$0x3FAB] =	sst s0;
	s0 =	simm.s32 @!p2 $0x0  }
0x16: {  	s3 =	sld [smem:$0x3FDB];
	s0 =	simm.s32 @p2 $0x1  }
0x17: {  	s4 =	simm.s32 $0x1BF5;
	[smem:$0x3FAD] =	sst s0  }
0x18: {  	s0 =	sld [smem:$0x3F90];
	_ =	swait.ge [sflag:s4], $0x0  }
0x19: {  	s7 =	sld [smem:$0x3F91]  }
0x1a: {  	s8 =	sadd.s32 $0xFFFFE003, lr  }
0x1b: {  	s9 =	sadd.s32 $0xFFFFFEF7, lr;
	s5 =	simm.s32 $0xFFFFFFFF;
	p2 =	slt.u32 s8, $0xFFFFF086  }
0x1c: {  	p1 =	slt.u32 s9, $0xF7A;
	s5 =	simm.s32 @!p2 $0x0  }
0x1d: {  	s5 =	simm.s32 @p1 $0x1;
	p0 =	seq.s32 s7, s2  }
0x1e: {  	s7 =	smul.u32 @!p0 $0xF7A, s2;
	p2 =	seq.s32 @!p0 s5, $0x0  }
0x1f: {  	s9 =	smul.u32 $0xF7A, s1;
	s8 =	simm.s32 @!p0 $0x1BF5;
	p2 =	por !p2, p0  }
0x20: {  	[sflag:s8] =	ssyncset.s32 @!p0 $0xFFFFF086;
	s6 =	sadd.s32 @!p0 s3, s7;
	s7 =	simm.s32 @!p0 $0x108  }
0x21: {  	s3 =	sadd.s32 s3, s9;
	s6 =	sadd.s32 @!p0 $0x88, s6;
	s7 =	simm.s32 @p2 $0x1082  }
0x22: {  	[simem:s7], [sflag:s8] =	dma.local @!p0 [hbm:s6], $0xF7A  }
0x23: {  	s9 =	sor.u32 $0xD0000000, s2;
	s6 =	simm.s32 $0x108;
	_ =	swait.ge @!p0 [sflag:s8], $0x0  }
0x24: {  	s3 =	sadd.s32 $0x88, s3;
	s6 =	simm.s32 @!p1 $0x1082;
	[sflag:s4] =	ssyncset.s32 $0xFFFFF086  }
0x25: {  	[simem:s6], [sflag:s4] =	dma.local [hbm:s3], $0xF7A  }
0x26: {  	[smem:$0x3F91] =	sst s1;
	(tag) =	ssettag s2;
	_ =	strace s9  }
0x27: {  	s1 =	sld [smem:$0x3FA1]  }
0x28: {  	s2 =	sld [smem:$0x3FA2]  }
0x29: {  	s4 =	sld [smem:$0x3FA4]  }
0x2a: {  	p0 =	seq.s32 s5, $0x0;
	s5 =	sld [smem:$0x3FA5]  }
0x2b: {  	s6 =	sld [smem:$0x3FA6]  }
0x2c: {  	s7 =	sld [smem:$0x3FA7]  }
0x2d: {  	s3 =	simm.s32 $0x108;
	s8 =	sld [smem:$0x3FA8]  }
0x2e: {  	s3 =	simm.s32 @!p0 $0x1082;
	s9 =	sld [smem:$0x3FA9]  }
0x2f: {  	lr =	sadd.s32 s0, s3;
	s0 =	sld [smem:$0x3FA0]  }
0x30: {  	s3 =	sld [smem:$0x3FA3]  }
0x31: {  	[smem:$0x3FAC] =	sst s10  }
0x32: {  	s10 =	sld [smem:$0x3FAA];
	_ =	sdelay $0x3  }
0x33: {  	p0 =	seq.s32 s10, $0x1;
	s10 =	sld [smem:$0x3FAC];
	_ =	sdelay $0x3  }
0x34: {  	[smem:$0x3FAC] =	sst s10  }
0x35: {  	s10 =	sld [smem:$0x3FAB];
	_ =	sdelay $0x3  }
0x36: {  	p1 =	seq.s32 s10, $0x1;
	s10 =	sld [smem:$0x3FAC];
	_ =	sdelay $0x3  }
0x37: {  	[smem:$0x3FAC] =	sst s10  }
0x38: {  	s10 =	sld [smem:$0x3FAD]  }
0x39: {  	_ = 	snop;
	(pc) =	sbr.ind lr, $3  }
0x3a: {  	_ = 	snop  }
0x3b: {  	_ = 	snop  }
0x3c: {  	p2 =	seq.s32 s10, $0x1;
	s10 =	sld [smem:$0x3FAC]  }
0x3d: {  	_ =	shalt  }
0x3e: {  	_ =	shalt  }
0x3f: {  	_ =	shalt  }
0x40: {  	_ =	shalt  }
0x41: {  	_ =	shalt  }
0x42: {  	_ =	shalt  }
0x43: {  	_ =	shalt  }
0x44: {  	_ =	shalt  }
0x45: {  	_ =	shalt  }
0x46: {  	_ =	shalt  }
0x47: {  	_ =	shalt  }
0x48: {  	_ =	shalt  }
0x49: {  	_ =	shalt  }
0x4a: {  	_ =	shalt  }
0x4b: {  	_ =	shalt  }
0x4c: {  	_ =	shalt  }
0x4d: {  	_ =	shalt  }
0x4e: {  	_ =	shalt  }
0x4f: {  	_ =	shalt  }
0x50: {  	_ =	shalt  }
0x51: {  	_ =	shalt  }
0x52: {  	_ =	shalt  }
0x53: {  	_ =	shalt  }
0x54: {  	_ =	shalt  }
0x55: {  	_ =	shalt  }
0x56: {  	_ =	shalt  }
0x57: {  	_ =	shalt  }
0x58: {  	_ =	shalt  }
0x59: {  	_ =	shalt  }
0x5a: {  	_ =	shalt  }
0x5b: {  	_ =	shalt  }
0x5c: {  	_ =	shalt  }
0x5d: {  	_ =	shalt  }
0x5e: {  	_ =	shalt  }
0x5f: {  	_ =	shalt  }
0x60: {  	_ =	shalt  }
0x61: {  	_ =	shalt  }
0x62: {  	_ =	shalt  }
0x63: {  	_ =	shalt  }
0x64: {  	_ =	shalt  }
0x65: {  	_ =	shalt  }
0x66: {  	_ =	shalt  }
0x67: {  	_ =	shalt  }
0x68: {  	_ =	shalt  }
0x69: {  	_ =	shalt  }
0x6a: {  	_ =	shalt  }
0x6b: {  	_ =	shalt  }
0x6c: {  	_ =	shalt  }
0x6d: {  	_ =	shalt  }
0x6e: {  	_ =	shalt  }
0x6f: {  	_ =	shalt  }
0x70: {  	_ =	shalt  }
0x71: {  	_ =	shalt  }
0x72: {  	_ =	shalt  }
0x73: {  	_ =	shalt  }
0x74: {  	_ =	shalt  }
0x75: {  	_ =	shalt  }
0x76: {  	_ =	shalt  }
0x77: {  	_ =	shalt  }
0x78: {  	_ =	shalt  }
0x79: {  	_ =	shalt  }
0x7a: {  	_ =	shalt  }
0x7b: {  	_ =	shalt  }
0x7c: {  	_ =	shalt  }
0x7d: {  	_ =	shalt  }
0x7e: {  	_ =	shalt  }
0x7f: {  	_ =	shalt  }
0x80: {  	_ =	shalt  }
0x81: {  	_ =	shalt  }
0x82: {  	_ =	shalt  }
0x83: {  	_ =	shalt  }
0x84: {  	_ =	shalt  }
0x85: {  	_ =	shalt  }
0x86: {  	_ =	shalt  }
0x87: {  	_ =	shalt  }
.Lfunc_end0:
.L_simem_size_0:
called_computation_lowered:
.L_overlay_start_0:
0x88: {  	s2 =	sld [smem:$0x3FD9]  }
0x89: {  	s3 =	sld [smem:$0x3FFE];
	_ =	sdelay $0x1  }
0x8a: {  	s1 =	srdreg.scid  }
0x8b: {  	s0 =	sand.u32 $0x1, s1  }
0x8c: {  	s15 =	sshll.u32 s0, $0xA;
	s2 =	sadd.s32 s3, s2  }
0x8d: {  	s2 =	sadd.s32 s2, s15  }
0x8e: {  	[smem:$0x3FB8] =	sst s2  }
0x8f: {  	_ = 	snop  }
0x90: {  	s16 =	sld [smem:$0x3FD0];
	_ =	sdelay $0x2  }
0x91: {  	s4 =	simm.s32 $0xD;
	s5 =	simm.s32 $0x10;
	s2 =	sld [smem:$0x3FC7]  }
0x92: {  	[smem:s5], [sflag:s4] =	dma.local [hbm:s16], $0x1  }
0x93: {  	_ =	swait.eq [sflag:s4], $0x1  }
0x94: {  	[sflag:s4] =	ssyncset.done $0x0  }
0x95: {  	[sflag:s4] =	ssyncadd.s32 $0xFFFFFFFF  }
0x96: {  	s17 =	sld [smem:$0x10];
	(tm) =	ssettm $0x1  }
0x97: {  	s18 =	sld [smem:$0x3FFB];
	_ =	sdelay $0x3  }
0x98: {  	_ =	strace s18  }
0x99: {  	s3 =	sld [smem:$0x3FFC];
	_ =	sdelay $0x3  }
0x9a: {  	_ =	strace s3  }
0x9b: {  	s3 =	sld [smem:$0x3FFD];
	_ =	sdelay $0x3  }
0x9c: {  	_ =	strace s3  }
0x9d: {  	_ =	strace $0x8FFFFFFF  }
0x9e: {  	s19 =	sld [smem:$0x3FDB];
	_ =	sdelay $0x1  }
0x9f: {  	s20 =	simm.s32 $_scs_section_size  }
0xa0: {  	s6 =	simm.s32 $_size__tile_overlayer_lowered;
	s7 =	simm.s32 $_tile_overlayer_lowered  }
0xa1: {  	s8 =	simm.s32 $0x1BFF;
	s21 =	sshll.u32 s7, $0x1;
	s5 =	sadd.s32 s20, s19  }
0xa2: {  	s22 =	simm.s32 $0x0;
	s6 =	sshll.u32 s6, $0x1;
	s7 =	sadd.s32 s21, s5  }
0xa3: {  	[timem:s22], [sflag:s8] =	dma.local [hbm:s7], s6  }
0xa4: {  	_ =	swait.ge [sflag:s8], s6  }
0xa5: {  	s6 =	ssub.s32 $0x0, s6;
	[sflag:s8] =	ssyncset.done $0x0  }
0xa6: {  	[sflag:s8] =	ssyncadd.s32 s6;
	_ =	sdelay $0x1  }
0xa7: {  	s23 =	simm.s32 $0x1B8B  }
0xa8: {  	_ =	swait.ge [sflag:s23], $0x1  }
0xa9: {  	[sflag:s23] =	ssyncset.done $0x0  }
0xaa: {  	[sflag:s23] =	ssyncadd.s32 $0xFFFFFFFF  }
0xab: {  	s6 =	sld [smem:$0x0]  }
0xac: {  	s7 =	sand.u32 $0xFFFFFFFE, s1  }
0xad: {  	p0 =	sne.s32 s1, s7  }
0xae: {  	s7 =	sshll.u32 @p0 s7, $0xE  }
0xaf: {  	s7 =	sadd.s32 @p0 $0x11B8D, s7;
	s8 =	sshll.u32 @p0 s6, $0x11  }
0xb0: {  	s7 =	sor.u32 @p0 s8, s7  }
0xb1: {  	[sflag:s7] =	ssyncadd.remote.s32 @p0 $0x1;
	_ =	sdelay $0x1  }
0xb2: {  	s7 =	simm.s32 @p0 $0x1B8D  }
0xb3: {  	_ =	swait.eq @p0 [sflag:s7], $0x1  }
0xb4: {  	[sflag:s7] =	ssyncadd.s32 @p0 $0xFFFFFFFF  }
0xb5: {  	s8 =	sshll.u32 @!p0 s1, $0xE  }
0xb6: {  	s8 =	sor.u32 @!p0 $0x4000, s8;
	s7 =	simm.s32 @!p0 $0x1B8D  }
0xb7: {  	s6 =	sshll.u32 @!p0 s6, $0x11;
	s8 =	sadd.s32 @!p0 $0x11B8D, s8;
	_ =	swait.eq @!p0 [sflag:s7], $0x1  }
0xb8: {  	s6 =	sor.u32 @!p0 s6, s8;
	[sflag:s7] =	ssyncadd.s32 @!p0 $0xFFFFFFFF  }
0xb9: {  	s25 =	simm.s32 $0x1B8E;
	s24 =	sld [smem:$0x3FFE];
	[sflag:s6] =	ssyncadd.remote.s32 @!p0 $0x1  }
0xba: {  	s26 =	simm.s32 $execute0_lowered;
	[smem:$0x3FD2] =	sst s25  }
0xbb: {  	s7 =	sshll.u32 s26, $0x1;
	_ =	strace $0x80000049;
	[dreg:$0x1] =	wrdreg $0xFFFFFFFF  }
0xbc: {  	s28 =	simm.s32 $_size_execute0_lowered;
	s5 =	sadd.s32 s5, s7;
	[dreg:$0x0] =	wrdreg $0x0  }
0xbd: {  	s7 =	sshll.u32 s28, $0x1;
	[dreg:$0x2] =	wrdreg s5  }
0xbe: {  	[dreg:$0x3] =	wrdreg s7  }
0xbf: {  	[dreg:$0x4] =	wrdreg $0xC0  }
0xc0: {  	_ =	task [dreg:s22], $0x5FFFF  }
0xc1: {  	[dreg:$0x1] =	wrdreg $0xFFFFFFFF  }
0xc2: {  	[dreg:$0x0] =	wrdreg $0x60  }
0xc3: {  	[dreg:$0x2] =	wrdreg s2  }
0xc4: {  	[dreg:$0x3] =	wrdreg s24  }
0xc5: {  	[dreg:$0x4] =	wrdreg s17  }
0xc6: {  	[dreg:$0x5] =	wrdreg $0xB  }
0xc7: {  	_ =	task.clear_ibuf [dreg:s22], $0x6FFFF;
	_ =	strace $0x90000049  }
0xc8: {  	s29 =	simm.s32 $0xB;
	_ =	strace $0x8000004B  }
0xc9: {  	_ =	swait.ge [sflag:s29], $0x1  }
0xca: {  	[sflag:s29] =	ssyncadd.s32 $0xFFFFFFFF  }
0xcb: {  	_ =	strace $0x9000004B  }
0xcc: {  	_ =	sfence  }
0xcd: {  	s30 =	sld [smem:$0x0];
	_ =	sdelay $0x2  }
0xce: {  	s31 =	sshll.u32 s1, $0xD;
	s1 =	sshrl.u32 s1, $0x2  }
0xcf: {  	s4 =	sand.u32 $0x4000, s31;
	s1 =	sadd.s32 s1, s30  }
0xd0: {  	s0 =	sor.u32 s4, s0;
	s1 =	sshll.u32 s1, $0x11  }
0xd1: {  	s0 =	sor.u32 s1, s0  }
0xd2: {  	s0 =	sadd.s32 $0x8F2B, s0  }
0xd3: {  	[sflag:s0] =	ssyncadd.remote.s32 $0x1  }
0xd4: {  	_ =	sfence.sel $0xFFFF  }
0xd5: {  	[dreg:$0x0] =	wrdreg $0xFFFFFFFF;
	(pc) =	sbr.abs _section_cstart, $3  }
0xd6: {  	[dreg:$0x1] =	wrdreg $0xFFFFFFFF  }
0xd7: {  	_ =	task.clear_ibuf [dreg:s22], $0x2FFFF;
	_ =	strace $0x9FFFFFFF  }
0xd8: {  	(tm) =	ssettm $0x7FFFFFFF  }
0xd9: {  	_ =	shalt  }
tec
execute0_lowered:
.L_overlay_start_1:
0x0: {  	(tag) =	ssettag $0x1  }
0x1: {  	s1 =	rddreg [dreg:$0x0]  }
0x2: {  	s4 =	rddreg [dreg:$0x1]  }
0x3: {  	s2 =	srdreg.scid;
	s0 =	stileid.u32  }
0x4: {  	s5 =	rddreg [dreg:$0x2];
	s3 =	simm.s32 $0x0;
	s11 =	simm.s32 $0x1000  }
0x5: {  	s12 =	simm.s32 $0xD800;
	s13 =	simm.s32 $0x3800;
	s14 =	simm.s32 $0x10000  }
0x6: {  	s15 =	simm.s32 $0x6000;
	s16 =	simm.s32 $0x12800;
	s17 =	simm.s32 $0x8800  }
0x7: {  	s18 =	simm.s32 $0x15000;
	s19 =	simm.s32 $0xB000;
	s20 =	simm.s32 $0x17800  }
0x8: {  	s21 =	simm.s32 $0x1;
	s22 =	simm.s32 $0x400;
	s23 =	simm.s32 $0x2  }
0x9: {  	s24 =	simm.s32 $0x0;
	s6 =	sand.u32 $0x1, s2;
	s2 =	rddreg [dreg:$0x3]  }
0xa: {  	s7 =	sshll.u32 s0, $0x1;
	[smem:$0x7FF] =	sst s3;
	s9 =	smul.u32 $0x1F400, s0  }
0xb: {  	s7 =	sor.u32 s6, s7;
	s8 =	ssub.s32 $0x2, s6;
	s10 =	smul.u32 $0xFA00, s6  }
0xc: {  	_ =	strace $0x8000004A;
	s7 =	smul.u32 $0x7D0, s7;
	s28 =	sshrl.u32 s8, $0x1  }
0xd: {  	s30 =	sadd.s32 s9, s5;
	s9 =	simm.s32 $0x800;
	s29 =	ssub.s32 s8, s28  }
0xe: {  	s31 =	sadd.s32 s10, s30;
	s8 =	simm.s32 $0x3;
	s7 =	sshrl.u32 s7, $0x3  }
0xf: {  	s10 =	simm.s32 $0x50;
	s6 =	smax.u32 s29, $0x1;
	s7 =	sadd.s32 s7, s4  }
0x10: {  	s4 =	sadd.s32 $0x217800, s7;
	s5 =	sadd.s32 $0x215800, s7;
	s7 =	sadd.s32 $0x80, s31  }
.LBB2_1:
0x11: {  	[tilespmem:s3], [sflag:$0x3] =	stream.linear.gather [hbm4b:s4+s3], $0x7D0, $0x38;
	[tilespmem:$0x1A000] =	vst v63  }
0x12: {  	_ =	swait.ge [sflag:s8], $0x7D0  }
0x13: {  	[sflag:s8] =	ssyncset.done $0x0  }
0x14: {  	[sflag:s8] =	ssyncadd.s32 $0xFFFFF830  }
0x15: {  	[tilespmem:s9], [sflag:$0x3] =	stream.linear.gather [hbm4b:s5+s3], $0x7D0, $0x38;
	[tilespmem:$0x1A000] =	vst v63  }
0x16: {  	_ =	swait.ge [sflag:s8], $0x7D0  }
0x17: {  	[sflag:s8] =	ssyncset.done $0x0  }
0x18: {  	s25 =	simm.s32 $0x0;
	[sflag:s8] =	ssyncadd.s32 $0xFFFFF830  }
0x19: {  	[tilespmem:s11], [sflag:$0x1] =	stream.indirect.gather [hbm4b:s1+s10], $0x80, s25, s10, $0xb8;
	[tilespmem:$0x1A000] =	vst v63  }
0x1a: {  	s30 =	simm.s32 $0x800  }
0x1b: {  	[tilespmem:s12], [sflag:$0x1] =	stream.indirect.gather [hbm4b:s1+s10], $0x80, s30, s10, $0xb8;
	[tilespmem:$0x1A000] =	vst v63  }
0x1c: {  	s31 =	simm.s32 $0x50  }
0x1d: {  	[tilespmem:s13], [sflag:$0x1] =	stream.indirect.gather [hbm4b:s1+s10], $0x80, s31, s10, $0xb8;
	[tilespmem:$0x1A000] =	vst v63  }
0x1e: {  	s26 =	simm.s32 $0x850  }
0x1f: {  	[tilespmem:s14], [sflag:$0x1] =	stream.indirect.gather [hbm4b:s1+s10], $0x80, s26, s10, $0xb8;
	[tilespmem:$0x1A000] =	vst v63  }
0x20: {  	s28 =	simm.s32 $0xA0  }
0x21: {  	[tilespmem:s15], [sflag:$0x1] =	stream.indirect.gather [hbm4b:s1+s10], $0x80, s28, s10, $0xb8;
	[tilespmem:$0x1A000] =	vst v63  }
0x22: {  	s30 =	simm.s32 $0x8A0  }
0x23: {  	[tilespmem:s16], [sflag:$0x1] =	stream.indirect.gather [hbm4b:s1+s10], $0x80, s30, s10, $0xb8;
	[tilespmem:$0x1A000] =	vst v63  }
0x24: {  	s31 =	simm.s32 $0xF0  }
0x25: {  	[tilespmem:s17], [sflag:$0x1] =	stream.indirect.gather [hbm4b:s1+s10], $0x80, s31, s10, $0xb8;
	[tilespmem:$0x1A000] =	vst v63  }
0x26: {  	s26 =	simm.s32 $0x8F0  }
0x27: {  	[tilespmem:s18], [sflag:$0x1] =	stream.indirect.gather [hbm4b:s1+s10], $0x80, s26, s10, $0xb8;
	[tilespmem:$0x1A000] =	vst v63  }
0x28: {  	s28 =	simm.s32 $0x140  }
0x29: {  	[tilespmem:s19], [sflag:$0x1] =	stream.indirect.gather [hbm4b:s1+s10], $0x80, s28, s10, $0xb8;
	[tilespmem:$0x1A000] =	vst v63  }
0x2a: {  	s30 =	simm.s32 $0x940  }
0x2b: {  	[tilespmem:s20], [sflag:$0x1] =	stream.indirect.gather [hbm4b:s1+s10], $0x80, s30, s10, $0xb8;
	[tilespmem:$0x1A000] =	vst v63  }
0x2c: {  	_ =	swait.ge [sflag:s21], $0x2800  }
0x2d: {  	[sflag:s21] =	ssyncset.done $0x0  }
0x2e: {  	[sflag:s21] =	ssyncadd.s32 $0xFFFFD800  }
0x2f: {  	_ =	swait.ge [sflag:s21], $0x2800  }
0x30: {  	[sflag:s21] =	ssyncset.done $0x0  }
0x31: {  	[sflag:s21] =	ssyncadd.s32 $0xFFFFD800  }
0x32: {  	_ =	swait.ge [sflag:s21], $0x2800  }
0x33: {  	[sflag:s21] =	ssyncset.done $0x0  }
0x34: {  	[sflag:s21] =	ssyncadd.s32 $0xFFFFD800  }
0x35: {  	_ =	swait.ge [sflag:s21], $0x2800  }
0x36: {  	[sflag:s21] =	ssyncset.done $0x0  }
0x37: {  	[sflag:s21] =	ssyncadd.s32 $0xFFFFD800  }
0x38: {  	_ =	swait.ge [sflag:s21], $0x2800  }
0x39: {  	[sflag:s21] =	ssyncset.done $0x0  }
0x3a: {  	[sflag:s21] =	ssyncadd.s32 $0xFFFFD800  }
0x3b: {  	_ =	swait.ge [sflag:s21], $0x2800  }
0x3c: {  	[sflag:s21] =	ssyncset.done $0x0  }
0x3d: {  	[sflag:s21] =	ssyncadd.s32 $0xFFFFD800  }
0x3e: {  	_ =	swait.ge [sflag:s21], $0x2800  }
0x3f: {  	[sflag:s21] =	ssyncset.done $0x0  }
0x40: {  	[sflag:s21] =	ssyncadd.s32 $0xFFFFD800  }
0x41: {  	_ =	swait.ge [sflag:s21], $0x2800  }
0x42: {  	[sflag:s21] =	ssyncset.done $0x0  }
0x43: {  	[sflag:s21] =	ssyncadd.s32 $0xFFFFD800  }
0x44: {  	_ =	swait.ge [sflag:s21], $0x2800  }
0x45: {  	[sflag:s21] =	ssyncset.done $0x0  }
0x46: {  	[sflag:s21] =	ssyncadd.s32 $0xFFFFD800  }
0x47: {  	_ =	swait.ge [sflag:s21], $0x2800  }
0x48: {  	[sflag:s21] =	ssyncset.done $0x0  }
0x49: {  	s31 =	sadd.s32 $0xFFFFFF80, s7;
	[sflag:s21] =	ssyncadd.s32 $0xFFFFD800  }
0x4a: {  	[hbm4b:s31+s22] =	stream.strided.scatter [tilespmem:s11], [sflag:$0x2], $0xC800, s9, s22, $0x38;
	[tilespmem:$0x1A000] =	vst v63  }
0x4b: {  	_ = 	snop  }
0x4c: {  	[hbm4b:s7+s22] =	stream.strided.scatter [tilespmem:s12], [sflag:$0x2], $0xC800, s9, s22, $0x38;
	[tilespmem:$0x1A000] =	vst v63  }
0x4d: {  	_ =	swait.ge [sflag:s23], $0xC800  }
0x4e: {  	[sflag:s23] =	ssyncset.done $0x0  }
0x4f: {  	[sflag:s23] =	ssyncadd.s32 $0xFFFF3800  }
0x50: {  	s29 =	simm.s32 $0xC80;
	_ =	swait.ge [sflag:s23], $0xC800  }
0x51: {  	s25 =	sadd.s32 $0x3200, s7;
	s26 =	simm.s32 $0x640;
	[sflag:s23] =	ssyncset.done $0x0  }
.LBB2_2:
0x52: {  	s30 =	sshra.s32 s26, $0x2  }
0x53: {  	[sflag:s23] =	ssyncadd.s32 $0xFFFF3800;
	s26 =	smov.u32 s29;
	s28 =	sadd.s32 $0x640, s29  }
0x54: {  	[tilespmem:s11], [sflag:$0x1] =	stream.indirect.gather [hbm4b:s1+s10], $0x80, s30, s10, $0xb8;
	[tilespmem:$0x1A000] =	vst v63  }
0x55: {  	p0 =	sne.s32 s29, $0x1900;
	s29 =	sadd.s32 $0x800, s30  }
0x56: {  	[tilespmem:s12], [sflag:$0x1] =	stream.indirect.gather [hbm4b:s1+s10], $0x80, s29, s10, $0xb8;
	[tilespmem:$0x1A000] =	vst v63  }
0x57: {  	s29 =	sadd.s32 $0x50, s30  }
0x58: {  	[tilespmem:s13], [sflag:$0x1] =	stream.indirect.gather [hbm4b:s1+s10], $0x80, s29, s10, $0xb8;
	[tilespmem:$0x1A000] =	vst v63  }
0x59: {  	s29 =	sadd.s32 $0x850, s30  }
0x5a: {  	[tilespmem:s14], [sflag:$0x1] =	stream.indirect.gather [hbm4b:s1+s10], $0x80, s29, s10, $0xb8;
	[tilespmem:$0x1A000] =	vst v63  }
0x5b: {  	s29 =	sadd.s32 $0xA0, s30  }
0x5c: {  	[tilespmem:s15], [sflag:$0x1] =	stream.indirect.gather [hbm4b:s1+s10], $0x80, s29, s10, $0xb8;
	[tilespmem:$0x1A000] =	vst v63  }
0x5d: {  	s29 =	sadd.s32 $0x8A0, s30  }
0x5e: {  	[tilespmem:s16], [sflag:$0x1] =	stream.indirect.gather [hbm4b:s1+s10], $0x80, s29, s10, $0xb8;
	[tilespmem:$0x1A000] =	vst v63  }
0x5f: {  	s29 =	sadd.s32 $0xF0, s30  }
0x60: {  	[tilespmem:s17], [sflag:$0x1] =	stream.indirect.gather [hbm4b:s1+s10], $0x80, s29, s10, $0xb8;
	[tilespmem:$0x1A000] =	vst v63  }
0x61: {  	s29 =	sadd.s32 $0x8F0, s30  }
0x62: {  	[tilespmem:s18], [sflag:$0x1] =	stream.indirect.gather [hbm4b:s1+s10], $0x80, s29, s10, $0xb8;
	[tilespmem:$0x1A000] =	vst v63  }
0x63: {  	s29 =	sadd.s32 $0x140, s30  }
0x64: {  	[tilespmem:s19], [sflag:$0x1] =	stream.indirect.gather [hbm4b:s1+s10], $0x80, s29, s10, $0xb8;
	[tilespmem:$0x1A000] =	vst v63  }
0x65: {  	s29 =	sadd.s32 $0x940, s30  }
0x66: {  	[tilespmem:s20], [sflag:$0x1] =	stream.indirect.gather [hbm4b:s1+s10], $0x80, s29, s10, $0xb8;
	[tilespmem:$0x1A000] =	vst v63  }
0x67: {  	_ =	swait.ge [sflag:s21], $0x2800  }
0x68: {  	[sflag:s21] =	ssyncset.done $0x0  }
0x69: {  	[sflag:s21] =	ssyncadd.s32 $0xFFFFD800  }
0x6a: {  	_ =	swait.ge [sflag:s21], $0x2800  }
0x6b: {  	[sflag:s21] =	ssyncset.done $0x0  }
0x6c: {  	[sflag:s21] =	ssyncadd.s32 $0xFFFFD800  }
0x6d: {  	_ =	swait.ge [sflag:s21], $0x2800  }
0x6e: {  	[sflag:s21] =	ssyncset.done $0x0  }
0x6f: {  	[sflag:s21] =	ssyncadd.s32 $0xFFFFD800  }
0x70: {  	_ =	swait.ge [sflag:s21], $0x2800  }
0x71: {  	[sflag:s21] =	ssyncset.done $0x0  }
0x72: {  	[sflag:s21] =	ssyncadd.s32 $0xFFFFD800  }
0x73: {  	_ =	swait.ge [sflag:s21], $0x2800  }
0x74: {  	[sflag:s21] =	ssyncset.done $0x0  }
0x75: {  	[sflag:s21] =	ssyncadd.s32 $0xFFFFD800  }
0x76: {  	_ =	swait.ge [sflag:s21], $0x2800  }
0x77: {  	[sflag:s21] =	ssyncset.done $0x0  }
0x78: {  	[sflag:s21] =	ssyncadd.s32 $0xFFFFD800  }
0x79: {  	_ =	swait.ge [sflag:s21], $0x2800  }
0x7a: {  	[sflag:s21] =	ssyncset.done $0x0  }
0x7b: {  	[sflag:s21] =	ssyncadd.s32 $0xFFFFD800  }
0x7c: {  	_ =	swait.ge [sflag:s21], $0x2800  }
0x7d: {  	[sflag:s21] =	ssyncset.done $0x0  }
0x7e: {  	[sflag:s21] =	ssyncadd.s32 $0xFFFFD800  }
0x7f: {  	_ =	swait.ge [sflag:s21], $0x2800  }
0x80: {  	[sflag:s21] =	ssyncset.done $0x0  }
0x81: {  	[sflag:s21] =	ssyncadd.s32 $0xFFFFD800  }
0x82: {  	_ =	swait.ge [sflag:s21], $0x2800  }
0x83: {  	[sflag:s21] =	ssyncset.done $0x0  }
0x84: {  	s29 =	sadd.s32 $0xFFFFFF80, s25;
	[sflag:s21] =	ssyncadd.s32 $0xFFFFD800  }
0x85: {  	[hbm4b:s29+s22] =	stream.strided.scatter [tilespmem:s11], [sflag:$0x2], $0xC800, s9, s22, $0x38;
	[tilespmem:$0x1A000] =	vst v63  }
0x86: {  	_ = 	snop  }
0x87: {  	[hbm4b:s25+s22] =	stream.strided.scatter [tilespmem:s12], [sflag:$0x2], $0xC800, s9, s22, $0x38;
	[tilespmem:$0x1A000] =	vst v63  }
.Ltmp0:
0x88: {  	_ =	swait.ge [sflag:s23], $0xC800;
	(pc) =	sbr.rel @p0 .LBB2_2-.Ltmp0, $4  }
0x89: {  	[sflag:s23] =	ssyncset.done $0x0  }
0x8a: {  	[sflag:s23] =	ssyncadd.s32 $0xFFFF3800  }
0x8b: {  	_ =	swait.ge [sflag:s23], $0xC800  }
0x8c: {  	s29 =	smov.u32 s28;
	s25 =	sadd.s32 $0x3200, s25;
	[sflag:s23] =	ssyncset.done $0x0  }
0x8d: {  	s26 =	sshra.s32 s26, $0x2;
	[sflag:s23] =	ssyncadd.s32 $0xFFFF3800  }
0x8e: {  	[tilespmem:s11], [sflag:$0x1] =	stream.indirect.gather [hbm4b:s1+s10], $0x80, s26, s10, $0xb8;
	[tilespmem:$0x1A000] =	vst v63  }
0x8f: {  	s28 =	sadd.s32 $0x800, s26  }
0x90: {  	[tilespmem:s12], [sflag:$0x1] =	stream.indirect.gather [hbm4b:s1+s10], $0x80, s28, s10, $0xb8;
	[tilespmem:$0x1A000] =	vst v63  }
0x91: {  	s30 =	sadd.s32 $0x50, s26  }
0x92: {  	[tilespmem:s13], [sflag:$0x1] =	stream.indirect.gather [hbm4b:s1+s10], $0x80, s30, s10, $0xb8;
	[tilespmem:$0x1A000] =	vst v63  }
0x93: {  	s31 =	sadd.s32 $0x850, s26  }
0x94: {  	[tilespmem:s14], [sflag:$0x1] =	stream.indirect.gather [hbm4b:s1+s10], $0x80, s31, s10, $0xb8;
	[tilespmem:$0x1A000] =	vst v63  }
0x95: {  	s29 =	sadd.s32 $0xA0, s26  }
0x96: {  	[tilespmem:s15], [sflag:$0x1] =	stream.indirect.gather [hbm4b:s1+s10], $0x80, s29, s10, $0xb8;
	[tilespmem:$0x1A000] =	vst v63  }
0x97: {  	s30 =	sadd.s32 $0x8A0, s26  }
0x98: {  	[tilespmem:s16], [sflag:$0x1] =	stream.indirect.gather [hbm4b:s1+s10], $0x80, s30, s10, $0xb8;
	[tilespmem:$0x1A000] =	vst v63  }
0x99: {  	s31 =	sadd.s32 $0xF0, s26  }
0x9a: {  	[tilespmem:s17], [sflag:$0x1] =	stream.indirect.gather [hbm4b:s1+s10], $0x80, s31, s10, $0xb8;
	[tilespmem:$0x1A000] =	vst v63  }
0x9b: {  	s29 =	sadd.s32 $0x8F0, s26  }
0x9c: {  	[tilespmem:s18], [sflag:$0x1] =	stream.indirect.gather [hbm4b:s1+s10], $0x80, s29, s10, $0xb8;
	[tilespmem:$0x1A000] =	vst v63  }
0x9d: {  	s30 =	sadd.s32 $0x140, s26  }
0x9e: {  	[tilespmem:s19], [sflag:$0x1] =	stream.indirect.gather [hbm4b:s1+s10], $0x80, s30, s10, $0xb8;
	[tilespmem:$0x1A000] =	vst v63  }
0x9f: {  	s26 =	sadd.s32 $0x940, s26  }
0xa0: {  	[tilespmem:s20], [sflag:$0x1] =	stream.indirect.gather [hbm4b:s1+s10], $0x80, s26, s10, $0xb8;
	[tilespmem:$0x1A000] =	vst v63  }
0xa1: {  	_ =	swait.ge [sflag:s21], $0x2800  }
0xa2: {  	[sflag:s21] =	ssyncset.done $0x0  }
0xa3: {  	[sflag:s21] =	ssyncadd.s32 $0xFFFFD800  }
0xa4: {  	_ =	swait.ge [sflag:s21], $0x2800  }
0xa5: {  	[sflag:s21] =	ssyncset.done $0x0  }
0xa6: {  	[sflag:s21] =	ssyncadd.s32 $0xFFFFD800  }
0xa7: {  	_ =	swait.ge [sflag:s21], $0x2800  }
0xa8: {  	[sflag:s21] =	ssyncset.done $0x0  }
0xa9: {  	[sflag:s21] =	ssyncadd.s32 $0xFFFFD800  }
0xaa: {  	_ =	swait.ge [sflag:s21], $0x2800  }
0xab: {  	[sflag:s21] =	ssyncset.done $0x0  }
0xac: {  	[sflag:s21] =	ssyncadd.s32 $0xFFFFD800  }
0xad: {  	_ =	swait.ge [sflag:s21], $0x2800  }
0xae: {  	[sflag:s21] =	ssyncset.done $0x0  }
0xaf: {  	[sflag:s21] =	ssyncadd.s32 $0xFFFFD800  }
0xb0: {  	_ =	swait.ge [sflag:s21], $0x2800  }
0xb1: {  	[sflag:s21] =	ssyncset.done $0x0  }
0xb2: {  	[sflag:s21] =	ssyncadd.s32 $0xFFFFD800  }
0xb3: {  	_ =	swait.ge [sflag:s21], $0x2800  }
0xb4: {  	[sflag:s21] =	ssyncset.done $0x0  }
0xb5: {  	[sflag:s21] =	ssyncadd.s32 $0xFFFFD800  }
0xb6: {  	_ =	swait.ge [sflag:s21], $0x2800  }
0xb7: {  	[sflag:s21] =	ssyncset.done $0x0  }
0xb8: {  	[sflag:s21] =	ssyncadd.s32 $0xFFFFD800  }
0xb9: {  	_ =	swait.ge [sflag:s21], $0x2800  }
0xba: {  	[sflag:s21] =	ssyncset.done $0x0  }
0xbb: {  	[sflag:s21] =	ssyncadd.s32 $0xFFFFD800  }
0xbc: {  	_ =	swait.ge [sflag:s21], $0x2800  }
0xbd: {  	[sflag:s21] =	ssyncset.done $0x0  }
0xbe: {  	s31 =	sadd.s32 $0xFFFFFF80, s25;
	[sflag:s21] =	ssyncadd.s32 $0xFFFFD800  }
0xbf: {  	[hbm4b:s31+s22] =	stream.strided.scatter [tilespmem:s11], [sflag:$0x2], $0xC800, s9, s22, $0x38;
	[tilespmem:$0x1A000] =	vst v63  }
0xc0: {  	s24 =	sadd.s32 $0x1, s24  }
0xc1: {  	[hbm4b:s25+s22] =	stream.strided.scatter [tilespmem:s12], [sflag:$0x2], $0xC800, s9, s22, $0x38;
	[tilespmem:$0x1A000] =	vst v63  }
0xc2: {  	p0 =	sne.s32 s24, s6;
	_ =	swait.ge [sflag:s23], $0xC800  }
.Ltmp1:
0xc3: {  	[sflag:s23] =	ssyncset.done $0x0;
	(pc) =	sbr.rel @p0 .LBB2_1-.Ltmp1, $4  }
0xc4: {  	[sflag:s23] =	ssyncadd.s32 $0xFFFF3800  }
0xc5: {  	_ =	swait.ge [sflag:s23], $0xC800  }
0xc6: {  	[sflag:s23] =	ssyncset.done $0x0  }
0xc7: {  	[sflag:s23] =	ssyncadd.s32 $0xFFFF3800  }
0xc8: {  	_ =	sfence.sel $0x180000  }
0xc9: {  	[bflag:$0x0] =	sbarrier.arrive $0xFFFF  }
0xca: {  	p0 =	sne.s32 s0, $0x0;
	_ =	strace $0x9000004A  }
0xcb: {  	s0 =	sadd.s32 @!p0 $0x100000, s2;
	[bflag:$0x2] =	sbarrier.arrive $0xFFFF  }
0xcc: {  	[sflag:s0] =	ssyncadd.tile.s32 @!p0 $0x1;
	_ =	shalt  }
.Lfunc_end2:
_tile_overlayer_lowered:
.L_overlay_start_2:
0xcd: {  	(tag) =	ssettag $0x2  }
0xce: {  	s0 =	rddreg [dreg:$0x0];
	s2 =	stileid.u32  }
0xcf: {  	s1 =	rddreg [dreg:$0x1];
	p0 =	sne.s32 s2, $0x0  }
0xd0: {  	s3 =	rddreg [dreg:$0x2];
	[bflag:$0x3] =	sbarrier.arrive $0xFFFF;
	s2 =	simm.s32 @!p0 $0x1C03  }
0xd1: {  	[timem:s3], [sflag:s2] =	dma.local @!p0 [hbm:s0], s1  }
0xd2: {  	s0 =	simm.s32 @!p0 $0x3  }
0xd3: {  	_ =	swait.ge @!p0 [sflag:s0], s1  }
0xd4: {  	s1 =	ssub.s32 @!p0 $0x0, s1;
	[sflag:s0] =	ssyncset.done @!p0 $0x0  }
0xd5: {  	[sflag:s0] =	ssyncadd.s32 @!p0 s1  }
0xd6: {  	[bflag:$0x3] =	sbarrier.arrive $0xFFFF  }
0xd7: {  	_ =	shalt  }

// kernel: kernel.19.cloned.1.call-start
scs
__scs_entry_jumppad:
0x0: {  	(pc) =	sbr.rel $0x88, $3  }
0x1: {  	(tag) =	ssettag $0x0;
	lr =	simm.s32 $0x1  }
0x2: {  	[smem:$0x3F91] =	sst lr;
	_ =	strace $0xD0000000  }
0x3: {  	_ = 	snop  }
0x4: {  	_ = 	snop  }
0x5: {  	_ = 	snop  }
0x6: {  	_ = 	snop  }
0x7: {  	_ = 	snop  }
__scs_overlays_trampoline_lowered:
0x8: {  	[smem:$0x3FA0] =	sst s0  }
0x9: {  	[smem:$0x3FA1] =	sst s1  }
0xa: {  	[smem:$0x3FA2] =	sst s2  }
0xb: {  	[smem:$0x3FA3] =	sst s3  }
0xc: {  	[smem:$0x3FA4] =	sst s4  }
0xd: {  	[smem:$0x3FA5] =	sst s5  }
0xe: {  	[smem:$0x3FA6] =	sst s6  }
0xf: {  	[smem:$0x3FA7] =	sst s7  }
0x10: {  	[smem:$0x3FA8] =	sst s8  }
0x11: {  	[smem:$0x3FA9] =	sst s9;
	s0 =	simm.s32 @!p0 $0x0  }
0x12: {  	s1 =	sld [smem:$0x3F8F];
	s0 =	simm.s32 @p0 $0x1  }
0x13: {  	[smem:$0x3FAA] =	sst s0;
	s0 =	simm.s32 @!p1 $0x0  }
0x14: {  	s2 =	sld [smem:$0x3F8E];
	s0 =	simm.s32 @p1 $0x1  }
0x15: {  	[smem:$0x3FAB] =	sst s0;
	s0 =	simm.s32 @!p2 $0x0  }
0x16: {  	s3 =	sld [smem:$0x3FDB];
	s0 =	simm.s32 @p2 $0x1  }
0x17: {  	s4 =	simm.s32 $0x1BF5;
	[smem:$0x3FAD] =	sst s0  }
0x18: {  	s0 =	sld [smem:$0x3F90];
	_ =	swait.ge [sflag:s4], $0x0  }
0x19: {  	s7 =	sld [smem:$0x3F91]  }
0x1a: {  	s8 =	sadd.s32 $0xFFFFE003, lr  }
0x1b: {  	s9 =	sadd.s32 $0xFFFFFEF7, lr;
	s5 =	simm.s32 $0xFFFFFFFF;
	p2 =	slt.u32 s8, $0xFFFFF086  }
0x1c: {  	p1 =	slt.u32 s9, $0xF7A;
	s5 =	simm.s32 @!p2 $0x0  }
0x1d: {  	s5 =	simm.s32 @p1 $0x1;
	p0 =	seq.s32 s7, s2  }
0x1e: {  	s7 =	smul.u32 @!p0 $0xF7A, s2;
	p2 =	seq.s32 @!p0 s5, $0x0  }
0x1f: {  	s9 =	smul.u32 $0xF7A, s1;
	s8 =	simm.s32 @!p0 $0x1BF5;
	p2 =	por !p2, p0  }
0x20: {  	[sflag:s8] =	ssyncset.s32 @!p0 $0xFFFFF086;
	s6 =	sadd.s32 @!p0 s3, s7;
	s7 =	simm.s32 @!p0 $0x108  }
0x21: {  	s3 =	sadd.s32 s3, s9;
	s6 =	sadd.s32 @!p0 $0x88, s6;
	s7 =	simm.s32 @p2 $0x1082  }
0x22: {  	[simem:s7], [sflag:s8] =	dma.local @!p0 [hbm:s6], $0xF7A  }
0x23: {  	s9 =	sor.u32 $0xD0000000, s2;
	s6 =	simm.s32 $0x108;
	_ =	swait.ge @!p0 [sflag:s8], $0x0  }
0x24: {  	s3 =	sadd.s32 $0x88, s3;
	s6 =	simm.s32 @!p1 $0x1082;
	[sflag:s4] =	ssyncset.s32 $0xFFFFF086  }
0x25: {  	[simem:s6], [sflag:s4] =	dma.local [hbm:s3], $0xF7A  }
0x26: {  	[smem:$0x3F91] =	sst s1;
	(tag) =	ssettag s2;
	_ =	strace s9  }
0x27: {  	s1 =	sld [smem:$0x3FA1]  }
0x28: {  	s2 =	sld [smem:$0x3FA2]  }
0x29: {  	s4 =	sld [smem:$0x3FA4]  }
0x2a: {  	p0 =	seq.s32 s5, $0x0;
	s5 =	sld [smem:$0x3FA5]  }
0x2b: {  	s6 =	sld [smem:$0x3FA6]  }
0x2c: {  	s7 =	sld [smem:$0x3FA7]  }
0x2d: {  	s3 =	simm.s32 $0x108;
	s8 =	sld [smem:$0x3FA8]  }
0x2e: {  	s3 =	simm.s32 @!p0 $0x1082;
	s9 =	sld [smem:$0x3FA9]  }
0x2f: {  	lr =	sadd.s32 s0, s3;
	s0 =	sld [smem:$0x3FA0]  }
0x30: {  	s3 =	sld [smem:$0x3FA3]  }
0x31: {  	[smem:$0x3FAC] =	sst s10  }
0x32: {  	s10 =	sld [smem:$0x3FAA];
	_ =	sdelay $0x3  }
0x33: {  	p0 =	seq.s32 s10, $0x1;
	s10 =	sld [smem:$0x3FAC];
	_ =	sdelay $0x3  }
0x34: {  	[smem:$0x3FAC] =	sst s10  }
0x35: {  	s10 =	sld [smem:$0x3FAB];
	_ =	sdelay $0x3  }
0x36: {  	p1 =	seq.s32 s10, $0x1;
	s10 =	sld [smem:$0x3FAC];
	_ =	sdelay $0x3  }
0x37: {  	[smem:$0x3FAC] =	sst s10  }
0x38: {  	s10 =	sld [smem:$0x3FAD]  }
0x39: {  	_ = 	snop;
	(pc) =	sbr.ind lr, $3  }
0x3a: {  	_ = 	snop  }
0x3b: {  	_ = 	snop  }
0x3c: {  	p2 =	seq.s32 s10, $0x1;
	s10 =	sld [smem:$0x3FAC]  }
0x3d: {  	_ =	shalt  }
0x3e: {  	_ =	shalt  }
0x3f: {  	_ =	shalt  }
0x40: {  	_ =	shalt  }
0x41: {  	_ =	shalt  }
0x42: {  	_ =	shalt  }
0x43: {  	_ =	shalt  }
0x44: {  	_ =	shalt  }
0x45: {  	_ =	shalt  }
0x46: {  	_ =	shalt  }
0x47: {  	_ =	shalt  }
0x48: {  	_ =	shalt  }
0x49: {  	_ =	shalt  }
0x4a: {  	_ =	shalt  }
0x4b: {  	_ =	shalt  }
0x4c: {  	_ =	shalt  }
0x4d: {  	_ =	shalt  }
0x4e: {  	_ =	shalt  }
0x4f: {  	_ =	shalt  }
0x50: {  	_ =	shalt  }
0x51: {  	_ =	shalt  }
0x52: {  	_ =	shalt  }
0x53: {  	_ =	shalt  }
0x54: {  	_ =	shalt  }
0x55: {  	_ =	shalt  }
0x56: {  	_ =	shalt  }
0x57: {  	_ =	shalt  }
0x58: {  	_ =	shalt  }
0x59: {  	_ =	shalt  }
0x5a: {  	_ =	shalt  }
0x5b: {  	_ =	shalt  }
0x5c: {  	_ =	shalt  }
0x5d: {  	_ =	shalt  }
0x5e: {  	_ =	shalt  }
0x5f: {  	_ =	shalt  }
0x60: {  	_ =	shalt  }
0x61: {  	_ =	shalt  }
0x62: {  	_ =	shalt  }
0x63: {  	_ =	shalt  }
0x64: {  	_ =	shalt  }
0x65: {  	_ =	shalt  }
0x66: {  	_ =	shalt  }
0x67: {  	_ =	shalt  }
0x68: {  	_ =	shalt  }
0x69: {  	_ =	shalt  }
0x6a: {  	_ =	shalt  }
0x6b: {  	_ =	shalt  }
0x6c: {  	_ =	shalt  }
0x6d: {  	_ =	shalt  }
0x6e: {  	_ =	shalt  }
0x6f: {  	_ =	shalt  }
0x70: {  	_ =	shalt  }
0x71: {  	_ =	shalt  }
0x72: {  	_ =	shalt  }
0x73: {  	_ =	shalt  }
0x74: {  	_ =	shalt  }
0x75: {  	_ =	shalt  }
0x76: {  	_ =	shalt  }
0x77: {  	_ =	shalt  }
0x78: {  	_ =	shalt  }
0x79: {  	_ =	shalt  }
0x7a: {  	_ =	shalt  }
0x7b: {  	_ =	shalt  }
0x7c: {  	_ =	shalt  }
0x7d: {  	_ =	shalt  }
0x7e: {  	_ =	shalt  }
0x7f: {  	_ =	shalt  }
0x80: {  	_ =	shalt  }
0x81: {  	_ =	shalt  }
0x82: {  	_ =	shalt  }
0x83: {  	_ =	shalt  }
0x84: {  	_ =	shalt  }
0x85: {  	_ =	shalt  }
0x86: {  	_ =	shalt  }
0x87: {  	_ =	shalt  }
.Lfunc_end0:
.L_simem_size_0:
called_computation.1_lowered:
.L_overlay_start_0:
0x88: {  	s2 =	sld [smem:$0x3FD9]  }
0x89: {  	s3 =	sld [smem:$0x3FFE];
	_ =	sdelay $0x1  }
0x8a: {  	s1 =	srdreg.scid  }
0x8b: {  	s0 =	sand.u32 $0x1, s1  }
0x8c: {  	s17 =	sshll.u32 s0, $0xA;
	s2 =	sadd.s32 s3, s2  }
0x8d: {  	s2 =	sadd.s32 s2, s17  }
0x8e: {  	[smem:$0x3FB8] =	sst s2  }
0x8f: {  	_ = 	snop  }
0x90: {  	s2 =	sld [smem:$0x3FC7];
	(tm) =	ssettm $0x1  }
0x91: {  	s18 =	sld [smem:$0x3FFB];
	_ =	sdelay $0x3  }
0x92: {  	_ =	strace s18  }
0x93: {  	s3 =	sld [smem:$0x3FFC];
	_ =	sdelay $0x3  }
0x94: {  	_ =	strace s3  }
0x95: {  	s3 =	sld [smem:$0x3FFD];
	_ =	sdelay $0x3  }
0x96: {  	_ =	strace s3  }
0x97: {  	_ =	strace $0x8FFFFFFF  }
0x98: {  	s19 =	sld [smem:$0x3FDB];
	_ =	sdelay $0x1  }
0x99: {  	s4 =	simm.s32 $_scs_section_size  }
0x9a: {  	s5 =	simm.s32 $_size__tile_overlayer_lowered;
	s6 =	simm.s32 $_tile_overlayer_lowered  }
0x9b: {  	s22 =	simm.s32 $0x1BFF;
	s21 =	sshll.u32 s6, $0x1;
	s3 =	sadd.s32 s4, s19  }
0x9c: {  	s7 =	simm.s32 $0x0;
	s20 =	sshll.u32 s5, $0x1;
	s5 =	sadd.s32 s21, s3  }
0x9d: {  	[timem:s7], [sflag:s22] =	dma.local [hbm:s5], s20  }
0x9e: {  	_ =	swait.ge [sflag:s22], s20  }
0x9f: {  	s4 =	ssub.s32 $0x0, s20;
	[sflag:s22] =	ssyncset.done $0x0  }
0xa0: {  	[sflag:s22] =	ssyncadd.s32 s4;
	_ =	sdelay $0x1  }
0xa1: {  	s23 =	simm.s32 $0x1B8B  }
0xa2: {  	_ =	swait.ge [sflag:s23], $0x1  }
0xa3: {  	[sflag:s23] =	ssyncset.done $0x0  }
0xa4: {  	s25 =	simm.s32 $0x1B8E;
	s24 =	sld [smem:$0x3FFE];
	[sflag:s23] =	ssyncadd.s32 $0xFFFFFFFF  }
0xa5: {  	s26 =	simm.s32 $execute0_lowered;
	[smem:$0x3FD2] =	sst s25  }
0xa6: {  	s5 =	sshll.u32 s26, $0x1;
	_ =	strace $0x80000046;
	[dreg:$0x1] =	wrdreg $0xFFFFFFFF  }
0xa7: {  	s28 =	simm.s32 $_size_execute0_lowered;
	s3 =	sadd.s32 s3, s5;
	[dreg:$0x0] =	wrdreg $0x0  }
0xa8: {  	s5 =	sshll.u32 s28, $0x1;
	[dreg:$0x2] =	wrdreg s3  }
0xa9: {  	[dreg:$0x3] =	wrdreg s5  }
0xaa: {  	[dreg:$0x4] =	wrdreg $0xC0  }
0xab: {  	_ =	task [dreg:s7], $0x5FFFF  }
0xac: {  	[dreg:$0x1] =	wrdreg $0xFFFFFFFF  }
0xad: {  	[dreg:$0x0] =	wrdreg $0x60  }
0xae: {  	[dreg:$0x2] =	wrdreg s2  }
0xaf: {  	[dreg:$0x3] =	wrdreg s24  }
0xb0: {  	[dreg:$0x4] =	wrdreg $0xC  }
0xb1: {  	_ =	task.clear_ibuf [dreg:s7], $0x5FFFF;
	_ =	strace $0x90000046  }
0xb2: {  	s29 =	simm.s32 $0xC;
	_ =	strace $0x80000048  }
0xb3: {  	_ =	swait.ge [sflag:s29], $0x1  }
0xb4: {  	[sflag:s29] =	ssyncadd.s32 $0xFFFFFFFF  }
0xb5: {  	_ =	strace $0x90000048  }
0xb6: {  	_ =	sfence  }
0xb7: {  	s30 =	sld [smem:$0x0];
	_ =	sdelay $0x2  }
0xb8: {  	s31 =	sshll.u32 s1, $0xD;
	s1 =	sshrl.u32 s1, $0x2  }
0xb9: {  	s3 =	sand.u32 $0x4000, s31;
	s1 =	sadd.s32 s1, s30  }
0xba: {  	s0 =	sor.u32 s3, s0;
	s1 =	sshll.u32 s1, $0x11  }
0xbb: {  	s0 =	sor.u32 s1, s0  }
0xbc: {  	s0 =	sadd.s32 $0x8F2B, s0  }
0xbd: {  	[sflag:s0] =	ssyncadd.remote.s32 $0x1  }
0xbe: {  	_ =	sfence.sel $0xFFFF  }
0xbf: {  	[dreg:$0x0] =	wrdreg $0xFFFFFFFF;
	(pc) =	sbr.abs _section_cstart, $3  }
0xc0: {  	[dreg:$0x1] =	wrdreg $0xFFFFFFFF  }
0xc1: {  	_ =	task.clear_ibuf [dreg:s7], $0x2FFFF;
	_ =	strace $0x9FFFFFFF  }
0xc2: {  	(tm) =	ssettm $0x7FFFFFFF  }
0xc3: {  	_ =	shalt  }
tec
execute0_lowered:
.L_overlay_start_1:
0x0: {  	(tag) =	ssettag $0x1  }
0x1: {  	s2 =	rddreg [dreg:$0x0]  }
0x2: {  	s1 =	srdreg.scid;
	s0 =	stileid.u32  }
0x3: {  	s4 =	rddreg [dreg:$0x1];
	s3 =	simm.s32 $0x0;
	s11 =	simm.s32 $0x1000  }
0x4: {  	s12 =	simm.s32 $0xD800;
	s13 =	simm.s32 $0x3800;
	s14 =	simm.s32 $0x10000  }
0x5: {  	s15 =	simm.s32 $0x6000;
	s16 =	simm.s32 $0x12800;
	s17 =	simm.s32 $0x8800  }
0x6: {  	s18 =	simm.s32 $0x15000;
	s19 =	simm.s32 $0xB000;
	s20 =	simm.s32 $0x17800  }
0x7: {  	s21 =	simm.s32 $0x1;
	s22 =	simm.s32 $0x400;
	s23 =	simm.s32 $0x2  }
0x8: {  	s24 =	simm.s32 $0x0;
	s5 =	sand.u32 $0x1, s1;
	s6 =	sshll.u32 s0, $0x1  }
0x9: {  	s1 =	rddreg [dreg:$0x2];
	s7 =	smul.u32 $0x1F400, s0;
	s6 =	sor.u32 s5, s6  }
0xa: {  	[smem:$0x7FF] =	sst s3;
	s8 =	ssub.s32 $0x2, s5;
	s6 =	smul.u32 $0x7D0, s6  }
0xb: {  	_ =	strace $0x80000047;
	s10 =	smul.u32 $0xFA00, s5;
	s9 =	sshrl.u32 s8, $0x1  }
0xc: {  	s7 =	sadd.s32 s7, s4;
	s8 =	ssub.s32 s8, s9;
	s6 =	sshrl.u32 s6, $0x3  }
0xd: {  	s7 =	sadd.s32 s10, s7;
	s9 =	simm.s32 $0x800;
	s6 =	sadd.s32 s6, s4  }
0xe: {  	s10 =	simm.s32 $0x50;
	s7 =	sadd.s32 $0x21880, s7;
	s4 =	sadd.s32 $0x13800, s6  }
0xf: {  	s5 =	sadd.s32 $0x11800, s6;
	s6 =	smax.u32 s8, $0x1;
	s8 =	simm.s32 $0x3  }
.LBB2_1:
0x10: {  	[tilespmem:s3], [sflag:$0x3] =	stream.linear.gather [hbm4b:s4+s3], $0x7D0, $0x38;
	[tilespmem:$0x1A000] =	vst v63  }
0x11: {  	_ =	swait.ge [sflag:s8], $0x7D0  }
0x12: {  	[sflag:s8] =	ssyncset.done $0x0  }
0x13: {  	[sflag:s8] =	ssyncadd.s32 $0xFFFFF830  }
0x14: {  	[tilespmem:s9], [sflag:$0x3] =	stream.linear.gather [hbm4b:s5+s3], $0x7D0, $0x38;
	[tilespmem:$0x1A000] =	vst v63  }
0x15: {  	_ =	swait.ge [sflag:s8], $0x7D0  }
0x16: {  	[sflag:s8] =	ssyncset.done $0x0  }
0x17: {  	s25 =	simm.s32 $0x0;
	[sflag:s8] =	ssyncadd.s32 $0xFFFFF830  }
0x18: {  	[tilespmem:s11], [sflag:$0x1] =	stream.indirect.gather [hbm4b:s2+s10], $0x80, s25, s10, $0xb8;
	[tilespmem:$0x1A000] =	vst v63  }
0x19: {  	s30 =	simm.s32 $0x800  }
0x1a: {  	[tilespmem:s12], [sflag:$0x1] =	stream.indirect.gather [hbm4b:s2+s10], $0x80, s30, s10, $0xb8;
	[tilespmem:$0x1A000] =	vst v63  }
0x1b: {  	s31 =	simm.s32 $0x50  }
0x1c: {  	[tilespmem:s13], [sflag:$0x1] =	stream.indirect.gather [hbm4b:s2+s10], $0x80, s31, s10, $0xb8;
	[tilespmem:$0x1A000] =	vst v63  }
0x1d: {  	s26 =	simm.s32 $0x850  }
0x1e: {  	[tilespmem:s14], [sflag:$0x1] =	stream.indirect.gather [hbm4b:s2+s10], $0x80, s26, s10, $0xb8;
	[tilespmem:$0x1A000] =	vst v63  }
0x1f: {  	s28 =	simm.s32 $0xA0  }
0x20: {  	[tilespmem:s15], [sflag:$0x1] =	stream.indirect.gather [hbm4b:s2+s10], $0x80, s28, s10, $0xb8;
	[tilespmem:$0x1A000] =	vst v63  }
0x21: {  	s30 =	simm.s32 $0x8A0  }
0x22: {  	[tilespmem:s16], [sflag:$0x1] =	stream.indirect.gather [hbm4b:s2+s10], $0x80, s30, s10, $0xb8;
	[tilespmem:$0x1A000] =	vst v63  }
0x23: {  	s31 =	simm.s32 $0xF0  }
0x24: {  	[tilespmem:s17], [sflag:$0x1] =	stream.indirect.gather [hbm4b:s2+s10], $0x80, s31, s10, $0xb8;
	[tilespmem:$0x1A000] =	vst v63  }
0x25: {  	s26 =	simm.s32 $0x8F0  }
0x26: {  	[tilespmem:s18], [sflag:$0x1] =	stream.indirect.gather [hbm4b:s2+s10], $0x80, s26, s10, $0xb8;
	[tilespmem:$0x1A000] =	vst v63  }
0x27: {  	s28 =	simm.s32 $0x140  }
0x28: {  	[tilespmem:s19], [sflag:$0x1] =	stream.indirect.gather [hbm4b:s2+s10], $0x80, s28, s10, $0xb8;
	[tilespmem:$0x1A000] =	vst v63  }
0x29: {  	s30 =	simm.s32 $0x940  }
0x2a: {  	[tilespmem:s20], [sflag:$0x1] =	stream.indirect.gather [hbm4b:s2+s10], $0x80, s30, s10, $0xb8;
	[tilespmem:$0x1A000] =	vst v63  }
0x2b: {  	_ =	swait.ge [sflag:s21], $0x2800  }
0x2c: {  	[sflag:s21] =	ssyncset.done $0x0  }
0x2d: {  	[sflag:s21] =	ssyncadd.s32 $0xFFFFD800  }
0x2e: {  	_ =	swait.ge [sflag:s21], $0x2800  }
0x2f: {  	[sflag:s21] =	ssyncset.done $0x0  }
0x30: {  	[sflag:s21] =	ssyncadd.s32 $0xFFFFD800  }
0x31: {  	_ =	swait.ge [sflag:s21], $0x2800  }
0x32: {  	[sflag:s21] =	ssyncset.done $0x0  }
0x33: {  	[sflag:s21] =	ssyncadd.s32 $0xFFFFD800  }
0x34: {  	_ =	swait.ge [sflag:s21], $0x2800  }
0x35: {  	[sflag:s21] =	ssyncset.done $0x0  }
0x36: {  	[sflag:s21] =	ssyncadd.s32 $0xFFFFD800  }
0x37: {  	_ =	swait.ge [sflag:s21], $0x2800  }
0x38: {  	[sflag:s21] =	ssyncset.done $0x0  }
0x39: {  	[sflag:s21] =	ssyncadd.s32 $0xFFFFD800  }
0x3a: {  	_ =	swait.ge [sflag:s21], $0x2800  }
0x3b: {  	[sflag:s21] =	ssyncset.done $0x0  }
0x3c: {  	[sflag:s21] =	ssyncadd.s32 $0xFFFFD800  }
0x3d: {  	_ =	swait.ge [sflag:s21], $0x2800  }
0x3e: {  	[sflag:s21] =	ssyncset.done $0x0  }
0x3f: {  	[sflag:s21] =	ssyncadd.s32 $0xFFFFD800  }
0x40: {  	_ =	swait.ge [sflag:s21], $0x2800  }
0x41: {  	[sflag:s21] =	ssyncset.done $0x0  }
0x42: {  	[sflag:s21] =	ssyncadd.s32 $0xFFFFD800  }
0x43: {  	_ =	swait.ge [sflag:s21], $0x2800  }
0x44: {  	[sflag:s21] =	ssyncset.done $0x0  }
0x45: {  	[sflag:s21] =	ssyncadd.s32 $0xFFFFD800  }
0x46: {  	_ =	swait.ge [sflag:s21], $0x2800  }
0x47: {  	[sflag:s21] =	ssyncset.done $0x0  }
0x48: {  	s31 =	sadd.s32 $0xFFFFFF80, s7;
	[sflag:s21] =	ssyncadd.s32 $0xFFFFD800  }
0x49: {  	[hbm4b:s31+s22] =	stream.strided.scatter [tilespmem:s11], [sflag:$0x2], $0xC800, s9, s22, $0x38;
	[tilespmem:$0x1A000] =	vst v63  }
0x4a: {  	_ = 	snop  }
0x4b: {  	[hbm4b:s7+s22] =	stream.strided.scatter [tilespmem:s12], [sflag:$0x2], $0xC800, s9, s22, $0x38;
	[tilespmem:$0x1A000] =	vst v63  }
0x4c: {  	_ =	swait.ge [sflag:s23], $0xC800  }
0x4d: {  	[sflag:s23] =	ssyncset.done $0x0  }
0x4e: {  	[sflag:s23] =	ssyncadd.s32 $0xFFFF3800  }
0x4f: {  	s29 =	simm.s32 $0xC80;
	_ =	swait.ge [sflag:s23], $0xC800  }
0x50: {  	s25 =	sadd.s32 $0x3200, s7;
	s26 =	simm.s32 $0x640;
	[sflag:s23] =	ssyncset.done $0x0  }
.LBB2_2:
0x51: {  	s30 =	sshra.s32 s26, $0x2  }
0x52: {  	[sflag:s23] =	ssyncadd.s32 $0xFFFF3800;
	s26 =	smov.u32 s29;
	s28 =	sadd.s32 $0x640, s29  }
0x53: {  	[tilespmem:s11], [sflag:$0x1] =	stream.indirect.gather [hbm4b:s2+s10], $0x80, s30, s10, $0xb8;
	[tilespmem:$0x1A000] =	vst v63  }
0x54: {  	p0 =	sne.s32 s29, $0x1900;
	s29 =	sadd.s32 $0x800, s30  }
0x55: {  	[tilespmem:s12], [sflag:$0x1] =	stream.indirect.gather [hbm4b:s2+s10], $0x80, s29, s10, $0xb8;
	[tilespmem:$0x1A000] =	vst v63  }
0x56: {  	s29 =	sadd.s32 $0x50, s30  }
0x57: {  	[tilespmem:s13], [sflag:$0x1] =	stream.indirect.gather [hbm4b:s2+s10], $0x80, s29, s10, $0xb8;
	[tilespmem:$0x1A000] =	vst v63  }
0x58: {  	s29 =	sadd.s32 $0x850, s30  }
0x59: {  	[tilespmem:s14], [sflag:$0x1] =	stream.indirect.gather [hbm4b:s2+s10], $0x80, s29, s10, $0xb8;
	[tilespmem:$0x1A000] =	vst v63  }
0x5a: {  	s29 =	sadd.s32 $0xA0, s30  }
0x5b: {  	[tilespmem:s15], [sflag:$0x1] =	stream.indirect.gather [hbm4b:s2+s10], $0x80, s29, s10, $0xb8;
	[tilespmem:$0x1A000] =	vst v63  }
0x5c: {  	s29 =	sadd.s32 $0x8A0, s30  }
0x5d: {  	[tilespmem:s16], [sflag:$0x1] =	stream.indirect.gather [hbm4b:s2+s10], $0x80, s29, s10, $0xb8;
	[tilespmem:$0x1A000] =	vst v63  }
0x5e: {  	s29 =	sadd.s32 $0xF0, s30  }
0x5f: {  	[tilespmem:s17], [sflag:$0x1] =	stream.indirect.gather [hbm4b:s2+s10], $0x80, s29, s10, $0xb8;
	[tilespmem:$0x1A000] =	vst v63  }
0x60: {  	s29 =	sadd.s32 $0x8F0, s30  }
0x61: {  	[tilespmem:s18], [sflag:$0x1] =	stream.indirect.gather [hbm4b:s2+s10], $0x80, s29, s10, $0xb8;
	[tilespmem:$0x1A000] =	vst v63  }
0x62: {  	s29 =	sadd.s32 $0x140, s30  }
0x63: {  	[tilespmem:s19], [sflag:$0x1] =	stream.indirect.gather [hbm4b:s2+s10], $0x80, s29, s10, $0xb8;
	[tilespmem:$0x1A000] =	vst v63  }
0x64: {  	s29 =	sadd.s32 $0x940, s30  }
0x65: {  	[tilespmem:s20], [sflag:$0x1] =	stream.indirect.gather [hbm4b:s2+s10], $0x80, s29, s10, $0xb8;
	[tilespmem:$0x1A000] =	vst v63  }
0x66: {  	_ =	swait.ge [sflag:s21], $0x2800  }
0x67: {  	[sflag:s21] =	ssyncset.done $0x0  }
0x68: {  	[sflag:s21] =	ssyncadd.s32 $0xFFFFD800  }
0x69: {  	_ =	swait.ge [sflag:s21], $0x2800  }
0x6a: {  	[sflag:s21] =	ssyncset.done $0x0  }
0x6b: {  	[sflag:s21] =	ssyncadd.s32 $0xFFFFD800  }
0x6c: {  	_ =	swait.ge [sflag:s21], $0x2800  }
0x6d: {  	[sflag:s21] =	ssyncset.done $0x0  }
0x6e: {  	[sflag:s21] =	ssyncadd.s32 $0xFFFFD800  }
0x6f: {  	_ =	swait.ge [sflag:s21], $0x2800  }
0x70: {  	[sflag:s21] =	ssyncset.done $0x0  }
0x71: {  	[sflag:s21] =	ssyncadd.s32 $0xFFFFD800  }
0x72: {  	_ =	swait.ge [sflag:s21], $0x2800  }
0x73: {  	[sflag:s21] =	ssyncset.done $0x0  }
0x74: {  	[sflag:s21] =	ssyncadd.s32 $0xFFFFD800  }
0x75: {  	_ =	swait.ge [sflag:s21], $0x2800  }
0x76: {  	[sflag:s21] =	ssyncset.done $0x0  }
0x77: {  	[sflag:s21] =	ssyncadd.s32 $0xFFFFD800  }
0x78: {  	_ =	swait.ge [sflag:s21], $0x2800  }
0x79: {  	[sflag:s21] =	ssyncset.done $0x0  }
0x7a: {  	[sflag:s21] =	ssyncadd.s32 $0xFFFFD800  }
0x7b: {  	_ =	swait.ge [sflag:s21], $0x2800  }
0x7c: {  	[sflag:s21] =	ssyncset.done $0x0  }
0x7d: {  	[sflag:s21] =	ssyncadd.s32 $0xFFFFD800  }
0x7e: {  	_ =	swait.ge [sflag:s21], $0x2800  }
0x7f: {  	[sflag:s21] =	ssyncset.done $0x0  }
0x80: {  	[sflag:s21] =	ssyncadd.s32 $0xFFFFD800  }
0x81: {  	_ =	swait.ge [sflag:s21], $0x2800  }
0x82: {  	[sflag:s21] =	ssyncset.done $0x0  }
0x83: {  	s29 =	sadd.s32 $0xFFFFFF80, s25;
	[sflag:s21] =	ssyncadd.s32 $0xFFFFD800  }
0x84: {  	[hbm4b:s29+s22] =	stream.strided.scatter [tilespmem:s11], [sflag:$0x2], $0xC800, s9, s22, $0x38;
	[tilespmem:$0x1A000] =	vst v63  }
0x85: {  	_ = 	snop  }
0x86: {  	[hbm4b:s25+s22] =	stream.strided.scatter [tilespmem:s12], [sflag:$0x2], $0xC800, s9, s22, $0x38;
	[tilespmem:$0x1A000] =	vst v63  }
.Ltmp0:
0x87: {  	_ =	swait.ge [sflag:s23], $0xC800;
	(pc) =	sbr.rel @p0 .LBB2_2-.Ltmp0, $4  }
0x88: {  	[sflag:s23] =	ssyncset.done $0x0  }
0x89: {  	[sflag:s23] =	ssyncadd.s32 $0xFFFF3800  }
0x8a: {  	_ =	swait.ge [sflag:s23], $0xC800  }
0x8b: {  	s29 =	smov.u32 s28;
	s25 =	sadd.s32 $0x3200, s25;
	[sflag:s23] =	ssyncset.done $0x0  }
0x8c: {  	s26 =	sshra.s32 s26, $0x2;
	[sflag:s23] =	ssyncadd.s32 $0xFFFF3800  }
0x8d: {  	[tilespmem:s11], [sflag:$0x1] =	stream.indirect.gather [hbm4b:s2+s10], $0x80, s26, s10, $0xb8;
	[tilespmem:$0x1A000] =	vst v63  }
0x8e: {  	s28 =	sadd.s32 $0x800, s26  }
0x8f: {  	[tilespmem:s12], [sflag:$0x1] =	stream.indirect.gather [hbm4b:s2+s10], $0x80, s28, s10, $0xb8;
	[tilespmem:$0x1A000] =	vst v63  }
0x90: {  	s30 =	sadd.s32 $0x50, s26  }
0x91: {  	[tilespmem:s13], [sflag:$0x1] =	stream.indirect.gather [hbm4b:s2+s10], $0x80, s30, s10, $0xb8;
	[tilespmem:$0x1A000] =	vst v63  }
0x92: {  	s31 =	sadd.s32 $0x850, s26  }
0x93: {  	[tilespmem:s14], [sflag:$0x1] =	stream.indirect.gather [hbm4b:s2+s10], $0x80, s31, s10, $0xb8;
	[tilespmem:$0x1A000] =	vst v63  }
0x94: {  	s29 =	sadd.s32 $0xA0, s26  }
0x95: {  	[tilespmem:s15], [sflag:$0x1] =	stream.indirect.gather [hbm4b:s2+s10], $0x80, s29, s10, $0xb8;
	[tilespmem:$0x1A000] =	vst v63  }
0x96: {  	s30 =	sadd.s32 $0x8A0, s26  }
0x97: {  	[tilespmem:s16], [sflag:$0x1] =	stream.indirect.gather [hbm4b:s2+s10], $0x80, s30, s10, $0xb8;
	[tilespmem:$0x1A000] =	vst v63  }
0x98: {  	s31 =	sadd.s32 $0xF0, s26  }
0x99: {  	[tilespmem:s17], [sflag:$0x1] =	stream.indirect.gather [hbm4b:s2+s10], $0x80, s31, s10, $0xb8;
	[tilespmem:$0x1A000] =	vst v63  }
0x9a: {  	s29 =	sadd.s32 $0x8F0, s26  }
0x9b: {  	[tilespmem:s18], [sflag:$0x1] =	stream.indirect.gather [hbm4b:s2+s10], $0x80, s29, s10, $0xb8;
	[tilespmem:$0x1A000] =	vst v63  }
0x9c: {  	s30 =	sadd.s32 $0x140, s26  }
0x9d: {  	[tilespmem:s19], [sflag:$0x1] =	stream.indirect.gather [hbm4b:s2+s10], $0x80, s30, s10, $0xb8;
	[tilespmem:$0x1A000] =	vst v63  }
0x9e: {  	s26 =	sadd.s32 $0x940, s26  }
0x9f: {  	[tilespmem:s20], [sflag:$0x1] =	stream.indirect.gather [hbm4b:s2+s10], $0x80, s26, s10, $0xb8;
	[tilespmem:$0x1A000] =	vst v63  }
0xa0: {  	_ =	swait.ge [sflag:s21], $0x2800  }
0xa1: {  	[sflag:s21] =	ssyncset.done $0x0  }
0xa2: {  	[sflag:s21] =	ssyncadd.s32 $0xFFFFD800  }
0xa3: {  	_ =	swait.ge [sflag:s21], $0x2800  }
0xa4: {  	[sflag:s21] =	ssyncset.done $0x0  }
0xa5: {  	[sflag:s21] =	ssyncadd.s32 $0xFFFFD800  }
0xa6: {  	_ =	swait.ge [sflag:s21], $0x2800  }
0xa7: {  	[sflag:s21] =	ssyncset.done $0x0  }
0xa8: {  	[sflag:s21] =	ssyncadd.s32 $0xFFFFD800  }
0xa9: {  	_ =	swait.ge [sflag:s21], $0x2800  }
0xaa: {  	[sflag:s21] =	ssyncset.done $0x0  }
0xab: {  	[sflag:s21] =	ssyncadd.s32 $0xFFFFD800  }
0xac: {  	_ =	swait.ge [sflag:s21], $0x2800  }
0xad: {  	[sflag:s21] =	ssyncset.done $0x0  }
0xae: {  	[sflag:s21] =	ssyncadd.s32 $0xFFFFD800  }
0xaf: {  	_ =	swait.ge [sflag:s21], $0x2800  }
0xb0: {  	[sflag:s21] =	ssyncset.done $0x0  }
0xb1: {  	[sflag:s21] =	ssyncadd.s32 $0xFFFFD800  }
0xb2: {  	_ =	swait.ge [sflag:s21], $0x2800  }
0xb3: {  	[sflag:s21] =	ssyncset.done $0x0  }
0xb4: {  	[sflag:s21] =	ssyncadd.s32 $0xFFFFD800  }
0xb5: {  	_ =	swait.ge [sflag:s21], $0x2800  }
0xb6: {  	[sflag:s21] =	ssyncset.done $0x0  }
0xb7: {  	[sflag:s21] =	ssyncadd.s32 $0xFFFFD800  }
0xb8: {  	_ =	swait.ge [sflag:s21], $0x2800  }
0xb9: {  	[sflag:s21] =	ssyncset.done $0x0  }
0xba: {  	[sflag:s21] =	ssyncadd.s32 $0xFFFFD800  }
0xbb: {  	_ =	swait.ge [sflag:s21], $0x2800  }
0xbc: {  	[sflag:s21] =	ssyncset.done $0x0  }
0xbd: {  	s31 =	sadd.s32 $0xFFFFFF80, s25;
	[sflag:s21] =	ssyncadd.s32 $0xFFFFD800  }
0xbe: {  	[hbm4b:s31+s22] =	stream.strided.scatter [tilespmem:s11], [sflag:$0x2], $0xC800, s9, s22, $0x38;
	[tilespmem:$0x1A000] =	vst v63  }
0xbf: {  	s24 =	sadd.s32 $0x1, s24  }
0xc0: {  	[hbm4b:s25+s22] =	stream.strided.scatter [tilespmem:s12], [sflag:$0x2], $0xC800, s9, s22, $0x38;
	[tilespmem:$0x1A000] =	vst v63  }
0xc1: {  	p0 =	sne.s32 s24, s6;
	_ =	swait.ge [sflag:s23], $0xC800  }
.Ltmp1:
0xc2: {  	[sflag:s23] =	ssyncset.done $0x0;
	(pc) =	sbr.rel @p0 .LBB2_1-.Ltmp1, $4  }
0xc3: {  	[sflag:s23] =	ssyncadd.s32 $0xFFFF3800  }
0xc4: {  	_ =	swait.ge [sflag:s23], $0xC800  }
0xc5: {  	[sflag:s23] =	ssyncset.done $0x0  }
0xc6: {  	[sflag:s23] =	ssyncadd.s32 $0xFFFF3800  }
0xc7: {  	_ =	sfence.sel $0x180000  }
0xc8: {  	[bflag:$0x0] =	sbarrier.arrive $0xFFFF  }
0xc9: {  	p0 =	sne.s32 s0, $0x0;
	_ =	strace $0x90000047  }
0xca: {  	s0 =	sadd.s32 @!p0 $0x100000, s1;
	[bflag:$0x2] =	sbarrier.arrive $0xFFFF  }
0xcb: {  	[sflag:s0] =	ssyncadd.tile.s32 @!p0 $0x1;
	_ =	shalt  }
.Lfunc_end2:
_tile_overlayer_lowered:
.L_overlay_start_2:
0xcc: {  	(tag) =	ssettag $0x2  }
0xcd: {  	s0 =	rddreg [dreg:$0x0];
	s2 =	stileid.u32  }
0xce: {  	s1 =	rddreg [dreg:$0x1];
	p0 =	sne.s32 s2, $0x0  }
0xcf: {  	s3 =	rddreg [dreg:$0x2];
	[bflag:$0x3] =	sbarrier.arrive $0xFFFF;
	s2 =	simm.s32 @!p0 $0x1C03  }
0xd0: {  	[timem:s3], [sflag:s2] =	dma.local @!p0 [hbm:s0], s1  }
0xd1: {  	s0 =	simm.s32 @!p0 $0x3  }
0xd2: {  	_ =	swait.ge @!p0 [sflag:s0], s1  }
0xd3: {  	s1 =	ssub.s32 @!p0 $0x0, s1;
	[sflag:s0] =	ssyncset.done @!p0 $0x0  }
0xd4: {  	[sflag:s0] =	ssyncadd.s32 @!p0 s1  }
0xd5: {  	[bflag:$0x3] =	sbarrier.arrive $0xFFFF  }
0xd6: {  	_ =	shalt  }

// kernel: kernel.22.cloned.1.call-start
scs
__scs_entry_jumppad:
0x0: {  	(pc) =	sbr.rel $0x88, $3  }
0x1: {  	(tag) =	ssettag $0x0;
	lr =	simm.s32 $0x1  }
0x2: {  	[smem:$0x3F91] =	sst lr;
	_ =	strace $0xD0000000  }
0x3: {  	_ = 	snop  }
0x4: {  	_ = 	snop  }
0x5: {  	_ = 	snop  }
0x6: {  	_ = 	snop  }
0x7: {  	_ = 	snop  }
__scs_overlays_trampoline_lowered:
0x8: {  	[smem:$0x3FA0] =	sst s0  }
0x9: {  	[smem:$0x3FA1] =	sst s1  }
0xa: {  	[smem:$0x3FA2] =	sst s2  }
0xb: {  	[smem:$0x3FA3] =	sst s3  }
0xc: {  	[smem:$0x3FA4] =	sst s4  }
0xd: {  	[smem:$0x3FA5] =	sst s5  }
0xe: {  	[smem:$0x3FA6] =	sst s6  }
0xf: {  	[smem:$0x3FA7] =	sst s7  }
0x10: {  	[smem:$0x3FA8] =	sst s8  }
0x11: {  	[smem:$0x3FA9] =	sst s9;
	s0 =	simm.s32 @!p0 $0x0  }
0x12: {  	s1 =	sld [smem:$0x3F8F];
	s0 =	simm.s32 @p0 $0x1  }
0x13: {  	[smem:$0x3FAA] =	sst s0;
	s0 =	simm.s32 @!p1 $0x0  }
0x14: {  	s2 =	sld [smem:$0x3F8E];
	s0 =	simm.s32 @p1 $0x1  }
0x15: {  	[smem:$0x3FAB] =	sst s0;
	s0 =	simm.s32 @!p2 $0x0  }
0x16: {  	s3 =	sld [smem:$0x3FDB];
	s0 =	simm.s32 @p2 $0x1  }
0x17: {  	s4 =	simm.s32 $0x1BF5;
	[smem:$0x3FAD] =	sst s0  }
0x18: {  	s0 =	sld [smem:$0x3F90];
	_ =	swait.ge [sflag:s4], $0x0  }
0x19: {  	s7 =	sld [smem:$0x3F91]  }
0x1a: {  	s8 =	sadd.s32 $0xFFFFE003, lr  }
0x1b: {  	s9 =	sadd.s32 $0xFFFFFEF7, lr;
	s5 =	simm.s32 $0xFFFFFFFF;
	p2 =	slt.u32 s8, $0xFFFFF086  }
0x1c: {  	p1 =	slt.u32 s9, $0xF7A;
	s5 =	simm.s32 @!p2 $0x0  }
0x1d: {  	s5 =	simm.s32 @p1 $0x1;
	p0 =	seq.s32 s7, s2  }
0x1e: {  	s7 =	smul.u32 @!p0 $0xF7A, s2;
	p2 =	seq.s32 @!p0 s5, $0x0  }
0x1f: {  	s9 =	smul.u32 $0xF7A, s1;
	s8 =	simm.s32 @!p0 $0x1BF5;
	p2 =	por !p2, p0  }
0x20: {  	[sflag:s8] =	ssyncset.s32 @!p0 $0xFFFFF086;
	s6 =	sadd.s32 @!p0 s3, s7;
	s7 =	simm.s32 @!p0 $0x108  }
0x21: {  	s3 =	sadd.s32 s3, s9;
	s6 =	sadd.s32 @!p0 $0x88, s6;
	s7 =	simm.s32 @p2 $0x1082  }
0x22: {  	[simem:s7], [sflag:s8] =	dma.local @!p0 [hbm:s6], $0xF7A  }
0x23: {  	s9 =	sor.u32 $0xD0000000, s2;
	s6 =	simm.s32 $0x108;
	_ =	swait.ge @!p0 [sflag:s8], $0x0  }
0x24: {  	s3 =	sadd.s32 $0x88, s3;
	s6 =	simm.s32 @!p1 $0x1082;
	[sflag:s4] =	ssyncset.s32 $0xFFFFF086  }
0x25: {  	[simem:s6], [sflag:s4] =	dma.local [hbm:s3], $0xF7A  }
0x26: {  	[smem:$0x3F91] =	sst s1;
	(tag) =	ssettag s2;
	_ =	strace s9  }
0x27: {  	s1 =	sld [smem:$0x3FA1]  }
0x28: {  	s2 =	sld [smem:$0x3FA2]  }
0x29: {  	s4 =	sld [smem:$0x3FA4]  }
0x2a: {  	p0 =	seq.s32 s5, $0x0;
	s5 =	sld [smem:$0x3FA5]  }
0x2b: {  	s6 =	sld [smem:$0x3FA6]  }
0x2c: {  	s7 =	sld [smem:$0x3FA7]  }
0x2d: {  	s3 =	simm.s32 $0x108;
	s8 =	sld [smem:$0x3FA8]  }
0x2e: {  	s3 =	simm.s32 @!p0 $0x1082;
	s9 =	sld [smem:$0x3FA9]  }
0x2f: {  	lr =	sadd.s32 s0, s3;
	s0 =	sld [smem:$0x3FA0]  }
0x30: {  	s3 =	sld [smem:$0x3FA3]  }
0x31: {  	[smem:$0x3FAC] =	sst s10  }
0x32: {  	s10 =	sld [smem:$0x3FAA];
	_ =	sdelay $0x3  }
0x33: {  	p0 =	seq.s32 s10, $0x1;
	s10 =	sld [smem:$0x3FAC];
	_ =	sdelay $0x3  }
0x34: {  	[smem:$0x3FAC] =	sst s10  }
0x35: {  	s10 =	sld [smem:$0x3FAB];
	_ =	sdelay $0x3  }
0x36: {  	p1 =	seq.s32 s10, $0x1;
	s10 =	sld [smem:$0x3FAC];
	_ =	sdelay $0x3  }
0x37: {  	[smem:$0x3FAC] =	sst s10  }
0x38: {  	s10 =	sld [smem:$0x3FAD]  }
0x39: {  	_ = 	snop;
	(pc) =	sbr.ind lr, $3  }
0x3a: {  	_ = 	snop  }
0x3b: {  	_ = 	snop  }
0x3c: {  	p2 =	seq.s32 s10, $0x1;
	s10 =	sld [smem:$0x3FAC]  }
0x3d: {  	_ =	shalt  }
0x3e: {  	_ =	shalt  }
0x3f: {  	_ =	shalt  }
0x40: {  	_ =	shalt  }
0x41: {  	_ =	shalt  }
0x42: {  	_ =	shalt  }
0x43: {  	_ =	shalt  }
0x44: {  	_ =	shalt  }
0x45: {  	_ =	shalt  }
0x46: {  	_ =	shalt  }
0x47: {  	_ =	shalt  }
0x48: {  	_ =	shalt  }
0x49: {  	_ =	shalt  }
0x4a: {  	_ =	shalt  }
0x4b: {  	_ =	shalt  }
0x4c: {  	_ =	shalt  }
0x4d: {  	_ =	shalt  }
0x4e: {  	_ =	shalt  }
0x4f: {  	_ =	shalt  }
0x50: {  	_ =	shalt  }
0x51: {  	_ =	shalt  }
0x52: {  	_ =	shalt  }
0x53: {  	_ =	shalt  }
0x54: {  	_ =	shalt  }
0x55: {  	_ =	shalt  }
0x56: {  	_ =	shalt  }
0x57: {  	_ =	shalt  }
0x58: {  	_ =	shalt  }
0x59: {  	_ =	shalt  }
0x5a: {  	_ =	shalt  }
0x5b: {  	_ =	shalt  }
0x5c: {  	_ =	shalt  }
0x5d: {  	_ =	shalt  }
0x5e: {  	_ =	shalt  }
0x5f: {  	_ =	shalt  }
0x60: {  	_ =	shalt  }
0x61: {  	_ =	shalt  }
0x62: {  	_ =	shalt  }
0x63: {  	_ =	shalt  }
0x64: {  	_ =	shalt  }
0x65: {  	_ =	shalt  }
0x66: {  	_ =	shalt  }
0x67: {  	_ =	shalt  }
0x68: {  	_ =	shalt  }
0x69: {  	_ =	shalt  }
0x6a: {  	_ =	shalt  }
0x6b: {  	_ =	shalt  }
0x6c: {  	_ =	shalt  }
0x6d: {  	_ =	shalt  }
0x6e: {  	_ =	shalt  }
0x6f: {  	_ =	shalt  }
0x70: {  	_ =	shalt  }
0x71: {  	_ =	shalt  }
0x72: {  	_ =	shalt  }
0x73: {  	_ =	shalt  }
0x74: {  	_ =	shalt  }
0x75: {  	_ =	shalt  }
0x76: {  	_ =	shalt  }
0x77: {  	_ =	shalt  }
0x78: {  	_ =	shalt  }
0x79: {  	_ =	shalt  }
0x7a: {  	_ =	shalt  }
0x7b: {  	_ =	shalt  }
0x7c: {  	_ =	shalt  }
0x7d: {  	_ =	shalt  }
0x7e: {  	_ =	shalt  }
0x7f: {  	_ =	shalt  }
0x80: {  	_ =	shalt  }
0x81: {  	_ =	shalt  }
0x82: {  	_ =	shalt  }
0x83: {  	_ =	shalt  }
0x84: {  	_ =	shalt  }
0x85: {  	_ =	shalt  }
0x86: {  	_ =	shalt  }
0x87: {  	_ =	shalt  }
.Lfunc_end0:
.L_simem_size_0:
called_computation.2_lowered:
.L_overlay_start_0:
0x88: {  	s2 =	sld [smem:$0x3FD9]  }
0x89: {  	s3 =	sld [smem:$0x3FFE];
	_ =	sdelay $0x1  }
0x8a: {  	s1 =	srdreg.scid  }
0x8b: {  	s0 =	sand.u32 $0x1, s1  }
0x8c: {  	s17 =	sshll.u32 s0, $0xA;
	s2 =	sadd.s32 s3, s2  }
0x8d: {  	s2 =	sadd.s32 s2, s17  }
0x8e: {  	[smem:$0x3FB8] =	sst s2  }
0x8f: {  	_ = 	snop  }
0x90: {  	s18 =	sld [smem:$0x3FC7];
	(tm) =	ssettm $0x1  }
0x91: {  	s19 =	sld [smem:$0x3FFB];
	_ =	sdelay $0x3  }
0x92: {  	_ =	strace s19  }
0x93: {  	s2 =	sld [smem:$0x3FFC];
	_ =	sdelay $0x3  }
0x94: {  	_ =	strace s2  }
0x95: {  	s2 =	sld [smem:$0x3FFD];
	_ =	sdelay $0x3  }
0x96: {  	_ =	strace s2  }
0x97: {  	_ =	strace $0x8FFFFFFF  }
0x98: {  	s20 =	sld [smem:$0x3FDB];
	_ =	sdelay $0x1  }
0x99: {  	s4 =	simm.s32 $_scs_section_size  }
0x9a: {  	s5 =	simm.s32 $_size__tile_overlayer_lowered;
	s6 =	simm.s32 $_tile_overlayer_lowered  }
0x9b: {  	s7 =	simm.s32 $0x1BFF;
	s21 =	sshll.u32 s6, $0x1;
	s4 =	sadd.s32 s4, s20  }
0x9c: {  	s22 =	simm.s32 $0x0;
	s5 =	sshll.u32 s5, $0x1;
	s6 =	sadd.s32 s21, s4  }
0x9d: {  	[timem:s22], [sflag:s7] =	dma.local [hbm:s6], s5  }
0x9e: {  	_ =	swait.ge [sflag:s7], s5  }
0x9f: {  	s5 =	ssub.s32 $0x0, s5;
	[sflag:s7] =	ssyncset.done $0x0  }
0xa0: {  	[sflag:s7] =	ssyncadd.s32 s5;
	_ =	sdelay $0x1  }
0xa1: {  	s23 =	simm.s32 $0x1B8B  }
0xa2: {  	_ =	swait.ge [sflag:s23], $0x1  }
0xa3: {  	[sflag:s23] =	ssyncset.done $0x0  }
0xa4: {  	[sflag:s23] =	ssyncadd.s32 $0xFFFFFFFF  }
0xa5: {  	s5 =	sld [smem:$0x0]  }
0xa6: {  	s6 =	sand.u32 $0xFFFFFFFE, s1  }
0xa7: {  	p0 =	sne.s32 s1, s6  }
0xa8: {  	s6 =	sshll.u32 @p0 s6, $0xE  }
0xa9: {  	s6 =	sadd.s32 @p0 $0x11B8D, s6;
	s7 =	sshll.u32 @p0 s5, $0x11  }
0xaa: {  	s6 =	sor.u32 @p0 s7, s6  }
0xab: {  	[sflag:s6] =	ssyncadd.remote.s32 @p0 $0x1;
	_ =	sdelay $0x1  }
0xac: {  	s6 =	simm.s32 @p0 $0x1B8D  }
0xad: {  	_ =	swait.eq @p0 [sflag:s6], $0x1  }
0xae: {  	[sflag:s6] =	ssyncadd.s32 @p0 $0xFFFFFFFF  }
0xaf: {  	s7 =	sshll.u32 @!p0 s1, $0xE  }
0xb0: {  	s7 =	sor.u32 @!p0 $0x4000, s7;
	s6 =	simm.s32 @!p0 $0x1B8D  }
0xb1: {  	s5 =	sshll.u32 @!p0 s5, $0x11;
	s7 =	sadd.s32 @!p0 $0x11B8D, s7;
	_ =	swait.eq @!p0 [sflag:s6], $0x1  }
0xb2: {  	s5 =	sor.u32 @!p0 s5, s7;
	[sflag:s6] =	ssyncadd.s32 @!p0 $0xFFFFFFFF  }
0xb3: {  	s25 =	simm.s32 $0x1B8E;
	s24 =	sld [smem:$0x3FFE];
	[sflag:s5] =	ssyncadd.remote.s32 @!p0 $0x1  }
0xb4: {  	s26 =	simm.s32 $execute0_lowered;
	[smem:$0x3FD2] =	sst s25  }
0xb5: {  	s6 =	sshll.u32 s26, $0x1;
	_ =	strace $0x8000004F;
	[dreg:$0x1] =	wrdreg $0xFFFFFFFF  }
0xb6: {  	s28 =	simm.s32 $_size_execute0_lowered;
	s4 =	sadd.s32 s4, s6;
	[dreg:$0x0] =	wrdreg $0x0  }
0xb7: {  	s6 =	sshll.u32 s28, $0x1;
	[dreg:$0x2] =	wrdreg s4  }
0xb8: {  	[dreg:$0x3] =	wrdreg s6  }
0xb9: {  	[dreg:$0x4] =	wrdreg $0xC0  }
0xba: {  	_ =	task [dreg:s22], $0x5FFFF  }
0xbb: {  	[dreg:$0x1] =	wrdreg $0xFFFFFFFF  }
0xbc: {  	[dreg:$0x0] =	wrdreg $0x60  }
0xbd: {  	[dreg:$0x2] =	wrdreg s18  }
0xbe: {  	[dreg:$0x3] =	wrdreg s24  }
0xbf: {  	[dreg:$0x4] =	wrdreg $0x9  }
0xc0: {  	_ =	task.clear_ibuf [dreg:s22], $0x5FFFF;
	_ =	strace $0x9000004F  }
0xc1: {  	s29 =	simm.s32 $0x9;
	_ =	strace $0x80000051  }
0xc2: {  	_ =	swait.ge [sflag:s29], $0x1  }
0xc3: {  	[sflag:s29] =	ssyncadd.s32 $0xFFFFFFFF  }
0xc4: {  	_ =	strace $0x90000051  }
0xc5: {  	_ =	sfence  }
0xc6: {  	s30 =	sld [smem:$0x0];
	_ =	sdelay $0x2  }
0xc7: {  	s31 =	sshll.u32 s1, $0xD;
	s1 =	sshrl.u32 s1, $0x2  }
0xc8: {  	s4 =	sand.u32 $0x4000, s31;
	s1 =	sadd.s32 s1, s30  }
0xc9: {  	s0 =	sor.u32 s4, s0;
	s1 =	sshll.u32 s1, $0x11  }
0xca: {  	s0 =	sor.u32 s1, s0  }
0xcb: {  	s0 =	sadd.s32 $0x8F2B, s0  }
0xcc: {  	[sflag:s0] =	ssyncadd.remote.s32 $0x1  }
0xcd: {  	_ =	sfence.sel $0xFFFF  }
0xce: {  	[dreg:$0x0] =	wrdreg $0xFFFFFFFF;
	(pc) =	sbr.abs _section_cstart, $3  }
0xcf: {  	[dreg:$0x1] =	wrdreg $0xFFFFFFFF  }
0xd0: {  	_ =	task.clear_ibuf [dreg:s22], $0x2FFFF;
	_ =	strace $0x9FFFFFFF  }
0xd1: {  	(tm) =	ssettm $0x7FFFFFFF  }
tec
execute0_lowered:
.L_overlay_start_1:
0x0: {  	(tag) =	ssettag $0x1  }
0x1: {  	s2 =	rddreg [dreg:$0x0]  }
0x2: {  	s1 =	srdreg.scid;
	s0 =	stileid.u32  }
0x3: {  	s4 =	rddreg [dreg:$0x1];
	s3 =	simm.s32 $0x0;
	s11 =	simm.s32 $0x1000  }
0x4: {  	s12 =	simm.s32 $0xD800;
	s13 =	simm.s32 $0x3800;
	s14 =	simm.s32 $0x10000  }
0x5: {  	s15 =	simm.s32 $0x6000;
	s16 =	simm.s32 $0x12800;
	s17 =	simm.s32 $0x8800  }
0x6: {  	s18 =	simm.s32 $0x15000;
	s19 =	simm.s32 $0xB000;
	s20 =	simm.s32 $0x17800  }
0x7: {  	s21 =	simm.s32 $0x1;
	s22 =	simm.s32 $0x400;
	s23 =	simm.s32 $0x2  }
0x8: {  	s24 =	simm.s32 $0x0;
	s5 =	sand.u32 $0x1, s1;
	s6 =	sshll.u32 s0, $0x1  }
0x9: {  	s1 =	rddreg [dreg:$0x2];
	s7 =	smul.u32 $0x1F400, s0;
	s6 =	sor.u32 s5, s6  }
0xa: {  	[smem:$0x7FF] =	sst s3;
	s8 =	ssub.s32 $0x2, s5;
	s6 =	smul.u32 $0x7D0, s6  }
0xb: {  	_ =	strace $0x80000050;
	s10 =	smul.u32 $0xFA00, s5;
	s9 =	sshrl.u32 s8, $0x1  }
0xc: {  	s7 =	sadd.s32 s7, s4;
	s8 =	ssub.s32 s8, s9;
	s6 =	sshrl.u32 s6, $0x3  }
0xd: {  	s7 =	sadd.s32 s10, s7;
	s9 =	simm.s32 $0x800;
	s6 =	sadd.s32 s6, s4  }
0xe: {  	s10 =	simm.s32 $0x50;
	s7 =	sadd.s32 $0x40D880, s7;
	s4 =	sadd.s32 $0x1B800, s6  }
0xf: {  	s5 =	sadd.s32 $0x19800, s6;
	s6 =	smax.u32 s8, $0x1;
	s8 =	simm.s32 $0x3  }
.LBB2_1:
0x10: {  	[tilespmem:s3], [sflag:$0x3] =	stream.linear.gather [hbm4b:s4+s3], $0x7D0, $0x38;
	[tilespmem:$0x1A000] =	vst v63  }
0x11: {  	_ =	swait.ge [sflag:s8], $0x7D0  }
0x12: {  	[sflag:s8] =	ssyncset.done $0x0  }
0x13: {  	[sflag:s8] =	ssyncadd.s32 $0xFFFFF830  }
0x14: {  	[tilespmem:s9], [sflag:$0x3] =	stream.linear.gather [hbm4b:s5+s3], $0x7D0, $0x38;
	[tilespmem:$0x1A000] =	vst v63  }
0x15: {  	_ =	swait.ge [sflag:s8], $0x7D0  }
0x16: {  	[sflag:s8] =	ssyncset.done $0x0  }
0x17: {  	s25 =	simm.s32 $0x0;
	[sflag:s8] =	ssyncadd.s32 $0xFFFFF830  }
0x18: {  	[tilespmem:s11], [sflag:$0x1] =	stream.indirect.gather [hbm4b:s2+s10], $0x80, s25, s10, $0xb8;
	[tilespmem:$0x1A000] =	vst v63  }
0x19: {  	s30 =	simm.s32 $0x800  }
0x1a: {  	[tilespmem:s12], [sflag:$0x1] =	stream.indirect.gather [hbm4b:s2+s10], $0x80, s30, s10, $0xb8;
	[tilespmem:$0x1A000] =	vst v63  }
0x1b: {  	s31 =	simm.s32 $0x50  }
0x1c: {  	[tilespmem:s13], [sflag:$0x1] =	stream.indirect.gather [hbm4b:s2+s10], $0x80, s31, s10, $0xb8;
	[tilespmem:$0x1A000] =	vst v63  }
0x1d: {  	s26 =	simm.s32 $0x850  }
0x1e: {  	[tilespmem:s14], [sflag:$0x1] =	stream.indirect.gather [hbm4b:s2+s10], $0x80, s26, s10, $0xb8;
	[tilespmem:$0x1A000] =	vst v63  }
0x1f: {  	s28 =	simm.s32 $0xA0  }
0x20: {  	[tilespmem:s15], [sflag:$0x1] =	stream.indirect.gather [hbm4b:s2+s10], $0x80, s28, s10, $0xb8;
	[tilespmem:$0x1A000] =	vst v63  }
0x21: {  	s30 =	simm.s32 $0x8A0  }
0x22: {  	[tilespmem:s16], [sflag:$0x1] =	stream.indirect.gather [hbm4b:s2+s10], $0x80, s30, s10, $0xb8;
	[tilespmem:$0x1A000] =	vst v63  }
0x23: {  	s31 =	simm.s32 $0xF0  }
0x24: {  	[tilespmem:s17], [sflag:$0x1] =	stream.indirect.gather [hbm4b:s2+s10], $0x80, s31, s10, $0xb8;
	[tilespmem:$0x1A000] =	vst v63  }
0x25: {  	s26 =	simm.s32 $0x8F0  }
0x26: {  	[tilespmem:s18], [sflag:$0x1] =	stream.indirect.gather [hbm4b:s2+s10], $0x80, s26, s10, $0xb8;
	[tilespmem:$0x1A000] =	vst v63  }
0x27: {  	s28 =	simm.s32 $0x140  }
0x28: {  	[tilespmem:s19], [sflag:$0x1] =	stream.indirect.gather [hbm4b:s2+s10], $0x80, s28, s10, $0xb8;
	[tilespmem:$0x1A000] =	vst v63  }
0x29: {  	s30 =	simm.s32 $0x940  }
0x2a: {  	[tilespmem:s20], [sflag:$0x1] =	stream.indirect.gather [hbm4b:s2+s10], $0x80, s30, s10, $0xb8;
	[tilespmem:$0x1A000] =	vst v63  }
0x2b: {  	_ =	swait.ge [sflag:s21], $0x2800  }
0x2c: {  	[sflag:s21] =	ssyncset.done $0x0  }
0x2d: {  	[sflag:s21] =	ssyncadd.s32 $0xFFFFD800  }
0x2e: {  	_ =	swait.ge [sflag:s21], $0x2800  }
0x2f: {  	[sflag:s21] =	ssyncset.done $0x0  }
0x30: {  	[sflag:s21] =	ssyncadd.s32 $0xFFFFD800  }
0x31: {  	_ =	swait.ge [sflag:s21], $0x2800  }
0x32: {  	[sflag:s21] =	ssyncset.done $0x0  }
0x33: {  	[sflag:s21] =	ssyncadd.s32 $0xFFFFD800  }
0x34: {  	_ =	swait.ge [sflag:s21], $0x2800  }
0x35: {  	[sflag:s21] =	ssyncset.done $0x0  }
0x36: {  	[sflag:s21] =	ssyncadd.s32 $0xFFFFD800  }
0x37: {  	_ =	swait.ge [sflag:s21], $0x2800  }
0x38: {  	[sflag:s21] =	ssyncset.done $0x0  }
0x39: {  	[sflag:s21] =	ssyncadd.s32 $0xFFFFD800  }
0x3a: {  	_ =	swait.ge [sflag:s21], $0x2800  }
0x3b: {  	[sflag:s21] =	ssyncset.done $0x0  }
0x3c: {  	[sflag:s21] =	ssyncadd.s32 $0xFFFFD800  }
0x3d: {  	_ =	swait.ge [sflag:s21], $0x2800  }
0x3e: {  	[sflag:s21] =	ssyncset.done $0x0  }
0x3f: {  	[sflag:s21] =	ssyncadd.s32 $0xFFFFD800  }
0x40: {  	_ =	swait.ge [sflag:s21], $0x2800  }
0x41: {  	[sflag:s21] =	ssyncset.done $0x0  }
0x42: {  	[sflag:s21] =	ssyncadd.s32 $0xFFFFD800  }
0x43: {  	_ =	swait.ge [sflag:s21], $0x2800  }
0x44: {  	[sflag:s21] =	ssyncset.done $0x0  }
0x45: {  	[sflag:s21] =	ssyncadd.s32 $0xFFFFD800  }
0x46: {  	_ =	swait.ge [sflag:s21], $0x2800  }
0x47: {  	[sflag:s21] =	ssyncset.done $0x0  }
0x48: {  	s31 =	sadd.s32 $0xFFFFFF80, s7;
	[sflag:s21] =	ssyncadd.s32 $0xFFFFD800  }
0x49: {  	[hbm4b:s31+s22] =	stream.strided.scatter [tilespmem:s11], [sflag:$0x2], $0xC800, s9, s22, $0x38;
	[tilespmem:$0x1A000] =	vst v63  }
0x4a: {  	_ = 	snop  }
0x4b: {  	[hbm4b:s7+s22] =	stream.strided.scatter [tilespmem:s12], [sflag:$0x2], $0xC800, s9, s22, $0x38;
	[tilespmem:$0x1A000] =	vst v63  }
0x4c: {  	_ =	swait.ge [sflag:s23], $0xC800  }
0x4d: {  	[sflag:s23] =	ssyncset.done $0x0  }
0x4e: {  	[sflag:s23] =	ssyncadd.s32 $0xFFFF3800  }
0x4f: {  	s29 =	simm.s32 $0xC80;
	_ =	swait.ge [sflag:s23], $0xC800  }
0x50: {  	s25 =	sadd.s32 $0x3200, s7;
	s26 =	simm.s32 $0x640;
	[sflag:s23] =	ssyncset.done $0x0  }
.LBB2_2:
0x51: {  	s30 =	sshra.s32 s26, $0x2  }
0x52: {  	[sflag:s23] =	ssyncadd.s32 $0xFFFF3800;
	s26 =	smov.u32 s29;
	s28 =	sadd.s32 $0x640, s29  }
0x53: {  	[tilespmem:s11], [sflag:$0x1] =	stream.indirect.gather [hbm4b:s2+s10], $0x80, s30, s10, $0xb8;
	[tilespmem:$0x1A000] =	vst v63  }
0x54: {  	p0 =	sne.s32 s29, $0x1900;
	s29 =	sadd.s32 $0x800, s30  }
0x55: {  	[tilespmem:s12], [sflag:$0x1] =	stream.indirect.gather [hbm4b:s2+s10], $0x80, s29, s10, $0xb8;
	[tilespmem:$0x1A000] =	vst v63  }
0x56: {  	s29 =	sadd.s32 $0x50, s30  }
0x57: {  	[tilespmem:s13], [sflag:$0x1] =	stream.indirect.gather [hbm4b:s2+s10], $0x80, s29, s10, $0xb8;
	[tilespmem:$0x1A000] =	vst v63  }
0x58: {  	s29 =	sadd.s32 $0x850, s30  }
0x59: {  	[tilespmem:s14], [sflag:$0x1] =	stream.indirect.gather [hbm4b:s2+s10], $0x80, s29, s10, $0xb8;
	[tilespmem:$0x1A000] =	vst v63  }
0x5a: {  	s29 =	sadd.s32 $0xA0, s30  }
0x5b: {  	[tilespmem:s15], [sflag:$0x1] =	stream.indirect.gather [hbm4b:s2+s10], $0x80, s29, s10, $0xb8;
	[tilespmem:$0x1A000] =	vst v63  }
0x5c: {  	s29 =	sadd.s32 $0x8A0, s30  }
0x5d: {  	[tilespmem:s16], [sflag:$0x1] =	stream.indirect.gather [hbm4b:s2+s10], $0x80, s29, s10, $0xb8;
	[tilespmem:$0x1A000] =	vst v63  }
0x5e: {  	s29 =	sadd.s32 $0xF0, s30  }
0x5f: {  	[tilespmem:s17], [sflag:$0x1] =	stream.indirect.gather [hbm4b:s2+s10], $0x80, s29, s10, $0xb8;
	[tilespmem:$0x1A000] =	vst v63  }
0x60: {  	s29 =	sadd.s32 $0x8F0, s30  }
0x61: {  	[tilespmem:s18], [sflag:$0x1] =	stream.indirect.gather [hbm4b:s2+s10], $0x80, s29, s10, $0xb8;
	[tilespmem:$0x1A000] =	vst v63  }
0x62: {  	s29 =	sadd.s32 $0x140, s30  }
0x63: {  	[tilespmem:s19], [sflag:$0x1] =	stream.indirect.gather [hbm4b:s2+s10], $0x80, s29, s10, $0xb8;
	[tilespmem:$0x1A000] =	vst v63  }
0x64: {  	s29 =	sadd.s32 $0x940, s30  }
0x65: {  	[tilespmem:s20], [sflag:$0x1] =	stream.indirect.gather [hbm4b:s2+s10], $0x80, s29, s10, $0xb8;
	[tilespmem:$0x1A000] =	vst v63  }
0x66: {  	_ =	swait.ge [sflag:s21], $0x2800  }
0x67: {  	[sflag:s21] =	ssyncset.done $0x0  }
0x68: {  	[sflag:s21] =	ssyncadd.s32 $0xFFFFD800  }
0x69: {  	_ =	swait.ge [sflag:s21], $0x2800  }
0x6a: {  	[sflag:s21] =	ssyncset.done $0x0  }
0x6b: {  	[sflag:s21] =	ssyncadd.s32 $0xFFFFD800  }
0x6c: {  	_ =	swait.ge [sflag:s21], $0x2800  }
0x6d: {  	[sflag:s21] =	ssyncset.done $0x0  }
0x6e: {  	[sflag:s21] =	ssyncadd.s32 $0xFFFFD800  }
0x6f: {  	_ =	swait.ge [sflag:s21], $0x2800  }
0x70: {  	[sflag:s21] =	ssyncset.done $0x0  }
0x71: {  	[sflag:s21] =	ssyncadd.s32 $0xFFFFD800  }
0x72: {  	_ =	swait.ge [sflag:s21], $0x2800  }
0x73: {  	[sflag:s21] =	ssyncset.done $0x0  }
0x74: {  	[sflag:s21] =	ssyncadd.s32 $0xFFFFD800  }
0x75: {  	_ =	swait.ge [sflag:s21], $0x2800  }
0x76: {  	[sflag:s21] =	ssyncset.done $0x0  }
0x77: {  	[sflag:s21] =	ssyncadd.s32 $0xFFFFD800  }
0x78: {  	_ =	swait.ge [sflag:s21], $0x2800  }
0x79: {  	[sflag:s21] =	ssyncset.done $0x0  }
0x7a: {  	[sflag:s21] =	ssyncadd.s32 $0xFFFFD800  }
0x7b: {  	_ =	swait.ge [sflag:s21], $0x2800  }
0x7c: {  	[sflag:s21] =	ssyncset.done $0x0  }
0x7d: {  	[sflag:s21] =	ssyncadd.s32 $0xFFFFD800  }
0x7e: {  	_ =	swait.ge [sflag:s21], $0x2800  }
0x7f: {  	[sflag:s21] =	ssyncset.done $0x0  }
0x80: {  	[sflag:s21] =	ssyncadd.s32 $0xFFFFD800  }
0x81: {  	_ =	swait.ge [sflag:s21], $0x2800  }
0x82: {  	[sflag:s21] =	ssyncset.done $0x0  }
0x83: {  	s29 =	sadd.s32 $0xFFFFFF80, s25;
	[sflag:s21] =	ssyncadd.s32 $0xFFFFD800  }
0x84: {  	[hbm4b:s29+s22] =	stream.strided.scatter [tilespmem:s11], [sflag:$0x2], $0xC800, s9, s22, $0x38;
	[tilespmem:$0x1A000] =	vst v63  }
0x85: {  	_ = 	snop  }
0x86: {  	[hbm4b:s25+s22] =	stream.strided.scatter [tilespmem:s12], [sflag:$0x2], $0xC800, s9, s22, $0x38;
	[tilespmem:$0x1A000] =	vst v63  }
.Ltmp0:
0x87: {  	_ =	swait.ge [sflag:s23], $0xC800;
	(pc) =	sbr.rel @p0 .LBB2_2-.Ltmp0, $4  }
0x88: {  	[sflag:s23] =	ssyncset.done $0x0  }
0x89: {  	[sflag:s23] =	ssyncadd.s32 $0xFFFF3800  }
0x8a: {  	_ =	swait.ge [sflag:s23], $0xC800  }
0x8b: {  	s29 =	smov.u32 s28;
	s25 =	sadd.s32 $0x3200, s25;
	[sflag:s23] =	ssyncset.done $0x0  }
0x8c: {  	s26 =	sshra.s32 s26, $0x2;
	[sflag:s23] =	ssyncadd.s32 $0xFFFF3800  }
0x8d: {  	[tilespmem:s11], [sflag:$0x1] =	stream.indirect.gather [hbm4b:s2+s10], $0x80, s26, s10, $0xb8;
	[tilespmem:$0x1A000] =	vst v63  }
0x8e: {  	s28 =	sadd.s32 $0x800, s26  }
0x8f: {  	[tilespmem:s12], [sflag:$0x1] =	stream.indirect.gather [hbm4b:s2+s10], $0x80, s28, s10, $0xb8;
	[tilespmem:$0x1A000] =	vst v63  }
0x90: {  	s30 =	sadd.s32 $0x50, s26  }
0x91: {  	[tilespmem:s13], [sflag:$0x1] =	stream.indirect.gather [hbm4b:s2+s10], $0x80, s30, s10, $0xb8;
	[tilespmem:$0x1A000] =	vst v63  }
0x92: {  	s31 =	sadd.s32 $0x850, s26  }
0x93: {  	[tilespmem:s14], [sflag:$0x1] =	stream.indirect.gather [hbm4b:s2+s10], $0x80, s31, s10, $0xb8;
	[tilespmem:$0x1A000] =	vst v63  }
0x94: {  	s29 =	sadd.s32 $0xA0, s26  }
0x95: {  	[tilespmem:s15], [sflag:$0x1] =	stream.indirect.gather [hbm4b:s2+s10], $0x80, s29, s10, $0xb8;
	[tilespmem:$0x1A000] =	vst v63  }
0x96: {  	s30 =	sadd.s32 $0x8A0, s26  }
0x97: {  	[tilespmem:s16], [sflag:$0x1] =	stream.indirect.gather [hbm4b:s2+s10], $0x80, s30, s10, $0xb8;
	[tilespmem:$0x1A000] =	vst v63  }
0x98: {  	s31 =	sadd.s32 $0xF0, s26  }
0x99: {  	[tilespmem:s17], [sflag:$0x1] =	stream.indirect.gather [hbm4b:s2+s10], $0x80, s31, s10, $0xb8;
	[tilespmem:$0x1A000] =	vst v63  }
0x9a: {  	s29 =	sadd.s32 $0x8F0, s26  }
0x9b: {  	[tilespmem:s18], [sflag:$0x1] =	stream.indirect.gather [hbm4b:s2+s10], $0x80, s29, s10, $0xb8;
	[tilespmem:$0x1A000] =	vst v63  }
0x9c: {  	s30 =	sadd.s32 $0x140, s26  }
0x9d: {  	[tilespmem:s19], [sflag:$0x1] =	stream.indirect.gather [hbm4b:s2+s10], $0x80, s30, s10, $0xb8;
	[tilespmem:$0x1A000] =	vst v63  }
0x9e: {  	s26 =	sadd.s32 $0x940, s26  }
0x9f: {  	[tilespmem:s20], [sflag:$0x1] =	stream.indirect.gather [hbm4b:s2+s10], $0x80, s26, s10, $0xb8;
	[tilespmem:$0x1A000] =	vst v63  }
0xa0: {  	_ =	swait.ge [sflag:s21], $0x2800  }
0xa1: {  	[sflag:s21] =	ssyncset.done $0x0  }
0xa2: {  	[sflag:s21] =	ssyncadd.s32 $0xFFFFD800  }
0xa3: {  	_ =	swait.ge [sflag:s21], $0x2800  }
0xa4: {  	[sflag:s21] =	ssyncset.done $0x0  }
0xa5: {  	[sflag:s21] =	ssyncadd.s32 $0xFFFFD800  }
0xa6: {  	_ =	swait.ge [sflag:s21], $0x2800  }
0xa7: {  	[sflag:s21] =	ssyncset.done $0x0  }
0xa8: {  	[sflag:s21] =	ssyncadd.s32 $0xFFFFD800  }
0xa9: {  	_ =	swait.ge [sflag:s21], $0x2800  }
0xaa: {  	[sflag:s21] =	ssyncset.done $0x0  }
0xab: {  	[sflag:s21] =	ssyncadd.s32 $0xFFFFD800  }
0xac: {  	_ =	swait.ge [sflag:s21], $0x2800  }
0xad: {  	[sflag:s21] =	ssyncset.done $0x0  }
0xae: {  	[sflag:s21] =	ssyncadd.s32 $0xFFFFD800  }
0xaf: {  	_ =	swait.ge [sflag:s21], $0x2800  }
0xb0: {  	[sflag:s21] =	ssyncset.done $0x0  }
0xb1: {  	[sflag:s21] =	ssyncadd.s32 $0xFFFFD800  }
0xb2: {  	_ =	swait.ge [sflag:s21], $0x2800  }
0xb3: {  	[sflag:s21] =	ssyncset.done $0x0  }
0xb4: {  	[sflag:s21] =	ssyncadd.s32 $0xFFFFD800  }
0xb5: {  	_ =	swait.ge [sflag:s21], $0x2800  }
0xb6: {  	[sflag:s21] =	ssyncset.done $0x0  }
0xb7: {  	[sflag:s21] =	ssyncadd.s32 $0xFFFFD800  }
0xb8: {  	_ =	swait.ge [sflag:s21], $0x2800  }
0xb9: {  	[sflag:s21] =	ssyncset.done $0x0  }
0xba: {  	[sflag:s21] =	ssyncadd.s32 $0xFFFFD800  }
0xbb: {  	_ =	swait.ge [sflag:s21], $0x2800  }
0xbc: {  	[sflag:s21] =	ssyncset.done $0x0  }
0xbd: {  	s31 =	sadd.s32 $0xFFFFFF80, s25;
	[sflag:s21] =	ssyncadd.s32 $0xFFFFD800  }
0xbe: {  	[hbm4b:s31+s22] =	stream.strided.scatter [tilespmem:s11], [sflag:$0x2], $0xC800, s9, s22, $0x38;
	[tilespmem:$0x1A000] =	vst v63  }
0xbf: {  	s24 =	sadd.s32 $0x1, s24  }
0xc0: {  	[hbm4b:s25+s22] =	stream.strided.scatter [tilespmem:s12], [sflag:$0x2], $0xC800, s9, s22, $0x38;
	[tilespmem:$0x1A000] =	vst v63  }
0xc1: {  	p0 =	sne.s32 s24, s6;
	_ =	swait.ge [sflag:s23], $0xC800  }
.Ltmp1:
0xc2: {  	[sflag:s23] =	ssyncset.done $0x0;
	(pc) =	sbr.rel @p0 .LBB2_1-.Ltmp1, $4  }
0xc3: {  	[sflag:s23] =	ssyncadd.s32 $0xFFFF3800  }
0xc4: {  	_ =	swait.ge [sflag:s23], $0xC800  }
0xc5: {  	[sflag:s23] =	ssyncset.done $0x0  }
0xc6: {  	[sflag:s23] =	ssyncadd.s32 $0xFFFF3800  }
0xc7: {  	_ =	sfence.sel $0x180000  }
0xc8: {  	[bflag:$0x0] =	sbarrier.arrive $0xFFFF  }
0xc9: {  	p0 =	sne.s32 s0, $0x0;
	_ =	strace $0x90000050  }
0xca: {  	s0 =	sadd.s32 @!p0 $0x100000, s1;
	[bflag:$0x2] =	sbarrier.arrive $0xFFFF  }
0xcb: {  	[sflag:s0] =	ssyncadd.tile.s32 @!p0 $0x1;
	_ =	shalt  }
.Lfunc_end2:
_tile_overlayer_lowered:
.L_overlay_start_2:
0xcc: {  	(tag) =	ssettag $0x2  }
0xcd: {  	s0 =	rddreg [dreg:$0x0];
	s2 =	stileid.u32  }
0xce: {  	s1 =	rddreg [dreg:$0x1];
	p0 =	sne.s32 s2, $0x0  }
0xcf: {  	s3 =	rddreg [dreg:$0x2];
	[bflag:$0x3] =	sbarrier.arrive $0xFFFF;
	s2 =	simm.s32 @!p0 $0x1C03  }
0xd0: {  	[timem:s3], [sflag:s2] =	dma.local @!p0 [hbm:s0], s1  }
0xd1: {  	s0 =	simm.s32 @!p0 $0x3  }
0xd2: {  	_ =	swait.ge @!p0 [sflag:s0], s1  }
0xd3: {  	s1 =	ssub.s32 @!p0 $0x0, s1;
	[sflag:s0] =	ssyncset.done @!p0 $0x0  }
0xd4: {  	[sflag:s0] =	ssyncadd.s32 @!p0 s1  }
0xd5: {  	[bflag:$0x3] =	sbarrier.arrive $0xFFFF  }
0xd6: {  	_ =	shalt  }

// kernel: kernel.25.cloned.1.call-start
scs
__scs_entry_jumppad:
0x0: {  	(pc) =	sbr.rel $0x88, $3  }
0x1: {  	(tag) =	ssettag $0x0;
	lr =	simm.s32 $0x1  }
0x2: {  	[smem:$0x3F91] =	sst lr;
	_ =	strace $0xD0000000  }
0x3: {  	_ = 	snop  }
0x4: {  	_ = 	snop  }
0x5: {  	_ = 	snop  }
0x6: {  	_ = 	snop  }
0x7: {  	_ = 	snop  }
__scs_overlays_trampoline_lowered:
0x8: {  	[smem:$0x3FA0] =	sst s0  }
0x9: {  	[smem:$0x3FA1] =	sst s1  }
0xa: {  	[smem:$0x3FA2] =	sst s2  }
0xb: {  	[smem:$0x3FA3] =	sst s3  }
0xc: {  	[smem:$0x3FA4] =	sst s4  }
0xd: {  	[smem:$0x3FA5] =	sst s5  }
0xe: {  	[smem:$0x3FA6] =	sst s6  }
0xf: {  	[smem:$0x3FA7] =	sst s7  }
0x10: {  	[smem:$0x3FA8] =	sst s8  }
0x11: {  	[smem:$0x3FA9] =	sst s9;
	s0 =	simm.s32 @!p0 $0x0  }
0x12: {  	s1 =	sld [smem:$0x3F8F];
	s0 =	simm.s32 @p0 $0x1  }
0x13: {  	[smem:$0x3FAA] =	sst s0;
	s0 =	simm.s32 @!p1 $0x0  }
0x14: {  	s2 =	sld [smem:$0x3F8E];
	s0 =	simm.s32 @p1 $0x1  }
0x15: {  	[smem:$0x3FAB] =	sst s0;
	s0 =	simm.s32 @!p2 $0x0  }
0x16: {  	s3 =	sld [smem:$0x3FDB];
	s0 =	simm.s32 @p2 $0x1  }
0x17: {  	s4 =	simm.s32 $0x1BF5;
	[smem:$0x3FAD] =	sst s0  }
0x18: {  	s0 =	sld [smem:$0x3F90];
	_ =	swait.ge [sflag:s4], $0x0  }
0x19: {  	s7 =	sld [smem:$0x3F91]  }
0x1a: {  	s8 =	sadd.s32 $0xFFFFE003, lr  }
0x1b: {  	s9 =	sadd.s32 $0xFFFFFEF7, lr;
	s5 =	simm.s32 $0xFFFFFFFF;
	p2 =	slt.u32 s8, $0xFFFFF086  }
0x1c: {  	p1 =	slt.u32 s9, $0xF7A;
	s5 =	simm.s32 @!p2 $0x0  }
0x1d: {  	s5 =	simm.s32 @p1 $0x1;
	p0 =	seq.s32 s7, s2  }
0x1e: {  	s7 =	smul.u32 @!p0 $0xF7A, s2;
	p2 =	seq.s32 @!p0 s5, $0x0  }
0x1f: {  	s9 =	smul.u32 $0xF7A, s1;
	s8 =	simm.s32 @!p0 $0x1BF5;
	p2 =	por !p2, p0  }
0x20: {  	[sflag:s8] =	ssyncset.s32 @!p0 $0xFFFFF086;
	s6 =	sadd.s32 @!p0 s3, s7;
	s7 =	simm.s32 @!p0 $0x108  }
0x21: {  	s3 =	sadd.s32 s3, s9;
	s6 =	sadd.s32 @!p0 $0x88, s6;
	s7 =	simm.s32 @p2 $0x1082  }
0x22: {  	[simem:s7], [sflag:s8] =	dma.local @!p0 [hbm:s6], $0xF7A  }
0x23: {  	s9 =	sor.u32 $0xD0000000, s2;
	s6 =	simm.s32 $0x108;
	_ =	swait.ge @!p0 [sflag:s8], $0x0  }
0x24: {  	s3 =	sadd.s32 $0x88, s3;
	s6 =	simm.s32 @!p1 $0x1082;
	[sflag:s4] =	ssyncset.s32 $0xFFFFF086  }
0x25: {  	[simem:s6], [sflag:s4] =	dma.local [hbm:s3], $0xF7A  }
0x26: {  	[smem:$0x3F91] =	sst s1;
	(tag) =	ssettag s2;
	_ =	strace s9  }
0x27: {  	s1 =	sld [smem:$0x3FA1]  }
0x28: {  	s2 =	sld [smem:$0x3FA2]  }
0x29: {  	s4 =	sld [smem:$0x3FA4]  }
0x2a: {  	p0 =	seq.s32 s5, $0x0;
	s5 =	sld [smem:$0x3FA5]  }
0x2b: {  	s6 =	sld [smem:$0x3FA6]  }
0x2c: {  	s7 =	sld [smem:$0x3FA7]  }
0x2d: {  	s3 =	simm.s32 $0x108;
	s8 =	sld [smem:$0x3FA8]  }
0x2e: {  	s3 =	simm.s32 @!p0 $0x1082;
	s9 =	sld [smem:$0x3FA9]  }
0x2f: {  	lr =	sadd.s32 s0, s3;
	s0 =	sld [smem:$0x3FA0]  }
0x30: {  	s3 =	sld [smem:$0x3FA3]  }
0x31: {  	[smem:$0x3FAC] =	sst s10  }
0x32: {  	s10 =	sld [smem:$0x3FAA];
	_ =	sdelay $0x3  }
0x33: {  	p0 =	seq.s32 s10, $0x1;
	s10 =	sld [smem:$0x3FAC];
	_ =	sdelay $0x3  }
0x34: {  	[smem:$0x3FAC] =	sst s10  }
0x35: {  	s10 =	sld [smem:$0x3FAB];
	_ =	sdelay $0x3  }
0x36: {  	p1 =	seq.s32 s10, $0x1;
	s10 =	sld [smem:$0x3FAC];
	_ =	sdelay $0x3  }
0x37: {  	[smem:$0x3FAC] =	sst s10  }
0x38: {  	s10 =	sld [smem:$0x3FAD]  }
0x39: {  	_ = 	snop;
	(pc) =	sbr.ind lr, $3  }
0x3a: {  	_ = 	snop  }
0x3b: {  	_ = 	snop  }
0x3c: {  	p2 =	seq.s32 s10, $0x1;
	s10 =	sld [smem:$0x3FAC]  }
0x3d: {  	_ =	shalt  }
0x3e: {  	_ =	shalt  }
0x3f: {  	_ =	shalt  }
0x40: {  	_ =	shalt  }
0x41: {  	_ =	shalt  }
0x42: {  	_ =	shalt  }
0x43: {  	_ =	shalt  }
0x44: {  	_ =	shalt  }
0x45: {  	_ =	shalt  }
0x46: {  	_ =	shalt  }
0x47: {  	_ =	shalt  }
0x48: {  	_ =	shalt  }
0x49: {  	_ =	shalt  }
0x4a: {  	_ =	shalt  }
0x4b: {  	_ =	shalt  }
0x4c: {  	_ =	shalt  }
0x4d: {  	_ =	shalt  }
0x4e: {  	_ =	shalt  }
0x4f: {  	_ =	shalt  }
0x50: {  	_ =	shalt  }
0x51: {  	_ =	shalt  }
0x52: {  	_ =	shalt  }
0x53: {  	_ =	shalt  }
0x54: {  	_ =	shalt  }
0x55: {  	_ =	shalt  }
0x56: {  	_ =	shalt  }
0x57: {  	_ =	shalt  }
0x58: {  	_ =	shalt  }
0x59: {  	_ =	shalt  }
0x5a: {  	_ =	shalt  }
0x5b: {  	_ =	shalt  }
0x5c: {  	_ =	shalt  }
0x5d: {  	_ =	shalt  }
0x5e: {  	_ =	shalt  }
0x5f: {  	_ =	shalt  }
0x60: {  	_ =	shalt  }
0x61: {  	_ =	shalt  }
0x62: {  	_ =	shalt  }
0x63: {  	_ =	shalt  }
0x64: {  	_ =	shalt  }
0x65: {  	_ =	shalt  }
0x66: {  	_ =	shalt  }
0x67: {  	_ =	shalt  }
0x68: {  	_ =	shalt  }
0x69: {  	_ =	shalt  }
0x6a: {  	_ =	shalt  }
0x6b: {  	_ =	shalt  }
0x6c: {  	_ =	shalt  }
0x6d: {  	_ =	shalt  }
0x6e: {  	_ =	shalt  }
0x6f: {  	_ =	shalt  }
0x70: {  	_ =	shalt  }
0x71: {  	_ =	shalt  }
0x72: {  	_ =	shalt  }
0x73: {  	_ =	shalt  }
0x74: {  	_ =	shalt  }
0x75: {  	_ =	shalt  }
0x76: {  	_ =	shalt  }
0x77: {  	_ =	shalt  }
0x78: {  	_ =	shalt  }
0x79: {  	_ =	shalt  }
0x7a: {  	_ =	shalt  }
0x7b: {  	_ =	shalt  }
0x7c: {  	_ =	shalt  }
0x7d: {  	_ =	shalt  }
0x7e: {  	_ =	shalt  }
0x7f: {  	_ =	shalt  }
0x80: {  	_ =	shalt  }
0x81: {  	_ =	shalt  }
0x82: {  	_ =	shalt  }
0x83: {  	_ =	shalt  }
0x84: {  	_ =	shalt  }
0x85: {  	_ =	shalt  }
0x86: {  	_ =	shalt  }
0x87: {  	_ =	shalt  }
.Lfunc_end0:
.L_simem_size_0:
called_computation.3_lowered:
.L_overlay_start_0:
0x88: {  	s2 =	sld [smem:$0x3FD9]  }
0x89: {  	s3 =	sld [smem:$0x3FFE];
	_ =	sdelay $0x1  }
0x8a: {  	s1 =	srdreg.scid  }
0x8b: {  	s0 =	sand.u32 $0x1, s1  }
0x8c: {  	s17 =	sshll.u32 s0, $0xA;
	s2 =	sadd.s32 s3, s2  }
0x8d: {  	s2 =	sadd.s32 s2, s17  }
0x8e: {  	[smem:$0x3FB8] =	sst s2  }
0x8f: {  	_ = 	snop  }
0x90: {  	s18 =	sld [smem:$0x3FC7];
	(tm) =	ssettm $0x1  }
0x91: {  	s19 =	sld [smem:$0x3FFB];
	_ =	sdelay $0x3  }
0x92: {  	_ =	strace s19  }
0x93: {  	s2 =	sld [smem:$0x3FFC];
	_ =	sdelay $0x3  }
0x94: {  	_ =	strace s2  }
0x95: {  	s2 =	sld [smem:$0x3FFD];
	_ =	sdelay $0x3  }
0x96: {  	_ =	strace s2  }
0x97: {  	_ =	strace $0x8FFFFFFF  }
0x98: {  	s20 =	sld [smem:$0x3FDB];
	_ =	sdelay $0x1  }
0x99: {  	s4 =	simm.s32 $_scs_section_size  }
0x9a: {  	s5 =	simm.s32 $_size__tile_overlayer_lowered;
	s6 =	simm.s32 $_tile_overlayer_lowered  }
0x9b: {  	s7 =	simm.s32 $0x1BFF;
	s21 =	sshll.u32 s6, $0x1;
	s4 =	sadd.s32 s4, s20  }
0x9c: {  	s22 =	simm.s32 $0x0;
	s5 =	sshll.u32 s5, $0x1;
	s6 =	sadd.s32 s21, s4  }
0x9d: {  	[timem:s22], [sflag:s7] =	dma.local [hbm:s6], s5  }
0x9e: {  	_ =	swait.ge [sflag:s7], s5  }
0x9f: {  	s5 =	ssub.s32 $0x0, s5;
	[sflag:s7] =	ssyncset.done $0x0  }
0xa0: {  	[sflag:s7] =	ssyncadd.s32 s5;
	_ =	sdelay $0x1  }
0xa1: {  	s23 =	simm.s32 $0x1B8B  }
0xa2: {  	_ =	swait.ge [sflag:s23], $0x1  }
0xa3: {  	[sflag:s23] =	ssyncset.done $0x0  }
0xa4: {  	[sflag:s23] =	ssyncadd.s32 $0xFFFFFFFF  }
0xa5: {  	s5 =	sld [smem:$0x0]  }
0xa6: {  	s6 =	sand.u32 $0xFFFFFFFE, s1  }
0xa7: {  	p0 =	sne.s32 s1, s6  }
0xa8: {  	s6 =	sshll.u32 @p0 s6, $0xE  }
0xa9: {  	s6 =	sadd.s32 @p0 $0x11B8D, s6;
	s7 =	sshll.u32 @p0 s5, $0x11  }
0xaa: {  	s6 =	sor.u32 @p0 s7, s6  }
0xab: {  	[sflag:s6] =	ssyncadd.remote.s32 @p0 $0x1;
	_ =	sdelay $0x1  }
0xac: {  	s6 =	simm.s32 @p0 $0x1B8D  }
0xad: {  	_ =	swait.eq @p0 [sflag:s6], $0x1  }
0xae: {  	[sflag:s6] =	ssyncadd.s32 @p0 $0xFFFFFFFF  }
0xaf: {  	s7 =	sshll.u32 @!p0 s1, $0xE  }
0xb0: {  	s7 =	sor.u32 @!p0 $0x4000, s7;
	s6 =	simm.s32 @!p0 $0x1B8D  }
0xb1: {  	s5 =	sshll.u32 @!p0 s5, $0x11;
	s7 =	sadd.s32 @!p0 $0x11B8D, s7;
	_ =	swait.eq @!p0 [sflag:s6], $0x1  }
0xb2: {  	s5 =	sor.u32 @!p0 s5, s7;
	[sflag:s6] =	ssyncadd.s32 @!p0 $0xFFFFFFFF  }
0xb3: {  	s25 =	simm.s32 $0x1B8E;
	s24 =	sld [smem:$0x3FFE];
	[sflag:s5] =	ssyncadd.remote.s32 @!p0 $0x1  }
0xb4: {  	s26 =	simm.s32 $execute0_lowered;
	[smem:$0x3FD2] =	sst s25  }
0xb5: {  	s6 =	sshll.u32 s26, $0x1;
	_ =	strace $0x8000004C;
	[dreg:$0x1] =	wrdreg $0xFFFFFFFF  }
0xb6: {  	s28 =	simm.s32 $_size_execute0_lowered;
	s4 =	sadd.s32 s4, s6;
	[dreg:$0x0] =	wrdreg $0x0  }
0xb7: {  	s6 =	sshll.u32 s28, $0x1;
	[dreg:$0x2] =	wrdreg s4  }
0xb8: {  	[dreg:$0x3] =	wrdreg s6  }
0xb9: {  	[dreg:$0x4] =	wrdreg $0xC0  }
0xba: {  	_ =	task [dreg:s22], $0x5FFFF  }
0xbb: {  	[dreg:$0x1] =	wrdreg $0xFFFFFFFF  }
0xbc: {  	[dreg:$0x0] =	wrdreg $0x60  }
0xbd: {  	[dreg:$0x2] =	wrdreg s18  }
0xbe: {  	[dreg:$0x3] =	wrdreg s24  }
0xbf: {  	[dreg:$0x4] =	wrdreg $0xA  }
0xc0: {  	_ =	task.clear_ibuf [dreg:s22], $0x5FFFF;
	_ =	strace $0x9000004C  }
0xc1: {  	s29 =	simm.s32 $0xA;
	_ =	strace $0x8000004E  }
0xc2: {  	_ =	swait.ge [sflag:s29], $0x1  }
0xc3: {  	[sflag:s29] =	ssyncadd.s32 $0xFFFFFFFF  }
0xc4: {  	_ =	strace $0x9000004E  }
0xc5: {  	_ =	sfence  }
0xc6: {  	s30 =	sld [smem:$0x0];
	_ =	sdelay $0x2  }
0xc7: {  	s31 =	sshll.u32 s1, $0xD;
	s1 =	sshrl.u32 s1, $0x2  }
0xc8: {  	s4 =	sand.u32 $0x4000, s31;
	s1 =	sadd.s32 s1, s30  }
0xc9: {  	s0 =	sor.u32 s4, s0;
	s1 =	sshll.u32 s1, $0x11  }
0xca: {  	s0 =	sor.u32 s1, s0  }
0xcb: {  	s0 =	sadd.s32 $0x8F2B, s0  }
0xcc: {  	[sflag:s0] =	ssyncadd.remote.s32 $0x1  }
0xcd: {  	_ =	sfence.sel $0xFFFF  }
0xce: {  	[dreg:$0x0] =	wrdreg $0xFFFFFFFF;
	(pc) =	sbr.abs _section_cstart, $3  }
0xcf: {  	[dreg:$0x1] =	wrdreg $0xFFFFFFFF  }
0xd0: {  	_ =	task.clear_ibuf [dreg:s22], $0x2FFFF;
	_ =	strace $0x9FFFFFFF  }
0xd1: {  	(tm) =	ssettm $0x7FFFFFFF  }
tec
execute0_lowered:
.L_overlay_start_1:
0x0: {  	(tag) =	ssettag $0x1  }
0x1: {  	s2 =	rddreg [dreg:$0x0]  }
0x2: {  	s1 =	srdreg.scid;
	s0 =	stileid.u32  }
0x3: {  	s4 =	rddreg [dreg:$0x1];
	s3 =	simm.s32 $0x0;
	s11 =	simm.s32 $0x1000  }
0x4: {  	s12 =	simm.s32 $0xD800;
	s13 =	simm.s32 $0x3800;
	s14 =	simm.s32 $0x10000  }
0x5: {  	s15 =	simm.s32 $0x6000;
	s16 =	simm.s32 $0x12800;
	s17 =	simm.s32 $0x8800  }
0x6: {  	s18 =	simm.s32 $0x15000;
	s19 =	simm.s32 $0xB000;
	s20 =	simm.s32 $0x17800  }
0x7: {  	s21 =	simm.s32 $0x1;
	s22 =	simm.s32 $0x400;
	s23 =	simm.s32 $0x2  }
0x8: {  	s24 =	simm.s32 $0x0;
	s5 =	sand.u32 $0x1, s1;
	s6 =	sshll.u32 s0, $0x1  }
0x9: {  	s1 =	rddreg [dreg:$0x2];
	s7 =	smul.u32 $0x1F400, s0;
	s6 =	sor.u32 s5, s6  }
0xa: {  	[smem:$0x7FF] =	sst s3;
	s8 =	ssub.s32 $0x2, s5;
	s6 =	smul.u32 $0x7D0, s6  }
0xb: {  	_ =	strace $0x8000004D;
	s10 =	smul.u32 $0xFA00, s5;
	s9 =	sshrl.u32 s8, $0x1  }
0xc: {  	s7 =	sadd.s32 s7, s4;
	s8 =	ssub.s32 s8, s9;
	s6 =	sshrl.u32 s6, $0x3  }
0xd: {  	s7 =	sadd.s32 s10, s7;
	s9 =	simm.s32 $0x800;
	s6 =	sadd.s32 s6, s4  }
0xe: {  	s10 =	simm.s32 $0x50;
	s7 =	sadd.s32 $0x219880, s7;
	s4 =	sadd.s32 $0x17800, s6  }
0xf: {  	s5 =	sadd.s32 $0x15800, s6;
	s6 =	smax.u32 s8, $0x1;
	s8 =	simm.s32 $0x3  }
.LBB2_1:
0x10: {  	[tilespmem:s3], [sflag:$0x3] =	stream.linear.gather [hbm4b:s4+s3], $0x7D0, $0x38;
	[tilespmem:$0x1A000] =	vst v63  }
0x11: {  	_ =	swait.ge [sflag:s8], $0x7D0  }
0x12: {  	[sflag:s8] =	ssyncset.done $0x0  }
0x13: {  	[sflag:s8] =	ssyncadd.s32 $0xFFFFF830  }
0x14: {  	[tilespmem:s9], [sflag:$0x3] =	stream.linear.gather [hbm4b:s5+s3], $0x7D0, $0x38;
	[tilespmem:$0x1A000] =	vst v63  }
0x15: {  	_ =	swait.ge [sflag:s8], $0x7D0  }
0x16: {  	[sflag:s8] =	ssyncset.done $0x0  }
0x17: {  	s25 =	simm.s32 $0x0;
	[sflag:s8] =	ssyncadd.s32 $0xFFFFF830  }
0x18: {  	[tilespmem:s11], [sflag:$0x1] =	stream.indirect.gather [hbm4b:s2+s10], $0x80, s25, s10, $0xb8;
	[tilespmem:$0x1A000] =	vst v63  }
0x19: {  	s30 =	simm.s32 $0x800  }
0x1a: {  	[tilespmem:s12], [sflag:$0x1] =	stream.indirect.gather [hbm4b:s2+s10], $0x80, s30, s10, $0xb8;
	[tilespmem:$0x1A000] =	vst v63  }
0x1b: {  	s31 =	simm.s32 $0x50  }
0x1c: {  	[tilespmem:s13], [sflag:$0x1] =	stream.indirect.gather [hbm4b:s2+s10], $0x80, s31, s10, $0xb8;
	[tilespmem:$0x1A000] =	vst v63  }
0x1d: {  	s26 =	simm.s32 $0x850  }
0x1e: {  	[tilespmem:s14], [sflag:$0x1] =	stream.indirect.gather [hbm4b:s2+s10], $0x80, s26, s10, $0xb8;
	[tilespmem:$0x1A000] =	vst v63  }
0x1f: {  	s28 =	simm.s32 $0xA0  }
0x20: {  	[tilespmem:s15], [sflag:$0x1] =	stream.indirect.gather [hbm4b:s2+s10], $0x80, s28, s10, $0xb8;
	[tilespmem:$0x1A000] =	vst v63  }
0x21: {  	s30 =	simm.s32 $0x8A0  }
0x22: {  	[tilespmem:s16], [sflag:$0x1] =	stream.indirect.gather [hbm4b:s2+s10], $0x80, s30, s10, $0xb8;
	[tilespmem:$0x1A000] =	vst v63  }
0x23: {  	s31 =	simm.s32 $0xF0  }
0x24: {  	[tilespmem:s17], [sflag:$0x1] =	stream.indirect.gather [hbm4b:s2+s10], $0x80, s31, s10, $0xb8;
	[tilespmem:$0x1A000] =	vst v63  }
0x25: {  	s26 =	simm.s32 $0x8F0  }
0x26: {  	[tilespmem:s18], [sflag:$0x1] =	stream.indirect.gather [hbm4b:s2+s10], $0x80, s26, s10, $0xb8;
	[tilespmem:$0x1A000] =	vst v63  }
0x27: {  	s28 =	simm.s32 $0x140  }
0x28: {  	[tilespmem:s19], [sflag:$0x1] =	stream.indirect.gather [hbm4b:s2+s10], $0x80, s28, s10, $0xb8;
	[tilespmem:$0x1A000] =	vst v63  }
0x29: {  	s30 =	simm.s32 $0x940  }
0x2a: {  	[tilespmem:s20], [sflag:$0x1] =	stream.indirect.gather [hbm4b:s2+s10], $0x80, s30, s10, $0xb8;
	[tilespmem:$0x1A000] =	vst v63  }
0x2b: {  	_ =	swait.ge [sflag:s21], $0x2800  }
0x2c: {  	[sflag:s21] =	ssyncset.done $0x0  }
0x2d: {  	[sflag:s21] =	ssyncadd.s32 $0xFFFFD800  }
0x2e: {  	_ =	swait.ge [sflag:s21], $0x2800  }
0x2f: {  	[sflag:s21] =	ssyncset.done $0x0  }
0x30: {  	[sflag:s21] =	ssyncadd.s32 $0xFFFFD800  }
0x31: {  	_ =	swait.ge [sflag:s21], $0x2800  }
0x32: {  	[sflag:s21] =	ssyncset.done $0x0  }
0x33: {  	[sflag:s21] =	ssyncadd.s32 $0xFFFFD800  }
0x34: {  	_ =	swait.ge [sflag:s21], $0x2800  }
0x35: {  	[sflag:s21] =	ssyncset.done $0x0  }
0x36: {  	[sflag:s21] =	ssyncadd.s32 $0xFFFFD800  }
0x37: {  	_ =	swait.ge [sflag:s21], $0x2800  }
0x38: {  	[sflag:s21] =	ssyncset.done $0x0  }
0x39: {  	[sflag:s21] =	ssyncadd.s32 $0xFFFFD800  }
0x3a: {  	_ =	swait.ge [sflag:s21], $0x2800  }
0x3b: {  	[sflag:s21] =	ssyncset.done $0x0  }
0x3c: {  	[sflag:s21] =	ssyncadd.s32 $0xFFFFD800  }
0x3d: {  	_ =	swait.ge [sflag:s21], $0x2800  }
0x3e: {  	[sflag:s21] =	ssyncset.done $0x0  }
0x3f: {  	[sflag:s21] =	ssyncadd.s32 $0xFFFFD800  }
0x40: {  	_ =	swait.ge [sflag:s21], $0x2800  }
0x41: {  	[sflag:s21] =	ssyncset.done $0x0  }
0x42: {  	[sflag:s21] =	ssyncadd.s32 $0xFFFFD800  }
0x43: {  	_ =	swait.ge [sflag:s21], $0x2800  }
0x44: {  	[sflag:s21] =	ssyncset.done $0x0  }
0x45: {  	[sflag:s21] =	ssyncadd.s32 $0xFFFFD800  }
0x46: {  	_ =	swait.ge [sflag:s21], $0x2800  }
0x47: {  	[sflag:s21] =	ssyncset.done $0x0  }
0x48: {  	s31 =	sadd.s32 $0xFFFFFF80, s7;
	[sflag:s21] =	ssyncadd.s32 $0xFFFFD800  }
0x49: {  	[hbm4b:s31+s22] =	stream.strided.scatter [tilespmem:s11], [sflag:$0x2], $0xC800, s9, s22, $0x38;
	[tilespmem:$0x1A000] =	vst v63  }
0x4a: {  	_ = 	snop  }
0x4b: {  	[hbm4b:s7+s22] =	stream.strided.scatter [tilespmem:s12], [sflag:$0x2], $0xC800, s9, s22, $0x38;
	[tilespmem:$0x1A000] =	vst v63  }
0x4c: {  	_ =	swait.ge [sflag:s23], $0xC800  }
0x4d: {  	[sflag:s23] =	ssyncset.done $0x0  }
0x4e: {  	[sflag:s23] =	ssyncadd.s32 $0xFFFF3800  }
0x4f: {  	s29 =	simm.s32 $0xC80;
	_ =	swait.ge [sflag:s23], $0xC800  }
0x50: {  	s25 =	sadd.s32 $0x3200, s7;
	s26 =	simm.s32 $0x640;
	[sflag:s23] =	ssyncset.done $0x0  }
.LBB2_2:
0x51: {  	s30 =	sshra.s32 s26, $0x2  }
0x52: {  	[sflag:s23] =	ssyncadd.s32 $0xFFFF3800;
	s26 =	smov.u32 s29;
	s28 =	sadd.s32 $0x640, s29  }
0x53: {  	[tilespmem:s11], [sflag:$0x1] =	stream.indirect.gather [hbm4b:s2+s10], $0x80, s30, s10, $0xb8;
	[tilespmem:$0x1A000] =	vst v63  }
0x54: {  	p0 =	sne.s32 s29, $0x1900;
	s29 =	sadd.s32 $0x800, s30  }
0x55: {  	[tilespmem:s12], [sflag:$0x1] =	stream.indirect.gather [hbm4b:s2+s10], $0x80, s29, s10, $0xb8;
	[tilespmem:$0x1A000] =	vst v63  }
0x56: {  	s29 =	sadd.s32 $0x50, s30  }
0x57: {  	[tilespmem:s13], [sflag:$0x1] =	stream.indirect.gather [hbm4b:s2+s10], $0x80, s29, s10, $0xb8;
	[tilespmem:$0x1A000] =	vst v63  }
0x58: {  	s29 =	sadd.s32 $0x850, s30  }
0x59: {  	[tilespmem:s14], [sflag:$0x1] =	stream.indirect.gather [hbm4b:s2+s10], $0x80, s29, s10, $0xb8;
	[tilespmem:$0x1A000] =	vst v63  }
0x5a: {  	s29 =	sadd.s32 $0xA0, s30  }
0x5b: {  	[tilespmem:s15], [sflag:$0x1] =	stream.indirect.gather [hbm4b:s2+s10], $0x80, s29, s10, $0xb8;
	[tilespmem:$0x1A000] =	vst v63  }
0x5c: {  	s29 =	sadd.s32 $0x8A0, s30  }
0x5d: {  	[tilespmem:s16], [sflag:$0x1] =	stream.indirect.gather [hbm4b:s2+s10], $0x80, s29, s10, $0xb8;
	[tilespmem:$0x1A000] =	vst v63  }
0x5e: {  	s29 =	sadd.s32 $0xF0, s30  }
0x5f: {  	[tilespmem:s17], [sflag:$0x1] =	stream.indirect.gather [hbm4b:s2+s10], $0x80, s29, s10, $0xb8;
	[tilespmem:$0x1A000] =	vst v63  }
0x60: {  	s29 =	sadd.s32 $0x8F0, s30  }
0x61: {  	[tilespmem:s18], [sflag:$0x1] =	stream.indirect.gather [hbm4b:s2+s10], $0x80, s29, s10, $0xb8;
	[tilespmem:$0x1A000] =	vst v63  }
0x62: {  	s29 =	sadd.s32 $0x140, s30  }
0x63: {  	[tilespmem:s19], [sflag:$0x1] =	stream.indirect.gather [hbm4b:s2+s10], $0x80, s29, s10, $0xb8;
	[tilespmem:$0x1A000] =	vst v63  }
0x64: {  	s29 =	sadd.s32 $0x940, s30  }
0x65: {  	[tilespmem:s20], [sflag:$0x1] =	stream.indirect.gather [hbm4b:s2+s10], $0x80, s29, s10, $0xb8;
	[tilespmem:$0x1A000] =	vst v63  }
0x66: {  	_ =	swait.ge [sflag:s21], $0x2800  }
0x67: {  	[sflag:s21] =	ssyncset.done $0x0  }
0x68: {  	[sflag:s21] =	ssyncadd.s32 $0xFFFFD800  }
0x69: {  	_ =	swait.ge [sflag:s21], $0x2800  }
0x6a: {  	[sflag:s21] =	ssyncset.done $0x0  }
0x6b: {  	[sflag:s21] =	ssyncadd.s32 $0xFFFFD800  }
0x6c: {  	_ =	swait.ge [sflag:s21], $0x2800  }
0x6d: {  	[sflag:s21] =	ssyncset.done $0x0  }
0x6e: {  	[sflag:s21] =	ssyncadd.s32 $0xFFFFD800  }
0x6f: {  	_ =	swait.ge [sflag:s21], $0x2800  }
0x70: {  	[sflag:s21] =	ssyncset.done $0x0  }
0x71: {  	[sflag:s21] =	ssyncadd.s32 $0xFFFFD800  }
0x72: {  	_ =	swait.ge [sflag:s21], $0x2800  }
0x73: {  	[sflag:s21] =	ssyncset.done $0x0  }
0x74: {  	[sflag:s21] =	ssyncadd.s32 $0xFFFFD800  }
0x75: {  	_ =	swait.ge [sflag:s21], $0x2800  }
0x76: {  	[sflag:s21] =	ssyncset.done $0x0  }
0x77: {  	[sflag:s21] =	ssyncadd.s32 $0xFFFFD800  }
0x78: {  	_ =	swait.ge [sflag:s21], $0x2800  }
0x79: {  	[sflag:s21] =	ssyncset.done $0x0  }
0x7a: {  	[sflag:s21] =	ssyncadd.s32 $0xFFFFD800  }
0x7b: {  	_ =	swait.ge [sflag:s21], $0x2800  }
0x7c: {  	[sflag:s21] =	ssyncset.done $0x0  }
0x7d: {  	[sflag:s21] =	ssyncadd.s32 $0xFFFFD800  }
0x7e: {  	_ =	swait.ge [sflag:s21], $0x2800  }
0x7f: {  	[sflag:s21] =	ssyncset.done $0x0  }
0x80: {  	[sflag:s21] =	ssyncadd.s32 $0xFFFFD800  }
0x81: {  	_ =	swait.ge [sflag:s21], $0x2800  }
0x82: {  	[sflag:s21] =	ssyncset.done $0x0  }
0x83: {  	s29 =	sadd.s32 $0xFFFFFF80, s25;
	[sflag:s21] =	ssyncadd.s32 $0xFFFFD800  }
0x84: {  	[hbm4b:s29+s22] =	stream.strided.scatter [tilespmem:s11], [sflag:$0x2], $0xC800, s9, s22, $0x38;
	[tilespmem:$0x1A000] =	vst v63  }
0x85: {  	_ = 	snop  }
0x86: {  	[hbm4b:s25+s22] =	stream.strided.scatter [tilespmem:s12], [sflag:$0x2], $0xC800, s9, s22, $0x38;
	[tilespmem:$0x1A000] =	vst v63  }
.Ltmp0:
0x87: {  	_ =	swait.ge [sflag:s23], $0xC800;
	(pc) =	sbr.rel @p0 .LBB2_2-.Ltmp0, $4  }
0x88: {  	[sflag:s23] =	ssyncset.done $0x0  }
0x89: {  	[sflag:s23] =	ssyncadd.s32 $0xFFFF3800  }
0x8a: {  	_ =	swait.ge [sflag:s23], $0xC800  }
0x8b: {  	s29 =	smov.u32 s28;
	s25 =	sadd.s32 $0x3200, s25;
	[sflag:s23] =	ssyncset.done $0x0  }
0x8c: {  	s26 =	sshra.s32 s26, $0x2;
	[sflag:s23] =	ssyncadd.s32 $0xFFFF3800  }
0x8d: {  	[tilespmem:s11], [sflag:$0x1] =	stream.indirect.gather [hbm4b:s2+s10], $0x80, s26, s10, $0xb8;
	[tilespmem:$0x1A000] =	vst v63  }
0x8e: {  	s28 =	sadd.s32 $0x800, s26  }
0x8f: {  	[tilespmem:s12], [sflag:$0x1] =	stream.indirect.gather [hbm4b:s2+s10], $0x80, s28, s10, $0xb8;
	[tilespmem:$0x1A000] =	vst v63  }
0x90: {  	s30 =	sadd.s32 $0x50, s26  }
0x91: {  	[tilespmem:s13], [sflag:$0x1] =	stream.indirect.gather [hbm4b:s2+s10], $0x80, s30, s10, $0xb8;
	[tilespmem:$0x1A000] =	vst v63  }
0x92: {  	s31 =	sadd.s32 $0x850, s26  }
0x93: {  	[tilespmem:s14], [sflag:$0x1] =	stream.indirect.gather [hbm4b:s2+s10], $0x80, s31, s10, $0xb8;
	[tilespmem:$0x1A000] =	vst v63  }
0x94: {  	s29 =	sadd.s32 $0xA0, s26  }
0x95: {  	[tilespmem:s15], [sflag:$0x1] =	stream.indirect.gather [hbm4b:s2+s10], $0x80, s29, s10, $0xb8;
	[tilespmem:$0x1A000] =	vst v63  }
0x96: {  	s30 =	sadd.s32 $0x8A0, s26  }
0x97: {  	[tilespmem:s16], [sflag:$0x1] =	stream.indirect.gather [hbm4b:s2+s10], $0x80, s30, s10, $0xb8;
	[tilespmem:$0x1A000] =	vst v63  }
0x98: {  	s31 =	sadd.s32 $0xF0, s26  }
0x99: {  	[tilespmem:s17], [sflag:$0x1] =	stream.indirect.gather [hbm4b:s2+s10], $0x80, s31, s10, $0xb8;
	[tilespmem:$0x1A000] =	vst v63  }
0x9a: {  	s29 =	sadd.s32 $0x8F0, s26  }
0x9b: {  	[tilespmem:s18], [sflag:$0x1] =	stream.indirect.gather [hbm4b:s2+s10], $0x80, s29, s10, $0xb8;
	[tilespmem:$0x1A000] =	vst v63  }
0x9c: {  	s30 =	sadd.s32 $0x140, s26  }
0x9d: {  	[tilespmem:s19], [sflag:$0x1] =	stream.indirect.gather [hbm4b:s2+s10], $0x80, s30, s10, $0xb8;
	[tilespmem:$0x1A000] =	vst v63  }
0x9e: {  	s26 =	sadd.s32 $0x940, s26  }
0x9f: {  	[tilespmem:s20], [sflag:$0x1] =	stream.indirect.gather [hbm4b:s2+s10], $0x80, s26, s10, $0xb8;
	[tilespmem:$0x1A000] =	vst v63  }
0xa0: {  	_ =	swait.ge [sflag:s21], $0x2800  }
0xa1: {  	[sflag:s21] =	ssyncset.done $0x0  }
0xa2: {  	[sflag:s21] =	ssyncadd.s32 $0xFFFFD800  }
0xa3: {  	_ =	swait.ge [sflag:s21], $0x2800  }
0xa4: {  	[sflag:s21] =	ssyncset.done $0x0  }
0xa5: {  	[sflag:s21] =	ssyncadd.s32 $0xFFFFD800  }
0xa6: {  	_ =	swait.ge [sflag:s21], $0x2800  }
0xa7: {  	[sflag:s21] =	ssyncset.done $0x0  }
0xa8: {  	[sflag:s21] =	ssyncadd.s32 $0xFFFFD800  }
0xa9: {  	_ =	swait.ge [sflag:s21], $0x2800  }
0xaa: {  	[sflag:s21] =	ssyncset.done $0x0  }
0xab: {  	[sflag:s21] =	ssyncadd.s32 $0xFFFFD800  }
0xac: {  	_ =	swait.ge [sflag:s21], $0x2800  }
0xad: {  	[sflag:s21] =	ssyncset.done $0x0  }
0xae: {  	[sflag:s21] =	ssyncadd.s32 $0xFFFFD800  }
0xaf: {  	_ =	swait.ge [sflag:s21], $0x2800  }
0xb0: {  	[sflag:s21] =	ssyncset.done $0x0  }
0xb1: {  	[sflag:s21] =	ssyncadd.s32 $0xFFFFD800  }
0xb2: {  	_ =	swait.ge [sflag:s21], $0x2800  }
0xb3: {  	[sflag:s21] =	ssyncset.done $0x0  }
0xb4: {  	[sflag:s21] =	ssyncadd.s32 $0xFFFFD800  }
0xb5: {  	_ =	swait.ge [sflag:s21], $0x2800  }
0xb6: {  	[sflag:s21] =	ssyncset.done $0x0  }
0xb7: {  	[sflag:s21] =	ssyncadd.s32 $0xFFFFD800  }
0xb8: {  	_ =	swait.ge [sflag:s21], $0x2800  }
0xb9: {  	[sflag:s21] =	ssyncset.done $0x0  }
0xba: {  	[sflag:s21] =	ssyncadd.s32 $0xFFFFD800  }
0xbb: {  	_ =	swait.ge [sflag:s21], $0x2800  }
0xbc: {  	[sflag:s21] =	ssyncset.done $0x0  }
0xbd: {  	s31 =	sadd.s32 $0xFFFFFF80, s25;
	[sflag:s21] =	ssyncadd.s32 $0xFFFFD800  }
0xbe: {  	[hbm4b:s31+s22] =	stream.strided.scatter [tilespmem:s11], [sflag:$0x2], $0xC800, s9, s22, $0x38;
	[tilespmem:$0x1A000] =	vst v63  }
0xbf: {  	s24 =	sadd.s32 $0x1, s24  }
0xc0: {  	[hbm4b:s25+s22] =	stream.strided.scatter [tilespmem:s12], [sflag:$0x2], $0xC800, s9, s22, $0x38;
	[tilespmem:$0x1A000] =	vst v63  }
0xc1: {  	p0 =	sne.s32 s24, s6;
	_ =	swait.ge [sflag:s23], $0xC800  }
.Ltmp1:
0xc2: {  	[sflag:s23] =	ssyncset.done $0x0;
	(pc) =	sbr.rel @p0 .LBB2_1-.Ltmp1, $4  }
0xc3: {  	[sflag:s23] =	ssyncadd.s32 $0xFFFF3800  }
0xc4: {  	_ =	swait.ge [sflag:s23], $0xC800  }
0xc5: {  	[sflag:s23] =	ssyncset.done $0x0  }
0xc6: {  	[sflag:s23] =	ssyncadd.s32 $0xFFFF3800  }
0xc7: {  	_ =	sfence.sel $0x180000  }
0xc8: {  	[bflag:$0x0] =	sbarrier.arrive $0xFFFF  }
0xc9: {  	p0 =	sne.s32 s0, $0x0;
	_ =	strace $0x9000004D  }
0xca: {  	s0 =	sadd.s32 @!p0 $0x100000, s1;
	[bflag:$0x2] =	sbarrier.arrive $0xFFFF  }
0xcb: {  	[sflag:s0] =	ssyncadd.tile.s32 @!p0 $0x1;
	_ =	shalt  }
.Lfunc_end2:
_tile_overlayer_lowered:
.L_overlay_start_2:
0xcc: {  	(tag) =	ssettag $0x2  }
0xcd: {  	s0 =	rddreg [dreg:$0x0];
	s2 =	stileid.u32  }
0xce: {  	s1 =	rddreg [dreg:$0x1];
	p0 =	sne.s32 s2, $0x0  }
0xcf: {  	s3 =	rddreg [dreg:$0x2];
	[bflag:$0x3] =	sbarrier.arrive $0xFFFF;
	s2 =	simm.s32 @!p0 $0x1C03  }
0xd0: {  	[timem:s3], [sflag:s2] =	dma.local @!p0 [hbm:s0], s1  }
0xd1: {  	s0 =	simm.s32 @!p0 $0x3  }
0xd2: {  	_ =	swait.ge @!p0 [sflag:s0], s1  }
0xd3: {  	s1 =	ssub.s32 @!p0 $0x0, s1;
	[sflag:s0] =	ssyncset.done @!p0 $0x0  }
0xd4: {  	[sflag:s0] =	ssyncadd.s32 @!p0 s1  }
0xd5: {  	[bflag:$0x3] =	sbarrier.arrive $0xFFFF  }
0xd6: {  	_ =	shalt  }

// kernel: kernel.28.cloned.1.call-start
scs
__scs_entry_jumppad:
0x0: {  	(pc) =	sbr.rel $0x88, $3  }
0x1: {  	(tag) =	ssettag $0x0;
	lr =	simm.s32 $0x1  }
0x2: {  	[smem:$0x3F91] =	sst lr;
	_ =	strace $0xD0000000  }
0x3: {  	_ = 	snop  }
0x4: {  	_ = 	snop  }
0x5: {  	_ = 	snop  }
0x6: {  	_ = 	snop  }
0x7: {  	_ = 	snop  }
__scs_overlays_trampoline_lowered:
0x8: {  	[smem:$0x3FA0] =	sst s0  }
0x9: {  	[smem:$0x3FA1] =	sst s1  }
0xa: {  	[smem:$0x3FA2] =	sst s2  }
0xb: {  	[smem:$0x3FA3] =	sst s3  }
0xc: {  	[smem:$0x3FA4] =	sst s4  }
0xd: {  	[smem:$0x3FA5] =	sst s5  }
0xe: {  	[smem:$0x3FA6] =	sst s6  }
0xf: {  	[smem:$0x3FA7] =	sst s7  }
0x10: {  	[smem:$0x3FA8] =	sst s8  }
0x11: {  	[smem:$0x3FA9] =	sst s9;
	s0 =	simm.s32 @!p0 $0x0  }
0x12: {  	s1 =	sld [smem:$0x3F8F];
	s0 =	simm.s32 @p0 $0x1  }
0x13: {  	[smem:$0x3FAA] =	sst s0;
	s0 =	simm.s32 @!p1 $0x0  }
0x14: {  	s2 =	sld [smem:$0x3F8E];
	s0 =	simm.s32 @p1 $0x1  }
0x15: {  	[smem:$0x3FAB] =	sst s0;
	s0 =	simm.s32 @!p2 $0x0  }
0x16: {  	s3 =	sld [smem:$0x3FDB];
	s0 =	simm.s32 @p2 $0x1  }
0x17: {  	s4 =	simm.s32 $0x1BF5;
	[smem:$0x3FAD] =	sst s0  }
0x18: {  	s0 =	sld [smem:$0x3F90];
	_ =	swait.ge [sflag:s4], $0x0  }
0x19: {  	s7 =	sld [smem:$0x3F91]  }
0x1a: {  	s8 =	sadd.s32 $0xFFFFE003, lr  }
0x1b: {  	s9 =	sadd.s32 $0xFFFFFEF7, lr;
	s5 =	simm.s32 $0xFFFFFFFF;
	p2 =	slt.u32 s8, $0xFFFFF086  }
0x1c: {  	p1 =	slt.u32 s9, $0xF7A;
	s5 =	simm.s32 @!p2 $0x0  }
0x1d: {  	s5 =	simm.s32 @p1 $0x1;
	p0 =	seq.s32 s7, s2  }
0x1e: {  	s7 =	smul.u32 @!p0 $0xF7A, s2;
	p2 =	seq.s32 @!p0 s5, $0x0  }
0x1f: {  	s9 =	smul.u32 $0xF7A, s1;
	s8 =	simm.s32 @!p0 $0x1BF5;
	p2 =	por !p2, p0  }
0x20: {  	[sflag:s8] =	ssyncset.s32 @!p0 $0xFFFFF086;
	s6 =	sadd.s32 @!p0 s3, s7;
	s7 =	simm.s32 @!p0 $0x108  }
0x21: {  	s3 =	sadd.s32 s3, s9;
	s6 =	sadd.s32 @!p0 $0x88, s6;
	s7 =	simm.s32 @p2 $0x1082  }
0x22: {  	[simem:s7], [sflag:s8] =	dma.local @!p0 [hbm:s6], $0xF7A  }
0x23: {  	s9 =	sor.u32 $0xD0000000, s2;
	s6 =	simm.s32 $0x108;
	_ =	swait.ge @!p0 [sflag:s8], $0x0  }
0x24: {  	s3 =	sadd.s32 $0x88, s3;
	s6 =	simm.s32 @!p1 $0x1082;
	[sflag:s4] =	ssyncset.s32 $0xFFFFF086  }
0x25: {  	[simem:s6], [sflag:s4] =	dma.local [hbm:s3], $0xF7A  }
0x26: {  	[smem:$0x3F91] =	sst s1;
	(tag) =	ssettag s2;
	_ =	strace s9  }
0x27: {  	s1 =	sld [smem:$0x3FA1]  }
0x28: {  	s2 =	sld [smem:$0x3FA2]  }
0x29: {  	s4 =	sld [smem:$0x3FA4]  }
0x2a: {  	p0 =	seq.s32 s5, $0x0;
	s5 =	sld [smem:$0x3FA5]  }
0x2b: {  	s6 =	sld [smem:$0x3FA6]  }
0x2c: {  	s7 =	sld [smem:$0x3FA7]  }
0x2d: {  	s3 =	simm.s32 $0x108;
	s8 =	sld [smem:$0x3FA8]  }
0x2e: {  	s3 =	simm.s32 @!p0 $0x1082;
	s9 =	sld [smem:$0x3FA9]  }
0x2f: {  	lr =	sadd.s32 s0, s3;
	s0 =	sld [smem:$0x3FA0]  }
0x30: {  	s3 =	sld [smem:$0x3FA3]  }
0x31: {  	[smem:$0x3FAC] =	sst s10  }
0x32: {  	s10 =	sld [smem:$0x3FAA];
	_ =	sdelay $0x3  }
0x33: {  	p0 =	seq.s32 s10, $0x1;
	s10 =	sld [smem:$0x3FAC];
	_ =	sdelay $0x3  }
0x34: {  	[smem:$0x3FAC] =	sst s10  }
0x35: {  	s10 =	sld [smem:$0x3FAB];
	_ =	sdelay $0x3  }
0x36: {  	p1 =	seq.s32 s10, $0x1;
	s10 =	sld [smem:$0x3FAC];
	_ =	sdelay $0x3  }
0x37: {  	[smem:$0x3FAC] =	sst s10  }
0x38: {  	s10 =	sld [smem:$0x3FAD]  }
0x39: {  	_ = 	snop;
	(pc) =	sbr.ind lr, $3  }
0x3a: {  	_ = 	snop  }
0x3b: {  	_ = 	snop  }
0x3c: {  	p2 =	seq.s32 s10, $0x1;
	s10 =	sld [smem:$0x3FAC]  }
0x3d: {  	_ =	shalt  }
0x3e: {  	_ =	shalt  }
0x3f: {  	_ =	shalt  }
0x40: {  	_ =	shalt  }
0x41: {  	_ =	shalt  }
0x42: {  	_ =	shalt  }
0x43: {  	_ =	shalt  }
0x44: {  	_ =	shalt  }
0x45: {  	_ =	shalt  }
0x46: {  	_ =	shalt  }
0x47: {  	_ =	shalt  }
0x48: {  	_ =	shalt  }
0x49: {  	_ =	shalt  }
0x4a: {  	_ =	shalt  }
0x4b: {  	_ =	shalt  }
0x4c: {  	_ =	shalt  }
0x4d: {  	_ =	shalt  }
0x4e: {  	_ =	shalt  }
0x4f: {  	_ =	shalt  }
0x50: {  	_ =	shalt  }
0x51: {  	_ =	shalt  }
0x52: {  	_ =	shalt  }
0x53: {  	_ =	shalt  }
0x54: {  	_ =	shalt  }
0x55: {  	_ =	shalt  }
0x56: {  	_ =	shalt  }
0x57: {  	_ =	shalt  }
0x58: {  	_ =	shalt  }
0x59: {  	_ =	shalt  }
0x5a: {  	_ =	shalt  }
0x5b: {  	_ =	shalt  }
0x5c: {  	_ =	shalt  }
0x5d: {  	_ =	shalt  }
0x5e: {  	_ =	shalt  }
0x5f: {  	_ =	shalt  }
0x60: {  	_ =	shalt  }
0x61: {  	_ =	shalt  }
0x62: {  	_ =	shalt  }
0x63: {  	_ =	shalt  }
0x64: {  	_ =	shalt  }
0x65: {  	_ =	shalt  }
0x66: {  	_ =	shalt  }
0x67: {  	_ =	shalt  }
0x68: {  	_ =	shalt  }
0x69: {  	_ =	shalt  }
0x6a: {  	_ =	shalt  }
0x6b: {  	_ =	shalt  }
0x6c: {  	_ =	shalt  }
0x6d: {  	_ =	shalt  }
0x6e: {  	_ =	shalt  }
0x6f: {  	_ =	shalt  }
0x70: {  	_ =	shalt  }
0x71: {  	_ =	shalt  }
0x72: {  	_ =	shalt  }
0x73: {  	_ =	shalt  }
0x74: {  	_ =	shalt  }
0x75: {  	_ =	shalt  }
0x76: {  	_ =	shalt  }
0x77: {  	_ =	shalt  }
0x78: {  	_ =	shalt  }
0x79: {  	_ =	shalt  }
0x7a: {  	_ =	shalt  }
0x7b: {  	_ =	shalt  }
0x7c: {  	_ =	shalt  }
0x7d: {  	_ =	shalt  }
0x7e: {  	_ =	shalt  }
0x7f: {  	_ =	shalt  }
0x80: {  	_ =	shalt  }
0x81: {  	_ =	shalt  }
0x82: {  	_ =	shalt  }
0x83: {  	_ =	shalt  }
0x84: {  	_ =	shalt  }
0x85: {  	_ =	shalt  }
0x86: {  	_ =	shalt  }
0x87: {  	_ =	shalt  }
.Lfunc_end0:
.L_simem_size_0:
called_computation.4_lowered:
.L_overlay_start_0:
0x88: {  	s2 =	sld [smem:$0x3FD9]  }
0x89: {  	s3 =	sld [smem:$0x3FFE];
	_ =	sdelay $0x1  }
0x8a: {  	s1 =	srdreg.scid  }
0x8b: {  	s0 =	sand.u32 $0x1, s1  }
0x8c: {  	s15 =	sshll.u32 s0, $0xA;
	s2 =	sadd.s32 s3, s2  }
0x8d: {  	s2 =	sadd.s32 s2, s15  }
0x8e: {  	[smem:$0x3FB8] =	sst s2  }
0x8f: {  	_ = 	snop  }
0x90: {  	s16 =	sld [smem:$0x3FD0];
	_ =	sdelay $0x2  }
0x91: {  	s4 =	simm.s32 $0xD;
	s5 =	simm.s32 $0x10;
	s2 =	sld [smem:$0x3FC7]  }
0x92: {  	[smem:s5], [sflag:s4] =	dma.local [hbm:s16], $0x1  }
0x93: {  	_ =	swait.eq [sflag:s4], $0x1  }
0x94: {  	[sflag:s4] =	ssyncset.done $0x0  }
0x95: {  	[sflag:s4] =	ssyncadd.s32 $0xFFFFFFFF  }
0x96: {  	s17 =	sld [smem:$0x10];
	(tm) =	ssettm $0x1  }
0x97: {  	s18 =	sld [smem:$0x3FFB];
	_ =	sdelay $0x3  }
0x98: {  	_ =	strace s18  }
0x99: {  	s3 =	sld [smem:$0x3FFC];
	_ =	sdelay $0x3  }
0x9a: {  	_ =	strace s3  }
0x9b: {  	s3 =	sld [smem:$0x3FFD];
	_ =	sdelay $0x3  }
0x9c: {  	_ =	strace s3  }
0x9d: {  	_ =	strace $0x8FFFFFFF  }
0x9e: {  	s19 =	sld [smem:$0x3FDB];
	_ =	sdelay $0x1  }
0x9f: {  	s20 =	simm.s32 $_scs_section_size  }
0xa0: {  	s6 =	simm.s32 $_size__tile_overlayer_lowered;
	s7 =	simm.s32 $_tile_overlayer_lowered  }
0xa1: {  	s8 =	simm.s32 $0x1BFF;
	s21 =	sshll.u32 s7, $0x1;
	s5 =	sadd.s32 s20, s19  }
0xa2: {  	s22 =	simm.s32 $0x0;
	s6 =	sshll.u32 s6, $0x1;
	s7 =	sadd.s32 s21, s5  }
0xa3: {  	[timem:s22], [sflag:s8] =	dma.local [hbm:s7], s6  }
0xa4: {  	_ =	swait.ge [sflag:s8], s6  }
0xa5: {  	s6 =	ssub.s32 $0x0, s6;
	[sflag:s8] =	ssyncset.done $0x0  }
0xa6: {  	[sflag:s8] =	ssyncadd.s32 s6;
	_ =	sdelay $0x1  }
0xa7: {  	s23 =	simm.s32 $0x1B8B  }
0xa8: {  	_ =	swait.ge [sflag:s23], $0x1  }
0xa9: {  	[sflag:s23] =	ssyncset.done $0x0  }
0xaa: {  	[sflag:s23] =	ssyncadd.s32 $0xFFFFFFFF  }
0xab: {  	s6 =	sld [smem:$0x0]  }
0xac: {  	s7 =	sand.u32 $0xFFFFFFFE, s1  }
0xad: {  	p0 =	sne.s32 s1, s7  }
0xae: {  	s7 =	sshll.u32 @p0 s7, $0xE  }
0xaf: {  	s7 =	sadd.s32 @p0 $0x11B8D, s7;
	s8 =	sshll.u32 @p0 s6, $0x11  }
0xb0: {  	s7 =	sor.u32 @p0 s8, s7  }
0xb1: {  	[sflag:s7] =	ssyncadd.remote.s32 @p0 $0x1;
	_ =	sdelay $0x1  }
0xb2: {  	s7 =	simm.s32 @p0 $0x1B8D  }
0xb3: {  	_ =	swait.eq @p0 [sflag:s7], $0x1  }
0xb4: {  	[sflag:s7] =	ssyncadd.s32 @p0 $0xFFFFFFFF  }
0xb5: {  	s8 =	sshll.u32 @!p0 s1, $0xE  }
0xb6: {  	s8 =	sor.u32 @!p0 $0x4000, s8;
	s7 =	simm.s32 @!p0 $0x1B8D  }
0xb7: {  	s6 =	sshll.u32 @!p0 s6, $0x11;
	s8 =	sadd.s32 @!p0 $0x11B8D, s8;
	_ =	swait.eq @!p0 [sflag:s7], $0x1  }
0xb8: {  	s6 =	sor.u32 @!p0 s6, s8;
	[sflag:s7] =	ssyncadd.s32 @!p0 $0xFFFFFFFF  }
0xb9: {  	s25 =	simm.s32 $0x1B8E;
	s24 =	sld [smem:$0x3FFE];
	[sflag:s6] =	ssyncadd.remote.s32 @!p0 $0x1  }
0xba: {  	s26 =	simm.s32 $execute0_lowered;
	[smem:$0x3FD2] =	sst s25  }
0xbb: {  	s7 =	sshll.u32 s26, $0x1;
	_ =	strace $0x80000055;
	[dreg:$0x1] =	wrdreg $0xFFFFFFFF  }
0xbc: {  	s28 =	simm.s32 $_size_execute0_lowered;
	s5 =	sadd.s32 s5, s7;
	[dreg:$0x0] =	wrdreg $0x0  }
0xbd: {  	s7 =	sshll.u32 s28, $0x1;
	[dreg:$0x2] =	wrdreg s5  }
0xbe: {  	[dreg:$0x3] =	wrdreg s7  }
0xbf: {  	[dreg:$0x4] =	wrdreg $0xC0  }
0xc0: {  	_ =	task [dreg:s22], $0x5FFFF  }
0xc1: {  	[dreg:$0x1] =	wrdreg $0xFFFFFFFF  }
0xc2: {  	[dreg:$0x0] =	wrdreg $0x60  }
0xc3: {  	[dreg:$0x2] =	wrdreg s2  }
0xc4: {  	[dreg:$0x3] =	wrdreg s24  }
0xc5: {  	[dreg:$0x4] =	wrdreg s17  }
0xc6: {  	[dreg:$0x5] =	wrdreg $0xB  }
0xc7: {  	_ =	task.clear_ibuf [dreg:s22], $0x6FFFF;
	_ =	strace $0x90000055  }
0xc8: {  	s29 =	simm.s32 $0xB;
	_ =	strace $0x80000057  }
0xc9: {  	_ =	swait.ge [sflag:s29], $0x1  }
0xca: {  	[sflag:s29] =	ssyncadd.s32 $0xFFFFFFFF  }
0xcb: {  	_ =	strace $0x90000057  }
0xcc: {  	_ =	sfence  }
0xcd: {  	s30 =	sld [smem:$0x0];
	_ =	sdelay $0x2  }
0xce: {  	s31 =	sshll.u32 s1, $0xD;
	s1 =	sshrl.u32 s1, $0x2  }
0xcf: {  	s4 =	sand.u32 $0x4000, s31;
	s1 =	sadd.s32 s1, s30  }
0xd0: {  	s0 =	sor.u32 s4, s0;
	s1 =	sshll.u32 s1, $0x11  }
0xd1: {  	s0 =	sor.u32 s1, s0  }
0xd2: {  	s0 =	sadd.s32 $0x8F2B, s0  }
0xd3: {  	[sflag:s0] =	ssyncadd.remote.s32 $0x1  }
0xd4: {  	_ =	sfence.sel $0xFFFF  }
0xd5: {  	[dreg:$0x0] =	wrdreg $0xFFFFFFFF;
	(pc) =	sbr.abs _section_cstart, $3  }
0xd6: {  	[dreg:$0x1] =	wrdreg $0xFFFFFFFF  }
0xd7: {  	_ =	task.clear_ibuf [dreg:s22], $0x2FFFF;
	_ =	strace $0x9FFFFFFF  }
0xd8: {  	(tm) =	ssettm $0x7FFFFFFF  }
0xd9: {  	_ =	shalt  }
tec
execute0_lowered:
.L_overlay_start_1:
0x0: {  	(tag) =	ssettag $0x1  }
0x1: {  	s1 =	rddreg [dreg:$0x0]  }
0x2: {  	s4 =	rddreg [dreg:$0x1]  }
0x3: {  	s2 =	srdreg.scid;
	s0 =	stileid.u32  }
0x4: {  	s5 =	rddreg [dreg:$0x2];
	s3 =	simm.s32 $0x0;
	s11 =	simm.s32 $0x1000  }
0x5: {  	s12 =	simm.s32 $0xD800;
	s13 =	simm.s32 $0x3800;
	s14 =	simm.s32 $0x10000  }
0x6: {  	s15 =	simm.s32 $0x6000;
	s16 =	simm.s32 $0x12800;
	s17 =	simm.s32 $0x8800  }
0x7: {  	s18 =	simm.s32 $0x15000;
	s19 =	simm.s32 $0xB000;
	s20 =	simm.s32 $0x17800  }
0x8: {  	s21 =	simm.s32 $0x1;
	s22 =	simm.s32 $0x400;
	s23 =	simm.s32 $0x2  }
0x9: {  	s24 =	simm.s32 $0x0;
	s6 =	sand.u32 $0x1, s2;
	s2 =	rddreg [dreg:$0x3]  }
0xa: {  	s7 =	sshll.u32 s0, $0x1;
	[smem:$0x7FF] =	sst s3;
	s9 =	smul.u32 $0x1F400, s0  }
0xb: {  	s7 =	sor.u32 s6, s7;
	s8 =	ssub.s32 $0x2, s6;
	s10 =	smul.u32 $0xFA00, s6  }
0xc: {  	_ =	strace $0x80000056;
	s7 =	smul.u32 $0x7D0, s7;
	s28 =	sshrl.u32 s8, $0x1  }
0xd: {  	s30 =	sadd.s32 s9, s5;
	s9 =	simm.s32 $0x800;
	s29 =	ssub.s32 s8, s28  }
0xe: {  	s31 =	sadd.s32 s10, s30;
	s8 =	simm.s32 $0x3;
	s7 =	sshrl.u32 s7, $0x3  }
0xf: {  	s10 =	simm.s32 $0x50;
	s6 =	smax.u32 s29, $0x1;
	s7 =	sadd.s32 s7, s4  }
0x10: {  	s4 =	sadd.s32 $0x1F800, s7;
	s5 =	sadd.s32 $0x1D800, s7;
	s7 =	sadd.s32 $0x80, s31  }
.LBB2_1:
0x11: {  	[tilespmem:s3], [sflag:$0x3] =	stream.linear.gather [hbm4b:s4+s3], $0x7D0, $0x38;
	[tilespmem:$0x1A000] =	vst v63  }
0x12: {  	_ =	swait.ge [sflag:s8], $0x7D0  }
0x13: {  	[sflag:s8] =	ssyncset.done $0x0  }
0x14: {  	[sflag:s8] =	ssyncadd.s32 $0xFFFFF830  }
0x15: {  	[tilespmem:s9], [sflag:$0x3] =	stream.linear.gather [hbm4b:s5+s3], $0x7D0, $0x38;
	[tilespmem:$0x1A000] =	vst v63  }
0x16: {  	_ =	swait.ge [sflag:s8], $0x7D0  }
0x17: {  	[sflag:s8] =	ssyncset.done $0x0  }
0x18: {  	s25 =	simm.s32 $0x0;
	[sflag:s8] =	ssyncadd.s32 $0xFFFFF830  }
0x19: {  	[tilespmem:s11], [sflag:$0x1] =	stream.indirect.gather [hbm4b:s1+s10], $0x80, s25, s10, $0xb8;
	[tilespmem:$0x1A000] =	vst v63  }
0x1a: {  	s30 =	simm.s32 $0x800  }
0x1b: {  	[tilespmem:s12], [sflag:$0x1] =	stream.indirect.gather [hbm4b:s1+s10], $0x80, s30, s10, $0xb8;
	[tilespmem:$0x1A000] =	vst v63  }
0x1c: {  	s31 =	simm.s32 $0x50  }
0x1d: {  	[tilespmem:s13], [sflag:$0x1] =	stream.indirect.gather [hbm4b:s1+s10], $0x80, s31, s10, $0xb8;
	[tilespmem:$0x1A000] =	vst v63  }
0x1e: {  	s26 =	simm.s32 $0x850  }
0x1f: {  	[tilespmem:s14], [sflag:$0x1] =	stream.indirect.gather [hbm4b:s1+s10], $0x80, s26, s10, $0xb8;
	[tilespmem:$0x1A000] =	vst v63  }
0x20: {  	s28 =	simm.s32 $0xA0  }
0x21: {  	[tilespmem:s15], [sflag:$0x1] =	stream.indirect.gather [hbm4b:s1+s10], $0x80, s28, s10, $0xb8;
	[tilespmem:$0x1A000] =	vst v63  }
0x22: {  	s30 =	simm.s32 $0x8A0  }
0x23: {  	[tilespmem:s16], [sflag:$0x1] =	stream.indirect.gather [hbm4b:s1+s10], $0x80, s30, s10, $0xb8;
	[tilespmem:$0x1A000] =	vst v63  }
0x24: {  	s31 =	simm.s32 $0xF0  }
0x25: {  	[tilespmem:s17], [sflag:$0x1] =	stream.indirect.gather [hbm4b:s1+s10], $0x80, s31, s10, $0xb8;
	[tilespmem:$0x1A000] =	vst v63  }
0x26: {  	s26 =	simm.s32 $0x8F0  }
0x27: {  	[tilespmem:s18], [sflag:$0x1] =	stream.indirect.gather [hbm4b:s1+s10], $0x80, s26, s10, $0xb8;
	[tilespmem:$0x1A000] =	vst v63  }
0x28: {  	s28 =	simm.s32 $0x140  }
0x29: {  	[tilespmem:s19], [sflag:$0x1] =	stream.indirect.gather [hbm4b:s1+s10], $0x80, s28, s10, $0xb8;
	[tilespmem:$0x1A000] =	vst v63  }
0x2a: {  	s30 =	simm.s32 $0x940  }
0x2b: {  	[tilespmem:s20], [sflag:$0x1] =	stream.indirect.gather [hbm4b:s1+s10], $0x80, s30, s10, $0xb8;
	[tilespmem:$0x1A000] =	vst v63  }
0x2c: {  	_ =	swait.ge [sflag:s21], $0x2800  }
0x2d: {  	[sflag:s21] =	ssyncset.done $0x0  }
0x2e: {  	[sflag:s21] =	ssyncadd.s32 $0xFFFFD800  }
0x2f: {  	_ =	swait.ge [sflag:s21], $0x2800  }
0x30: {  	[sflag:s21] =	ssyncset.done $0x0  }
0x31: {  	[sflag:s21] =	ssyncadd.s32 $0xFFFFD800  }
0x32: {  	_ =	swait.ge [sflag:s21], $0x2800  }
0x33: {  	[sflag:s21] =	ssyncset.done $0x0  }
0x34: {  	[sflag:s21] =	ssyncadd.s32 $0xFFFFD800  }
0x35: {  	_ =	swait.ge [sflag:s21], $0x2800  }
0x36: {  	[sflag:s21] =	ssyncset.done $0x0  }
0x37: {  	[sflag:s21] =	ssyncadd.s32 $0xFFFFD800  }
0x38: {  	_ =	swait.ge [sflag:s21], $0x2800  }
0x39: {  	[sflag:s21] =	ssyncset.done $0x0  }
0x3a: {  	[sflag:s21] =	ssyncadd.s32 $0xFFFFD800  }
0x3b: {  	_ =	swait.ge [sflag:s21], $0x2800  }
0x3c: {  	[sflag:s21] =	ssyncset.done $0x0  }
0x3d: {  	[sflag:s21] =	ssyncadd.s32 $0xFFFFD800  }
0x3e: {  	_ =	swait.ge [sflag:s21], $0x2800  }
0x3f: {  	[sflag:s21] =	ssyncset.done $0x0  }
0x40: {  	[sflag:s21] =	ssyncadd.s32 $0xFFFFD800  }
0x41: {  	_ =	swait.ge [sflag:s21], $0x2800  }
0x42: {  	[sflag:s21] =	ssyncset.done $0x0  }
0x43: {  	[sflag:s21] =	ssyncadd.s32 $0xFFFFD800  }
0x44: {  	_ =	swait.ge [sflag:s21], $0x2800  }
0x45: {  	[sflag:s21] =	ssyncset.done $0x0  }
0x46: {  	[sflag:s21] =	ssyncadd.s32 $0xFFFFD800  }
0x47: {  	_ =	swait.ge [sflag:s21], $0x2800  }
0x48: {  	[sflag:s21] =	ssyncset.done $0x0  }
0x49: {  	s31 =	sadd.s32 $0xFFFFFF80, s7;
	[sflag:s21] =	ssyncadd.s32 $0xFFFFD800  }
0x4a: {  	[hbm4b:s31+s22] =	stream.strided.scatter [tilespmem:s11], [sflag:$0x2], $0xC800, s9, s22, $0x38;
	[tilespmem:$0x1A000] =	vst v63  }
0x4b: {  	_ = 	snop  }
0x4c: {  	[hbm4b:s7+s22] =	stream.strided.scatter [tilespmem:s12], [sflag:$0x2], $0xC800, s9, s22, $0x38;
	[tilespmem:$0x1A000] =	vst v63  }
0x4d: {  	_ =	swait.ge [sflag:s23], $0xC800  }
0x4e: {  	[sflag:s23] =	ssyncset.done $0x0  }
0x4f: {  	[sflag:s23] =	ssyncadd.s32 $0xFFFF3800  }
0x50: {  	s29 =	simm.s32 $0xC80;
	_ =	swait.ge [sflag:s23], $0xC800  }
0x51: {  	s25 =	sadd.s32 $0x3200, s7;
	s26 =	simm.s32 $0x640;
	[sflag:s23] =	ssyncset.done $0x0  }
.LBB2_2:
0x52: {  	s30 =	sshra.s32 s26, $0x2  }
0x53: {  	[sflag:s23] =	ssyncadd.s32 $0xFFFF3800;
	s26 =	smov.u32 s29;
	s28 =	sadd.s32 $0x640, s29  }
0x54: {  	[tilespmem:s11], [sflag:$0x1] =	stream.indirect.gather [hbm4b:s1+s10], $0x80, s30, s10, $0xb8;
	[tilespmem:$0x1A000] =	vst v63  }
0x55: {  	p0 =	sne.s32 s29, $0x1900;
	s29 =	sadd.s32 $0x800, s30  }
0x56: {  	[tilespmem:s12], [sflag:$0x1] =	stream.indirect.gather [hbm4b:s1+s10], $0x80, s29, s10, $0xb8;
	[tilespmem:$0x1A000] =	vst v63  }
0x57: {  	s29 =	sadd.s32 $0x50, s30  }
0x58: {  	[tilespmem:s13], [sflag:$0x1] =	stream.indirect.gather [hbm4b:s1+s10], $0x80, s29, s10, $0xb8;
	[tilespmem:$0x1A000] =	vst v63  }
0x59: {  	s29 =	sadd.s32 $0x850, s30  }
0x5a: {  	[tilespmem:s14], [sflag:$0x1] =	stream.indirect.gather [hbm4b:s1+s10], $0x80, s29, s10, $0xb8;
	[tilespmem:$0x1A000] =	vst v63  }
0x5b: {  	s29 =	sadd.s32 $0xA0, s30  }
0x5c: {  	[tilespmem:s15], [sflag:$0x1] =	stream.indirect.gather [hbm4b:s1+s10], $0x80, s29, s10, $0xb8;
	[tilespmem:$0x1A000] =	vst v63  }
0x5d: {  	s29 =	sadd.s32 $0x8A0, s30  }
0x5e: {  	[tilespmem:s16], [sflag:$0x1] =	stream.indirect.gather [hbm4b:s1+s10], $0x80, s29, s10, $0xb8;
	[tilespmem:$0x1A000] =	vst v63  }
0x5f: {  	s29 =	sadd.s32 $0xF0, s30  }
0x60: {  	[tilespmem:s17], [sflag:$0x1] =	stream.indirect.gather [hbm4b:s1+s10], $0x80, s29, s10, $0xb8;
	[tilespmem:$0x1A000] =	vst v63  }
0x61: {  	s29 =	sadd.s32 $0x8F0, s30  }
0x62: {  	[tilespmem:s18], [sflag:$0x1] =	stream.indirect.gather [hbm4b:s1+s10], $0x80, s29, s10, $0xb8;
	[tilespmem:$0x1A000] =	vst v63  }
0x63: {  	s29 =	sadd.s32 $0x140, s30  }
0x64: {  	[tilespmem:s19], [sflag:$0x1] =	stream.indirect.gather [hbm4b:s1+s10], $0x80, s29, s10, $0xb8;
	[tilespmem:$0x1A000] =	vst v63  }
0x65: {  	s29 =	sadd.s32 $0x940, s30  }
0x66: {  	[tilespmem:s20], [sflag:$0x1] =	stream.indirect.gather [hbm4b:s1+s10], $0x80, s29, s10, $0xb8;
	[tilespmem:$0x1A000] =	vst v63  }
0x67: {  	_ =	swait.ge [sflag:s21], $0x2800  }
0x68: {  	[sflag:s21] =	ssyncset.done $0x0  }
0x69: {  	[sflag:s21] =	ssyncadd.s32 $0xFFFFD800  }
0x6a: {  	_ =	swait.ge [sflag:s21], $0x2800  }
0x6b: {  	[sflag:s21] =	ssyncset.done $0x0  }
0x6c: {  	[sflag:s21] =	ssyncadd.s32 $0xFFFFD800  }
0x6d: {  	_ =	swait.ge [sflag:s21], $0x2800  }
0x6e: {  	[sflag:s21] =	ssyncset.done $0x0  }
0x6f: {  	[sflag:s21] =	ssyncadd.s32 $0xFFFFD800  }
0x70: {  	_ =	swait.ge [sflag:s21], $0x2800  }
0x71: {  	[sflag:s21] =	ssyncset.done $0x0  }
0x72: {  	[sflag:s21] =	ssyncadd.s32 $0xFFFFD800  }
0x73: {  	_ =	swait.ge [sflag:s21], $0x2800  }
0x74: {  	[sflag:s21] =	ssyncset.done $0x0  }
0x75: {  	[sflag:s21] =	ssyncadd.s32 $0xFFFFD800  }
0x76: {  	_ =	swait.ge [sflag:s21], $0x2800  }
0x77: {  	[sflag:s21] =	ssyncset.done $0x0  }
0x78: {  	[sflag:s21] =	ssyncadd.s32 $0xFFFFD800  }
0x79: {  	_ =	swait.ge [sflag:s21], $0x2800  }
0x7a: {  	[sflag:s21] =	ssyncset.done $0x0  }
0x7b: {  	[sflag:s21] =	ssyncadd.s32 $0xFFFFD800  }
0x7c: {  	_ =	swait.ge [sflag:s21], $0x2800  }
0x7d: {  	[sflag:s21] =	ssyncset.done $0x0  }
0x7e: {  	[sflag:s21] =	ssyncadd.s32 $0xFFFFD800  }
0x7f: {  	_ =	swait.ge [sflag:s21], $0x2800  }
0x80: {  	[sflag:s21] =	ssyncset.done $0x0  }
0x81: {  	[sflag:s21] =	ssyncadd.s32 $0xFFFFD800  }
0x82: {  	_ =	swait.ge [sflag:s21], $0x2800  }
0x83: {  	[sflag:s21] =	ssyncset.done $0x0  }
0x84: {  	s29 =	sadd.s32 $0xFFFFFF80, s25;
	[sflag:s21] =	ssyncadd.s32 $0xFFFFD800  }
0x85: {  	[hbm4b:s29+s22] =	stream.strided.scatter [tilespmem:s11], [sflag:$0x2], $0xC800, s9, s22, $0x38;
	[tilespmem:$0x1A000] =	vst v63  }
0x86: {  	_ = 	snop  }
0x87: {  	[hbm4b:s25+s22] =	stream.strided.scatter [tilespmem:s12], [sflag:$0x2], $0xC800, s9, s22, $0x38;
	[tilespmem:$0x1A000] =	vst v63  }
.Ltmp0:
0x88: {  	_ =	swait.ge [sflag:s23], $0xC800;
	(pc) =	sbr.rel @p0 .LBB2_2-.Ltmp0, $4  }
0x89: {  	[sflag:s23] =	ssyncset.done $0x0  }
0x8a: {  	[sflag:s23] =	ssyncadd.s32 $0xFFFF3800  }
0x8b: {  	_ =	swait.ge [sflag:s23], $0xC800  }
0x8c: {  	s29 =	smov.u32 s28;
	s25 =	sadd.s32 $0x3200, s25;
	[sflag:s23] =	ssyncset.done $0x0  }
0x8d: {  	s26 =	sshra.s32 s26, $0x2;
	[sflag:s23] =	ssyncadd.s32 $0xFFFF3800  }
0x8e: {  	[tilespmem:s11], [sflag:$0x1] =	stream.indirect.gather [hbm4b:s1+s10], $0x80, s26, s10, $0xb8;
	[tilespmem:$0x1A000] =	vst v63  }
0x8f: {  	s28 =	sadd.s32 $0x800, s26  }
0x90: {  	[tilespmem:s12], [sflag:$0x1] =	stream.indirect.gather [hbm4b:s1+s10], $0x80, s28, s10, $0xb8;
	[tilespmem:$0x1A000] =	vst v63  }
0x91: {  	s30 =	sadd.s32 $0x50, s26  }
0x92: {  	[tilespmem:s13], [sflag:$0x1] =	stream.indirect.gather [hbm4b:s1+s10], $0x80, s30, s10, $0xb8;
	[tilespmem:$0x1A000] =	vst v63  }
0x93: {  	s31 =	sadd.s32 $0x850, s26  }
0x94: {  	[tilespmem:s14], [sflag:$0x1] =	stream.indirect.gather [hbm4b:s1+s10], $0x80, s31, s10, $0xb8;
	[tilespmem:$0x1A000] =	vst v63  }
0x95: {  	s29 =	sadd.s32 $0xA0, s26  }
0x96: {  	[tilespmem:s15], [sflag:$0x1] =	stream.indirect.gather [hbm4b:s1+s10], $0x80, s29, s10, $0xb8;
	[tilespmem:$0x1A000] =	vst v63  }
0x97: {  	s30 =	sadd.s32 $0x8A0, s26  }
0x98: {  	[tilespmem:s16], [sflag:$0x1] =	stream.indirect.gather [hbm4b:s1+s10], $0x80, s30, s10, $0xb8;
	[tilespmem:$0x1A000] =	vst v63  }
0x99: {  	s31 =	sadd.s32 $0xF0, s26  }
0x9a: {  	[tilespmem:s17], [sflag:$0x1] =	stream.indirect.gather [hbm4b:s1+s10], $0x80, s31, s10, $0xb8;
	[tilespmem:$0x1A000] =	vst v63  }
0x9b: {  	s29 =	sadd.s32 $0x8F0, s26  }
0x9c: {  	[tilespmem:s18], [sflag:$0x1] =	stream.indirect.gather [hbm4b:s1+s10], $0x80, s29, s10, $0xb8;
	[tilespmem:$0x1A000] =	vst v63  }
0x9d: {  	s30 =	sadd.s32 $0x140, s26  }
0x9e: {  	[tilespmem:s19], [sflag:$0x1] =	stream.indirect.gather [hbm4b:s1+s10], $0x80, s30, s10, $0xb8;
	[tilespmem:$0x1A000] =	vst v63  }
0x9f: {  	s26 =	sadd.s32 $0x940, s26  }
0xa0: {  	[tilespmem:s20], [sflag:$0x1] =	stream.indirect.gather [hbm4b:s1+s10], $0x80, s26, s10, $0xb8;
	[tilespmem:$0x1A000] =	vst v63  }
0xa1: {  	_ =	swait.ge [sflag:s21], $0x2800  }
0xa2: {  	[sflag:s21] =	ssyncset.done $0x0  }
0xa3: {  	[sflag:s21] =	ssyncadd.s32 $0xFFFFD800  }
0xa4: {  	_ =	swait.ge [sflag:s21], $0x2800  }
0xa5: {  	[sflag:s21] =	ssyncset.done $0x0  }
0xa6: {  	[sflag:s21] =	ssyncadd.s32 $0xFFFFD800  }
0xa7: {  	_ =	swait.ge [sflag:s21], $0x2800  }
0xa8: {  	[sflag:s21] =	ssyncset.done $0x0  }
0xa9: {  	[sflag:s21] =	ssyncadd.s32 $0xFFFFD800  }
0xaa: {  	_ =	swait.ge [sflag:s21], $0x2800  }
0xab: {  	[sflag:s21] =	ssyncset.done $0x0  }
0xac: {  	[sflag:s21] =	ssyncadd.s32 $0xFFFFD800  }
0xad: {  	_ =	swait.ge [sflag:s21], $0x2800  }
0xae: {  	[sflag:s21] =	ssyncset.done $0x0  }
0xaf: {  	[sflag:s21] =	ssyncadd.s32 $0xFFFFD800  }
0xb0: {  	_ =	swait.ge [sflag:s21], $0x2800  }
0xb1: {  	[sflag:s21] =	ssyncset.done $0x0  }
0xb2: {  	[sflag:s21] =	ssyncadd.s32 $0xFFFFD800  }
0xb3: {  	_ =	swait.ge [sflag:s21], $0x2800  }
0xb4: {  	[sflag:s21] =	ssyncset.done $0x0  }
0xb5: {  	[sflag:s21] =	ssyncadd.s32 $0xFFFFD800  }
0xb6: {  	_ =	swait.ge [sflag:s21], $0x2800  }
0xb7: {  	[sflag:s21] =	ssyncset.done $0x0  }
0xb8: {  	[sflag:s21] =	ssyncadd.s32 $0xFFFFD800  }
0xb9: {  	_ =	swait.ge [sflag:s21], $0x2800  }
0xba: {  	[sflag:s21] =	ssyncset.done $0x0  }
0xbb: {  	[sflag:s21] =	ssyncadd.s32 $0xFFFFD800  }
0xbc: {  	_ =	swait.ge [sflag:s21], $0x2800  }
0xbd: {  	[sflag:s21] =	ssyncset.done $0x0  }
0xbe: {  	s31 =	sadd.s32 $0xFFFFFF80, s25;
	[sflag:s21] =	ssyncadd.s32 $0xFFFFD800  }
0xbf: {  	[hbm4b:s31+s22] =	stream.strided.scatter [tilespmem:s11], [sflag:$0x2], $0xC800, s9, s22, $0x38;
	[tilespmem:$0x1A000] =	vst v63  }
0xc0: {  	s24 =	sadd.s32 $0x1, s24  }
0xc1: {  	[hbm4b:s25+s22] =	stream.strided.scatter [tilespmem:s12], [sflag:$0x2], $0xC800, s9, s22, $0x38;
	[tilespmem:$0x1A000] =	vst v63  }
0xc2: {  	p0 =	sne.s32 s24, s6;
	_ =	swait.ge [sflag:s23], $0xC800  }
.Ltmp1:
0xc3: {  	[sflag:s23] =	ssyncset.done $0x0;
	(pc) =	sbr.rel @p0 .LBB2_1-.Ltmp1, $4  }
0xc4: {  	[sflag:s23] =	ssyncadd.s32 $0xFFFF3800  }
0xc5: {  	_ =	swait.ge [sflag:s23], $0xC800  }
0xc6: {  	[sflag:s23] =	ssyncset.done $0x0  }
0xc7: {  	[sflag:s23] =	ssyncadd.s32 $0xFFFF3800  }
0xc8: {  	_ =	sfence.sel $0x180000  }
0xc9: {  	[bflag:$0x0] =	sbarrier.arrive $0xFFFF  }
0xca: {  	p0 =	sne.s32 s0, $0x0;
	_ =	strace $0x90000056  }
0xcb: {  	s0 =	sadd.s32 @!p0 $0x100000, s2;
	[bflag:$0x2] =	sbarrier.arrive $0xFFFF  }
0xcc: {  	[sflag:s0] =	ssyncadd.tile.s32 @!p0 $0x1;
	_ =	shalt  }
.Lfunc_end2:
_tile_overlayer_lowered:
.L_overlay_start_2:
0xcd: {  	(tag) =	ssettag $0x2  }
0xce: {  	s0 =	rddreg [dreg:$0x0];
	s2 =	stileid.u32  }
0xcf: {  	s1 =	rddreg [dreg:$0x1];
	p0 =	sne.s32 s2, $0x0  }
0xd0: {  	s3 =	rddreg [dreg:$0x2];
	[bflag:$0x3] =	sbarrier.arrive $0xFFFF;
	s2 =	simm.s32 @!p0 $0x1C03  }
0xd1: {  	[timem:s3], [sflag:s2] =	dma.local @!p0 [hbm:s0], s1  }
0xd2: {  	s0 =	simm.s32 @!p0 $0x3  }
0xd3: {  	_ =	swait.ge @!p0 [sflag:s0], s1  }
0xd4: {  	s1 =	ssub.s32 @!p0 $0x0, s1;
	[sflag:s0] =	ssyncset.done @!p0 $0x0  }
0xd5: {  	[sflag:s0] =	ssyncadd.s32 @!p0 s1  }
0xd6: {  	[bflag:$0x3] =	sbarrier.arrive $0xFFFF  }
0xd7: {  	_ =	shalt  }

// kernel: kernel.31.cloned.1.call-start
scs
__scs_entry_jumppad:
0x0: {  	(pc) =	sbr.rel $0x88, $3  }
0x1: {  	(tag) =	ssettag $0x0;
	lr =	simm.s32 $0x1  }
0x2: {  	[smem:$0x3F91] =	sst lr;
	_ =	strace $0xD0000000  }
0x3: {  	_ = 	snop  }
0x4: {  	_ = 	snop  }
0x5: {  	_ = 	snop  }
0x6: {  	_ = 	snop  }
0x7: {  	_ = 	snop  }
__scs_overlays_trampoline_lowered:
0x8: {  	[smem:$0x3FA0] =	sst s0  }
0x9: {  	[smem:$0x3FA1] =	sst s1  }
0xa: {  	[smem:$0x3FA2] =	sst s2  }
0xb: {  	[smem:$0x3FA3] =	sst s3  }
0xc: {  	[smem:$0x3FA4] =	sst s4  }
0xd: {  	[smem:$0x3FA5] =	sst s5  }
0xe: {  	[smem:$0x3FA6] =	sst s6  }
0xf: {  	[smem:$0x3FA7] =	sst s7  }
0x10: {  	[smem:$0x3FA8] =	sst s8  }
0x11: {  	[smem:$0x3FA9] =	sst s9;
	s0 =	simm.s32 @!p0 $0x0  }
0x12: {  	s1 =	sld [smem:$0x3F8F];
	s0 =	simm.s32 @p0 $0x1  }
0x13: {  	[smem:$0x3FAA] =	sst s0;
	s0 =	simm.s32 @!p1 $0x0  }
0x14: {  	s2 =	sld [smem:$0x3F8E];
	s0 =	simm.s32 @p1 $0x1  }
0x15: {  	[smem:$0x3FAB] =	sst s0;
	s0 =	simm.s32 @!p2 $0x0  }
0x16: {  	s3 =	sld [smem:$0x3FDB];
	s0 =	simm.s32 @p2 $0x1  }
0x17: {  	s4 =	simm.s32 $0x1BF5;
	[smem:$0x3FAD] =	sst s0  }
0x18: {  	s0 =	sld [smem:$0x3F90];
	_ =	swait.ge [sflag:s4], $0x0  }
0x19: {  	s7 =	sld [smem:$0x3F91]  }
0x1a: {  	s8 =	sadd.s32 $0xFFFFE003, lr  }
0x1b: {  	s9 =	sadd.s32 $0xFFFFFEF7, lr;
	s5 =	simm.s32 $0xFFFFFFFF;
	p2 =	slt.u32 s8, $0xFFFFF086  }
0x1c: {  	p1 =	slt.u32 s9, $0xF7A;
	s5 =	simm.s32 @!p2 $0x0  }
0x1d: {  	s5 =	simm.s32 @p1 $0x1;
	p0 =	seq.s32 s7, s2  }
0x1e: {  	s7 =	smul.u32 @!p0 $0xF7A, s2;
	p2 =	seq.s32 @!p0 s5, $0x0  }
0x1f: {  	s9 =	smul.u32 $0xF7A, s1;
	s8 =	simm.s32 @!p0 $0x1BF5;
	p2 =	por !p2, p0  }
0x20: {  	[sflag:s8] =	ssyncset.s32 @!p0 $0xFFFFF086;
	s6 =	sadd.s32 @!p0 s3, s7;
	s7 =	simm.s32 @!p0 $0x108  }
0x21: {  	s3 =	sadd.s32 s3, s9;
	s6 =	sadd.s32 @!p0 $0x88, s6;
	s7 =	simm.s32 @p2 $0x1082  }
0x22: {  	[simem:s7], [sflag:s8] =	dma.local @!p0 [hbm:s6], $0xF7A  }
0x23: {  	s9 =	sor.u32 $0xD0000000, s2;
	s6 =	simm.s32 $0x108;
	_ =	swait.ge @!p0 [sflag:s8], $0x0  }
0x24: {  	s3 =	sadd.s32 $0x88, s3;
	s6 =	simm.s32 @!p1 $0x1082;
	[sflag:s4] =	ssyncset.s32 $0xFFFFF086  }
0x25: {  	[simem:s6], [sflag:s4] =	dma.local [hbm:s3], $0xF7A  }
0x26: {  	[smem:$0x3F91] =	sst s1;
	(tag) =	ssettag s2;
	_ =	strace s9  }
0x27: {  	s1 =	sld [smem:$0x3FA1]  }
0x28: {  	s2 =	sld [smem:$0x3FA2]  }
0x29: {  	s4 =	sld [smem:$0x3FA4]  }
0x2a: {  	p0 =	seq.s32 s5, $0x0;
	s5 =	sld [smem:$0x3FA5]  }
0x2b: {  	s6 =	sld [smem:$0x3FA6]  }
0x2c: {  	s7 =	sld [smem:$0x3FA7]  }
0x2d: {  	s3 =	simm.s32 $0x108;
	s8 =	sld [smem:$0x3FA8]  }
0x2e: {  	s3 =	simm.s32 @!p0 $0x1082;
	s9 =	sld [smem:$0x3FA9]  }
0x2f: {  	lr =	sadd.s32 s0, s3;
	s0 =	sld [smem:$0x3FA0]  }
0x30: {  	s3 =	sld [smem:$0x3FA3]  }
0x31: {  	[smem:$0x3FAC] =	sst s10  }
0x32: {  	s10 =	sld [smem:$0x3FAA];
	_ =	sdelay $0x3  }
0x33: {  	p0 =	seq.s32 s10, $0x1;
	s10 =	sld [smem:$0x3FAC];
	_ =	sdelay $0x3  }
0x34: {  	[smem:$0x3FAC] =	sst s10  }
0x35: {  	s10 =	sld [smem:$0x3FAB];
	_ =	sdelay $0x3  }
0x36: {  	p1 =	seq.s32 s10, $0x1;
	s10 =	sld [smem:$0x3FAC];
	_ =	sdelay $0x3  }
0x37: {  	[smem:$0x3FAC] =	sst s10  }
0x38: {  	s10 =	sld [smem:$0x3FAD]  }
0x39: {  	_ = 	snop;
	(pc) =	sbr.ind lr, $3  }
0x3a: {  	_ = 	snop  }
0x3b: {  	_ = 	snop  }
0x3c: {  	p2 =	seq.s32 s10, $0x1;
	s10 =	sld [smem:$0x3FAC]  }
0x3d: {  	_ =	shalt  }
0x3e: {  	_ =	shalt  }
0x3f: {  	_ =	shalt  }
0x40: {  	_ =	shalt  }
0x41: {  	_ =	shalt  }
0x42: {  	_ =	shalt  }
0x43: {  	_ =	shalt  }
0x44: {  	_ =	shalt  }
0x45: {  	_ =	shalt  }
0x46: {  	_ =	shalt  }
0x47: {  	_ =	shalt  }
0x48: {  	_ =	shalt  }
0x49: {  	_ =	shalt  }
0x4a: {  	_ =	shalt  }
0x4b: {  	_ =	shalt  }
0x4c: {  	_ =	shalt  }
0x4d: {  	_ =	shalt  }
0x4e: {  	_ =	shalt  }
0x4f: {  	_ =	shalt  }
0x50: {  	_ =	shalt  }
0x51: {  	_ =	shalt  }
0x52: {  	_ =	shalt  }
0x53: {  	_ =	shalt  }
0x54: {  	_ =	shalt  }
0x55: {  	_ =	shalt  }
0x56: {  	_ =	shalt  }
0x57: {  	_ =	shalt  }
0x58: {  	_ =	shalt  }
0x59: {  	_ =	shalt  }
0x5a: {  	_ =	shalt  }
0x5b: {  	_ =	shalt  }
0x5c: {  	_ =	shalt  }
0x5d: {  	_ =	shalt  }
0x5e: {  	_ =	shalt  }
0x5f: {  	_ =	shalt  }
0x60: {  	_ =	shalt  }
0x61: {  	_ =	shalt  }
0x62: {  	_ =	shalt  }
0x63: {  	_ =	shalt  }
0x64: {  	_ =	shalt  }
0x65: {  	_ =	shalt  }
0x66: {  	_ =	shalt  }
0x67: {  	_ =	shalt  }
0x68: {  	_ =	shalt  }
0x69: {  	_ =	shalt  }
0x6a: {  	_ =	shalt  }
0x6b: {  	_ =	shalt  }
0x6c: {  	_ =	shalt  }
0x6d: {  	_ =	shalt  }
0x6e: {  	_ =	shalt  }
0x6f: {  	_ =	shalt  }
0x70: {  	_ =	shalt  }
0x71: {  	_ =	shalt  }
0x72: {  	_ =	shalt  }
0x73: {  	_ =	shalt  }
0x74: {  	_ =	shalt  }
0x75: {  	_ =	shalt  }
0x76: {  	_ =	shalt  }
0x77: {  	_ =	shalt  }
0x78: {  	_ =	shalt  }
0x79: {  	_ =	shalt  }
0x7a: {  	_ =	shalt  }
0x7b: {  	_ =	shalt  }
0x7c: {  	_ =	shalt  }
0x7d: {  	_ =	shalt  }
0x7e: {  	_ =	shalt  }
0x7f: {  	_ =	shalt  }
0x80: {  	_ =	shalt  }
0x81: {  	_ =	shalt  }
0x82: {  	_ =	shalt  }
0x83: {  	_ =	shalt  }
0x84: {  	_ =	shalt  }
0x85: {  	_ =	shalt  }
0x86: {  	_ =	shalt  }
0x87: {  	_ =	shalt  }
.Lfunc_end0:
.L_simem_size_0:
called_computation.5_lowered:
.L_overlay_start_0:
0x88: {  	s2 =	sld [smem:$0x3FD9]  }
0x89: {  	s3 =	sld [smem:$0x3FFE];
	_ =	sdelay $0x1  }
0x8a: {  	s1 =	srdreg.scid  }
0x8b: {  	s0 =	sand.u32 $0x1, s1  }
0x8c: {  	s17 =	sshll.u32 s0, $0xA;
	s2 =	sadd.s32 s3, s2  }
0x8d: {  	s2 =	sadd.s32 s2, s17  }
0x8e: {  	[smem:$0x3FB8] =	sst s2  }
0x8f: {  	_ = 	snop  }
0x90: {  	(tm) =	ssettm $0x1  }
0x91: {  	s18 =	sld [smem:$0x3FFB];
	_ =	sdelay $0x3  }
0x92: {  	_ =	strace s18  }
0x93: {  	s2 =	sld [smem:$0x3FFC];
	_ =	sdelay $0x3  }
0x94: {  	_ =	strace s2  }
0x95: {  	s2 =	sld [smem:$0x3FFD];
	_ =	sdelay $0x3  }
0x96: {  	_ =	strace s2  }
0x97: {  	_ =	strace $0x8FFFFFFF  }
0x98: {  	s19 =	sld [smem:$0x3FDB];
	_ =	sdelay $0x1  }
0x99: {  	s20 =	simm.s32 $_scs_section_size  }
0x9a: {  	s4 =	simm.s32 $_size__tile_overlayer_lowered;
	s5 =	simm.s32 $_tile_overlayer_lowered  }
0x9b: {  	s6 =	simm.s32 $0x1BFF;
	s21 =	sshll.u32 s5, $0x1;
	s3 =	sadd.s32 s20, s19  }
0x9c: {  	s22 =	simm.s32 $0x0;
	s4 =	sshll.u32 s4, $0x1;
	s5 =	sadd.s32 s21, s3  }
0x9d: {  	[timem:s22], [sflag:s6] =	dma.local [hbm:s5], s4  }
0x9e: {  	_ =	swait.ge [sflag:s6], s4  }
0x9f: {  	s4 =	ssub.s32 $0x0, s4;
	[sflag:s6] =	ssyncset.done $0x0  }
0xa0: {  	[sflag:s6] =	ssyncadd.s32 s4;
	_ =	sdelay $0x1  }
0xa1: {  	s23 =	simm.s32 $0x1B8B  }
0xa2: {  	_ =	swait.ge [sflag:s23], $0x1  }
0xa3: {  	[sflag:s23] =	ssyncset.done $0x0  }
0xa4: {  	[sflag:s23] =	ssyncadd.s32 $0xFFFFFFFF  }
0xa5: {  	s4 =	sld [smem:$0x0]  }
0xa6: {  	s5 =	sand.u32 $0xFFFFFFFE, s1  }
0xa7: {  	p0 =	sne.s32 s1, s5  }
0xa8: {  	s5 =	sshll.u32 @p0 s5, $0xE  }
0xa9: {  	s5 =	sadd.s32 @p0 $0x11B8D, s5;
	s6 =	sshll.u32 @p0 s4, $0x11  }
0xaa: {  	s5 =	sor.u32 @p0 s6, s5  }
0xab: {  	[sflag:s5] =	ssyncadd.remote.s32 @p0 $0x1;
	_ =	sdelay $0x1  }
0xac: {  	s5 =	simm.s32 @p0 $0x1B8D  }
0xad: {  	_ =	swait.eq @p0 [sflag:s5], $0x1  }
0xae: {  	[sflag:s5] =	ssyncadd.s32 @p0 $0xFFFFFFFF  }
0xaf: {  	s6 =	sshll.u32 @!p0 s1, $0xE  }
0xb0: {  	s6 =	sor.u32 @!p0 $0x4000, s6;
	s5 =	simm.s32 @!p0 $0x1B8D  }
0xb1: {  	s4 =	sshll.u32 @!p0 s4, $0x11;
	s6 =	sadd.s32 @!p0 $0x11B8D, s6;
	_ =	swait.eq @!p0 [sflag:s5], $0x1  }
0xb2: {  	s4 =	sor.u32 @!p0 s4, s6;
	[sflag:s5] =	ssyncadd.s32 @!p0 $0xFFFFFFFF  }
0xb3: {  	s25 =	simm.s32 $0x1B8E;
	s24 =	sld [smem:$0x3FFE];
	[sflag:s4] =	ssyncadd.remote.s32 @!p0 $0x1  }
0xb4: {  	s26 =	simm.s32 $execute0_lowered;
	[smem:$0x3FD2] =	sst s25  }
0xb5: {  	s5 =	sshll.u32 s26, $0x1;
	_ =	strace $0x80000052;
	[dreg:$0x1] =	wrdreg $0xFFFFFFFF  }
0xb6: {  	s28 =	simm.s32 $_size_execute0_lowered;
	s3 =	sadd.s32 s3, s5;
	[dreg:$0x0] =	wrdreg $0x0  }
0xb7: {  	s5 =	sshll.u32 s28, $0x1;
	[dreg:$0x2] =	wrdreg s3  }
0xb8: {  	[dreg:$0x3] =	wrdreg s5  }
0xb9: {  	[dreg:$0x4] =	wrdreg $0xC0  }
0xba: {  	_ =	task [dreg:s22], $0x5FFFF  }
0xbb: {  	[dreg:$0x1] =	wrdreg $0xFFFFFFFF  }
0xbc: {  	[dreg:$0x0] =	wrdreg $0x60  }
0xbd: {  	[dreg:$0x2] =	wrdreg s24  }
0xbe: {  	[dreg:$0x3] =	wrdreg $0x44000  }
0xbf: {  	[dreg:$0x4] =	wrdreg $0xC  }
0xc0: {  	_ =	task.clear_ibuf [dreg:s22], $0x5FFFF;
	_ =	strace $0x90000052  }
0xc1: {  	s29 =	simm.s32 $0xC;
	_ =	strace $0x80000054  }
0xc2: {  	_ =	swait.ge [sflag:s29], $0x1  }
0xc3: {  	[sflag:s29] =	ssyncadd.s32 $0xFFFFFFFF  }
0xc4: {  	_ =	strace $0x90000054  }
0xc5: {  	_ =	sfence  }
0xc6: {  	s30 =	sld [smem:$0x0];
	_ =	sdelay $0x2  }
0xc7: {  	s31 =	sshll.u32 s1, $0xD;
	s1 =	sshrl.u32 s1, $0x2  }
0xc8: {  	s4 =	sand.u32 $0x4000, s31;
	s1 =	sadd.s32 s1, s30  }
0xc9: {  	s0 =	sor.u32 s4, s0;
	s1 =	sshll.u32 s1, $0x11  }
0xca: {  	s0 =	sor.u32 s1, s0  }
0xcb: {  	s0 =	sadd.s32 $0x8F2B, s0  }
0xcc: {  	[sflag:s0] =	ssyncadd.remote.s32 $0x1  }
0xcd: {  	_ =	sfence.sel $0xFFFF  }
0xce: {  	[dreg:$0x0] =	wrdreg $0xFFFFFFFF;
	(pc) =	sbr.abs _section_cstart, $3  }
0xcf: {  	[dreg:$0x1] =	wrdreg $0xFFFFFFFF  }
0xd0: {  	_ =	task.clear_ibuf [dreg:s22], $0x2FFFF;
	_ =	strace $0x9FFFFFFF  }
0xd1: {  	(tm) =	ssettm $0x7FFFFFFF  }
tec
execute0_lowered:
.L_overlay_start_1:
0x0: {  	(tag) =	ssettag $0x1  }
0x1: {  	s4 =	rddreg [dreg:$0x0]  }
0x2: {  	s2 =	rddreg [dreg:$0x1]  }
0x3: {  	s0 =	rddreg [dreg:$0x2];
	s3 =	simm.s32 $0x0  }
0x4: {  	s1 =	stileid.u32;
	s5 =	srdreg.scid;
	s14 =	simm.s32 $0xC80  }
0x5: {  	s15 =	simm.s32 $0x1C00;
	s16 =	simm.s32 $0x50;
	s17 =	simm.s32 $0x0  }
0x6: {  	s21 =	simm.s32 $0x0;
	[smem:$0x7FF] =	sst s3;
	s6 =	smul.u32 $0xFA00, s1  }
0x7: {  	s5 =	sand.u32 $0x1, s5;
	s7 =	sshll.u32 s1, $0xA;
	s9 =	smul.u32 $0x14000, s1  }
0x8: {  	s11 =	smul.u32 $0x50000, s1;
	s30 =	sshll.u32 s1, $0x6;
	s8 =	sshll.u32 s5, $0x9  }
0x9: {  	_ =	strace $0x80000053;
	s24 =	smul.u32 $0x140000, s5;
	s26 =	ssub.s32 $0x2, s5  }
0xa: {  	s13 =	smul.u32 $0x7D00, s5;
	s5 =	sor.u32 $0x1C01, s30;
	s7 =	sor.u32 s8, s7  }
0xb: {  	s10 =	sadd.s32 s6, s4;
	s25 =	sshrl.u32 s9, $0x3;
	s12 =	sshrl.u32 s26, $0x1  }
0xc: {  	s28 =	sshrl.u32 s11, $0x2;
	s7 =	sadd.s32 s7, s4;
	s8 =	sadd.s32 s9, s24  }
0xd: {  	s6 =	sadd.s32 s25, s4;
	s9 =	ssub.s32 s26, s12;
	s29 =	sadd.s32 s28, s2  }
0xe: {  	s31 =	sadd.s32 s13, s10;
	s13 =	simm.s32 $0x1;
	s8 =	sshrl.u32 s8, $0x3  }
0xf: {  	s9 =	smax.u32 s9, $0x1;
	s10 =	sadd.s32 $0x649000, s31;
	s11 =	sadd.s32 $0x83F400, s31  }
0x10: {  	s8 =	sadd.s32 s8, s4;
	s4 =	sadd.s32 $0x743000, s6;
	s6 =	sadd.s32 $0x602800, s7  }
0x11: {  	s12 =	sshrl.u32 s29, $0x3;
	s7 =	sadd.s32 $0x606800, s7;
	s8 =	sadd.s32 $0x7BB000, s8  }
.LBB2_1:
0x12: {  	[spmem:s12], [sflag:s5] =	dma.local [hbm:s4], $0x2800  }
0x13: {  	_ =	swait.ge [sflag:s13], $0x2800  }
0x14: {  	[sflag:s13] =	ssyncset.done $0x0  }
0x15: {  	[sflag:s13] =	ssyncadd.s32 $0xFFFFD800  }
0x16: {  	[tilespmem:s3], [sflag:$0x1] =	stream.linear.gather [hbm4b:s6+s3], $0xC80, $0x38;
	[tilespmem:$0x18400] =	vst v63  }
0x17: {  	_ =	swait.ge [sflag:s13], $0xC80  }
0x18: {  	[sflag:s13] =	ssyncset.done $0x0  }
0x19: {  	[sflag:s13] =	ssyncadd.s32 $0xFFFFF380  }
0x1a: {  	[tilespmem:s14], [sflag:$0x1] =	stream.linear.gather [hbm4b:s7+s3], $0xC80, $0x38;
	[tilespmem:$0x18400] =	vst v63  }
0x1b: {  	_ =	swait.ge [sflag:s13], $0xC80  }
0x1c: {  	[sflag:s13] =	ssyncset.done $0x0  }
0x1d: {  	[sflag:s13] =	ssyncadd.s32 $0xFFFFF380  }
0x1e: {  	[bflag:$0x0] =	sbarrier.arrive $0xFFFF  }
0x1f: {  	[tilespmem:s15], [sflag:$0x1] =	stream.linear.gather [hbm4b:s10+s3], $0x2800, $0x38;
	[tilespmem:$0x18400] =	vst v63  }
0x20: {  	_ =	swait.ge [sflag:s13], $0x2800  }
0x21: {  	[sflag:s13] =	ssyncset.done $0x0  }
0x22: {  	s18 =	simm.s32 $0x0;
	[sflag:s13] =	ssyncadd.s32 $0xFFFFD800  }
0x23: {  	[spmem:s2] =	stream.indirect.scatter.add.f32 [tilespmem:s15], [sflag:$0x1], $0x80, s18, s16, $0xb8;
	[tilespmem:$0x18400] =	vst v63  }
0x24: {  	s20 =	simm.s32 $0x400;
	_ =	swait.ge [sflag:s13], $0x2800  }
0x25: {  	s19 =	smov.u32 s10;
	s18 =	simm.s32 $0x200;
	[sflag:s13] =	ssyncset.done $0x0  }
.LBB2_2:
0x26: {  	[sflag:s13] =	ssyncadd.s32 $0xFFFFD800;
	s19 =	sadd.s32 $0x500, s19;
	s22 =	smov.u32 s20  }
0x27: {  	[tilespmem:s15], [sflag:$0x1] =	stream.linear.gather [hbm4b:s19+s21], $0x2800, $0x38;
	[tilespmem:$0x18400] =	vst v63  }
0x28: {  	p0 =	sne.s32 s20, $0x3000;
	s20 =	sadd.s32 $0x200, s20;
	_ =	swait.ge [sflag:s13], $0x2800  }
.Ltmp0:
0x29: {  	[sflag:s13] =	ssyncset.done $0x0;
	(pc) =	sbr.rel @p0 .LBB2_2-.Ltmp0, $4  }
0x2a: {  	s23 =	sshra.s32 s18, $0x2;
	s18 =	smov.u32 s22;
	[sflag:s13] =	ssyncadd.s32 $0xFFFFD800  }
0x2b: {  	[spmem:s2] =	stream.indirect.scatter.add.f32 [tilespmem:s15], [sflag:$0x1], $0x80, s23, s16, $0xb8;
	[tilespmem:$0x18400] =	vst v63  }
0x2c: {  	_ =	swait.ge [sflag:s13], $0x2800  }
0x2d: {  	[sflag:s13] =	ssyncset.done $0x0  }
0x2e: {  	[sflag:s13] =	ssyncadd.s32 $0xFFFFD800;
	s19 =	sadd.s32 $0x500, s19  }
0x2f: {  	[tilespmem:s15], [sflag:$0x1] =	stream.linear.gather [hbm4b:s19+s21], $0x2800, $0x38;
	[tilespmem:$0x18400] =	vst v63  }
0x30: {  	_ =	swait.ge [sflag:s13], $0x2800  }
0x31: {  	[sflag:s13] =	ssyncset.done $0x0  }
0x32: {  	s18 =	sshra.s32 s18, $0x2;
	[sflag:s13] =	ssyncadd.s32 $0xFFFFD800  }
0x33: {  	[spmem:s2] =	stream.indirect.scatter.add.f32 [tilespmem:s15], [sflag:$0x1], $0x80, s18, s16, $0xb8;
	[tilespmem:$0x18400] =	vst v63  }
0x34: {  	_ =	swait.ge [sflag:s13], $0x2800  }
0x35: {  	[sflag:s13] =	ssyncset.done $0x0  }
0x36: {  	[sflag:s13] =	ssyncadd.s32 $0xFFFFD800  }
0x37: {  	[tilespmem:s15], [sflag:$0x1] =	stream.linear.gather [hbm4b:s11+s3], $0x2800, $0x38;
	[tilespmem:$0x18400] =	vst v63  }
0x38: {  	p0 =	por $0x1, $0x1;
	_ =	swait.ge [sflag:s13], $0x2800  }
.Ltmp1:
0x39: {  	[sflag:s13] =	ssyncset.done $0x0;
	(pc) =	sbr.rel @!p0 .LBB2_5-.Ltmp1, $4  }
0x3a: {  	s31 =	simm.s32 $0xC80;
	[sflag:s13] =	ssyncadd.s32 $0xFFFFD800  }
0x3b: {  	[spmem:s2] =	stream.indirect.scatter.add.f32 [tilespmem:s15], [sflag:$0x1], $0x80, s31, s16, $0xb8;
	[tilespmem:$0x18400] =	vst v63  }
0x3c: {  	_ =	swait.ge [sflag:s13], $0x2800  }
0x3d: {  	s19 =	smov.u32 s11;
	s18 =	simm.s32 $0x200;
	[sflag:s13] =	ssyncset.done $0x0  }
.LBB2_4:
0x3e: {  	p0 =	sne.s32 s18, $0x3000;
	[sflag:s13] =	ssyncadd.s32 $0xFFFFD800;
	s19 =	sadd.s32 $0x500, s19  }
0x3f: {  	[tilespmem:s15], [sflag:$0x1] =	stream.linear.gather [hbm4b:s19+s3], $0x2800, $0x38;
	[tilespmem:$0x18400] =	vst v63  }
0x40: {  	s20 =	smov.u32 s18;
	s18 =	sadd.s32 $0x200, s18;
	_ =	swait.ge [sflag:s13], $0x2800  }
.Ltmp2:
0x41: {  	s20 =	sshra.s32 s20, $0x2;
	[sflag:s13] =	ssyncset.done $0x0;
	(pc) =	sbr.rel @p0 .LBB2_4-.Ltmp2, $4  }
0x42: {  	s20 =	sadd.s32 $0xC80, s20;
	[sflag:s13] =	ssyncadd.s32 $0xFFFFD800  }
0x43: {  	[spmem:s2] =	stream.indirect.scatter.add.f32 [tilespmem:s15], [sflag:$0x1], $0x80, s20, s16, $0xb8;
	[tilespmem:$0x18400] =	vst v63  }
0x44: {  	_ =	swait.ge [sflag:s13], $0x2800  }
0x45: {  	[sflag:s13] =	ssyncset.done $0x0  }
.LBB2_5:
0x46: {  	s17 =	sadd.s32 $0x1, s17  }
0x47: {  	[sflag:s13] =	ssyncadd.s32 $0xFFFFD800;
	p0 =	sne.s32 s17, s9  }
.Ltmp3:
0x48: {  	[bflag:$0x0] =	sbarrier.arrive $0xFFFF;
	(pc) =	sbr.rel @p0 .LBB2_1-.Ltmp3, $4  }
0x49: {  	[hbm:s8], [sflag:s5] =	dma.local [spmem:s12], $0x2800  }
0x4a: {  	_ =	swait.ge [sflag:s13], $0x2800  }
0x4b: {  	[sflag:s13] =	ssyncset.done $0x0  }
0x4c: {  	[sflag:s13] =	ssyncadd.s32 $0xFFFFD800  }
0x4d: {  	_ =	sfence.sel $0x180000  }
0x4e: {  	[bflag:$0x0] =	sbarrier.arrive $0xFFFF  }
0x4f: {  	p0 =	sne.s32 s1, $0x0;
	_ =	strace $0x90000053  }
0x50: {  	s0 =	sadd.s32 @!p0 $0x100000, s0;
	[bflag:$0x2] =	sbarrier.arrive $0xFFFF  }
0x51: {  	[sflag:s0] =	ssyncadd.tile.s32 @!p0 $0x1;
	_ =	shalt  }
.Lfunc_end2:
_tile_overlayer_lowered:
.L_overlay_start_2:
0x52: {  	(tag) =	ssettag $0x2  }
0x53: {  	s0 =	rddreg [dreg:$0x0];
	s2 =	stileid.u32  }
0x54: {  	s1 =	rddreg [dreg:$0x1];
	p0 =	sne.s32 s2, $0x0  }
0x55: {  	s3 =	rddreg [dreg:$0x2];
	[bflag:$0x3] =	sbarrier.arrive $0xFFFF;
	s2 =	simm.s32 @!p0 $0x1C01  }
0x56: {  	[timem:s3], [sflag:s2] =	dma.local @!p0 [hbm:s0], s1  }
0x57: {  	s0 =	simm.s32 @!p0 $0x1  }
0x58: {  	_ =	swait.ge @!p0 [sflag:s0], s1  }
0x59: {  	s1 =	ssub.s32 @!p0 $0x0, s1;
	[sflag:s0] =	ssyncset.done @!p0 $0x0  }
0x5a: {  	[sflag:s0] =	ssyncadd.s32 @!p0 s1  }
0x5b: {  	[bflag:$0x3] =	sbarrier.arrive $0xFFFF  }
0x5c: {  	_ =	shalt  }

// kernel: kernel.34.cloned.1.call-start
scs
__scs_entry_jumppad:
0x0: {  	(pc) =	sbr.rel $0x88, $3  }
0x1: {  	(tag) =	ssettag $0x0;
	lr =	simm.s32 $0x1  }
0x2: {  	[smem:$0x3F91] =	sst lr;
	_ =	strace $0xD0000000  }
0x3: {  	_ = 	snop  }
0x4: {  	_ = 	snop  }
0x5: {  	_ = 	snop  }
0x6: {  	_ = 	snop  }
0x7: {  	_ = 	snop  }
__scs_overlays_trampoline_lowered:
0x8: {  	[smem:$0x3FA0] =	sst s0  }
0x9: {  	[smem:$0x3FA1] =	sst s1  }
0xa: {  	[smem:$0x3FA2] =	sst s2  }
0xb: {  	[smem:$0x3FA3] =	sst s3  }
0xc: {  	[smem:$0x3FA4] =	sst s4  }
0xd: {  	[smem:$0x3FA5] =	sst s5  }
0xe: {  	[smem:$0x3FA6] =	sst s6  }
0xf: {  	[smem:$0x3FA7] =	sst s7  }
0x10: {  	[smem:$0x3FA8] =	sst s8  }
0x11: {  	[smem:$0x3FA9] =	sst s9;
	s0 =	simm.s32 @!p0 $0x0  }
0x12: {  	s1 =	sld [smem:$0x3F8F];
	s0 =	simm.s32 @p0 $0x1  }
0x13: {  	[smem:$0x3FAA] =	sst s0;
	s0 =	simm.s32 @!p1 $0x0  }
0x14: {  	s2 =	sld [smem:$0x3F8E];
	s0 =	simm.s32 @p1 $0x1  }
0x15: {  	[smem:$0x3FAB] =	sst s0;
	s0 =	simm.s32 @!p2 $0x0  }
0x16: {  	s3 =	sld [smem:$0x3FDB];
	s0 =	simm.s32 @p2 $0x1  }
0x17: {  	s4 =	simm.s32 $0x1BF5;
	[smem:$0x3FAD] =	sst s0  }
0x18: {  	s0 =	sld [smem:$0x3F90];
	_ =	swait.ge [sflag:s4], $0x0  }
0x19: {  	s7 =	sld [smem:$0x3F91]  }
0x1a: {  	s8 =	sadd.s32 $0xFFFFE003, lr  }
0x1b: {  	s9 =	sadd.s32 $0xFFFFFEF7, lr;
	s5 =	simm.s32 $0xFFFFFFFF;
	p2 =	slt.u32 s8, $0xFFFFF086  }
0x1c: {  	p1 =	slt.u32 s9, $0xF7A;
	s5 =	simm.s32 @!p2 $0x0  }
0x1d: {  	s5 =	simm.s32 @p1 $0x1;
	p0 =	seq.s32 s7, s2  }
0x1e: {  	s7 =	smul.u32 @!p0 $0xF7A, s2;
	p2 =	seq.s32 @!p0 s5, $0x0  }
0x1f: {  	s9 =	smul.u32 $0xF7A, s1;
	s8 =	simm.s32 @!p0 $0x1BF5;
	p2 =	por !p2, p0  }
0x20: {  	[sflag:s8] =	ssyncset.s32 @!p0 $0xFFFFF086;
	s6 =	sadd.s32 @!p0 s3, s7;
	s7 =	simm.s32 @!p0 $0x108  }
0x21: {  	s3 =	sadd.s32 s3, s9;
	s6 =	sadd.s32 @!p0 $0x88, s6;
	s7 =	simm.s32 @p2 $0x1082  }
0x22: {  	[simem:s7], [sflag:s8] =	dma.local @!p0 [hbm:s6], $0xF7A  }
0x23: {  	s9 =	sor.u32 $0xD0000000, s2;
	s6 =	simm.s32 $0x108;
	_ =	swait.ge @!p0 [sflag:s8], $0x0  }
0x24: {  	s3 =	sadd.s32 $0x88, s3;
	s6 =	simm.s32 @!p1 $0x1082;
	[sflag:s4] =	ssyncset.s32 $0xFFFFF086  }
0x25: {  	[simem:s6], [sflag:s4] =	dma.local [hbm:s3], $0xF7A  }
0x26: {  	[smem:$0x3F91] =	sst s1;
	(tag) =	ssettag s2;
	_ =	strace s9  }
0x27: {  	s1 =	sld [smem:$0x3FA1]  }
0x28: {  	s2 =	sld [smem:$0x3FA2]  }
0x29: {  	s4 =	sld [smem:$0x3FA4]  }
0x2a: {  	p0 =	seq.s32 s5, $0x0;
	s5 =	sld [smem:$0x3FA5]  }
0x2b: {  	s6 =	sld [smem:$0x3FA6]  }
0x2c: {  	s7 =	sld [smem:$0x3FA7]  }
0x2d: {  	s3 =	simm.s32 $0x108;
	s8 =	sld [smem:$0x3FA8]  }
0x2e: {  	s3 =	simm.s32 @!p0 $0x1082;
	s9 =	sld [smem:$0x3FA9]  }
0x2f: {  	lr =	sadd.s32 s0, s3;
	s0 =	sld [smem:$0x3FA0]  }
0x30: {  	s3 =	sld [smem:$0x3FA3]  }
0x31: {  	[smem:$0x3FAC] =	sst s10  }
0x32: {  	s10 =	sld [smem:$0x3FAA];
	_ =	sdelay $0x3  }
0x33: {  	p0 =	seq.s32 s10, $0x1;
	s10 =	sld [smem:$0x3FAC];
	_ =	sdelay $0x3  }
0x34: {  	[smem:$0x3FAC] =	sst s10  }
0x35: {  	s10 =	sld [smem:$0x3FAB];
	_ =	sdelay $0x3  }
0x36: {  	p1 =	seq.s32 s10, $0x1;
	s10 =	sld [smem:$0x3FAC];
	_ =	sdelay $0x3  }
0x37: {  	[smem:$0x3FAC] =	sst s10  }
0x38: {  	s10 =	sld [smem:$0x3FAD]  }
0x39: {  	_ = 	snop;
	(pc) =	sbr.ind lr, $3  }
0x3a: {  	_ = 	snop  }
0x3b: {  	_ = 	snop  }
0x3c: {  	p2 =	seq.s32 s10, $0x1;
	s10 =	sld [smem:$0x3FAC]  }
0x3d: {  	_ =	shalt  }
0x3e: {  	_ =	shalt  }
0x3f: {  	_ =	shalt  }
0x40: {  	_ =	shalt  }
0x41: {  	_ =	shalt  }
0x42: {  	_ =	shalt  }
0x43: {  	_ =	shalt  }
0x44: {  	_ =	shalt  }
0x45: {  	_ =	shalt  }
0x46: {  	_ =	shalt  }
0x47: {  	_ =	shalt  }
0x48: {  	_ =	shalt  }
0x49: {  	_ =	shalt  }
0x4a: {  	_ =	shalt  }
0x4b: {  	_ =	shalt  }
0x4c: {  	_ =	shalt  }
0x4d: {  	_ =	shalt  }
0x4e: {  	_ =	shalt  }
0x4f: {  	_ =	shalt  }
0x50: {  	_ =	shalt  }
0x51: {  	_ =	shalt  }
0x52: {  	_ =	shalt  }
0x53: {  	_ =	shalt  }
0x54: {  	_ =	shalt  }
0x55: {  	_ =	shalt  }
0x56: {  	_ =	shalt  }
0x57: {  	_ =	shalt  }
0x58: {  	_ =	shalt  }
0x59: {  	_ =	shalt  }
0x5a: {  	_ =	shalt  }
0x5b: {  	_ =	shalt  }
0x5c: {  	_ =	shalt  }
0x5d: {  	_ =	shalt  }
0x5e: {  	_ =	shalt  }
0x5f: {  	_ =	shalt  }
0x60: {  	_ =	shalt  }
0x61: {  	_ =	shalt  }
0x62: {  	_ =	shalt  }
0x63: {  	_ =	shalt  }
0x64: {  	_ =	shalt  }
0x65: {  	_ =	shalt  }
0x66: {  	_ =	shalt  }
0x67: {  	_ =	shalt  }
0x68: {  	_ =	shalt  }
0x69: {  	_ =	shalt  }
0x6a: {  	_ =	shalt  }
0x6b: {  	_ =	shalt  }
0x6c: {  	_ =	shalt  }
0x6d: {  	_ =	shalt  }
0x6e: {  	_ =	shalt  }
0x6f: {  	_ =	shalt  }
0x70: {  	_ =	shalt  }
0x71: {  	_ =	shalt  }
0x72: {  	_ =	shalt  }
0x73: {  	_ =	shalt  }
0x74: {  	_ =	shalt  }
0x75: {  	_ =	shalt  }
0x76: {  	_ =	shalt  }
0x77: {  	_ =	shalt  }
0x78: {  	_ =	shalt  }
0x79: {  	_ =	shalt  }
0x7a: {  	_ =	shalt  }
0x7b: {  	_ =	shalt  }
0x7c: {  	_ =	shalt  }
0x7d: {  	_ =	shalt  }
0x7e: {  	_ =	shalt  }
0x7f: {  	_ =	shalt  }
0x80: {  	_ =	shalt  }
0x81: {  	_ =	shalt  }
0x82: {  	_ =	shalt  }
0x83: {  	_ =	shalt  }
0x84: {  	_ =	shalt  }
0x85: {  	_ =	shalt  }
0x86: {  	_ =	shalt  }
0x87: {  	_ =	shalt  }
.Lfunc_end0:
.L_simem_size_0:
called_computation.6_lowered:
.L_overlay_start_0:
0x88: {  	s2 =	sld [smem:$0x3FD9]  }
0x89: {  	s3 =	sld [smem:$0x3FFE];
	_ =	sdelay $0x1  }
0x8a: {  	s1 =	srdreg.scid  }
0x8b: {  	s0 =	sand.u32 $0x1, s1  }
0x8c: {  	s17 =	sshll.u32 s0, $0xA;
	s2 =	sadd.s32 s3, s2  }
0x8d: {  	s2 =	sadd.s32 s2, s17  }
0x8e: {  	[smem:$0x3FB8] =	sst s2  }
0x8f: {  	_ = 	snop  }
0x90: {  	(tm) =	ssettm $0x1  }
0x91: {  	s18 =	sld [smem:$0x3FFB];
	_ =	sdelay $0x3  }
0x92: {  	_ =	strace s18  }
0x93: {  	s2 =	sld [smem:$0x3FFC];
	_ =	sdelay $0x3  }
0x94: {  	_ =	strace s2  }
0x95: {  	s2 =	sld [smem:$0x3FFD];
	_ =	sdelay $0x3  }
0x96: {  	_ =	strace s2  }
0x97: {  	_ =	strace $0x8FFFFFFF  }
0x98: {  	s19 =	sld [smem:$0x3FDB];
	_ =	sdelay $0x1  }
0x99: {  	s20 =	simm.s32 $_scs_section_size  }
0x9a: {  	s4 =	simm.s32 $_size__tile_overlayer_lowered;
	s5 =	simm.s32 $_tile_overlayer_lowered  }
0x9b: {  	s6 =	simm.s32 $0x1BFF;
	s21 =	sshll.u32 s5, $0x1;
	s3 =	sadd.s32 s20, s19  }
0x9c: {  	s22 =	simm.s32 $0x0;
	s4 =	sshll.u32 s4, $0x1;
	s5 =	sadd.s32 s21, s3  }
0x9d: {  	[timem:s22], [sflag:s6] =	dma.local [hbm:s5], s4  }
0x9e: {  	_ =	swait.ge [sflag:s6], s4  }
0x9f: {  	s4 =	ssub.s32 $0x0, s4;
	[sflag:s6] =	ssyncset.done $0x0  }
0xa0: {  	[sflag:s6] =	ssyncadd.s32 s4;
	_ =	sdelay $0x1  }
0xa1: {  	s23 =	simm.s32 $0x1B8B  }
0xa2: {  	_ =	swait.ge [sflag:s23], $0x1  }
0xa3: {  	[sflag:s23] =	ssyncset.done $0x0  }
0xa4: {  	[sflag:s23] =	ssyncadd.s32 $0xFFFFFFFF  }
0xa5: {  	s4 =	sld [smem:$0x0]  }
0xa6: {  	s5 =	sand.u32 $0xFFFFFFFE, s1  }
0xa7: {  	p0 =	sne.s32 s1, s5  }
0xa8: {  	s5 =	sshll.u32 @p0 s5, $0xE  }
0xa9: {  	s5 =	sadd.s32 @p0 $0x11B8D, s5;
	s6 =	sshll.u32 @p0 s4, $0x11  }
0xaa: {  	s5 =	sor.u32 @p0 s6, s5  }
0xab: {  	[sflag:s5] =	ssyncadd.remote.s32 @p0 $0x1;
	_ =	sdelay $0x1  }
0xac: {  	s5 =	simm.s32 @p0 $0x1B8D  }
0xad: {  	_ =	swait.eq @p0 [sflag:s5], $0x1  }
0xae: {  	[sflag:s5] =	ssyncadd.s32 @p0 $0xFFFFFFFF  }
0xaf: {  	s6 =	sshll.u32 @!p0 s1, $0xE  }
0xb0: {  	s6 =	sor.u32 @!p0 $0x4000, s6;
	s5 =	simm.s32 @!p0 $0x1B8D  }
0xb1: {  	s4 =	sshll.u32 @!p0 s4, $0x11;
	s6 =	sadd.s32 @!p0 $0x11B8D, s6;
	_ =	swait.eq @!p0 [sflag:s5], $0x1  }
0xb2: {  	s4 =	sor.u32 @!p0 s4, s6;
	[sflag:s5] =	ssyncadd.s32 @!p0 $0xFFFFFFFF  }
0xb3: {  	s25 =	simm.s32 $0x1B8E;
	s24 =	sld [smem:$0x3FFE];
	[sflag:s4] =	ssyncadd.remote.s32 @!p0 $0x1  }
0xb4: {  	s26 =	simm.s32 $execute0_lowered;
	[smem:$0x3FD2] =	sst s25  }
0xb5: {  	s5 =	sshll.u32 s26, $0x1;
	_ =	strace $0x80000058;
	[dreg:$0x1] =	wrdreg $0xFFFFFFFF  }
0xb6: {  	s28 =	simm.s32 $_size_execute0_lowered;
	s3 =	sadd.s32 s3, s5;
	[dreg:$0x0] =	wrdreg $0x0  }
0xb7: {  	s5 =	sshll.u32 s28, $0x1;
	[dreg:$0x2] =	wrdreg s3  }
0xb8: {  	[dreg:$0x3] =	wrdreg s5  }
0xb9: {  	[dreg:$0x4] =	wrdreg $0xC0  }
0xba: {  	_ =	task [dreg:s22], $0x5FFFF  }
0xbb: {  	[dreg:$0x1] =	wrdreg $0xFFFFFFFF  }
0xbc: {  	[dreg:$0x0] =	wrdreg $0x60  }
0xbd: {  	[dreg:$0x2] =	wrdreg s24  }
0xbe: {  	[dreg:$0x3] =	wrdreg $0x44000  }
0xbf: {  	[dreg:$0x4] =	wrdreg $0x9  }
0xc0: {  	_ =	task.clear_ibuf [dreg:s22], $0x5FFFF;
	_ =	strace $0x90000058  }
0xc1: {  	s29 =	simm.s32 $0x9;
	_ =	strace $0x8000005A  }
0xc2: {  	_ =	swait.ge [sflag:s29], $0x1  }
0xc3: {  	[sflag:s29] =	ssyncadd.s32 $0xFFFFFFFF  }
0xc4: {  	_ =	strace $0x9000005A  }
0xc5: {  	_ =	sfence  }
0xc6: {  	s30 =	sld [smem:$0x0];
	_ =	sdelay $0x2  }
0xc7: {  	s31 =	sshll.u32 s1, $0xD;
	s1 =	sshrl.u32 s1, $0x2  }
0xc8: {  	s4 =	sand.u32 $0x4000, s31;
	s1 =	sadd.s32 s1, s30  }
0xc9: {  	s0 =	sor.u32 s4, s0;
	s1 =	sshll.u32 s1, $0x11  }
0xca: {  	s0 =	sor.u32 s1, s0  }
0xcb: {  	s0 =	sadd.s32 $0x8F2B, s0  }
0xcc: {  	[sflag:s0] =	ssyncadd.remote.s32 $0x1  }
0xcd: {  	_ =	sfence.sel $0xFFFF  }
0xce: {  	[dreg:$0x0] =	wrdreg $0xFFFFFFFF;
	(pc) =	sbr.abs _section_cstart, $3  }
0xcf: {  	[dreg:$0x1] =	wrdreg $0xFFFFFFFF  }
0xd0: {  	_ =	task.clear_ibuf [dreg:s22], $0x2FFFF;
	_ =	strace $0x9FFFFFFF  }
0xd1: {  	(tm) =	ssettm $0x7FFFFFFF  }
tec
execute0_lowered:
.L_overlay_start_1:
0x0: {  	(tag) =	ssettag $0x1  }
0x1: {  	s4 =	rddreg [dreg:$0x0]  }
0x2: {  	s2 =	rddreg [dreg:$0x1]  }
0x3: {  	s0 =	rddreg [dreg:$0x2];
	s3 =	simm.s32 $0x0  }
0x4: {  	s1 =	stileid.u32;
	s5 =	srdreg.scid;
	s14 =	simm.s32 $0xC80  }
0x5: {  	s15 =	simm.s32 $0x1C00;
	s16 =	simm.s32 $0x50;
	s17 =	simm.s32 $0x0  }
0x6: {  	s21 =	simm.s32 $0x0;
	[smem:$0x7FF] =	sst s3;
	s6 =	smul.u32 $0xFA00, s1  }
0x7: {  	s5 =	sand.u32 $0x1, s5;
	s7 =	sshll.u32 s1, $0xA;
	s9 =	smul.u32 $0x14000, s1  }
0x8: {  	s11 =	smul.u32 $0x50000, s1;
	s30 =	sshll.u32 s1, $0x6;
	s8 =	sshll.u32 s5, $0x9  }
0x9: {  	_ =	strace $0x80000059;
	s24 =	smul.u32 $0x140000, s5;
	s26 =	ssub.s32 $0x2, s5  }
0xa: {  	s13 =	smul.u32 $0x7D00, s5;
	s5 =	sor.u32 $0x1C01, s30;
	s7 =	sor.u32 s8, s7  }
0xb: {  	s10 =	sadd.s32 s6, s4;
	s25 =	sshrl.u32 s9, $0x3;
	s12 =	sshrl.u32 s26, $0x1  }
0xc: {  	s28 =	sshrl.u32 s11, $0x2;
	s7 =	sadd.s32 s7, s4;
	s8 =	sadd.s32 s9, s24  }
0xd: {  	s6 =	sadd.s32 s25, s4;
	s9 =	ssub.s32 s26, s12;
	s29 =	sadd.s32 s28, s2  }
0xe: {  	s31 =	sadd.s32 s13, s10;
	s13 =	simm.s32 $0x1;
	s8 =	sshrl.u32 s8, $0x3  }
0xf: {  	s9 =	smax.u32 s9, $0x1;
	s10 =	sadd.s32 $0x21800, s31;
	s11 =	sadd.s32 $0x939400, s31  }
0x10: {  	s12 =	sshrl.u32 s29, $0x3;
	s8 =	sadd.s32 s8, s4;
	s4 =	sadd.s32 $0x743000, s6  }
0x11: {  	s6 =	sadd.s32 $0x7A00, s7;
	s7 =	sadd.s32 $0xBA00, s7;
	s8 =	sadd.s32 $0x76B000, s8  }
.LBB2_1:
0x12: {  	[spmem:s12], [sflag:s5] =	dma.local [hbm:s4], $0x2800  }
0x13: {  	_ =	swait.ge [sflag:s13], $0x2800  }
0x14: {  	[sflag:s13] =	ssyncset.done $0x0  }
0x15: {  	[sflag:s13] =	ssyncadd.s32 $0xFFFFD800  }
0x16: {  	[tilespmem:s3], [sflag:$0x1] =	stream.linear.gather [hbm4b:s6+s3], $0xC80, $0x38;
	[tilespmem:$0x18400] =	vst v63  }
0x17: {  	_ =	swait.ge [sflag:s13], $0xC80  }
0x18: {  	[sflag:s13] =	ssyncset.done $0x0  }
0x19: {  	[sflag:s13] =	ssyncadd.s32 $0xFFFFF380  }
0x1a: {  	[tilespmem:s14], [sflag:$0x1] =	stream.linear.gather [hbm4b:s7+s3], $0xC80, $0x38;
	[tilespmem:$0x18400] =	vst v63  }
0x1b: {  	_ =	swait.ge [sflag:s13], $0xC80  }
0x1c: {  	[sflag:s13] =	ssyncset.done $0x0  }
0x1d: {  	[sflag:s13] =	ssyncadd.s32 $0xFFFFF380  }
0x1e: {  	[bflag:$0x0] =	sbarrier.arrive $0xFFFF  }
0x1f: {  	[tilespmem:s15], [sflag:$0x1] =	stream.linear.gather [hbm4b:s10+s3], $0x2800, $0x38;
	[tilespmem:$0x18400] =	vst v63  }
0x20: {  	_ =	swait.ge [sflag:s13], $0x2800  }
0x21: {  	[sflag:s13] =	ssyncset.done $0x0  }
0x22: {  	s18 =	simm.s32 $0x0;
	[sflag:s13] =	ssyncadd.s32 $0xFFFFD800  }
0x23: {  	[spmem:s2] =	stream.indirect.scatter.add.f32 [tilespmem:s15], [sflag:$0x1], $0x80, s18, s16, $0xb8;
	[tilespmem:$0x18400] =	vst v63  }
0x24: {  	s20 =	simm.s32 $0x400;
	_ =	swait.ge [sflag:s13], $0x2800  }
0x25: {  	s19 =	smov.u32 s10;
	s18 =	simm.s32 $0x200;
	[sflag:s13] =	ssyncset.done $0x0  }
.LBB2_2:
0x26: {  	[sflag:s13] =	ssyncadd.s32 $0xFFFFD800;
	s19 =	sadd.s32 $0x500, s19;
	s22 =	smov.u32 s20  }
0x27: {  	[tilespmem:s15], [sflag:$0x1] =	stream.linear.gather [hbm4b:s19+s21], $0x2800, $0x38;
	[tilespmem:$0x18400] =	vst v63  }
0x28: {  	p0 =	sne.s32 s20, $0x3000;
	s20 =	sadd.s32 $0x200, s20;
	_ =	swait.ge [sflag:s13], $0x2800  }
.Ltmp0:
0x29: {  	[sflag:s13] =	ssyncset.done $0x0;
	(pc) =	sbr.rel @p0 .LBB2_2-.Ltmp0, $4  }
0x2a: {  	s23 =	sshra.s32 s18, $0x2;
	s18 =	smov.u32 s22;
	[sflag:s13] =	ssyncadd.s32 $0xFFFFD800  }
0x2b: {  	[spmem:s2] =	stream.indirect.scatter.add.f32 [tilespmem:s15], [sflag:$0x1], $0x80, s23, s16, $0xb8;
	[tilespmem:$0x18400] =	vst v63  }
0x2c: {  	_ =	swait.ge [sflag:s13], $0x2800  }
0x2d: {  	[sflag:s13] =	ssyncset.done $0x0  }
0x2e: {  	[sflag:s13] =	ssyncadd.s32 $0xFFFFD800;
	s19 =	sadd.s32 $0x500, s19  }
0x2f: {  	[tilespmem:s15], [sflag:$0x1] =	stream.linear.gather [hbm4b:s19+s21], $0x2800, $0x38;
	[tilespmem:$0x18400] =	vst v63  }
0x30: {  	_ =	swait.ge [sflag:s13], $0x2800  }
0x31: {  	[sflag:s13] =	ssyncset.done $0x0  }
0x32: {  	s18 =	sshra.s32 s18, $0x2;
	[sflag:s13] =	ssyncadd.s32 $0xFFFFD800  }
0x33: {  	[spmem:s2] =	stream.indirect.scatter.add.f32 [tilespmem:s15], [sflag:$0x1], $0x80, s18, s16, $0xb8;
	[tilespmem:$0x18400] =	vst v63  }
0x34: {  	_ =	swait.ge [sflag:s13], $0x2800  }
0x35: {  	[sflag:s13] =	ssyncset.done $0x0  }
0x36: {  	[sflag:s13] =	ssyncadd.s32 $0xFFFFD800  }
0x37: {  	[tilespmem:s15], [sflag:$0x1] =	stream.linear.gather [hbm4b:s11+s3], $0x2800, $0x38;
	[tilespmem:$0x18400] =	vst v63  }
0x38: {  	p0 =	por $0x1, $0x1;
	_ =	swait.ge [sflag:s13], $0x2800  }
.Ltmp1:
0x39: {  	[sflag:s13] =	ssyncset.done $0x0;
	(pc) =	sbr.rel @!p0 .LBB2_5-.Ltmp1, $4  }
0x3a: {  	s31 =	simm.s32 $0xC80;
	[sflag:s13] =	ssyncadd.s32 $0xFFFFD800  }
0x3b: {  	[spmem:s2] =	stream.indirect.scatter.add.f32 [tilespmem:s15], [sflag:$0x1], $0x80, s31, s16, $0xb8;
	[tilespmem:$0x18400] =	vst v63  }
0x3c: {  	_ =	swait.ge [sflag:s13], $0x2800  }
0x3d: {  	s19 =	smov.u32 s11;
	s18 =	simm.s32 $0x200;
	[sflag:s13] =	ssyncset.done $0x0  }
.LBB2_4:
0x3e: {  	p0 =	sne.s32 s18, $0x3000;
	[sflag:s13] =	ssyncadd.s32 $0xFFFFD800;
	s19 =	sadd.s32 $0x500, s19  }
0x3f: {  	[tilespmem:s15], [sflag:$0x1] =	stream.linear.gather [hbm4b:s19+s3], $0x2800, $0x38;
	[tilespmem:$0x18400] =	vst v63  }
0x40: {  	s20 =	smov.u32 s18;
	s18 =	sadd.s32 $0x200, s18;
	_ =	swait.ge [sflag:s13], $0x2800  }
.Ltmp2:
0x41: {  	s20 =	sshra.s32 s20, $0x2;
	[sflag:s13] =	ssyncset.done $0x0;
	(pc) =	sbr.rel @p0 .LBB2_4-.Ltmp2, $4  }
0x42: {  	s20 =	sadd.s32 $0xC80, s20;
	[sflag:s13] =	ssyncadd.s32 $0xFFFFD800  }
0x43: {  	[spmem:s2] =	stream.indirect.scatter.add.f32 [tilespmem:s15], [sflag:$0x1], $0x80, s20, s16, $0xb8;
	[tilespmem:$0x18400] =	vst v63  }
0x44: {  	_ =	swait.ge [sflag:s13], $0x2800  }
0x45: {  	[sflag:s13] =	ssyncset.done $0x0  }
.LBB2_5:
0x46: {  	s17 =	sadd.s32 $0x1, s17  }
0x47: {  	[sflag:s13] =	ssyncadd.s32 $0xFFFFD800;
	p0 =	sne.s32 s17, s9  }
.Ltmp3:
0x48: {  	[bflag:$0x0] =	sbarrier.arrive $0xFFFF;
	(pc) =	sbr.rel @p0 .LBB2_1-.Ltmp3, $4  }
0x49: {  	[hbm:s8], [sflag:s5] =	dma.local [spmem:s12], $0x2800  }
0x4a: {  	_ =	swait.ge [sflag:s13], $0x2800  }
0x4b: {  	[sflag:s13] =	ssyncset.done $0x0  }
0x4c: {  	[sflag:s13] =	ssyncadd.s32 $0xFFFFD800  }
0x4d: {  	_ =	sfence.sel $0x180000  }
0x4e: {  	[bflag:$0x0] =	sbarrier.arrive $0xFFFF  }
0x4f: {  	p0 =	sne.s32 s1, $0x0;
	_ =	strace $0x90000059  }
0x50: {  	s0 =	sadd.s32 @!p0 $0x100000, s0;
	[bflag:$0x2] =	sbarrier.arrive $0xFFFF  }
0x51: {  	[sflag:s0] =	ssyncadd.tile.s32 @!p0 $0x1;
	_ =	shalt  }
.Lfunc_end2:
_tile_overlayer_lowered:
.L_overlay_start_2:
0x52: {  	(tag) =	ssettag $0x2  }
0x53: {  	s0 =	rddreg [dreg:$0x0];
	s2 =	stileid.u32  }
0x54: {  	s1 =	rddreg [dreg:$0x1];
	p0 =	sne.s32 s2, $0x0  }
0x55: {  	s3 =	rddreg [dreg:$0x2];
	[bflag:$0x3] =	sbarrier.arrive $0xFFFF;
	s2 =	simm.s32 @!p0 $0x1C01  }
0x56: {  	[timem:s3], [sflag:s2] =	dma.local @!p0 [hbm:s0], s1  }
0x57: {  	s0 =	simm.s32 @!p0 $0x1  }
0x58: {  	_ =	swait.ge @!p0 [sflag:s0], s1  }
0x59: {  	s1 =	ssub.s32 @!p0 $0x0, s1;
	[sflag:s0] =	ssyncset.done @!p0 $0x0  }
0x5a: {  	[sflag:s0] =	ssyncadd.s32 @!p0 s1  }
0x5b: {  	[bflag:$0x3] =	sbarrier.arrive $0xFFFF  }
0x5c: {  	_ =	shalt  }

// kernel: kernel.37.cloned.1.call-start
scs
__scs_entry_jumppad:
0x0: {  	(pc) =	sbr.rel $0x88, $3  }
0x1: {  	(tag) =	ssettag $0x0;
	lr =	simm.s32 $0x1  }
0x2: {  	[smem:$0x3F91] =	sst lr;
	_ =	strace $0xD0000000  }
0x3: {  	_ = 	snop  }
0x4: {  	_ = 	snop  }
0x5: {  	_ = 	snop  }
0x6: {  	_ = 	snop  }
0x7: {  	_ = 	snop  }
__scs_overlays_trampoline_lowered:
0x8: {  	[smem:$0x3FA0] =	sst s0  }
0x9: {  	[smem:$0x3FA1] =	sst s1  }
0xa: {  	[smem:$0x3FA2] =	sst s2  }
0xb: {  	[smem:$0x3FA3] =	sst s3  }
0xc: {  	[smem:$0x3FA4] =	sst s4  }
0xd: {  	[smem:$0x3FA5] =	sst s5  }
0xe: {  	[smem:$0x3FA6] =	sst s6  }
0xf: {  	[smem:$0x3FA7] =	sst s7  }
0x10: {  	[smem:$0x3FA8] =	sst s8  }
0x11: {  	[smem:$0x3FA9] =	sst s9;
	s0 =	simm.s32 @!p0 $0x0  }
0x12: {  	s1 =	sld [smem:$0x3F8F];
	s0 =	simm.s32 @p0 $0x1  }
0x13: {  	[smem:$0x3FAA] =	sst s0;
	s0 =	simm.s32 @!p1 $0x0  }
0x14: {  	s2 =	sld [smem:$0x3F8E];
	s0 =	simm.s32 @p1 $0x1  }
0x15: {  	[smem:$0x3FAB] =	sst s0;
	s0 =	simm.s32 @!p2 $0x0  }
0x16: {  	s3 =	sld [smem:$0x3FDB];
	s0 =	simm.s32 @p2 $0x1  }
0x17: {  	s4 =	simm.s32 $0x1BF5;
	[smem:$0x3FAD] =	sst s0  }
0x18: {  	s0 =	sld [smem:$0x3F90];
	_ =	swait.ge [sflag:s4], $0x0  }
0x19: {  	s7 =	sld [smem:$0x3F91]  }
0x1a: {  	s8 =	sadd.s32 $0xFFFFE003, lr  }
0x1b: {  	s9 =	sadd.s32 $0xFFFFFEF7, lr;
	s5 =	simm.s32 $0xFFFFFFFF;
	p2 =	slt.u32 s8, $0xFFFFF086  }
0x1c: {  	p1 =	slt.u32 s9, $0xF7A;
	s5 =	simm.s32 @!p2 $0x0  }
0x1d: {  	s5 =	simm.s32 @p1 $0x1;
	p0 =	seq.s32 s7, s2  }
0x1e: {  	s7 =	smul.u32 @!p0 $0xF7A, s2;
	p2 =	seq.s32 @!p0 s5, $0x0  }
0x1f: {  	s9 =	smul.u32 $0xF7A, s1;
	s8 =	simm.s32 @!p0 $0x1BF5;
	p2 =	por !p2, p0  }
0x20: {  	[sflag:s8] =	ssyncset.s32 @!p0 $0xFFFFF086;
	s6 =	sadd.s32 @!p0 s3, s7;
	s7 =	simm.s32 @!p0 $0x108  }
0x21: {  	s3 =	sadd.s32 s3, s9;
	s6 =	sadd.s32 @!p0 $0x88, s6;
	s7 =	simm.s32 @p2 $0x1082  }
0x22: {  	[simem:s7], [sflag:s8] =	dma.local @!p0 [hbm:s6], $0xF7A  }
0x23: {  	s9 =	sor.u32 $0xD0000000, s2;
	s6 =	simm.s32 $0x108;
	_ =	swait.ge @!p0 [sflag:s8], $0x0  }
0x24: {  	s3 =	sadd.s32 $0x88, s3;
	s6 =	simm.s32 @!p1 $0x1082;
	[sflag:s4] =	ssyncset.s32 $0xFFFFF086  }
0x25: {  	[simem:s6], [sflag:s4] =	dma.local [hbm:s3], $0xF7A  }
0x26: {  	[smem:$0x3F91] =	sst s1;
	(tag) =	ssettag s2;
	_ =	strace s9  }
0x27: {  	s1 =	sld [smem:$0x3FA1]  }
0x28: {  	s2 =	sld [smem:$0x3FA2]  }
0x29: {  	s4 =	sld [smem:$0x3FA4]  }
0x2a: {  	p0 =	seq.s32 s5, $0x0;
	s5 =	sld [smem:$0x3FA5]  }
0x2b: {  	s6 =	sld [smem:$0x3FA6]  }
0x2c: {  	s7 =	sld [smem:$0x3FA7]  }
0x2d: {  	s3 =	simm.s32 $0x108;
	s8 =	sld [smem:$0x3FA8]  }
0x2e: {  	s3 =	simm.s32 @!p0 $0x1082;
	s9 =	sld [smem:$0x3FA9]  }
0x2f: {  	lr =	sadd.s32 s0, s3;
	s0 =	sld [smem:$0x3FA0]  }
0x30: {  	s3 =	sld [smem:$0x3FA3]  }
0x31: {  	[smem:$0x3FAC] =	sst s10  }
0x32: {  	s10 =	sld [smem:$0x3FAA];
	_ =	sdelay $0x3  }
0x33: {  	p0 =	seq.s32 s10, $0x1;
	s10 =	sld [smem:$0x3FAC];
	_ =	sdelay $0x3  }
0x34: {  	[smem:$0x3FAC] =	sst s10  }
0x35: {  	s10 =	sld [smem:$0x3FAB];
	_ =	sdelay $0x3  }
0x36: {  	p1 =	seq.s32 s10, $0x1;
	s10 =	sld [smem:$0x3FAC];
	_ =	sdelay $0x3  }
0x37: {  	[smem:$0x3FAC] =	sst s10  }
0x38: {  	s10 =	sld [smem:$0x3FAD]  }
0x39: {  	_ = 	snop;
	(pc) =	sbr.ind lr, $3  }
0x3a: {  	_ = 	snop  }
0x3b: {  	_ = 	snop  }
0x3c: {  	p2 =	seq.s32 s10, $0x1;
	s10 =	sld [smem:$0x3FAC]  }
0x3d: {  	_ =	shalt  }
0x3e: {  	_ =	shalt  }
0x3f: {  	_ =	shalt  }
0x40: {  	_ =	shalt  }
0x41: {  	_ =	shalt  }
0x42: {  	_ =	shalt  }
0x43: {  	_ =	shalt  }
0x44: {  	_ =	shalt  }
0x45: {  	_ =	shalt  }
0x46: {  	_ =	shalt  }
0x47: {  	_ =	shalt  }
0x48: {  	_ =	shalt  }
0x49: {  	_ =	shalt  }
0x4a: {  	_ =	shalt  }
0x4b: {  	_ =	shalt  }
0x4c: {  	_ =	shalt  }
0x4d: {  	_ =	shalt  }
0x4e: {  	_ =	shalt  }
0x4f: {  	_ =	shalt  }
0x50: {  	_ =	shalt  }
0x51: {  	_ =	shalt  }
0x52: {  	_ =	shalt  }
0x53: {  	_ =	shalt  }
0x54: {  	_ =	shalt  }
0x55: {  	_ =	shalt  }
0x56: {  	_ =	shalt  }
0x57: {  	_ =	shalt  }
0x58: {  	_ =	shalt  }
0x59: {  	_ =	shalt  }
0x5a: {  	_ =	shalt  }
0x5b: {  	_ =	shalt  }
0x5c: {  	_ =	shalt  }
0x5d: {  	_ =	shalt  }
0x5e: {  	_ =	shalt  }
0x5f: {  	_ =	shalt  }
0x60: {  	_ =	shalt  }
0x61: {  	_ =	shalt  }
0x62: {  	_ =	shalt  }
0x63: {  	_ =	shalt  }
0x64: {  	_ =	shalt  }
0x65: {  	_ =	shalt  }
0x66: {  	_ =	shalt  }
0x67: {  	_ =	shalt  }
0x68: {  	_ =	shalt  }
0x69: {  	_ =	shalt  }
0x6a: {  	_ =	shalt  }
0x6b: {  	_ =	shalt  }
0x6c: {  	_ =	shalt  }
0x6d: {  	_ =	shalt  }
0x6e: {  	_ =	shalt  }
0x6f: {  	_ =	shalt  }
0x70: {  	_ =	shalt  }
0x71: {  	_ =	shalt  }
0x72: {  	_ =	shalt  }
0x73: {  	_ =	shalt  }
0x74: {  	_ =	shalt  }
0x75: {  	_ =	shalt  }
0x76: {  	_ =	shalt  }
0x77: {  	_ =	shalt  }
0x78: {  	_ =	shalt  }
0x79: {  	_ =	shalt  }
0x7a: {  	_ =	shalt  }
0x7b: {  	_ =	shalt  }
0x7c: {  	_ =	shalt  }
0x7d: {  	_ =	shalt  }
0x7e: {  	_ =	shalt  }
0x7f: {  	_ =	shalt  }
0x80: {  	_ =	shalt  }
0x81: {  	_ =	shalt  }
0x82: {  	_ =	shalt  }
0x83: {  	_ =	shalt  }
0x84: {  	_ =	shalt  }
0x85: {  	_ =	shalt  }
0x86: {  	_ =	shalt  }
0x87: {  	_ =	shalt  }
.Lfunc_end0:
.L_simem_size_0:
called_computation.7_lowered:
.L_overlay_start_0:
0x88: {  	s2 =	sld [smem:$0x3FD9]  }
0x89: {  	s3 =	sld [smem:$0x3FFE];
	_ =	sdelay $0x1  }
0x8a: {  	s1 =	srdreg.scid  }
0x8b: {  	s0 =	sand.u32 $0x1, s1  }
0x8c: {  	s16 =	sshll.u32 s0, $0xA;
	s2 =	sadd.s32 s3, s2  }
0x8d: {  	s2 =	sadd.s32 s2, s16  }
0x8e: {  	[smem:$0x3FB8] =	sst s2  }
0x8f: {  	_ = 	snop  }
0x90: {  	(tm) =	ssettm $0x1  }
0x91: {  	s17 =	sld [smem:$0x3FFB];
	_ =	sdelay $0x3  }
0x92: {  	_ =	strace s17  }
0x93: {  	s2 =	sld [smem:$0x3FFC];
	_ =	sdelay $0x3  }
0x94: {  	_ =	strace s2  }
0x95: {  	s2 =	sld [smem:$0x3FFD];
	_ =	sdelay $0x3  }
0x96: {  	_ =	strace s2  }
0x97: {  	_ =	strace $0x8FFFFFFF  }
0x98: {  	s18 =	sld [smem:$0x3FDB];
	_ =	sdelay $0x1  }
0x99: {  	s19 =	simm.s32 $_scs_section_size  }
0x9a: {  	s4 =	simm.s32 $_size__tile_overlayer_lowered;
	s5 =	simm.s32 $_tile_overlayer_lowered  }
0x9b: {  	s22 =	simm.s32 $0x1BFF;
	s21 =	sshll.u32 s5, $0x1;
	s2 =	sadd.s32 s19, s18  }
0x9c: {  	s6 =	simm.s32 $0x0;
	s20 =	sshll.u32 s4, $0x1;
	s4 =	sadd.s32 s21, s2  }
0x9d: {  	[timem:s6], [sflag:s22] =	dma.local [hbm:s4], s20  }
0x9e: {  	_ =	swait.ge [sflag:s22], s20  }
0x9f: {  	s3 =	ssub.s32 $0x0, s20;
	[sflag:s22] =	ssyncset.done $0x0  }
0xa0: {  	[sflag:s22] =	ssyncadd.s32 s3;
	_ =	sdelay $0x1  }
0xa1: {  	s23 =	simm.s32 $0x1B8B  }
0xa2: {  	_ =	swait.ge [sflag:s23], $0x1  }
0xa3: {  	[sflag:s23] =	ssyncset.done $0x0  }
0xa4: {  	s25 =	simm.s32 $0x1B8E;
	s24 =	sld [smem:$0x3FFE];
	[sflag:s23] =	ssyncadd.s32 $0xFFFFFFFF  }
0xa5: {  	s26 =	simm.s32 $execute0_lowered;
	[smem:$0x3FD2] =	sst s25  }
0xa6: {  	s4 =	sshll.u32 s26, $0x1;
	_ =	strace $0x8000005B;
	[dreg:$0x1] =	wrdreg $0xFFFFFFFF  }
0xa7: {  	s28 =	simm.s32 $_size_execute0_lowered;
	s2 =	sadd.s32 s2, s4;
	[dreg:$0x0] =	wrdreg $0x0  }
0xa8: {  	s4 =	sshll.u32 s28, $0x1;
	[dreg:$0x2] =	wrdreg s2  }
0xa9: {  	[dreg:$0x3] =	wrdreg s4  }
0xaa: {  	[dreg:$0x4] =	wrdreg $0xC0  }
0xab: {  	_ =	task [dreg:s6], $0x5FFFF  }
0xac: {  	[dreg:$0x1] =	wrdreg $0xFFFFFFFF  }
0xad: {  	[dreg:$0x0] =	wrdreg $0x60  }
0xae: {  	[dreg:$0x2] =	wrdreg s24  }
0xaf: {  	[dreg:$0x3] =	wrdreg $0x38000  }
0xb0: {  	[dreg:$0x4] =	wrdreg $0x9  }
0xb1: {  	_ =	task.clear_ibuf [dreg:s6], $0x5FFFF;
	_ =	strace $0x9000005B  }
0xb2: {  	s29 =	simm.s32 $0x9;
	_ =	strace $0x8000005D  }
0xb3: {  	_ =	swait.ge [sflag:s29], $0x1  }
0xb4: {  	[sflag:s29] =	ssyncadd.s32 $0xFFFFFFFF  }
0xb5: {  	_ =	strace $0x9000005D  }
0xb6: {  	_ =	sfence  }
0xb7: {  	s30 =	sld [smem:$0x0];
	_ =	sdelay $0x2  }
0xb8: {  	s31 =	sshll.u32 s1, $0xD;
	s1 =	sshrl.u32 s1, $0x2  }
0xb9: {  	s3 =	sand.u32 $0x4000, s31;
	s1 =	sadd.s32 s1, s30  }
0xba: {  	s0 =	sor.u32 s3, s0;
	s1 =	sshll.u32 s1, $0x11  }
0xbb: {  	s0 =	sor.u32 s1, s0  }
0xbc: {  	s0 =	sadd.s32 $0x8F2B, s0  }
0xbd: {  	[sflag:s0] =	ssyncadd.remote.s32 $0x1  }
0xbe: {  	_ =	sfence.sel $0xFFFF  }
0xbf: {  	[dreg:$0x0] =	wrdreg $0xFFFFFFFF;
	(pc) =	sbr.abs _section_cstart, $3  }
0xc0: {  	[dreg:$0x1] =	wrdreg $0xFFFFFFFF  }
0xc1: {  	_ =	task.clear_ibuf [dreg:s6], $0x2FFFF;
	_ =	strace $0x9FFFFFFF  }
0xc2: {  	(tm) =	ssettm $0x7FFFFFFF  }
0xc3: {  	_ =	shalt  }
tec
execute0_lowered:
.L_overlay_start_1:
0x0: {  	(tag) =	ssettag $0x1  }
0x1: {  	s4 =	rddreg [dreg:$0x0]  }
0x2: {  	s2 =	rddreg [dreg:$0x1]  }
0x3: {  	s0 =	rddreg [dreg:$0x2]  }
0x4: {  	s3 =	simm.s32 $0x0;
	s1 =	stileid.u32;
	s5 =	srdreg.scid  }
0x5: {  	s14 =	simm.s32 $0x0;
	[smem:$0x7FF] =	sst s3;
	s6 =	smul.u32 $0xFA00, s1  }
0x6: {  	s5 =	sand.u32 $0x1, s5;
	s7 =	sshll.u32 s1, $0xA;
	s9 =	smul.u32 $0x14000, s1  }
0x7: {  	s11 =	smul.u32 $0x50000, s1;
	s30 =	sshll.u32 s1, $0x6;
	s8 =	sshll.u32 s5, $0x9  }
0x8: {  	_ =	strace $0x8000005C;
	s24 =	smul.u32 $0x140000, s5;
	s28 =	ssub.s32 $0x2, s5  }
0x9: {  	s13 =	smul.u32 $0x7D00, s5;
	s5 =	sor.u32 $0x1C01, s30;
	s7 =	sor.u32 s8, s7  }
0xa: {  	s10 =	sadd.s32 s6, s4;
	s26 =	sshrl.u32 s9, $0x3;
	s12 =	sshrl.u32 s28, $0x1  }
0xb: {  	s29 =	sshrl.u32 s11, $0x2;
	s25 =	sadd.s32 s7, s4;
	s8 =	sadd.s32 s9, s24  }
0xc: {  	s7 =	sadd.s32 s26, s4;
	s9 =	ssub.s32 s28, s12;
	s11 =	sadd.s32 s29, s2  }
0xd: {  	s31 =	sadd.s32 s13, s10;
	s12 =	simm.s32 $0x1000;
	s13 =	simm.s32 $0x50  }
0xe: {  	s8 =	sshrl.u32 s8, $0x3;
	s6 =	sadd.s32 $0x11C00, s25;
	s10 =	sshrl.u32 s11, $0x3  }
0xf: {  	s11 =	simm.s32 $0x1;
	s8 =	sadd.s32 s8, s4;
	s4 =	sadd.s32 $0x743000, s7  }
0x10: {  	s7 =	sadd.s32 $0x11B800, s8;
	s8 =	smax.u32 s9, $0x1;
	s9 =	sadd.s32 $0x215800, s31  }
.LBB2_1:
0x11: {  	[spmem:s10], [sflag:s5] =	dma.local [hbm:s4], $0x2800  }
0x12: {  	_ =	swait.ge [sflag:s11], $0x2800  }
0x13: {  	[sflag:s11] =	ssyncset.done $0x0  }
0x14: {  	[sflag:s11] =	ssyncadd.s32 $0xFFFFD800  }
0x15: {  	[tilespmem:s3], [sflag:$0x1] =	stream.linear.gather [hbm4b:s6+s3], $0xC80, $0x38;
	[tilespmem:$0x17800] =	vst v63  }
0x16: {  	_ =	swait.ge [sflag:s11], $0xC80  }
0x17: {  	[sflag:s11] =	ssyncset.done $0x0  }
0x18: {  	[sflag:s11] =	ssyncadd.s32 $0xFFFFF380  }
0x19: {  	[bflag:$0x0] =	sbarrier.arrive $0xFFFF  }
0x1a: {  	[tilespmem:s12], [sflag:$0x1] =	stream.linear.gather [hbm4b:s9+s3], $0x2800, $0x38;
	[tilespmem:$0x17800] =	vst v63  }
0x1b: {  	_ =	swait.ge [sflag:s11], $0x2800  }
0x1c: {  	[sflag:s11] =	ssyncset.done $0x0  }
0x1d: {  	s15 =	simm.s32 $0x0;
	[sflag:s11] =	ssyncadd.s32 $0xFFFFD800  }
0x1e: {  	[spmem:s2] =	stream.indirect.scatter.add.f32 [tilespmem:s12], [sflag:$0x1], $0x80, s15, s13, $0xb8;
	[tilespmem:$0x17800] =	vst v63  }
0x1f: {  	_ =	swait.ge [sflag:s11], $0x2800  }
0x20: {  	s16 =	smov.u32 s9;
	s15 =	simm.s32 $0x200;
	[sflag:s11] =	ssyncset.done $0x0  }
.LBB2_2:
0x21: {  	p0 =	sne.s32 s15, $0x3000;
	[sflag:s11] =	ssyncadd.s32 $0xFFFFD800;
	s16 =	sadd.s32 $0x500, s16  }
0x22: {  	[tilespmem:s12], [sflag:$0x1] =	stream.linear.gather [hbm4b:s16+s3], $0x2800, $0x38;
	[tilespmem:$0x17800] =	vst v63  }
0x23: {  	s17 =	smov.u32 s15;
	s15 =	sadd.s32 $0x200, s15;
	_ =	swait.ge [sflag:s11], $0x2800  }
.Ltmp0:
0x24: {  	[sflag:s11] =	ssyncset.done $0x0;
	(pc) =	sbr.rel @p0 .LBB2_2-.Ltmp0, $4  }
0x25: {  	s17 =	sshra.s32 s17, $0x2;
	[sflag:s11] =	ssyncadd.s32 $0xFFFFD800  }
0x26: {  	[spmem:s2] =	stream.indirect.scatter.add.f32 [tilespmem:s12], [sflag:$0x1], $0x80, s17, s13, $0xb8;
	[tilespmem:$0x17800] =	vst v63  }
0x27: {  	_ =	swait.ge [sflag:s11], $0x2800  }
0x28: {  	[sflag:s11] =	ssyncset.done $0x0  }
0x29: {  	s14 =	sadd.s32 $0x1, s14  }
0x2a: {  	[sflag:s11] =	ssyncadd.s32 $0xFFFFD800;
	p0 =	sne.s32 s14, s8  }
.Ltmp1:
0x2b: {  	[bflag:$0x0] =	sbarrier.arrive $0xFFFF;
	(pc) =	sbr.rel @p0 .LBB2_1-.Ltmp1, $4  }
0x2c: {  	[hbm:s7], [sflag:s5] =	dma.local [spmem:s10], $0x2800  }
0x2d: {  	_ =	swait.ge [sflag:s11], $0x2800  }
0x2e: {  	[sflag:s11] =	ssyncset.done $0x0  }
0x2f: {  	[sflag:s11] =	ssyncadd.s32 $0xFFFFD800  }
0x30: {  	_ =	sfence.sel $0x180000  }
0x31: {  	[bflag:$0x0] =	sbarrier.arrive $0xFFFF  }
0x32: {  	p0 =	sne.s32 s1, $0x0;
	_ =	strace $0x9000005C  }
0x33: {  	s0 =	sadd.s32 @!p0 $0x100000, s0;
	[bflag:$0x2] =	sbarrier.arrive $0xFFFF  }
0x34: {  	[sflag:s0] =	ssyncadd.tile.s32 @!p0 $0x1;
	_ =	shalt  }
.Lfunc_end2:
_tile_overlayer_lowered:
.L_overlay_start_2:
0x35: {  	(tag) =	ssettag $0x2  }
0x36: {  	s0 =	rddreg [dreg:$0x0];
	s2 =	stileid.u32  }
0x37: {  	s1 =	rddreg [dreg:$0x1];
	p0 =	sne.s32 s2, $0x0  }
0x38: {  	s3 =	rddreg [dreg:$0x2];
	[bflag:$0x3] =	sbarrier.arrive $0xFFFF;
	s2 =	simm.s32 @!p0 $0x1C01  }
0x39: {  	[timem:s3], [sflag:s2] =	dma.local @!p0 [hbm:s0], s1  }
0x3a: {  	s0 =	simm.s32 @!p0 $0x1  }
0x3b: {  	_ =	swait.ge @!p0 [sflag:s0], s1  }
0x3c: {  	s1 =	ssub.s32 @!p0 $0x0, s1;
	[sflag:s0] =	ssyncset.done @!p0 $0x0  }
0x3d: {  	[sflag:s0] =	ssyncadd.s32 @!p0 s1  }
0x3e: {  	[bflag:$0x3] =	sbarrier.arrive $0xFFFF  }
0x3f: {  	_ =	shalt  }

</sc_bundles>
